<compile_context>
chip_gen: v7x
topology: tpu7x:2x2x1
jax: 0.10.2.dev20260603
libtpu: 0.0.44.dev20260713+nightly
codegen_flags: <defaults>
</compile_context>

<pallas_src>
import functools

import jax
import jax.numpy as jnp
from jax import lax
from jax.experimental import pallas as pl
from jax.experimental.pallas import tpu as pltpu
from jax.experimental.pallas import tpu_sc as plsc

NC = 2
NS = 16
NW = NC * NS


def _mesh():
    return plsc.VectorSubcoreMesh(
        core_axis_name="c", subcore_axis_name="s", num_cores=NC, num_subcores=NS
    )


_SC_PARAMS = pltpu.CompilerParams(
    use_tc_tiling_on_sc=False, needs_layout_passes=False
)


_Z16 = functools.partial(jnp.zeros, (16,), jnp.float32)


def _hist(dstf, nchunk, c, n_pad):
    per_tile = n_pad // NS
    kk = 5
    nblk = nchunk // kk

    @functools.partial(
        pl.kernel,
        out_type=jax.ShapeDtypeStruct((NC * n_pad,), jnp.float32),
        mesh=_mesh(),
        compiler_params=_SC_PARAMS,
        scratch_types=[
            pltpu.VMEM((2 * kk, c), jnp.int32),
            pltpu.VMEM((c,), jnp.float32),
            pltpu.VMEM((per_tile,), jnp.float32),
            pltpu.VMEM_SHARED((n_pad,), jnp.float32),
            pltpu.SemaphoreType.DMA,
        ],
    )
    def hist(dst_hbm, out_hbm, dst_ib, ones_v, zbuf_v, deg_sh, isem):
        cid = lax.axis_index("c")
        sid = lax.axis_index("s")
        wid = cid * NS + sid
        base = wid * nchunk
        for k in range(c // 16):
            ones_v[pl.ds(16 * k, 16)] = jnp.ones((16,), jnp.float32)
        for k in range(per_tile // 16):
            zbuf_v[pl.ds(16 * k, 16)] = _Z16()
        pltpu.sync_copy(zbuf_v, deg_sh.at[pl.ds(sid * per_tile, per_tile)])
        plsc.subcore_barrier()

        pltpu.sync_copy(dst_hbm.at[pl.ds(base, kk)], dst_ib.at[pl.ds(0, kk)])
        pltpu.async_copy(dst_hbm.at[pl.ds(base + kk, kk)], dst_ib.at[pl.ds(kk, kk)], isem)

        def body(t, carry):
            grp = lax.rem(t, 2) * kk
            for b in range(kk):
                pltpu.sync_copy(ones_v, deg_sh.at[dst_ib.at[grp + b]], add=True)

            @pl.when(t + 1 < nblk)
            def _():
                pltpu.make_async_copy(
                    dst_hbm.at[pl.ds(0, kk)], dst_ib.at[pl.ds(0, kk)], isem
                ).wait()

            @pl.when(t + 2 < nblk)
            def _():
                pltpu.async_copy(
                    dst_hbm.at[pl.ds(base + (t + 2) * kk, kk)],
                    dst_ib.at[pl.ds(grp, kk)], isem,
                )

            return carry

        lax.fori_loop(0, nblk, body, 0)
        plsc.subcore_barrier()
        pltpu.sync_copy(
            deg_sh.at[pl.ds(sid * per_tile, per_tile)],
            out_hbm.at[pl.ds(cid * n_pad + sid * per_tile, per_tile)],
        )

    return hist(dstf)


def _spmm(g_tab, srcf, dstf, nchunk, c, n, kk):
    _, fh = g_tab.shape
    wr = 1000
    owners = n // wr
    n_acc = n + 16
    zrows = 40
    nblk = nchunk // kk

    @functools.partial(
        pl.kernel,
        out_type=[
            jax.ShapeDtypeStruct((n, fh), jnp.float32),
            jax.ShapeDtypeStruct((n, fh), jnp.float32),
        ],
        mesh=_mesh(),
        compiler_params=_SC_PARAMS,
        scratch_types=[
            pltpu.VMEM((3 * kk, c), jnp.int32),
            pltpu.VMEM((3 * kk, c), jnp.int32),
            pltpu.VMEM((2 * kk * c, fh), jnp.float32),
            pltpu.VMEM((zrows, fh), jnp.float32),
            pltpu.VMEM_SHARED((n_acc, fh), jnp.float32),
            pltpu.SemaphoreType.DMA,
            pltpu.SemaphoreType.DMA,
            pltpu.SemaphoreType.DMA,
        ],
    )
    def spmm(g_hbm, src_hbm, dst_hbm, out0_hbm, out1_hbm, src_ib, dst_ib,
             rows_v, zbuf_v, acc_sh, gsem, ssem, isem):
        cid = lax.axis_index("c")
        sid = lax.axis_index("s")
        wid = cid * NS + sid
        base = wid * nchunk

        def zfill(i, carry):
            for k in range(fh // 16):
                zbuf_v[i, pl.ds(16 * k, 16)] = _Z16()
            return carry

        lax.fori_loop(0, zrows, zfill, 0)

        @pl.when(sid < owners)
        def _():
            def zcopy(k, carry):
                pltpu.sync_copy(zbuf_v, acc_sh.at[pl.ds(sid * wr + k * zrows, zrows)])
                return carry

            lax.fori_loop(0, wr // zrows, zcopy, 0)

        plsc.subcore_barrier()

        pltpu.sync_copy(src_hbm.at[pl.ds(base, kk)], src_ib.at[pl.ds(0, kk)])
        pltpu.sync_copy(dst_hbm.at[pl.ds(base, kk)], dst_ib.at[pl.ds(0, kk)])
        pltpu.async_copy(src_hbm.at[pl.ds(base + kk, kk)], src_ib.at[pl.ds(kk, kk)], isem)
        pltpu.async_copy(dst_hbm.at[pl.ds(base + kk, kk)], dst_ib.at[pl.ds(kk, kk)], isem)
        for b in range(kk):
            pltpu.async_copy(g_hbm.at[src_ib.at[b]], rows_v.at[pl.ds(b * c, c)], gsem)

        def block(t, carry):
            rg = lax.rem(t, 2) * kk
            g0 = lax.rem(t, 3) * kk
            g1 = lax.rem(t + 1, 3) * kk
            g2 = lax.rem(t + 2, 3) * kk
            for b in range(kk):
                pltpu.make_async_copy(
                    g_hbm.at[src_ib.at[0]], rows_v.at[pl.ds(0, c)], gsem
                ).wait()

            @pl.when(t >= 1)
            def _():
                for b in range(kk):
                    pltpu.make_async_copy(
                        g_hbm.at[src_ib.at[0]], rows_v.at[pl.ds(0, c)], ssem
                    ).wait()

            @pl.when(t + 2 < nblk)
            def _():
                pltpu.async_copy(
                    src_hbm.at[pl.ds(base + (t + 2) * kk, kk)],
                    src_ib.at[pl.ds(g2, kk)], isem,
                )
                pltpu.async_copy(
                    dst_hbm.at[pl.ds(base + (t + 2) * kk, kk)],
                    dst_ib.at[pl.ds(g2, kk)], isem,
                )

            for b in range(kk):
                pltpu.async_copy(
                    rows_v.at[pl.ds((rg + b) * c, c)],
                    acc_sh.at[dst_ib.at[g0 + b]], ssem, add=True,
                )

            @pl.when(t + 1 < nblk)
            def _():
                for b in range(2):
                    pltpu.make_async_copy(
                        src_hbm.at[pl.ds(0, kk)], src_ib.at[pl.ds(0, kk)], isem
                    ).wait()
                for b in range(kk):
                    pltpu.async_copy(
                        g_hbm.at[src_ib.at[g1 + b]],
                        rows_v.at[pl.ds((kk - rg + b) * c, c)], gsem,
                    )

            return carry

        lax.fori_loop(0, nblk, block, 0)
        for b in range(kk):
            pltpu.make_async_copy(
                g_hbm.at[src_ib.at[0]], rows_v.at[pl.ds(0, c)], ssem
            ).wait()
        plsc.subcore_barrier()

        @pl.when(sid < owners)
        def _():
            def wout(k, carry):
                r0 = sid * wr + k * 125
                sl = acc_sh.at[pl.ds(r0, 125)]

                @pl.when(cid == 0)
                def _():
                    pltpu.sync_copy(sl, out0_hbm.at[pl.ds(r0, 125)])

                @pl.when(cid == 1)
                def _():
                    pltpu.sync_copy(sl, out1_hbm.at[pl.ds(r0, 125)])

                return carry

            lax.fori_loop(0, wr // 125, wout, 0)

    return spmm(g_tab, srcf, dstf)


def _decode(z, a_r, b_r):
    n, f = z.shape
    nw, ncd, cd = a_r.shape

    @functools.partial(
        pl.kernel,
        out_type=jax.ShapeDtypeStruct((NW * ncd * cd,), jnp.float32),
        mesh=_mesh(),
        compiler_params=_SC_PARAMS,
        scratch_types=[
            pltpu.VMEM((ncd, cd), jnp.int32),
            pltpu.VMEM((ncd, cd), jnp.int32),
            pltpu.VMEM((2 * cd, f), jnp.float32),
            pltpu.VMEM((2 * cd, f), jnp.float32),
            pltpu.VMEM((cd,), jnp.float32),
            pltpu.SemaphoreType.DMA,
        ],
    )
    def decode(z_hbm, a_hbm, b_hbm, out_hbm, a_v, b_v, za_v, zb_v, lg_v, sem):
        cid = lax.axis_index("c")
        sid = lax.axis_index("s")
        wid = cid * NS + sid
        pltpu.sync_copy(a_hbm.at[wid], a_v)
        pltpu.sync_copy(b_hbm.at[wid], b_v)
        iota16 = lax.iota(jnp.int32, 16)
        pltpu.async_copy(z_hbm.at[a_v.at[0]], za_v.at[pl.ds(0, cd)], sem)
        pltpu.async_copy(z_hbm.at[b_v.at[0]], zb_v.at[pl.ds(0, cd)], sem)

        def chunk(j, carry):
            buf = lax.rem(j, 2) * cd
            for _ in range(2):
                pltpu.make_async_copy(
                    z_hbm.at[a_v.at[0]], za_v.at[pl.ds(0, cd)], sem
                ).wait()

            @pl.when(j + 1 < ncd)
            def _():
                nbuf = cd - buf
                pltpu.async_copy(z_hbm.at[a_v.at[j + 1]], za_v.at[pl.ds(nbuf, cd)], sem)
                pltpu.async_copy(z_hbm.at[b_v.at[j + 1]], zb_v.at[pl.ds(nbuf, cd)], sem)

            for grp in range(cd // 16):
                rows = iota16 + (16 * grp) + buf

                def col8(t, acc):
                    base = jnp.full((16,), 8 * t, jnp.int32)
                    for k in range(8):
                        cols = base + k
                        acc = acc + plsc.load_gather(
                            za_v, [rows, cols]
                        ) * plsc.load_gather(zb_v, [rows, cols])
                    return acc

                lg_v[pl.ds(16 * grp, 16)] = lax.fori_loop(0, f // 8, col8, _Z16())
            pltpu.sync_copy(lg_v, out_hbm.at[pl.ds(wid * ncd * cd + j * cd, cd)])
            return carry

        lax.fori_loop(0, ncd, chunk, 0)

    return decode(z, a_r, b_r)


def _tc1(x, w1stk, d0, d1):
    n, k = x.shape
    hh = w1stk.shape[2]
    r = 2000
    gi = n // r

    def body(x_ref, w_ref, d0_ref, d1_ref, g_ref, dinv_ref):
        deg = 1.0 + d0_ref[...] + d1_ref[...]
        dinv = lax.rsqrt(deg)
        hm = jnp.dot(x_ref[...], w_ref[0], preferred_element_type=jnp.float32)
        g_ref[...] = dinv * hm
        dinv_ref[...] = dinv

    return pl.pallas_call(
        body,
        grid=(gi, 2),
        in_specs=[
            pl.BlockSpec((r, k), lambda i, j: (i, 0)),
            pl.BlockSpec((1, k, hh), lambda i, j: (j, 0, 0)),
            pl.BlockSpec((r, 1), lambda i, j: (i, 0)),
            pl.BlockSpec((r, 1), lambda i, j: (i, 0)),
        ],
        out_specs=[
            pl.BlockSpec((r, hh), lambda i, j: (j * gi + i, 0)),
            pl.BlockSpec((r, 1), lambda i, j: (i, 0)),
        ],
        out_shape=[
            jax.ShapeDtypeStruct((2 * n, hh), jnp.float32),
            jax.ShapeDtypeStruct((n, 1), jnp.float32),
        ],
    )(x, w1stk, d0, d1)


def _tc2(g1s, s0, s1, dinv, b1, w2stk):
    n, hh = s0.shape
    h = 2 * hh
    dh = w2stk.shape[2]
    r = 2000
    gi = n // r

    def body(gl_ref, gr_ref, s0_ref, s1_ref, di_ref, b_ref, w_ref, o_ref):
        di = di_ref[...]
        ul = jnp.maximum(di * (s0_ref[...] + gl_ref[...]) + b_ref[:, :hh], 0.0)
        ur = jnp.maximum(di * (s1_ref[...] + gr_ref[...]) + b_ref[:, hh:], 0.0)
        u = jnp.concatenate([ul, ur], axis=1)
        o_ref[...] = di * jnp.dot(u, w_ref[0], preferred_element_type=jnp.float32)

    return pl.pallas_call(
        body,
        grid=(gi, 2),
        in_specs=[
            pl.BlockSpec((r, hh), lambda i, j: (i, 0)),
            pl.BlockSpec((r, hh), lambda i, j: (gi + i, 0)),
            pl.BlockSpec((r, hh), lambda i, j: (i, 0)),
            pl.BlockSpec((r, hh), lambda i, j: (i, 0)),
            pl.BlockSpec((r, 1), lambda i, j: (i, 0)),
            pl.BlockSpec((1, h), lambda i, j: (0, 0)),
            pl.BlockSpec((1, h, dh), lambda i, j: (j, 0, 0)),
        ],
        out_specs=pl.BlockSpec((r, dh), lambda i, j: (j * gi + i, 0)),
        out_shape=jax.ShapeDtypeStruct((2 * n, dh), jnp.float32),
    )(g1s, g1s, s0, s1, dinv, b1, w2stk)


def _tc3(g2s, s0, s1, dinv, b2):
    n2, dh = g2s.shape
    n = n2 // 2
    dout = 2 * dh
    r = 2000
    gi = n // r

    def body(gl_ref, gr_ref, s0_ref, s1_ref, di_ref, b_ref, o_ref):
        di = di_ref[...]
        zl = di * (s0_ref[...] + gl_ref[...]) + b_ref[:, :dh]
        zr = di * (s1_ref[...] + gr_ref[...]) + b_ref[:, dh:]
        o_ref[...] = jnp.concatenate([zl, zr], axis=1)

    return pl.pallas_call(
        body,
        grid=(gi,),
        in_specs=[
            pl.BlockSpec((r, dh), lambda i: (i, 0)),
            pl.BlockSpec((r, dh), lambda i: (gi + i, 0)),
            pl.BlockSpec((r, dh), lambda i: (i, 0)),
            pl.BlockSpec((r, dh), lambda i: (i, 0)),
            pl.BlockSpec((r, 1), lambda i: (i, 0)),
            pl.BlockSpec((1, dout), lambda i: (0, 0)),
        ],
        out_specs=pl.BlockSpec((r, dout), lambda i: (i, 0)),
        out_shape=jax.ShapeDtypeStruct((n, dout), jnp.float32),
    )(g2s, g2s, s0, s1, dinv, b2)


def kernel(x, edge_index, edge_label_index, W1, b1, W2, b2):
    n, _ = x.shape
    e = edge_index.shape[1]
    l = edge_label_index.shape[1]

    c = 80
    n_pad = 640 * NS

    ept_h = e // NW
    nch_h = ept_h // c
    dsth = edge_index[1].reshape(NW * nch_h, c)
    degp = _hist(dsth, nch_h, c, n_pad).reshape(NC, n_pad)
    d0 = degp[0, :n, None]
    d1 = degp[1, :n, None]

    ept = e // NS
    nch = ept // c
    src16 = edge_index[0].reshape(NS, nch, c)
    srcf = jnp.concatenate([src16, src16 + n], axis=0).reshape(NW * nch, c)
    dst16 = edge_index[1].reshape(NS, nch, c)
    dstf = jnp.concatenate([dst16, dst16], axis=0).reshape(NW * nch, c)

    hh = W1.shape[1] // 2
    dh = W2.shape[1] // 2
    w1stk = jnp.stack([W1[:, :hh], W1[:, hh:]])
    w2stk = jnp.stack([W2[:, :dh], W2[:, dh:]])

    g1s, dinv = _tc1(x, w1stk, d0, d1)
    s1l, s1r = _spmm(g1s, srcf, dstf, nch, c, n, 5)
    g2s = _tc2(g1s, s1l, s1r, dinv, b1.reshape(1, -1), w2stk)
    s2l, s2r = _spmm(g2s, srcf, dstf, nch, c, n, 5)
    z = _tc3(g2s, s2l, s2r, dinv, b2.reshape(1, -1))

    cd = 64
    ppw = l // NW
    ncd = 10
    eli = edge_label_index.reshape(2, NW, ppw)
    eli = jnp.pad(eli, ((0, 0), (0, 0), (0, ncd * cd - ppw)))
    a_r = eli[0].reshape(NW, ncd, cd)
    b_r = eli[1].reshape(NW, ncd, cd)
    lp = _decode(z, a_r, b_r)
    return lp.reshape(NW, ncd * cd)[:, :ppw].reshape(l)

# --- scband reference (transcript-rebuilt; emitter-appended) ---
"""Pipeline reference for scband-link-prediction-82394652607278 (READ-ONLY COPY).

The authoritative reference and input builder live on the scoring server;
editing this copy changes nothing except your own understanding.
"""

import jax, jax.numpy as jnp
import numpy as np

N = 10000
E = 320000
D_IN = 128
D_H = 128
D_OUT = 64
L = 20000


def gcn_conv(x, src, dst, W, b):
    n = x.shape[0]
    loop = jnp.arange(n, dtype=src.dtype)
    s = jnp.concatenate([src, loop])
    d = jnp.concatenate([dst, loop])
    deg = jax.ops.segment_sum(jnp.ones(s.shape[0], dtype=x.dtype), d, num_segments=n)
    dinv = jnp.where(deg > 0, 1.0 / jnp.sqrt(deg), 0.0)
    norm = dinv[s] * dinv[d]
    h = x @ W
    msg = h[s] * norm[:, None]
    out = jax.ops.segment_sum(msg, d, num_segments=n)
    return out + b


def setup_inputs(seed: int = 0) -> dict:
    key = jax.random.key(seed)
    k1, k2, k3, k4, k5 = jax.random.split(key, 5)
    x = jax.random.normal(k1, (N, D_IN), dtype=jnp.float32)
    edge_index = jax.random.randint(k2, (2, E), 0, N).astype(jnp.int32)
    edge_label_index = jax.random.randint(k3, (2, L), 0, N).astype(jnp.int32)
    W1 = jax.random.normal(k4, (D_IN, D_H), dtype=jnp.float32) * (1.0 / np.sqrt(D_IN))
    b1 = jnp.zeros((D_H,), dtype=jnp.float32)
    W2 = jax.random.normal(k5, (D_H, D_OUT), dtype=jnp.float32) * (1.0 / np.sqrt(D_H))
    b2 = jnp.zeros((D_OUT,), dtype=jnp.float32)
    return {"x": x, "edge_index": edge_index, "edge_label_index": edge_label_index,
            "W1": W1, "b1": b1, "W2": W2, "b2": b2}


def reference(x, edge_index, edge_label_index, W1, b1, W2, b2):
    src = edge_index[0]
    dst = edge_index[1]
    # encode: GCNConv -> relu -> dropout(eval, p=0.0 identity) -> GCNConv
    h = gcn_conv(x, src, dst, W1, b1)
    h = jax.nn.relu(h)
    z = gcn_conv(h, src, dst, W2, b2)
    # decode: dot product of endpoint embeddings for candidate links
    logits = jnp.sum(z[edge_label_index[0]] * z[edge_label_index[1]], axis=1)
    return logits

if __name__ == "__main__":
    import jax
    _d = setup_inputs()
    print(jax.jit(kernel)(*tuple(_d.values())))

</pallas_src>

<mosaic_0001>
#map = affine_map<(d0, d1) -> (0, 0)>
module attributes {stable_mosaic.version = 14 : i64} {
  func.func @spmm(%arg0: i32, %arg1: i32, %arg2: memref<20000x32xf32, #tpu.memory_space<hbm>>, %arg3: memref<8000x80xi32, #tpu.memory_space<hbm>>, %arg4: memref<8000x80xi32, #tpu.memory_space<hbm>>, %arg5: memref<10000x32xf32, #tpu.memory_space<hbm>>, %arg6: memref<10000x32xf32, #tpu.memory_space<hbm>>, %arg7: memref<15x80xi32, #tpu.memory_space<vmem>>, %arg8: memref<15x80xi32, #tpu.memory_space<vmem>>, %arg9: memref<800x32xf32, #tpu.memory_space<vmem>>, %arg10: memref<40x32xf32, #tpu.memory_space<vmem>>, %arg11: memref<10016x32xf32, #tpu.memory_space<vmem_shared>>, %arg12: memref<!tpu.dma_semaphore, #tpu.memory_space<semaphore_mem>>, %arg13: memref<!tpu.dma_semaphore, #tpu.memory_space<semaphore_mem>>, %arg14: memref<!tpu.dma_semaphore, #tpu.memory_space<semaphore_mem>>) attributes {dimension_semantics = [#tpu.dimension_semantics<core_parallel>, #tpu.dimension_semantics<subcore_parallel>], iteration_bounds = array<i64: 2, 16>, scalar_prefetch = 0 : i64, scratch_operands = 8 : i64, tpu.core_type = #tpu.core_type<sc_vector_subcore>, window_params = [{transform_indices = #map}, {transform_indices = #map}, {transform_indices = #map}, {transform_indices = #map}, {transform_indices = #map}]} {
    %mul3A = arith.constant 16 : i32
    %mul3A_0 = arith.muli %arg0, %mul3A : i32
    %add3A = arith.addi %mul3A_0, %arg1 : i32
    %mul3A_1 = arith.constant 250 : i32
    %mul3A_2 = arith.muli %add3A, %mul3A_1 : i32
    %scan3A = arith.constant 0 : i32
    %scan3A_3 = arith.constant 0 : i32
    %scan3A_4 = arith.constant 40 : i32
    %scan3A_5 = arith.addi %scan3A_3, %scan3A_4 : i32
    %scan3A_6 = arith.constant 1 : i32
    scf.for %scan3A_144 = %scan3A_3 to %scan3A_5 step %scan3A_6  : i32 {
      %broadcast_in_dim3A = arith.constant 0.000000e+00 : f32
      %broadcast_in_dim3A_145 = vector.broadcast %broadcast_in_dim3A : f32 to vector<16xf32>
      %swap3A = arith.index_cast %scan3A_144 : i32 to index
      %swap3A_146 = arith.constant 0 : index
      %swap3A_147 = tpu.vector_load %arg10[%swap3A, %swap3A_146] {strides = array<i32>} : memref<40x32xf32, #tpu.memory_space<vmem>>, vector<16xf32>,
      tpu.vector_store %arg10[%swap3A, %swap3A_146], %broadcast_in_dim3A_145 {strides = array<i32>} : memref<40x32xf32, #tpu.memory_space<vmem>>, vector<16xf32>,
      %broadcast_in_dim3A_148 = arith.constant 0.000000e+00 : f32
      %broadcast_in_dim3A_149 = vector.broadcast %broadcast_in_dim3A_148 : f32 to vector<16xf32>
      %swap3A_150 = arith.index_cast %scan3A_144 : i32 to index
      %swap3A_151 = arith.constant 16 : index
      %swap3A_152 = tpu.vector_load %arg10[%swap3A_150, %swap3A_151] {strides = array<i32>} : memref<40x32xf32, #tpu.memory_space<vmem>>, vector<16xf32>,
      tpu.vector_store %arg10[%swap3A_150, %swap3A_151], %broadcast_in_dim3A_149 {strides = array<i32>} : memref<40x32xf32, #tpu.memory_space<vmem>>, vector<16xf32>,
    }
    %scan3A_7 = arith.constant 40 : i32
    %lt3A = arith.constant 10 : i32
    %lt3A_8 = arith.cmpi slt, %arg1, %lt3A : i32
    %convert_element_type3A = arith.extui %lt3A_8 : i1 to i32
    %cond3A = arith.constant 0 : i32
    %cond3A_9 = arith.cmpi ne, %convert_element_type3A, %cond3A : i32
    scf.if %cond3A_9 {
      %scan3A_144 = arith.constant 0 : i32
      %scan3A_145 = arith.constant 0 : i32
      %scan3A_146 = arith.constant 25 : i32
      %scan3A_147 = arith.addi %scan3A_145, %scan3A_146 : i32
      %scan3A_148 = arith.constant 1 : i32
      scf.for %scan3A_150 = %scan3A_145 to %scan3A_147 step %scan3A_148  : i32 {
        %mul3A_151 = arith.constant 1000 : i32
        %mul3A_152 = arith.muli %arg1, %mul3A_151 : i32
        %mul3A_153 = arith.constant 40 : i32
        %mul3A_154 = arith.muli %scan3A_150, %mul3A_153 : i32
        %add3A_155 = arith.addi %mul3A_152, %mul3A_154 : i32
        "tpu.region"() ({
          %run_scoped3A = tpu.sem_alloc : memref<!tpu.dma_semaphore, #tpu.memory_space<semaphore_mem>>
          %dma_start3A_156 = arith.constant 0 : i32
          %dma_start3A_157 = tpu.memref_slice %arg11[%add3A_155, %dma_start3A_156] : memref<10016x32xf32, #tpu.memory_space<vmem_shared>> -> memref<40x32xf32, #tpu.memory_space<vmem_shared>>
          %dma_start3A_158 = arith.constant 0 : i32
          %dma_start3A_159 = tpu.memref_slice %arg11[%add3A_155, %dma_start3A_158] : memref<10016x32xf32, #tpu.memory_space<vmem_shared>> -> memref<40x32xf32, #tpu.memory_space<vmem_shared>>
          tpu.enqueue_dma source(%arg10 : memref<40x32xf32, #tpu.memory_space<vmem>>) target(%dma_start3A_159 : memref<40x32xf32, #tpu.memory_space<vmem_shared>>) target_semaphore(%run_scoped3A : memref<!tpu.dma_semaphore, #tpu.memory_space<semaphore_mem>>)
          %dma_wait3A_160 = arith.constant 0 : i32
          %dma_wait3A_161 = tpu.memref_slice %arg11[%add3A_155, %dma_wait3A_160] : memref<10016x32xf32, #tpu.memory_space<vmem_shared>> -> memref<40x32xf32, #tpu.memory_space<vmem_shared>>
          %dma_wait3A_162 = arith.constant 0 : i32
          %dma_wait3A_163 = tpu.memref_slice %arg11[%add3A_155, %dma_wait3A_162] : memref<10016x32xf32, #tpu.memory_space<vmem_shared>> -> memref<40x32xf32, #tpu.memory_space<vmem_shared>>
          tpu.wait_dma2 semaphore(%run_scoped3A : memref<!tpu.dma_semaphore, #tpu.memory_space<semaphore_mem>>) src(%arg10 : memref<40x32xf32, #tpu.memory_space<vmem>>) dst(%dma_wait3A_163 : memref<40x32xf32, #tpu.memory_space<vmem_shared>>)
          tpu.yield
        }) : () -> ()
      }
      %scan3A_149 = arith.constant 25 : i32
    } else {
    }
    %barrier3A = arith.constant 0 : index
    tpu.barrier barrier_id(%barrier3A)
    "tpu.region"() ({
      %run_scoped3A = tpu.sem_alloc : memref<!tpu.dma_semaphore, #tpu.memory_space<semaphore_mem>>
      %dma_start3A_144 = arith.constant 0 : i32
      %dma_start3A_145 = arith.constant 0 : i32
      %dma_start3A_146 = tpu.memref_slice %arg7[%dma_start3A_144, %dma_start3A_145] : memref<15x80xi32, #tpu.memory_space<vmem>> -> memref<5x80xi32, #tpu.memory_space<vmem>>
      %dma_start3A_147 = arith.constant 0 : i32
      %dma_start3A_148 = tpu.memref_slice %arg3[%mul3A_2, %dma_start3A_147] : memref<8000x80xi32, #tpu.memory_space<hbm>> -> memref<5x80xi32, #tpu.memory_space<hbm>>
      %dma_start3A_149 = arith.constant 0 : i32
      %dma_start3A_150 = arith.constant 0 : i32
      %dma_start3A_151 = tpu.memref_slice %arg7[%dma_start3A_149, %dma_start3A_150] : memref<15x80xi32, #tpu.memory_space<vmem>> -> memref<5x80xi32, #tpu.memory_space<vmem>>
      %dma_start3A_152 = arith.constant 0 : i32
      %dma_start3A_153 = tpu.memref_slice %arg3[%mul3A_2, %dma_start3A_152] : memref<8000x80xi32, #tpu.memory_space<hbm>> -> memref<5x80xi32, #tpu.memory_space<hbm>>
      tpu.enqueue_dma source(%dma_start3A_153 : memref<5x80xi32, #tpu.memory_space<hbm>>) target(%dma_start3A_151 : memref<5x80xi32, #tpu.memory_space<vmem>>) target_semaphore(%run_scoped3A : memref<!tpu.dma_semaphore, #tpu.memory_space<semaphore_mem>>)
      %dma_wait3A_154 = arith.constant 0 : i32
      %dma_wait3A_155 = arith.constant 0 : i32
      %dma_wait3A_156 = tpu.memref_slice %arg7[%dma_wait3A_154, %dma_wait3A_155] : memref<15x80xi32, #tpu.memory_space<vmem>> -> memref<5x80xi32, #tpu.memory_space<vmem>>
      %dma_wait3A_157 = arith.constant 0 : i32
      %dma_wait3A_158 = tpu.memref_slice %arg3[%mul3A_2, %dma_wait3A_157] : memref<8000x80xi32, #tpu.memory_space<hbm>> -> memref<5x80xi32, #tpu.memory_space<hbm>>
      %dma_wait3A_159 = arith.constant 0 : i32
      %dma_wait3A_160 = arith.constant 0 : i32
      %dma_wait3A_161 = tpu.memref_slice %arg7[%dma_wait3A_159, %dma_wait3A_160] : memref<15x80xi32, #tpu.memory_space<vmem>> -> memref<5x80xi32, #tpu.memory_space<vmem>>
      %dma_wait3A_162 = arith.constant 0 : i32
      %dma_wait3A_163 = tpu.memref_slice %arg3[%mul3A_2, %dma_wait3A_162] : memref<8000x80xi32, #tpu.memory_space<hbm>> -> memref<5x80xi32, #tpu.memory_space<hbm>>
      tpu.wait_dma2 semaphore(%run_scoped3A : memref<!tpu.dma_semaphore, #tpu.memory_space<semaphore_mem>>) src(%dma_wait3A_163 : memref<5x80xi32, #tpu.memory_space<hbm>>) dst(%dma_wait3A_161 : memref<5x80xi32, #tpu.memory_space<vmem>>)
      tpu.yield
    }) : () -> ()
    "tpu.region"() ({
      %run_scoped3A = tpu.sem_alloc : memref<!tpu.dma_semaphore, #tpu.memory_space<semaphore_mem>>
      %dma_start3A_144 = arith.constant 0 : i32
      %dma_start3A_145 = arith.constant 0 : i32
      %dma_start3A_146 = tpu.memref_slice %arg8[%dma_start3A_144, %dma_start3A_145] : memref<15x80xi32, #tpu.memory_space<vmem>> -> memref<5x80xi32, #tpu.memory_space<vmem>>
      %dma_start3A_147 = arith.constant 0 : i32
      %dma_start3A_148 = tpu.memref_slice %arg4[%mul3A_2, %dma_start3A_147] : memref<8000x80xi32, #tpu.memory_space<hbm>> -> memref<5x80xi32, #tpu.memory_space<hbm>>
      %dma_start3A_149 = arith.constant 0 : i32
      %dma_start3A_150 = arith.constant 0 : i32
      %dma_start3A_151 = tpu.memref_slice %arg8[%dma_start3A_149, %dma_start3A_150] : memref<15x80xi32, #tpu.memory_space<vmem>> -> memref<5x80xi32, #tpu.memory_space<vmem>>
      %dma_start3A_152 = arith.constant 0 : i32
      %dma_start3A_153 = tpu.memref_slice %arg4[%mul3A_2, %dma_start3A_152] : memref<8000x80xi32, #tpu.memory_space<hbm>> -> memref<5x80xi32, #tpu.memory_space<hbm>>
      tpu.enqueue_dma source(%dma_start3A_153 : memref<5x80xi32, #tpu.memory_space<hbm>>) target(%dma_start3A_151 : memref<5x80xi32, #tpu.memory_space<vmem>>) target_semaphore(%run_scoped3A : memref<!tpu.dma_semaphore, #tpu.memory_space<semaphore_mem>>)
      %dma_wait3A_154 = arith.constant 0 : i32
      %dma_wait3A_155 = arith.constant 0 : i32
      %dma_wait3A_156 = tpu.memref_slice %arg8[%dma_wait3A_154, %dma_wait3A_155] : memref<15x80xi32, #tpu.memory_space<vmem>> -> memref<5x80xi32, #tpu.memory_space<vmem>>
      %dma_wait3A_157 = arith.constant 0 : i32
      %dma_wait3A_158 = tpu.memref_slice %arg4[%mul3A_2, %dma_wait3A_157] : memref<8000x80xi32, #tpu.memory_space<hbm>> -> memref<5x80xi32, #tpu.memory_space<hbm>>
      %dma_wait3A_159 = arith.constant 0 : i32
      %dma_wait3A_160 = arith.constant 0 : i32
      %dma_wait3A_161 = tpu.memref_slice %arg8[%dma_wait3A_159, %dma_wait3A_160] : memref<15x80xi32, #tpu.memory_space<vmem>> -> memref<5x80xi32, #tpu.memory_space<vmem>>
      %dma_wait3A_162 = arith.constant 0 : i32
      %dma_wait3A_163 = tpu.memref_slice %arg4[%mul3A_2, %dma_wait3A_162] : memref<8000x80xi32, #tpu.memory_space<hbm>> -> memref<5x80xi32, #tpu.memory_space<hbm>>
      tpu.wait_dma2 semaphore(%run_scoped3A : memref<!tpu.dma_semaphore, #tpu.memory_space<semaphore_mem>>) src(%dma_wait3A_163 : memref<5x80xi32, #tpu.memory_space<hbm>>) dst(%dma_wait3A_161 : memref<5x80xi32, #tpu.memory_space<vmem>>)
      tpu.yield
    }) : () -> ()
    %add3A_10 = arith.constant 5 : i32
    %add3A_11 = arith.addi %mul3A_2, %add3A_10 : i32
    %dma_start3A = arith.constant 5 : i32
    %dma_start3A_12 = arith.constant 0 : i32
    %dma_start3A_13 = tpu.memref_slice %arg7[%dma_start3A, %dma_start3A_12] : memref<15x80xi32, #tpu.memory_space<vmem>> -> memref<5x80xi32, #tpu.memory_space<vmem>>
    %dma_start3A_14 = arith.constant 0 : i32
    %dma_start3A_15 = tpu.memref_slice %arg3[%add3A_11, %dma_start3A_14] : memref<8000x80xi32, #tpu.memory_space<hbm>> -> memref<5x80xi32, #tpu.memory_space<hbm>>
    %dma_start3A_16 = arith.constant 5 : i32
    %dma_start3A_17 = arith.constant 0 : i32
    %dma_start3A_18 = tpu.memref_slice %arg7[%dma_start3A_16, %dma_start3A_17] : memref<15x80xi32, #tpu.memory_space<vmem>> -> memref<5x80xi32, #tpu.memory_space<vmem>>
    %dma_start3A_19 = arith.constant 0 : i32
    %dma_start3A_20 = tpu.memref_slice %arg3[%add3A_11, %dma_start3A_19] : memref<8000x80xi32, #tpu.memory_space<hbm>> -> memref<5x80xi32, #tpu.memory_space<hbm>>
    tpu.enqueue_dma source(%dma_start3A_20 : memref<5x80xi32, #tpu.memory_space<hbm>>) target(%dma_start3A_18 : memref<5x80xi32, #tpu.memory_space<vmem>>) target_semaphore(%arg14 : memref<!tpu.dma_semaphore, #tpu.memory_space<semaphore_mem>>)
    %add3A_21 = arith.constant 5 : i32
    %add3A_22 = arith.addi %mul3A_2, %add3A_21 : i32
    %dma_start3A_23 = arith.constant 5 : i32
    %dma_start3A_24 = arith.constant 0 : i32
    %dma_start3A_25 = tpu.memref_slice %arg8[%dma_start3A_23, %dma_start3A_24] : memref<15x80xi32, #tpu.memory_space<vmem>> -> memref<5x80xi32, #tpu.memory_space<vmem>>
    %dma_start3A_26 = arith.constant 0 : i32
    %dma_start3A_27 = tpu.memref_slice %arg4[%add3A_22, %dma_start3A_26] : memref<8000x80xi32, #tpu.memory_space<hbm>> -> memref<5x80xi32, #tpu.memory_space<hbm>>
    %dma_start3A_28 = arith.constant 5 : i32
    %dma_start3A_29 = arith.constant 0 : i32
    %dma_start3A_30 = tpu.memref_slice %arg8[%dma_start3A_28, %dma_start3A_29] : memref<15x80xi32, #tpu.memory_space<vmem>> -> memref<5x80xi32, #tpu.memory_space<vmem>>
    %dma_start3A_31 = arith.constant 0 : i32
    %dma_start3A_32 = tpu.memref_slice %arg4[%add3A_22, %dma_start3A_31] : memref<8000x80xi32, #tpu.memory_space<hbm>> -> memref<5x80xi32, #tpu.memory_space<hbm>>
    tpu.enqueue_dma source(%dma_start3A_32 : memref<5x80xi32, #tpu.memory_space<hbm>>) target(%dma_start3A_30 : memref<5x80xi32, #tpu.memory_space<vmem>>) target_semaphore(%arg14 : memref<!tpu.dma_semaphore, #tpu.memory_space<semaphore_mem>>)
    %dma_start3A_33 = arith.constant 0 : i32
    %dma_start3A_34 = arith.constant 0 : i32
    %dma_start3A_35 = arith.constant 0 : i32
    %dma_start3A_36 = tpu.memref_slice %arg9[%dma_start3A_34, %dma_start3A_35] : memref<800x32xf32, #tpu.memory_space<vmem>> -> memref<80x32xf32, #tpu.memory_space<vmem>>
    %dma_start3A_37 = arith.constant 0 : i32
    %dma_start3A_38 = tpu.memref_slice %arg7[%dma_start3A_33, %dma_start3A_37] : memref<15x80xi32, #tpu.memory_space<vmem>> -> memref<1x80xi32, #tpu.memory_space<vmem>>
    %dma_start3A_39 = tpu.memref_squeeze %dma_start3A_38 : memref<1x80xi32, #tpu.memory_space<vmem>> -> memref<80xi32, #tpu.memory_space<vmem>>
    %dma_start3A_40 = arith.constant 0 : i32
    %dma_start3A_41 = arith.constant 0 : i32
    %dma_start3A_42 = tpu.memref_slice %arg2[%dma_start3A_40, %dma_start3A_41] : memref<20000x32xf32, #tpu.memory_space<hbm>> -> memref<20000x32xf32, #tpu.memory_space<hbm>>
    tpu.enqueue_indirect_dma source(%dma_start3A_42 : memref<20000x32xf32, #tpu.memory_space<hbm>>) target(%dma_start3A_36 : memref<80x32xf32, #tpu.memory_space<vmem>>) offsets(%dma_start3A_39 : memref<80xi32, #tpu.memory_space<vmem>>) semaphore(%arg12 : memref<!tpu.dma_semaphore, #tpu.memory_space<semaphore_mem>>)
    %dma_start3A_43 = arith.constant 1 : i32
    %dma_start3A_44 = arith.constant 80 : i32
    %dma_start3A_45 = arith.constant 0 : i32
    %dma_start3A_46 = tpu.memref_slice %arg9[%dma_start3A_44, %dma_start3A_45] : memref<800x32xf32, #tpu.memory_space<vmem>> -> memref<80x32xf32, #tpu.memory_space<vmem>>
    %dma_start3A_47 = arith.constant 0 : i32
    %dma_start3A_48 = tpu.memref_slice %arg7[%dma_start3A_43, %dma_start3A_47] : memref<15x80xi32, #tpu.memory_space<vmem>> -> memref<1x80xi32, #tpu.memory_space<vmem>>
    %dma_start3A_49 = tpu.memref_squeeze %dma_start3A_48 : memref<1x80xi32, #tpu.memory_space<vmem>> -> memref<80xi32, #tpu.memory_space<vmem>>
    %dma_start3A_50 = arith.constant 0 : i32
    %dma_start3A_51 = arith.constant 0 : i32
    %dma_start3A_52 = tpu.memref_slice %arg2[%dma_start3A_50, %dma_start3A_51] : memref<20000x32xf32, #tpu.memory_space<hbm>> -> memref<20000x32xf32, #tpu.memory_space<hbm>>
    tpu.enqueue_indirect_dma source(%dma_start3A_52 : memref<20000x32xf32, #tpu.memory_space<hbm>>) target(%dma_start3A_46 : memref<80x32xf32, #tpu.memory_space<vmem>>) offsets(%dma_start3A_49 : memref<80xi32, #tpu.memory_space<vmem>>) semaphore(%arg12 : memref<!tpu.dma_semaphore, #tpu.memory_space<semaphore_mem>>)
    %dma_start3A_53 = arith.constant 2 : i32
    %dma_start3A_54 = arith.constant 160 : i32
    %dma_start3A_55 = arith.constant 0 : i32
    %dma_start3A_56 = tpu.memref_slice %arg9[%dma_start3A_54, %dma_start3A_55] : memref<800x32xf32, #tpu.memory_space<vmem>> -> memref<80x32xf32, #tpu.memory_space<vmem>>
    %dma_start3A_57 = arith.constant 0 : i32
    %dma_start3A_58 = tpu.memref_slice %arg7[%dma_start3A_53, %dma_start3A_57] : memref<15x80xi32, #tpu.memory_space<vmem>> -> memref<1x80xi32, #tpu.memory_space<vmem>>
    %dma_start3A_59 = tpu.memref_squeeze %dma_start3A_58 : memref<1x80xi32, #tpu.memory_space<vmem>> -> memref<80xi32, #tpu.memory_space<vmem>>
    %dma_start3A_60 = arith.constant 0 : i32
    %dma_start3A_61 = arith.constant 0 : i32
    %dma_start3A_62 = tpu.memref_slice %arg2[%dma_start3A_60, %dma_start3A_61] : memref<20000x32xf32, #tpu.memory_space<hbm>> -> memref<20000x32xf32, #tpu.memory_space<hbm>>
    tpu.enqueue_indirect_dma source(%dma_start3A_62 : memref<20000x32xf32, #tpu.memory_space<hbm>>) target(%dma_start3A_56 : memref<80x32xf32, #tpu.memory_space<vmem>>) offsets(%dma_start3A_59 : memref<80xi32, #tpu.memory_space<vmem>>) semaphore(%arg12 : memref<!tpu.dma_semaphore, #tpu.memory_space<semaphore_mem>>)
    %dma_start3A_63 = arith.constant 3 : i32
    %dma_start3A_64 = arith.constant 240 : i32
    %dma_start3A_65 = arith.constant 0 : i32
    %dma_start3A_66 = tpu.memref_slice %arg9[%dma_start3A_64, %dma_start3A_65] : memref<800x32xf32, #tpu.memory_space<vmem>> -> memref<80x32xf32, #tpu.memory_space<vmem>>
    %dma_start3A_67 = arith.constant 0 : i32
    %dma_start3A_68 = tpu.memref_slice %arg7[%dma_start3A_63, %dma_start3A_67] : memref<15x80xi32, #tpu.memory_space<vmem>> -> memref<1x80xi32, #tpu.memory_space<vmem>>
    %dma_start3A_69 = tpu.memref_squeeze %dma_start3A_68 : memref<1x80xi32, #tpu.memory_space<vmem>> -> memref<80xi32, #tpu.memory_space<vmem>>
    %dma_start3A_70 = arith.constant 0 : i32
    %dma_start3A_71 = arith.constant 0 : i32
    %dma_start3A_72 = tpu.memref_slice %arg2[%dma_start3A_70, %dma_start3A_71] : memref<20000x32xf32, #tpu.memory_space<hbm>> -> memref<20000x32xf32, #tpu.memory_space<hbm>>
    tpu.enqueue_indirect_dma source(%dma_start3A_72 : memref<20000x32xf32, #tpu.memory_space<hbm>>) target(%dma_start3A_66 : memref<80x32xf32, #tpu.memory_space<vmem>>) offsets(%dma_start3A_69 : memref<80xi32, #tpu.memory_space<vmem>>) semaphore(%arg12 : memref<!tpu.dma_semaphore, #tpu.memory_space<semaphore_mem>>)
    %dma_start3A_73 = arith.constant 4 : i32
    %dma_start3A_74 = arith.constant 320 : i32
    %dma_start3A_75 = arith.constant 0 : i32
    %dma_start3A_76 = tpu.memref_slice %arg9[%dma_start3A_74, %dma_start3A_75] : memref<800x32xf32, #tpu.memory_space<vmem>> -> memref<80x32xf32, #tpu.memory_space<vmem>>
    %dma_start3A_77 = arith.constant 0 : i32
    %dma_start3A_78 = tpu.memref_slice %arg7[%dma_start3A_73, %dma_start3A_77] : memref<15x80xi32, #tpu.memory_space<vmem>> -> memref<1x80xi32, #tpu.memory_space<vmem>>
    %dma_start3A_79 = tpu.memref_squeeze %dma_start3A_78 : memref<1x80xi32, #tpu.memory_space<vmem>> -> memref<80xi32, #tpu.memory_space<vmem>>
    %dma_start3A_80 = arith.constant 0 : i32
    %dma_start3A_81 = arith.constant 0 : i32
    %dma_start3A_82 = tpu.memref_slice %arg2[%dma_start3A_80, %dma_start3A_81] : memref<20000x32xf32, #tpu.memory_space<hbm>> -> memref<20000x32xf32, #tpu.memory_space<hbm>>
    tpu.enqueue_indirect_dma source(%dma_start3A_82 : memref<20000x32xf32, #tpu.memory_space<hbm>>) target(%dma_start3A_76 : memref<80x32xf32, #tpu.memory_space<vmem>>) offsets(%dma_start3A_79 : memref<80xi32, #tpu.memory_space<vmem>>) semaphore(%arg12 : memref<!tpu.dma_semaphore, #tpu.memory_space<semaphore_mem>>)
    %scan3A_83 = arith.constant 0 : i32
    %scan3A_84 = arith.constant 0 : i32
    %scan3A_85 = arith.constant 50 : i32
    %scan3A_86 = arith.addi %scan3A_84, %scan3A_85 : i32
    %scan3A_87 = arith.constant 1 : i32
    scf.for %scan3A_144 = %scan3A_84 to %scan3A_86 step %scan3A_87  : i32 {
      %rem3A = arith.constant 2 : i32
      %rem3A_145 = arith.remsi %scan3A_144, %rem3A : i32
      %mul3A_146 = arith.constant 5 : i32
      %mul3A_147 = arith.muli %rem3A_145, %mul3A_146 : i32
      %rem3A_148 = arith.constant 3 : i32
      %rem3A_149 = arith.remsi %scan3A_144, %rem3A_148 : i32
      %mul3A_150 = arith.constant 5 : i32
      %mul3A_151 = arith.muli %rem3A_149, %mul3A_150 : i32
      %add3A_152 = arith.constant 1 : i32
      %add3A_153 = arith.addi %scan3A_144, %add3A_152 : i32
      %rem3A_154 = arith.constant 3 : i32
      %rem3A_155 = arith.remsi %add3A_153, %rem3A_154 : i32
      %mul3A_156 = arith.constant 5 : i32
      %mul3A_157 = arith.muli %rem3A_155, %mul3A_156 : i32
      %add3A_158 = arith.constant 2 : i32
      %add3A_159 = arith.addi %scan3A_144, %add3A_158 : i32
      %rem3A_160 = arith.constant 3 : i32
      %rem3A_161 = arith.remsi %add3A_159, %rem3A_160 : i32
      %mul3A_162 = arith.constant 5 : i32
      %mul3A_163 = arith.muli %rem3A_161, %mul3A_162 : i32
      %dma_wait3A_164 = arith.constant 0 : i32
      %dma_wait3A_165 = arith.constant 0 : i32
      %dma_wait3A_166 = arith.constant 0 : i32
      %dma_wait3A_167 = tpu.memref_slice %arg9[%dma_wait3A_165, %dma_wait3A_166] : memref<800x32xf32, #tpu.memory_space<vmem>> -> memref<80x32xf32, #tpu.memory_space<vmem>>
      %dma_wait3A_168 = arith.constant 0 : i32
      %dma_wait3A_169 = tpu.memref_slice %arg7[%dma_wait3A_164, %dma_wait3A_168] : memref<15x80xi32, #tpu.memory_space<vmem>> -> memref<1x80xi32, #tpu.memory_space<vmem>>
      %dma_wait3A_170 = tpu.memref_squeeze %dma_wait3A_169 : memref<1x80xi32, #tpu.memory_space<vmem>> -> memref<80xi32, #tpu.memory_space<vmem>>
      %dma_wait3A_171 = arith.constant 0 : i32
      %dma_wait3A_172 = arith.constant 0 : i32
      %dma_wait3A_173 = tpu.memref_slice %arg2[%dma_wait3A_171, %dma_wait3A_172] : memref<20000x32xf32, #tpu.memory_space<hbm>> -> memref<20000x32xf32, #tpu.memory_space<hbm>>
      tpu.wait_indirect_dma semaphore(%arg12 : memref<!tpu.dma_semaphore, #tpu.memory_space<semaphore_mem>>) src(%dma_wait3A_173 : memref<20000x32xf32, #tpu.memory_space<hbm>>) dst(%dma_wait3A_167 : memref<80x32xf32, #tpu.memory_space<vmem>>)
      %dma_wait3A_174 = arith.constant 0 : i32
      %dma_wait3A_175 = arith.constant 0 : i32
      %dma_wait3A_176 = arith.constant 0 : i32
      %dma_wait3A_177 = tpu.memref_slice %arg9[%dma_wait3A_175, %dma_wait3A_176] : memref<800x32xf32, #tpu.memory_space<vmem>> -> memref<80x32xf32, #tpu.memory_space<vmem>>
      %dma_wait3A_178 = arith.constant 0 : i32
      %dma_wait3A_179 = tpu.memref_slice %arg7[%dma_wait3A_174, %dma_wait3A_178] : memref<15x80xi32, #tpu.memory_space<vmem>> -> memref<1x80xi32, #tpu.memory_space<vmem>>
      %dma_wait3A_180 = tpu.memref_squeeze %dma_wait3A_179 : memref<1x80xi32, #tpu.memory_space<vmem>> -> memref<80xi32, #tpu.memory_space<vmem>>
      %dma_wait3A_181 = arith.constant 0 : i32
      %dma_wait3A_182 = arith.constant 0 : i32
      %dma_wait3A_183 = tpu.memref_slice %arg2[%dma_wait3A_181, %dma_wait3A_182] : memref<20000x32xf32, #tpu.memory_space<hbm>> -> memref<20000x32xf32, #tpu.memory_space<hbm>>
      tpu.wait_indirect_dma semaphore(%arg12 : memref<!tpu.dma_semaphore, #tpu.memory_space<semaphore_mem>>) src(%dma_wait3A_183 : memref<20000x32xf32, #tpu.memory_space<hbm>>) dst(%dma_wait3A_177 : memref<80x32xf32, #tpu.memory_space<vmem>>)
      %dma_wait3A_184 = arith.constant 0 : i32
      %dma_wait3A_185 = arith.constant 0 : i32
      %dma_wait3A_186 = arith.constant 0 : i32
      %dma_wait3A_187 = tpu.memref_slice %arg9[%dma_wait3A_185, %dma_wait3A_186] : memref<800x32xf32, #tpu.memory_space<vmem>> -> memref<80x32xf32, #tpu.memory_space<vmem>>
      %dma_wait3A_188 = arith.constant 0 : i32
      %dma_wait3A_189 = tpu.memref_slice %arg7[%dma_wait3A_184, %dma_wait3A_188] : memref<15x80xi32, #tpu.memory_space<vmem>> -> memref<1x80xi32, #tpu.memory_space<vmem>>
      %dma_wait3A_190 = tpu.memref_squeeze %dma_wait3A_189 : memref<1x80xi32, #tpu.memory_space<vmem>> -> memref<80xi32, #tpu.memory_space<vmem>>
      %dma_wait3A_191 = arith.constant 0 : i32
      %dma_wait3A_192 = arith.constant 0 : i32
      %dma_wait3A_193 = tpu.memref_slice %arg2[%dma_wait3A_191, %dma_wait3A_192] : memref<20000x32xf32, #tpu.memory_space<hbm>> -> memref<20000x32xf32, #tpu.memory_space<hbm>>
      tpu.wait_indirect_dma semaphore(%arg12 : memref<!tpu.dma_semaphore, #tpu.memory_space<semaphore_mem>>) src(%dma_wait3A_193 : memref<20000x32xf32, #tpu.memory_space<hbm>>) dst(%dma_wait3A_187 : memref<80x32xf32, #tpu.memory_space<vmem>>)
      %dma_wait3A_194 = arith.constant 0 : i32
      %dma_wait3A_195 = arith.constant 0 : i32
      %dma_wait3A_196 = arith.constant 0 : i32
      %dma_wait3A_197 = tpu.memref_slice %arg9[%dma_wait3A_195, %dma_wait3A_196] : memref<800x32xf32, #tpu.memory_space<vmem>> -> memref<80x32xf32, #tpu.memory_space<vmem>>
      %dma_wait3A_198 = arith.constant 0 : i32
      %dma_wait3A_199 = tpu.memref_slice %arg7[%dma_wait3A_194, %dma_wait3A_198] : memref<15x80xi32, #tpu.memory_space<vmem>> -> memref<1x80xi32, #tpu.memory_space<vmem>>
      %dma_wait3A_200 = tpu.memref_squeeze %dma_wait3A_199 : memref<1x80xi32, #tpu.memory_space<vmem>> -> memref<80xi32, #tpu.memory_space<vmem>>
      %dma_wait3A_201 = arith.constant 0 : i32
      %dma_wait3A_202 = arith.constant 0 : i32
      %dma_wait3A_203 = tpu.memref_slice %arg2[%dma_wait3A_201, %dma_wait3A_202] : memref<20000x32xf32, #tpu.memory_space<hbm>> -> memref<20000x32xf32, #tpu.memory_space<hbm>>
      tpu.wait_indirect_dma semaphore(%arg12 : memref<!tpu.dma_semaphore, #tpu.memory_space<semaphore_mem>>) src(%dma_wait3A_203 : memref<20000x32xf32, #tpu.memory_space<hbm>>) dst(%dma_wait3A_197 : memref<80x32xf32, #tpu.memory_space<vmem>>)
      %dma_wait3A_204 = arith.constant 0 : i32
      %dma_wait3A_205 = arith.constant 0 : i32
      %dma_wait3A_206 = arith.constant 0 : i32
      %dma_wait3A_207 = tpu.memref_slice %arg9[%dma_wait3A_205, %dma_wait3A_206] : memref<800x32xf32, #tpu.memory_space<vmem>> -> memref<80x32xf32, #tpu.memory_space<vmem>>
      %dma_wait3A_208 = arith.constant 0 : i32
      %dma_wait3A_209 = tpu.memref_slice %arg7[%dma_wait3A_204, %dma_wait3A_208] : memref<15x80xi32, #tpu.memory_space<vmem>> -> memref<1x80xi32, #tpu.memory_space<vmem>>
      %dma_wait3A_210 = tpu.memref_squeeze %dma_wait3A_209 : memref<1x80xi32, #tpu.memory_space<vmem>> -> memref<80xi32, #tpu.memory_space<vmem>>
      %dma_wait3A_211 = arith.constant 0 : i32
      %dma_wait3A_212 = arith.constant 0 : i32
      %dma_wait3A_213 = tpu.memref_slice %arg2[%dma_wait3A_211, %dma_wait3A_212] : memref<20000x32xf32, #tpu.memory_space<hbm>> -> memref<20000x32xf32, #tpu.memory_space<hbm>>
      tpu.wait_indirect_dma semaphore(%arg12 : memref<!tpu.dma_semaphore, #tpu.memory_space<semaphore_mem>>) src(%dma_wait3A_213 : memref<20000x32xf32, #tpu.memory_space<hbm>>) dst(%dma_wait3A_207 : memref<80x32xf32, #tpu.memory_space<vmem>>)
      %ge3A = arith.constant 1 : i32
      %ge3A_214 = arith.cmpi sge, %scan3A_144, %ge3A : i32
      %convert_element_type3A_215 = arith.extui %ge3A_214 : i1 to i32
      %cond3A_216 = arith.constant 0 : i32
      %cond3A_217 = arith.cmpi ne, %convert_element_type3A_215, %cond3A_216 : i32
      scf.if %cond3A_217 {
        %dma_wait3A_302 = arith.constant 0 : i32
        %dma_wait3A_303 = arith.constant 0 : i32
        %dma_wait3A_304 = arith.constant 0 : i32
        %dma_wait3A_305 = tpu.memref_slice %arg9[%dma_wait3A_303, %dma_wait3A_304] : memref<800x32xf32, #tpu.memory_space<vmem>> -> memref<80x32xf32, #tpu.memory_space<vmem>>
        %dma_wait3A_306 = arith.constant 0 : i32
        %dma_wait3A_307 = tpu.memref_slice %arg7[%dma_wait3A_302, %dma_wait3A_306] : memref<15x80xi32, #tpu.memory_space<vmem>> -> memref<1x80xi32, #tpu.memory_space<vmem>>
        %dma_wait3A_308 = tpu.memref_squeeze %dma_wait3A_307 : memref<1x80xi32, #tpu.memory_space<vmem>> -> memref<80xi32, #tpu.memory_space<vmem>>
        %dma_wait3A_309 = arith.constant 0 : i32
        %dma_wait3A_310 = arith.constant 0 : i32
        %dma_wait3A_311 = tpu.memref_slice %arg2[%dma_wait3A_309, %dma_wait3A_310] : memref<20000x32xf32, #tpu.memory_space<hbm>> -> memref<20000x32xf32, #tpu.memory_space<hbm>>
        tpu.wait_indirect_dma semaphore(%arg13 : memref<!tpu.dma_semaphore, #tpu.memory_space<semaphore_mem>>) src(%dma_wait3A_311 : memref<20000x32xf32, #tpu.memory_space<hbm>>) dst(%dma_wait3A_305 : memref<80x32xf32, #tpu.memory_space<vmem>>)
        %dma_wait3A_312 = arith.constant 0 : i32
        %dma_wait3A_313 = arith.constant 0 : i32
        %dma_wait3A_314 = arith.constant 0 : i32
        %dma_wait3A_315 = tpu.memref_slice %arg9[%dma_wait3A_313, %dma_wait3A_314] : memref<800x32xf32, #tpu.memory_space<vmem>> -> memref<80x32xf32, #tpu.memory_space<vmem>>
        %dma_wait3A_316 = arith.constant 0 : i32
        %dma_wait3A_317 = tpu.memref_slice %arg7[%dma_wait3A_312, %dma_wait3A_316] : memref<15x80xi32, #tpu.memory_space<vmem>> -> memref<1x80xi32, #tpu.memory_space<vmem>>
        %dma_wait3A_318 = tpu.memref_squeeze %dma_wait3A_317 : memref<1x80xi32, #tpu.memory_space<vmem>> -> memref<80xi32, #tpu.memory_space<vmem>>
        %dma_wait3A_319 = arith.constant 0 : i32
        %dma_wait3A_320 = arith.constant 0 : i32
        %dma_wait3A_321 = tpu.memref_slice %arg2[%dma_wait3A_319, %dma_wait3A_320] : memref<20000x32xf32, #tpu.memory_space<hbm>> -> memref<20000x32xf32, #tpu.memory_space<hbm>>
        tpu.wait_indirect_dma semaphore(%arg13 : memref<!tpu.dma_semaphore, #tpu.memory_space<semaphore_mem>>) src(%dma_wait3A_321 : memref<20000x32xf32, #tpu.memory_space<hbm>>) dst(%dma_wait3A_315 : memref<80x32xf32, #tpu.memory_space<vmem>>)
        %dma_wait3A_322 = arith.constant 0 : i32
        %dma_wait3A_323 = arith.constant 0 : i32
        %dma_wait3A_324 = arith.constant 0 : i32
        %dma_wait3A_325 = tpu.memref_slice %arg9[%dma_wait3A_323, %dma_wait3A_324] : memref<800x32xf32, #tpu.memory_space<vmem>> -> memref<80x32xf32, #tpu.memory_space<vmem>>
        %dma_wait3A_326 = arith.constant 0 : i32
        %dma_wait3A_327 = tpu.memref_slice %arg7[%dma_wait3A_322, %dma_wait3A_326] : memref<15x80xi32, #tpu.memory_space<vmem>> -> memref<1x80xi32, #tpu.memory_space<vmem>>
        %dma_wait3A_328 = tpu.memref_squeeze %dma_wait3A_327 : memref<1x80xi32, #tpu.memory_space<vmem>> -> memref<80xi32, #tpu.memory_space<vmem>>
        %dma_wait3A_329 = arith.constant 0 : i32
        %dma_wait3A_330 = arith.constant 0 : i32
        %dma_wait3A_331 = tpu.memref_slice %arg2[%dma_wait3A_329, %dma_wait3A_330] : memref<20000x32xf32, #tpu.memory_space<hbm>> -> memref<20000x32xf32, #tpu.memory_space<hbm>>
        tpu.wait_indirect_dma semaphore(%arg13 : memref<!tpu.dma_semaphore, #tpu.memory_space<semaphore_mem>>) src(%dma_wait3A_331 : memref<20000x32xf32, #tpu.memory_space<hbm>>) dst(%dma_wait3A_325 : memref<80x32xf32, #tpu.memory_space<vmem>>)
        %dma_wait3A_332 = arith.constant 0 : i32
        %dma_wait3A_333 = arith.constant 0 : i32
        %dma_wait3A_334 = arith.constant 0 : i32
        %dma_wait3A_335 = tpu.memref_slice %arg9[%dma_wait3A_333, %dma_wait3A_334] : memref<800x32xf32, #tpu.memory_space<vmem>> -> memref<80x32xf32, #tpu.memory_space<vmem>>
        %dma_wait3A_336 = arith.constant 0 : i32
        %dma_wait3A_337 = tpu.memref_slice %arg7[%dma_wait3A_332, %dma_wait3A_336] : memref<15x80xi32, #tpu.memory_space<vmem>> -> memref<1x80xi32, #tpu.memory_space<vmem>>
        %dma_wait3A_338 = tpu.memref_squeeze %dma_wait3A_337 : memref<1x80xi32, #tpu.memory_space<vmem>> -> memref<80xi32, #tpu.memory_space<vmem>>
        %dma_wait3A_339 = arith.constant 0 : i32
        %dma_wait3A_340 = arith.constant 0 : i32
        %dma_wait3A_341 = tpu.memref_slice %arg2[%dma_wait3A_339, %dma_wait3A_340] : memref<20000x32xf32, #tpu.memory_space<hbm>> -> memref<20000x32xf32, #tpu.memory_space<hbm>>
        tpu.wait_indirect_dma semaphore(%arg13 : memref<!tpu.dma_semaphore, #tpu.memory_space<semaphore_mem>>) src(%dma_wait3A_341 : memref<20000x32xf32, #tpu.memory_space<hbm>>) dst(%dma_wait3A_335 : memref<80x32xf32, #tpu.memory_space<vmem>>)
        %dma_wait3A_342 = arith.constant 0 : i32
        %dma_wait3A_343 = arith.constant 0 : i32
        %dma_wait3A_344 = arith.constant 0 : i32
        %dma_wait3A_345 = tpu.memref_slice %arg9[%dma_wait3A_343, %dma_wait3A_344] : memref<800x32xf32, #tpu.memory_space<vmem>> -> memref<80x32xf32, #tpu.memory_space<vmem>>
        %dma_wait3A_346 = arith.constant 0 : i32
        %dma_wait3A_347 = tpu.memref_slice %arg7[%dma_wait3A_342, %dma_wait3A_346] : memref<15x80xi32, #tpu.memory_space<vmem>> -> memref<1x80xi32, #tpu.memory_space<vmem>>
        %dma_wait3A_348 = tpu.memref_squeeze %dma_wait3A_347 : memref<1x80xi32, #tpu.memory_space<vmem>> -> memref<80xi32, #tpu.memory_space<vmem>>
        %dma_wait3A_349 = arith.constant 0 : i32
        %dma_wait3A_350 = arith.constant 0 : i32
        %dma_wait3A_351 = tpu.memref_slice %arg2[%dma_wait3A_349, %dma_wait3A_350] : memref<20000x32xf32, #tpu.memory_space<hbm>> -> memref<20000x32xf32, #tpu.memory_space<hbm>>
        tpu.wait_indirect_dma semaphore(%arg13 : memref<!tpu.dma_semaphore, #tpu.memory_space<semaphore_mem>>) src(%dma_wait3A_351 : memref<20000x32xf32, #tpu.memory_space<hbm>>) dst(%dma_wait3A_345 : memref<80x32xf32, #tpu.memory_space<vmem>>)
      } else {
      }
      %add3A_218 = arith.constant 2 : i32
      %add3A_219 = arith.addi %scan3A_144, %add3A_218 : i32
      %lt3A_220 = arith.constant 50 : i32
      %lt3A_221 = arith.cmpi slt, %add3A_219, %lt3A_220 : i32
      %convert_element_type3A_222 = arith.extui %lt3A_221 : i1 to i32
      %cond3A_223 = arith.constant 0 : i32
      %cond3A_224 = arith.cmpi ne, %convert_element_type3A_222, %cond3A_223 : i32
      scf.if %cond3A_224 {
        %add3A_302 = arith.constant 2 : i32
        %add3A_303 = arith.addi %scan3A_144, %add3A_302 : i32
        %mul3A_304 = arith.constant 5 : i32
        %mul3A_305 = arith.muli %add3A_303, %mul3A_304 : i32
        %add3A_306 = arith.addi %mul3A_2, %mul3A_305 : i32
        %dma_start3A_307 = arith.constant 0 : i32
        %dma_start3A_308 = tpu.memref_slice %arg7[%mul3A_163, %dma_start3A_307] : memref<15x80xi32, #tpu.memory_space<vmem>> -> memref<5x80xi32, #tpu.memory_space<vmem>>
        %dma_start3A_309 = arith.constant 0 : i32
        %dma_start3A_310 = tpu.memref_slice %arg3[%add3A_306, %dma_start3A_309] : memref<8000x80xi32, #tpu.memory_space<hbm>> -> memref<5x80xi32, #tpu.memory_space<hbm>>
        %dma_start3A_311 = arith.constant 0 : i32
        %dma_start3A_312 = tpu.memref_slice %arg7[%mul3A_163, %dma_start3A_311] : memref<15x80xi32, #tpu.memory_space<vmem>> -> memref<5x80xi32, #tpu.memory_space<vmem>>
        %dma_start3A_313 = arith.constant 0 : i32
        %dma_start3A_314 = tpu.memref_slice %arg3[%add3A_306, %dma_start3A_313] : memref<8000x80xi32, #tpu.memory_space<hbm>> -> memref<5x80xi32, #tpu.memory_space<hbm>>
        tpu.enqueue_dma source(%dma_start3A_314 : memref<5x80xi32, #tpu.memory_space<hbm>>) target(%dma_start3A_312 : memref<5x80xi32, #tpu.memory_space<vmem>>) target_semaphore(%arg14 : memref<!tpu.dma_semaphore, #tpu.memory_space<semaphore_mem>>)
        %add3A_315 = arith.constant 2 : i32
        %add3A_316 = arith.addi %scan3A_144, %add3A_315 : i32
        %mul3A_317 = arith.constant 5 : i32
        %mul3A_318 = arith.muli %add3A_316, %mul3A_317 : i32
        %add3A_319 = arith.addi %mul3A_2, %mul3A_318 : i32
        %dma_start3A_320 = arith.constant 0 : i32
        %dma_start3A_321 = tpu.memref_slice %arg8[%mul3A_163, %dma_start3A_320] : memref<15x80xi32, #tpu.memory_space<vmem>> -> memref<5x80xi32, #tpu.memory_space<vmem>>
        %dma_start3A_322 = arith.constant 0 : i32
        %dma_start3A_323 = tpu.memref_slice %arg4[%add3A_319, %dma_start3A_322] : memref<8000x80xi32, #tpu.memory_space<hbm>> -> memref<5x80xi32, #tpu.memory_space<hbm>>
        %dma_start3A_324 = arith.constant 0 : i32
        %dma_start3A_325 = tpu.memref_slice %arg8[%mul3A_163, %dma_start3A_324] : memref<15x80xi32, #tpu.memory_space<vmem>> -> memref<5x80xi32, #tpu.memory_space<vmem>>
        %dma_start3A_326 = arith.constant 0 : i32
        %dma_start3A_327 = tpu.memref_slice %arg4[%add3A_319, %dma_start3A_326] : memref<8000x80xi32, #tpu.memory_space<hbm>> -> memref<5x80xi32, #tpu.memory_space<hbm>>
        tpu.enqueue_dma source(%dma_start3A_327 : memref<5x80xi32, #tpu.memory_space<hbm>>) target(%dma_start3A_325 : memref<5x80xi32, #tpu.memory_space<vmem>>) target_semaphore(%arg14 : memref<!tpu.dma_semaphore, #tpu.memory_space<semaphore_mem>>)
      } else {
      }
      %add3A_225 = arith.constant 0 : i32
      %add3A_226 = arith.addi %mul3A_147, %add3A_225 : i32
      %mul3A_227 = arith.constant 80 : i32
      %mul3A_228 = arith.muli %add3A_226, %mul3A_227 : i32
      %add3A_229 = arith.constant 0 : i32
      %add3A_230 = arith.addi %mul3A_151, %add3A_229 : i32
      %dma_start3A_231 = arith.constant 0 : i32
      %dma_start3A_232 = tpu.memref_slice %arg9[%mul3A_228, %dma_start3A_231] : memref<800x32xf32, #tpu.memory_space<vmem>> -> memref<80x32xf32, #tpu.memory_space<vmem>>
      %dma_start3A_233 = arith.constant 0 : i32
      %dma_start3A_234 = tpu.memref_slice %arg8[%add3A_230, %dma_start3A_233] : memref<15x80xi32, #tpu.memory_space<vmem>> -> memref<1x80xi32, #tpu.memory_space<vmem>>
      %dma_start3A_235 = tpu.memref_squeeze %dma_start3A_234 : memref<1x80xi32, #tpu.memory_space<vmem>> -> memref<80xi32, #tpu.memory_space<vmem>>
      %dma_start3A_236 = arith.constant 0 : i32
      %dma_start3A_237 = arith.constant 0 : i32
      %dma_start3A_238 = tpu.memref_slice %arg11[%dma_start3A_236, %dma_start3A_237] : memref<10016x32xf32, #tpu.memory_space<vmem_shared>> -> memref<10016x32xf32, #tpu.memory_space<vmem_shared>>
      tpu.enqueue_indirect_dma source(%dma_start3A_232 : memref<80x32xf32, #tpu.memory_space<vmem>>) target(%dma_start3A_238 : memref<10016x32xf32, #tpu.memory_space<vmem_shared>>) offsets(%dma_start3A_235 : memref<80xi32, #tpu.memory_space<vmem>>) semaphore(%arg13 : memref<!tpu.dma_semaphore, #tpu.memory_space<semaphore_mem>>) {add = true}
      %add3A_239 = arith.constant 1 : i32
      %add3A_240 = arith.addi %mul3A_147, %add3A_239 : i32
      %mul3A_241 = arith.constant 80 : i32
      %mul3A_242 = arith.muli %add3A_240, %mul3A_241 : i32
      %add3A_243 = arith.constant 1 : i32
      %add3A_244 = arith.addi %mul3A_151, %add3A_243 : i32
      %dma_start3A_245 = arith.constant 0 : i32
      %dma_start3A_246 = tpu.memref_slice %arg9[%mul3A_242, %dma_start3A_245] : memref<800x32xf32, #tpu.memory_space<vmem>> -> memref<80x32xf32, #tpu.memory_space<vmem>>
      %dma_start3A_247 = arith.constant 0 : i32
      %dma_start3A_248 = tpu.memref_slice %arg8[%add3A_244, %dma_start3A_247] : memref<15x80xi32, #tpu.memory_space<vmem>> -> memref<1x80xi32, #tpu.memory_space<vmem>>
      %dma_start3A_249 = tpu.memref_squeeze %dma_start3A_248 : memref<1x80xi32, #tpu.memory_space<vmem>> -> memref<80xi32, #tpu.memory_space<vmem>>
      %dma_start3A_250 = arith.constant 0 : i32
      %dma_start3A_251 = arith.constant 0 : i32
      %dma_start3A_252 = tpu.memref_slice %arg11[%dma_start3A_250, %dma_start3A_251] : memref<10016x32xf32, #tpu.memory_space<vmem_shared>> -> memref<10016x32xf32, #tpu.memory_space<vmem_shared>>
      tpu.enqueue_indirect_dma source(%dma_start3A_246 : memref<80x32xf32, #tpu.memory_space<vmem>>) target(%dma_start3A_252 : memref<10016x32xf32, #tpu.memory_space<vmem_shared>>) offsets(%dma_start3A_249 : memref<80xi32, #tpu.memory_space<vmem>>) semaphore(%arg13 : memref<!tpu.dma_semaphore, #tpu.memory_space<semaphore_mem>>) {add = true}
      %add3A_253 = arith.constant 2 : i32
      %add3A_254 = arith.addi %mul3A_147, %add3A_253 : i32
      %mul3A_255 = arith.constant 80 : i32
      %mul3A_256 = arith.muli %add3A_254, %mul3A_255 : i32
      %add3A_257 = arith.constant 2 : i32
      %add3A_258 = arith.addi %mul3A_151, %add3A_257 : i32
      %dma_start3A_259 = arith.constant 0 : i32
      %dma_start3A_260 = tpu.memref_slice %arg9[%mul3A_256, %dma_start3A_259] : memref<800x32xf32, #tpu.memory_space<vmem>> -> memref<80x32xf32, #tpu.memory_space<vmem>>
      %dma_start3A_261 = arith.constant 0 : i32
      %dma_start3A_262 = tpu.memref_slice %arg8[%add3A_258, %dma_start3A_261] : memref<15x80xi32, #tpu.memory_space<vmem>> -> memref<1x80xi32, #tpu.memory_space<vmem>>
      %dma_start3A_263 = tpu.memref_squeeze %dma_start3A_262 : memref<1x80xi32, #tpu.memory_space<vmem>> -> memref<80xi32, #tpu.memory_space<vmem>>
      %dma_start3A_264 = arith.constant 0 : i32
      %dma_start3A_265 = arith.constant 0 : i32
      %dma_start3A_266 = tpu.memref_slice %arg11[%dma_start3A_264, %dma_start3A_265] : memref<10016x32xf32, #tpu.memory_space<vmem_shared>> -> memref<10016x32xf32, #tpu.memory_space<vmem_shared>>
      tpu.enqueue_indirect_dma source(%dma_start3A_260 : memref<80x32xf32, #tpu.memory_space<vmem>>) target(%dma_start3A_266 : memref<10016x32xf32, #tpu.memory_space<vmem_shared>>) offsets(%dma_start3A_263 : memref<80xi32, #tpu.memory_space<vmem>>) semaphore(%arg13 : memref<!tpu.dma_semaphore, #tpu.memory_space<semaphore_mem>>) {add = true}
      %add3A_267 = arith.constant 3 : i32
      %add3A_268 = arith.addi %mul3A_147, %add3A_267 : i32
      %mul3A_269 = arith.constant 80 : i32
      %mul3A_270 = arith.muli %add3A_268, %mul3A_269 : i32
      %add3A_271 = arith.constant 3 : i32
      %add3A_272 = arith.addi %mul3A_151, %add3A_271 : i32
      %dma_start3A_273 = arith.constant 0 : i32
      %dma_start3A_274 = tpu.memref_slice %arg9[%mul3A_270, %dma_start3A_273] : memref<800x32xf32, #tpu.memory_space<vmem>> -> memref<80x32xf32, #tpu.memory_space<vmem>>
      %dma_start3A_275 = arith.constant 0 : i32
      %dma_start3A_276 = tpu.memref_slice %arg8[%add3A_272, %dma_start3A_275] : memref<15x80xi32, #tpu.memory_space<vmem>> -> memref<1x80xi32, #tpu.memory_space<vmem>>
      %dma_start3A_277 = tpu.memref_squeeze %dma_start3A_276 : memref<1x80xi32, #tpu.memory_space<vmem>> -> memref<80xi32, #tpu.memory_space<vmem>>
      %dma_start3A_278 = arith.constant 0 : i32
      %dma_start3A_279 = arith.constant 0 : i32
      %dma_start3A_280 = tpu.memref_slice %arg11[%dma_start3A_278, %dma_start3A_279] : memref<10016x32xf32, #tpu.memory_space<vmem_shared>> -> memref<10016x32xf32, #tpu.memory_space<vmem_shared>>
      tpu.enqueue_indirect_dma source(%dma_start3A_274 : memref<80x32xf32, #tpu.memory_space<vmem>>) target(%dma_start3A_280 : memref<10016x32xf32, #tpu.memory_space<vmem_shared>>) offsets(%dma_start3A_277 : memref<80xi32, #tpu.memory_space<vmem>>) semaphore(%arg13 : memref<!tpu.dma_semaphore, #tpu.memory_space<semaphore_mem>>) {add = true}
      %add3A_281 = arith.constant 4 : i32
      %add3A_282 = arith.addi %mul3A_147, %add3A_281 : i32
      %mul3A_283 = arith.constant 80 : i32
      %mul3A_284 = arith.muli %add3A_282, %mul3A_283 : i32
      %add3A_285 = arith.constant 4 : i32
      %add3A_286 = arith.addi %mul3A_151, %add3A_285 : i32
      %dma_start3A_287 = arith.constant 0 : i32
      %dma_start3A_288 = tpu.memref_slice %arg9[%mul3A_284, %dma_start3A_287] : memref<800x32xf32, #tpu.memory_space<vmem>> -> memref<80x32xf32, #tpu.memory_space<vmem>>
      %dma_start3A_289 = arith.constant 0 : i32
      %dma_start3A_290 = tpu.memref_slice %arg8[%add3A_286, %dma_start3A_289] : memref<15x80xi32, #tpu.memory_space<vmem>> -> memref<1x80xi32, #tpu.memory_space<vmem>>
      %dma_start3A_291 = tpu.memref_squeeze %dma_start3A_290 : memref<1x80xi32, #tpu.memory_space<vmem>> -> memref<80xi32, #tpu.memory_space<vmem>>
      %dma_start3A_292 = arith.constant 0 : i32
      %dma_start3A_293 = arith.constant 0 : i32
      %dma_start3A_294 = tpu.memref_slice %arg11[%dma_start3A_292, %dma_start3A_293] : memref<10016x32xf32, #tpu.memory_space<vmem_shared>> -> memref<10016x32xf32, #tpu.memory_space<vmem_shared>>
      tpu.enqueue_indirect_dma source(%dma_start3A_288 : memref<80x32xf32, #tpu.memory_space<vmem>>) target(%dma_start3A_294 : memref<10016x32xf32, #tpu.memory_space<vmem_shared>>) offsets(%dma_start3A_291 : memref<80xi32, #tpu.memory_space<vmem>>) semaphore(%arg13 : memref<!tpu.dma_semaphore, #tpu.memory_space<semaphore_mem>>) {add = true}
      %add3A_295 = arith.constant 1 : i32
      %add3A_296 = arith.addi %scan3A_144, %add3A_295 : i32
      %lt3A_297 = arith.constant 50 : i32
      %lt3A_298 = arith.cmpi slt, %add3A_296, %lt3A_297 : i32
      %convert_element_type3A_299 = arith.extui %lt3A_298 : i1 to i32
      %cond3A_300 = arith.constant 0 : i32
      %cond3A_301 = arith.cmpi ne, %convert_element_type3A_299, %cond3A_300 : i32
      scf.if %cond3A_301 {
        %dma_wait3A_302 = arith.constant 0 : i32
        %dma_wait3A_303 = arith.constant 0 : i32
        %dma_wait3A_304 = tpu.memref_slice %arg7[%dma_wait3A_302, %dma_wait3A_303] : memref<15x80xi32, #tpu.memory_space<vmem>> -> memref<5x80xi32, #tpu.memory_space<vmem>>
        %dma_wait3A_305 = arith.constant 0 : i32
        %dma_wait3A_306 = arith.constant 0 : i32
        %dma_wait3A_307 = tpu.memref_slice %arg3[%dma_wait3A_305, %dma_wait3A_306] : memref<8000x80xi32, #tpu.memory_space<hbm>> -> memref<5x80xi32, #tpu.memory_space<hbm>>
        %dma_wait3A_308 = arith.constant 0 : i32
        %dma_wait3A_309 = arith.constant 0 : i32
        %dma_wait3A_310 = tpu.memref_slice %arg7[%dma_wait3A_308, %dma_wait3A_309] : memref<15x80xi32, #tpu.memory_space<vmem>> -> memref<5x80xi32, #tpu.memory_space<vmem>>
        %dma_wait3A_311 = arith.constant 0 : i32
        %dma_wait3A_312 = arith.constant 0 : i32
        %dma_wait3A_313 = tpu.memref_slice %arg3[%dma_wait3A_311, %dma_wait3A_312] : memref<8000x80xi32, #tpu.memory_space<hbm>> -> memref<5x80xi32, #tpu.memory_space<hbm>>
        tpu.wait_dma2 semaphore(%arg14 : memref<!tpu.dma_semaphore, #tpu.memory_space<semaphore_mem>>) src(%dma_wait3A_313 : memref<5x80xi32, #tpu.memory_space<hbm>>) dst(%dma_wait3A_310 : memref<5x80xi32, #tpu.memory_space<vmem>>)
        %dma_wait3A_314 = arith.constant 0 : i32
        %dma_wait3A_315 = arith.constant 0 : i32
        %dma_wait3A_316 = tpu.memref_slice %arg7[%dma_wait3A_314, %dma_wait3A_315] : memref<15x80xi32, #tpu.memory_space<vmem>> -> memref<5x80xi32, #tpu.memory_space<vmem>>
        %dma_wait3A_317 = arith.constant 0 : i32
        %dma_wait3A_318 = arith.constant 0 : i32
        %dma_wait3A_319 = tpu.memref_slice %arg3[%dma_wait3A_317, %dma_wait3A_318] : memref<8000x80xi32, #tpu.memory_space<hbm>> -> memref<5x80xi32, #tpu.memory_space<hbm>>
        %dma_wait3A_320 = arith.constant 0 : i32
        %dma_wait3A_321 = arith.constant 0 : i32
        %dma_wait3A_322 = tpu.memref_slice %arg7[%dma_wait3A_320, %dma_wait3A_321] : memref<15x80xi32, #tpu.memory_space<vmem>> -> memref<5x80xi32, #tpu.memory_space<vmem>>
        %dma_wait3A_323 = arith.constant 0 : i32
        %dma_wait3A_324 = arith.constant 0 : i32
        %dma_wait3A_325 = tpu.memref_slice %arg3[%dma_wait3A_323, %dma_wait3A_324] : memref<8000x80xi32, #tpu.memory_space<hbm>> -> memref<5x80xi32, #tpu.memory_space<hbm>>
        tpu.wait_dma2 semaphore(%arg14 : memref<!tpu.dma_semaphore, #tpu.memory_space<semaphore_mem>>) src(%dma_wait3A_325 : memref<5x80xi32, #tpu.memory_space<hbm>>) dst(%dma_wait3A_322 : memref<5x80xi32, #tpu.memory_space<vmem>>)
        %add3A_326 = arith.constant 0 : i32
        %add3A_327 = arith.addi %mul3A_157, %add3A_326 : i32
        %sub3A = arith.constant 5 : i32
        %sub3A_328 = arith.subi %sub3A, %mul3A_147 : i32
        %add3A_329 = arith.constant 0 : i32
        %add3A_330 = arith.addi %sub3A_328, %add3A_329 : i32
        %mul3A_331 = arith.constant 80 : i32
        %mul3A_332 = arith.muli %add3A_330, %mul3A_331 : i32
        %dma_start3A_333 = arith.constant 0 : i32
        %dma_start3A_334 = tpu.memref_slice %arg9[%mul3A_332, %dma_start3A_333] : memref<800x32xf32, #tpu.memory_space<vmem>> -> memref<80x32xf32, #tpu.memory_space<vmem>>
        %dma_start3A_335 = arith.constant 0 : i32
        %dma_start3A_336 = tpu.memref_slice %arg7[%add3A_327, %dma_start3A_335] : memref<15x80xi32, #tpu.memory_space<vmem>> -> memref<1x80xi32, #tpu.memory_space<vmem>>
        %dma_start3A_337 = tpu.memref_squeeze %dma_start3A_336 : memref<1x80xi32, #tpu.memory_space<vmem>> -> memref<80xi32, #tpu.memory_space<vmem>>
        %dma_start3A_338 = arith.constant 0 : i32
        %dma_start3A_339 = arith.constant 0 : i32
        %dma_start3A_340 = tpu.memref_slice %arg2[%dma_start3A_338, %dma_start3A_339] : memref<20000x32xf32, #tpu.memory_space<hbm>> -> memref<20000x32xf32, #tpu.memory_space<hbm>>
        tpu.enqueue_indirect_dma source(%dma_start3A_340 : memref<20000x32xf32, #tpu.memory_space<hbm>>) target(%dma_start3A_334 : memref<80x32xf32, #tpu.memory_space<vmem>>) offsets(%dma_start3A_337 : memref<80xi32, #tpu.memory_space<vmem>>) semaphore(%arg12 : memref<!tpu.dma_semaphore, #tpu.memory_space<semaphore_mem>>)
        %add3A_341 = arith.constant 1 : i32
        %add3A_342 = arith.addi %mul3A_157, %add3A_341 : i32
        %sub3A_343 = arith.constant 5 : i32
        %sub3A_344 = arith.subi %sub3A_343, %mul3A_147 : i32
        %add3A_345 = arith.constant 1 : i32
        %add3A_346 = arith.addi %sub3A_344, %add3A_345 : i32
        %mul3A_347 = arith.constant 80 : i32
        %mul3A_348 = arith.muli %add3A_346, %mul3A_347 : i32
        %dma_start3A_349 = arith.constant 0 : i32
        %dma_start3A_350 = tpu.memref_slice %arg9[%mul3A_348, %dma_start3A_349] : memref<800x32xf32, #tpu.memory_space<vmem>> -> memref<80x32xf32, #tpu.memory_space<vmem>>
        %dma_start3A_351 = arith.constant 0 : i32
        %dma_start3A_352 = tpu.memref_slice %arg7[%add3A_342, %dma_start3A_351] : memref<15x80xi32, #tpu.memory_space<vmem>> -> memref<1x80xi32, #tpu.memory_space<vmem>>
        %dma_start3A_353 = tpu.memref_squeeze %dma_start3A_352 : memref<1x80xi32, #tpu.memory_space<vmem>> -> memref<80xi32, #tpu.memory_space<vmem>>
        %dma_start3A_354 = arith.constant 0 : i32
        %dma_start3A_355 = arith.constant 0 : i32
        %dma_start3A_356 = tpu.memref_slice %arg2[%dma_start3A_354, %dma_start3A_355] : memref<20000x32xf32, #tpu.memory_space<hbm>> -> memref<20000x32xf32, #tpu.memory_space<hbm>>
        tpu.enqueue_indirect_dma source(%dma_start3A_356 : memref<20000x32xf32, #tpu.memory_space<hbm>>) target(%dma_start3A_350 : memref<80x32xf32, #tpu.memory_space<vmem>>) offsets(%dma_start3A_353 : memref<80xi32, #tpu.memory_space<vmem>>) semaphore(%arg12 : memref<!tpu.dma_semaphore, #tpu.memory_space<semaphore_mem>>)
        %add3A_357 = arith.constant 2 : i32
        %add3A_358 = arith.addi %mul3A_157, %add3A_357 : i32
        %sub3A_359 = arith.constant 5 : i32
        %sub3A_360 = arith.subi %sub3A_359, %mul3A_147 : i32
        %add3A_361 = arith.constant 2 : i32
        %add3A_362 = arith.addi %sub3A_360, %add3A_361 : i32
        %mul3A_363 = arith.constant 80 : i32
        %mul3A_364 = arith.muli %add3A_362, %mul3A_363 : i32
        %dma_start3A_365 = arith.constant 0 : i32
        %dma_start3A_366 = tpu.memref_slice %arg9[%mul3A_364, %dma_start3A_365] : memref<800x32xf32, #tpu.memory_space<vmem>> -> memref<80x32xf32, #tpu.memory_space<vmem>>
        %dma_start3A_367 = arith.constant 0 : i32
        %dma_start3A_368 = tpu.memref_slice %arg7[%add3A_358, %dma_start3A_367] : memref<15x80xi32, #tpu.memory_space<vmem>> -> memref<1x80xi32, #tpu.memory_space<vmem>>
        %dma_start3A_369 = tpu.memref_squeeze %dma_start3A_368 : memref<1x80xi32, #tpu.memory_space<vmem>> -> memref<80xi32, #tpu.memory_space<vmem>>
        %dma_start3A_370 = arith.constant 0 : i32
        %dma_start3A_371 = arith.constant 0 : i32
        %dma_start3A_372 = tpu.memref_slice %arg2[%dma_start3A_370, %dma_start3A_371] : memref<20000x32xf32, #tpu.memory_space<hbm>> -> memref<20000x32xf32, #tpu.memory_space<hbm>>
        tpu.enqueue_indirect_dma source(%dma_start3A_372 : memref<20000x32xf32, #tpu.memory_space<hbm>>) target(%dma_start3A_366 : memref<80x32xf32, #tpu.memory_space<vmem>>) offsets(%dma_start3A_369 : memref<80xi32, #tpu.memory_space<vmem>>) semaphore(%arg12 : memref<!tpu.dma_semaphore, #tpu.memory_space<semaphore_mem>>)
        %add3A_373 = arith.constant 3 : i32
        %add3A_374 = arith.addi %mul3A_157, %add3A_373 : i32
        %sub3A_375 = arith.constant 5 : i32
        %sub3A_376 = arith.subi %sub3A_375, %mul3A_147 : i32
        %add3A_377 = arith.constant 3 : i32
        %add3A_378 = arith.addi %sub3A_376, %add3A_377 : i32
        %mul3A_379 = arith.constant 80 : i32
        %mul3A_380 = arith.muli %add3A_378, %mul3A_379 : i32
        %dma_start3A_381 = arith.constant 0 : i32
        %dma_start3A_382 = tpu.memref_slice %arg9[%mul3A_380, %dma_start3A_381] : memref<800x32xf32, #tpu.memory_space<vmem>> -> memref<80x32xf32, #tpu.memory_space<vmem>>
        %dma_start3A_383 = arith.constant 0 : i32
        %dma_start3A_384 = tpu.memref_slice %arg7[%add3A_374, %dma_start3A_383] : memref<15x80xi32, #tpu.memory_space<vmem>> -> memref<1x80xi32, #tpu.memory_space<vmem>>
        %dma_start3A_385 = tpu.memref_squeeze %dma_start3A_384 : memref<1x80xi32, #tpu.memory_space<vmem>> -> memref<80xi32, #tpu.memory_space<vmem>>
        %dma_start3A_386 = arith.constant 0 : i32
        %dma_start3A_387 = arith.constant 0 : i32
        %dma_start3A_388 = tpu.memref_slice %arg2[%dma_start3A_386, %dma_start3A_387] : memref<20000x32xf32, #tpu.memory_space<hbm>> -> memref<20000x32xf32, #tpu.memory_space<hbm>>
        tpu.enqueue_indirect_dma source(%dma_start3A_388 : memref<20000x32xf32, #tpu.memory_space<hbm>>) target(%dma_start3A_382 : memref<80x32xf32, #tpu.memory_space<vmem>>) offsets(%dma_start3A_385 : memref<80xi32, #tpu.memory_space<vmem>>) semaphore(%arg12 : memref<!tpu.dma_semaphore, #tpu.memory_space<semaphore_mem>>)
        %add3A_389 = arith.constant 4 : i32
        %add3A_390 = arith.addi %mul3A_157, %add3A_389 : i32
        %sub3A_391 = arith.constant 5 : i32
        %sub3A_392 = arith.subi %sub3A_391, %mul3A_147 : i32
        %add3A_393 = arith.constant 4 : i32
        %add3A_394 = arith.addi %sub3A_392, %add3A_393 : i32
        %mul3A_395 = arith.constant 80 : i32
        %mul3A_396 = arith.muli %add3A_394, %mul3A_395 : i32
        %dma_start3A_397 = arith.constant 0 : i32
        %dma_start3A_398 = tpu.memref_slice %arg9[%mul3A_396, %dma_start3A_397] : memref<800x32xf32, #tpu.memory_space<vmem>> -> memref<80x32xf32, #tpu.memory_space<vmem>>
        %dma_start3A_399 = arith.constant 0 : i32
        %dma_start3A_400 = tpu.memref_slice %arg7[%add3A_390, %dma_start3A_399] : memref<15x80xi32, #tpu.memory_space<vmem>> -> memref<1x80xi32, #tpu.memory_space<vmem>>
        %dma_start3A_401 = tpu.memref_squeeze %dma_start3A_400 : memref<1x80xi32, #tpu.memory_space<vmem>> -> memref<80xi32, #tpu.memory_space<vmem>>
        %dma_start3A_402 = arith.constant 0 : i32
        %dma_start3A_403 = arith.constant 0 : i32
        %dma_start3A_404 = tpu.memref_slice %arg2[%dma_start3A_402, %dma_start3A_403] : memref<20000x32xf32, #tpu.memory_space<hbm>> -> memref<20000x32xf32, #tpu.memory_space<hbm>>
        tpu.enqueue_indirect_dma source(%dma_start3A_404 : memref<20000x32xf32, #tpu.memory_space<hbm>>) target(%dma_start3A_398 : memref<80x32xf32, #tpu.memory_space<vmem>>) offsets(%dma_start3A_401 : memref<80xi32, #tpu.memory_space<vmem>>) semaphore(%arg12 : memref<!tpu.dma_semaphore, #tpu.memory_space<semaphore_mem>>)
      } else {
      }
    }
    %scan3A_88 = arith.constant 50 : i32
    %dma_wait3A = arith.constant 0 : i32
    %dma_wait3A_89 = arith.constant 0 : i32
    %dma_wait3A_90 = arith.constant 0 : i32
    %dma_wait3A_91 = tpu.memref_slice %arg9[%dma_wait3A_89, %dma_wait3A_90] : memref<800x32xf32, #tpu.memory_space<vmem>> -> memref<80x32xf32, #tpu.memory_space<vmem>>
    %dma_wait3A_92 = arith.constant 0 : i32
    %dma_wait3A_93 = tpu.memref_slice %arg7[%dma_wait3A, %dma_wait3A_92] : memref<15x80xi32, #tpu.memory_space<vmem>> -> memref<1x80xi32, #tpu.memory_space<vmem>>
    %dma_wait3A_94 = tpu.memref_squeeze %dma_wait3A_93 : memref<1x80xi32, #tpu.memory_space<vmem>> -> memref<80xi32, #tpu.memory_space<vmem>>
    %dma_wait3A_95 = arith.constant 0 : i32
    %dma_wait3A_96 = arith.constant 0 : i32
    %dma_wait3A_97 = tpu.memref_slice %arg2[%dma_wait3A_95, %dma_wait3A_96] : memref<20000x32xf32, #tpu.memory_space<hbm>> -> memref<20000x32xf32, #tpu.memory_space<hbm>>
    tpu.wait_indirect_dma semaphore(%arg13 : memref<!tpu.dma_semaphore, #tpu.memory_space<semaphore_mem>>) src(%dma_wait3A_97 : memref<20000x32xf32, #tpu.memory_space<hbm>>) dst(%dma_wait3A_91 : memref<80x32xf32, #tpu.memory_space<vmem>>)
    %dma_wait3A_98 = arith.constant 0 : i32
    %dma_wait3A_99 = arith.constant 0 : i32
    %dma_wait3A_100 = arith.constant 0 : i32
    %dma_wait3A_101 = tpu.memref_slice %arg9[%dma_wait3A_99, %dma_wait3A_100] : memref<800x32xf32, #tpu.memory_space<vmem>> -> memref<80x32xf32, #tpu.memory_space<vmem>>
    %dma_wait3A_102 = arith.constant 0 : i32
    %dma_wait3A_103 = tpu.memref_slice %arg7[%dma_wait3A_98, %dma_wait3A_102] : memref<15x80xi32, #tpu.memory_space<vmem>> -> memref<1x80xi32, #tpu.memory_space<vmem>>
    %dma_wait3A_104 = tpu.memref_squeeze %dma_wait3A_103 : memref<1x80xi32, #tpu.memory_space<vmem>> -> memref<80xi32, #tpu.memory_space<vmem>>
    %dma_wait3A_105 = arith.constant 0 : i32
    %dma_wait3A_106 = arith.constant 0 : i32
    %dma_wait3A_107 = tpu.memref_slice %arg2[%dma_wait3A_105, %dma_wait3A_106] : memref<20000x32xf32, #tpu.memory_space<hbm>> -> memref<20000x32xf32, #tpu.memory_space<hbm>>
    tpu.wait_indirect_dma semaphore(%arg13 : memref<!tpu.dma_semaphore, #tpu.memory_space<semaphore_mem>>) src(%dma_wait3A_107 : memref<20000x32xf32, #tpu.memory_space<hbm>>) dst(%dma_wait3A_101 : memref<80x32xf32, #tpu.memory_space<vmem>>)
    %dma_wait3A_108 = arith.constant 0 : i32
    %dma_wait3A_109 = arith.constant 0 : i32
    %dma_wait3A_110 = arith.constant 0 : i32
    %dma_wait3A_111 = tpu.memref_slice %arg9[%dma_wait3A_109, %dma_wait3A_110] : memref<800x32xf32, #tpu.memory_space<vmem>> -> memref<80x32xf32, #tpu.memory_space<vmem>>
    %dma_wait3A_112 = arith.constant 0 : i32
    %dma_wait3A_113 = tpu.memref_slice %arg7[%dma_wait3A_108, %dma_wait3A_112] : memref<15x80xi32, #tpu.memory_space<vmem>> -> memref<1x80xi32, #tpu.memory_space<vmem>>
    %dma_wait3A_114 = tpu.memref_squeeze %dma_wait3A_113 : memref<1x80xi32, #tpu.memory_space<vmem>> -> memref<80xi32, #tpu.memory_space<vmem>>
    %dma_wait3A_115 = arith.constant 0 : i32
    %dma_wait3A_116 = arith.constant 0 : i32
    %dma_wait3A_117 = tpu.memref_slice %arg2[%dma_wait3A_115, %dma_wait3A_116] : memref<20000x32xf32, #tpu.memory_space<hbm>> -> memref<20000x32xf32, #tpu.memory_space<hbm>>
    tpu.wait_indirect_dma semaphore(%arg13 : memref<!tpu.dma_semaphore, #tpu.memory_space<semaphore_mem>>) src(%dma_wait3A_117 : memref<20000x32xf32, #tpu.memory_space<hbm>>) dst(%dma_wait3A_111 : memref<80x32xf32, #tpu.memory_space<vmem>>)
    %dma_wait3A_118 = arith.constant 0 : i32
    %dma_wait3A_119 = arith.constant 0 : i32
    %dma_wait3A_120 = arith.constant 0 : i32
    %dma_wait3A_121 = tpu.memref_slice %arg9[%dma_wait3A_119, %dma_wait3A_120] : memref<800x32xf32, #tpu.memory_space<vmem>> -> memref<80x32xf32, #tpu.memory_space<vmem>>
    %dma_wait3A_122 = arith.constant 0 : i32
    %dma_wait3A_123 = tpu.memref_slice %arg7[%dma_wait3A_118, %dma_wait3A_122] : memref<15x80xi32, #tpu.memory_space<vmem>> -> memref<1x80xi32, #tpu.memory_space<vmem>>
    %dma_wait3A_124 = tpu.memref_squeeze %dma_wait3A_123 : memref<1x80xi32, #tpu.memory_space<vmem>> -> memref<80xi32, #tpu.memory_space<vmem>>
    %dma_wait3A_125 = arith.constant 0 : i32
    %dma_wait3A_126 = arith.constant 0 : i32
    %dma_wait3A_127 = tpu.memref_slice %arg2[%dma_wait3A_125, %dma_wait3A_126] : memref<20000x32xf32, #tpu.memory_space<hbm>> -> memref<20000x32xf32, #tpu.memory_space<hbm>>
    tpu.wait_indirect_dma semaphore(%arg13 : memref<!tpu.dma_semaphore, #tpu.memory_space<semaphore_mem>>) src(%dma_wait3A_127 : memref<20000x32xf32, #tpu.memory_space<hbm>>) dst(%dma_wait3A_121 : memref<80x32xf32, #tpu.memory_space<vmem>>)
    %dma_wait3A_128 = arith.constant 0 : i32
    %dma_wait3A_129 = arith.constant 0 : i32
    %dma_wait3A_130 = arith.constant 0 : i32
    %dma_wait3A_131 = tpu.memref_slice %arg9[%dma_wait3A_129, %dma_wait3A_130] : memref<800x32xf32, #tpu.memory_space<vmem>> -> memref<80x32xf32, #tpu.memory_space<vmem>>
    %dma_wait3A_132 = arith.constant 0 : i32
    %dma_wait3A_133 = tpu.memref_slice %arg7[%dma_wait3A_128, %dma_wait3A_132] : memref<15x80xi32, #tpu.memory_space<vmem>> -> memref<1x80xi32, #tpu.memory_space<vmem>>
    %dma_wait3A_134 = tpu.memref_squeeze %dma_wait3A_133 : memref<1x80xi32, #tpu.memory_space<vmem>> -> memref<80xi32, #tpu.memory_space<vmem>>
    %dma_wait3A_135 = arith.constant 0 : i32
    %dma_wait3A_136 = arith.constant 0 : i32
    %dma_wait3A_137 = tpu.memref_slice %arg2[%dma_wait3A_135, %dma_wait3A_136] : memref<20000x32xf32, #tpu.memory_space<hbm>> -> memref<20000x32xf32, #tpu.memory_space<hbm>>
    tpu.wait_indirect_dma semaphore(%arg13 : memref<!tpu.dma_semaphore, #tpu.memory_space<semaphore_mem>>) src(%dma_wait3A_137 : memref<20000x32xf32, #tpu.memory_space<hbm>>) dst(%dma_wait3A_131 : memref<80x32xf32, #tpu.memory_space<vmem>>)
    %barrier3A_138 = arith.constant 0 : index
    tpu.barrier barrier_id(%barrier3A_138)
    %lt3A_139 = arith.constant 10 : i32
    %lt3A_140 = arith.cmpi slt, %arg1, %lt3A_139 : i32
    %convert_element_type3A_141 = arith.extui %lt3A_140 : i1 to i32
    %cond3A_142 = arith.constant 0 : i32
    %cond3A_143 = arith.cmpi ne, %convert_element_type3A_141, %cond3A_142 : i32
    scf.if %cond3A_143 {
      %scan3A_144 = arith.constant 0 : i32
      %scan3A_145 = arith.constant 0 : i32
      %scan3A_146 = arith.constant 8 : i32
      %scan3A_147 = arith.addi %scan3A_145, %scan3A_146 : i32
      %scan3A_148 = arith.constant 1 : i32
      scf.for %scan3A_150 = %scan3A_145 to %scan3A_147 step %scan3A_148  : i32 {
        %mul3A_151 = arith.constant 1000 : i32
        %mul3A_152 = arith.muli %arg1, %mul3A_151 : i32
        %mul3A_153 = arith.constant 125 : i32
        %mul3A_154 = arith.muli %scan3A_150, %mul3A_153 : i32
        %add3A_155 = arith.addi %mul3A_152, %mul3A_154 : i32
        %eq3A = arith.constant 0 : i32
        %eq3A_156 = arith.cmpi eq, %arg0, %eq3A : i32
        %convert_element_type3A_157 = arith.extui %eq3A_156 : i1 to i32
        %cond3A_158 = arith.constant 0 : i32
        %cond3A_159 = arith.cmpi ne, %convert_element_type3A_157, %cond3A_158 : i32
        scf.if %cond3A_159 {
          "tpu.region"() ({
            %run_scoped3A = tpu.sem_alloc : memref<!tpu.dma_semaphore, #tpu.memory_space<semaphore_mem>>
            %dma_start3A_165 = arith.constant 0 : i32
            %dma_start3A_166 = tpu.memref_slice %arg5[%add3A_155, %dma_start3A_165] : memref<10000x32xf32, #tpu.memory_space<hbm>> -> memref<125x32xf32, #tpu.memory_space<hbm>>
            %dma_start3A_167 = arith.constant 0 : i32
            %dma_start3A_168 = tpu.memref_slice %arg11[%add3A_155, %dma_start3A_167] : memref<10016x32xf32, #tpu.memory_space<vmem_shared>> -> memref<125x32xf32, #tpu.memory_space<vmem_shared>>
            tpu.enqueue_dma source(%dma_start3A_168 : memref<125x32xf32, #tpu.memory_space<vmem_shared>>) target(%dma_start3A_166 : memref<125x32xf32, #tpu.memory_space<hbm>>) target_semaphore(%run_scoped3A : memref<!tpu.dma_semaphore, #tpu.memory_space<semaphore_mem>>)
            %dma_wait3A_169 = arith.constant 0 : i32
            %dma_wait3A_170 = tpu.memref_slice %arg5[%add3A_155, %dma_wait3A_169] : memref<10000x32xf32, #tpu.memory_space<hbm>> -> memref<125x32xf32, #tpu.memory_space<hbm>>
            %dma_wait3A_171 = arith.constant 0 : i32
            %dma_wait3A_172 = tpu.memref_slice %arg11[%add3A_155, %dma_wait3A_171] : memref<10016x32xf32, #tpu.memory_space<vmem_shared>> -> memref<125x32xf32, #tpu.memory_space<vmem_shared>>
            tpu.wait_dma2 semaphore(%run_scoped3A : memref<!tpu.dma_semaphore, #tpu.memory_space<semaphore_mem>>) src(%dma_wait3A_172 : memref<125x32xf32, #tpu.memory_space<vmem_shared>>) dst(%dma_wait3A_170 : memref<125x32xf32, #tpu.memory_space<hbm>>)
            tpu.yield
          }) : () -> ()
        } else {
        }
        %eq3A_160 = arith.constant 1 : i32
        %eq3A_161 = arith.cmpi eq, %arg0, %eq3A_160 : i32
        %convert_element_type3A_162 = arith.extui %eq3A_161 : i1 to i32
        %cond3A_163 = arith.constant 0 : i32
        %cond3A_164 = arith.cmpi ne, %convert_element_type3A_162, %cond3A_163 : i32
        scf.if %cond3A_164 {
          "tpu.region"() ({
            %run_scoped3A = tpu.sem_alloc : memref<!tpu.dma_semaphore, #tpu.memory_space<semaphore_mem>>
            %dma_start3A_165 = arith.constant 0 : i32
            %dma_start3A_166 = tpu.memref_slice %arg6[%add3A_155, %dma_start3A_165] : memref<10000x32xf32, #tpu.memory_space<hbm>> -> memref<125x32xf32, #tpu.memory_space<hbm>>
            %dma_start3A_167 = arith.constant 0 : i32
            %dma_start3A_168 = tpu.memref_slice %arg11[%add3A_155, %dma_start3A_167] : memref<10016x32xf32, #tpu.memory_space<vmem_shared>> -> memref<125x32xf32, #tpu.memory_space<vmem_shared>>
            tpu.enqueue_dma source(%dma_start3A_168 : memref<125x32xf32, #tpu.memory_space<vmem_shared>>) target(%dma_start3A_166 : memref<125x32xf32, #tpu.memory_space<hbm>>) target_semaphore(%run_scoped3A : memref<!tpu.dma_semaphore, #tpu.memory_space<semaphore_mem>>)
            %dma_wait3A_169 = arith.constant 0 : i32
            %dma_wait3A_170 = tpu.memref_slice %arg6[%add3A_155, %dma_wait3A_169] : memref<10000x32xf32, #tpu.memory_space<hbm>> -> memref<125x32xf32, #tpu.memory_space<hbm>>
            %dma_wait3A_171 = arith.constant 0 : i32
            %dma_wait3A_172 = tpu.memref_slice %arg11[%add3A_155, %dma_wait3A_171] : memref<10016x32xf32, #tpu.memory_space<vmem_shared>> -> memref<125x32xf32, #tpu.memory_space<vmem_shared>>
            tpu.wait_dma2 semaphore(%run_scoped3A : memref<!tpu.dma_semaphore, #tpu.memory_space<semaphore_mem>>) src(%dma_wait3A_172 : memref<125x32xf32, #tpu.memory_space<vmem_shared>>) dst(%dma_wait3A_170 : memref<125x32xf32, #tpu.memory_space<hbm>>)
            tpu.yield
          }) : () -> ()
        } else {
        }
      }
      %scan3A_149 = arith.constant 8 : i32
    } else {
    }
    return
  }
}

#map = affine_map<(d0, d1) -> (0, 0)>
module attributes {stable_mosaic.version = 14 : i64} {
  func.func @spmm(%arg0: i32, %arg1: i32, %arg2: memref<20000x64xf32, #tpu.memory_space<hbm>>, %arg3: memref<8000x80xi32, #tpu.memory_space<hbm>>, %arg4: memref<8000x80xi32, #tpu.memory_space<hbm>>, %arg5: memref<10000x64xf32, #tpu.memory_space<hbm>>, %arg6: memref<10000x64xf32, #tpu.memory_space<hbm>>, %arg7: memref<15x80xi32, #tpu.memory_space<vmem>>, %arg8: memref<15x80xi32, #tpu.memory_space<vmem>>, %arg9: memref<800x64xf32, #tpu.memory_space<vmem>>, %arg10: memref<40x64xf32, #tpu.memory_space<vmem>>, %arg11: memref<10016x64xf32, #tpu.memory_space<vmem_shared>>, %arg12: memref<!tpu.dma_semaphore, #tpu.memory_space<semaphore_mem>>, %arg13: memref<!tpu.dma_semaphore, #tpu.memory_space<semaphore_mem>>, %arg14: memref<!tpu.dma_semaphore, #tpu.memory_space<semaphore_mem>>) attributes {dimension_semantics = [#tpu.dimension_semantics<core_parallel>, #tpu.dimension_semantics<subcore_parallel>], iteration_bounds = array<i64: 2, 16>, scalar_prefetch = 0 : i64, scratch_operands = 8 : i64, tpu.core_type = #tpu.core_type<sc_vector_subcore>, window_params = [{transform_indices = #map}, {transform_indices = #map}, {transform_indices = #map}, {transform_indices = #map}, {transform_indices = #map}]} {
    %mul3A = arith.constant 16 : i32
    %mul3A_0 = arith.muli %arg0, %mul3A : i32
    %add3A = arith.addi %mul3A_0, %arg1 : i32
    %mul3A_1 = arith.constant 250 : i32
    %mul3A_2 = arith.muli %add3A, %mul3A_1 : i32
    %scan3A = arith.constant 0 : i32
    %scan3A_3 = arith.constant 0 : i32
    %scan3A_4 = arith.constant 40 : i32
    %scan3A_5 = arith.addi %scan3A_3, %scan3A_4 : i32
    %scan3A_6 = arith.constant 1 : i32
    scf.for %scan3A_144 = %scan3A_3 to %scan3A_5 step %scan3A_6  : i32 {
      %broadcast_in_dim3A = arith.constant 0.000000e+00 : f32
      %broadcast_in_dim3A_145 = vector.broadcast %broadcast_in_dim3A : f32 to vector<16xf32>
      %swap3A = arith.index_cast %scan3A_144 : i32 to index
      %swap3A_146 = arith.constant 0 : index
      %swap3A_147 = tpu.vector_load %arg10[%swap3A, %swap3A_146] {strides = array<i32>} : memref<40x64xf32, #tpu.memory_space<vmem>>, vector<16xf32>,
      tpu.vector_store %arg10[%swap3A, %swap3A_146], %broadcast_in_dim3A_145 {strides = array<i32>} : memref<40x64xf32, #tpu.memory_space<vmem>>, vector<16xf32>,
      %broadcast_in_dim3A_148 = arith.constant 0.000000e+00 : f32
      %broadcast_in_dim3A_149 = vector.broadcast %broadcast_in_dim3A_148 : f32 to vector<16xf32>
      %swap3A_150 = arith.index_cast %scan3A_144 : i32 to index
      %swap3A_151 = arith.constant 16 : index
      %swap3A_152 = tpu.vector_load %arg10[%swap3A_150, %swap3A_151] {strides = array<i32>} : memref<40x64xf32, #tpu.memory_space<vmem>>, vector<16xf32>,
      tpu.vector_store %arg10[%swap3A_150, %swap3A_151], %broadcast_in_dim3A_149 {strides = array<i32>} : memref<40x64xf32, #tpu.memory_space<vmem>>, vector<16xf32>,
      %broadcast_in_dim3A_153 = arith.constant 0.000000e+00 : f32
      %broadcast_in_dim3A_154 = vector.broadcast %broadcast_in_dim3A_153 : f32 to vector<16xf32>
      %swap3A_155 = arith.index_cast %scan3A_144 : i32 to index
      %swap3A_156 = arith.constant 32 : index
      %swap3A_157 = tpu.vector_load %arg10[%swap3A_155, %swap3A_156] {strides = array<i32>} : memref<40x64xf32, #tpu.memory_space<vmem>>, vector<16xf32>,
      tpu.vector_store %arg10[%swap3A_155, %swap3A_156], %broadcast_in_dim3A_154 {strides = array<i32>} : memref<40x64xf32, #tpu.memory_space<vmem>>, vector<16xf32>,
      %broadcast_in_dim3A_158 = arith.constant 0.000000e+00 : f32
      %broadcast_in_dim3A_159 = vector.broadcast %broadcast_in_dim3A_158 : f32 to vector<16xf32>
      %swap3A_160 = arith.index_cast %scan3A_144 : i32 to index
      %swap3A_161 = arith.constant 48 : index
      %swap3A_162 = tpu.vector_load %arg10[%swap3A_160, %swap3A_161] {strides = array<i32>} : memref<40x64xf32, #tpu.memory_space<vmem>>, vector<16xf32>,
      tpu.vector_store %arg10[%swap3A_160, %swap3A_161], %broadcast_in_dim3A_159 {strides = array<i32>} : memref<40x64xf32, #tpu.memory_space<vmem>>, vector<16xf32>,
    }
    %scan3A_7 = arith.constant 40 : i32
    %lt3A = arith.constant 10 : i32
    %lt3A_8 = arith.cmpi slt, %arg1, %lt3A : i32
    %convert_element_type3A = arith.extui %lt3A_8 : i1 to i32
    %cond3A = arith.constant 0 : i32
    %cond3A_9 = arith.cmpi ne, %convert_element_type3A, %cond3A : i32
    scf.if %cond3A_9 {
      %scan3A_144 = arith.constant 0 : i32
      %scan3A_145 = arith.constant 0 : i32
      %scan3A_146 = arith.constant 25 : i32
      %scan3A_147 = arith.addi %scan3A_145, %scan3A_146 : i32
      %scan3A_148 = arith.constant 1 : i32
      scf.for %scan3A_150 = %scan3A_145 to %scan3A_147 step %scan3A_148  : i32 {
        %mul3A_151 = arith.constant 1000 : i32
        %mul3A_152 = arith.muli %arg1, %mul3A_151 : i32
        %mul3A_153 = arith.constant 40 : i32
        %mul3A_154 = arith.muli %scan3A_150, %mul3A_153 : i32
        %add3A_155 = arith.addi %mul3A_152, %mul3A_154 : i32
        "tpu.region"() ({
          %run_scoped3A = tpu.sem_alloc : memref<!tpu.dma_semaphore, #tpu.memory_space<semaphore_mem>>
          %dma_start3A_156 = arith.constant 0 : i32
          %dma_start3A_157 = tpu.memref_slice %arg11[%add3A_155, %dma_start3A_156] : memref<10016x64xf32, #tpu.memory_space<vmem_shared>> -> memref<40x64xf32, #tpu.memory_space<vmem_shared>>
          %dma_start3A_158 = arith.constant 0 : i32
          %dma_start3A_159 = tpu.memref_slice %arg11[%add3A_155, %dma_start3A_158] : memref<10016x64xf32, #tpu.memory_space<vmem_shared>> -> memref<40x64xf32, #tpu.memory_space<vmem_shared>>
          tpu.enqueue_dma source(%arg10 : memref<40x64xf32, #tpu.memory_space<vmem>>) target(%dma_start3A_159 : memref<40x64xf32, #tpu.memory_space<vmem_shared>>) target_semaphore(%run_scoped3A : memref<!tpu.dma_semaphore, #tpu.memory_space<semaphore_mem>>)
          %dma_wait3A_160 = arith.constant 0 : i32
          %dma_wait3A_161 = tpu.memref_slice %arg11[%add3A_155, %dma_wait3A_160] : memref<10016x64xf32, #tpu.memory_space<vmem_shared>> -> memref<40x64xf32, #tpu.memory_space<vmem_shared>>
          %dma_wait3A_162 = arith.constant 0 : i32
          %dma_wait3A_163 = tpu.memref_slice %arg11[%add3A_155, %dma_wait3A_162] : memref<10016x64xf32, #tpu.memory_space<vmem_shared>> -> memref<40x64xf32, #tpu.memory_space<vmem_shared>>
          tpu.wait_dma2 semaphore(%run_scoped3A : memref<!tpu.dma_semaphore, #tpu.memory_space<semaphore_mem>>) src(%arg10 : memref<40x64xf32, #tpu.memory_space<vmem>>) dst(%dma_wait3A_163 : memref<40x64xf32, #tpu.memory_space<vmem_shared>>)
          tpu.yield
        }) : () -> ()
      }
      %scan3A_149 = arith.constant 25 : i32
    } else {
    }
    %barrier3A = arith.constant 0 : index
    tpu.barrier barrier_id(%barrier3A)
    "tpu.region"() ({
      %run_scoped3A = tpu.sem_alloc : memref<!tpu.dma_semaphore, #tpu.memory_space<semaphore_mem>>
      %dma_start3A_144 = arith.constant 0 : i32
      %dma_start3A_145 = arith.constant 0 : i32
      %dma_start3A_146 = tpu.memref_slice %arg7[%dma_start3A_144, %dma_start3A_145] : memref<15x80xi32, #tpu.memory_space<vmem>> -> memref<5x80xi32, #tpu.memory_space<vmem>>
      %dma_start3A_147 = arith.constant 0 : i32
      %dma_start3A_148 = tpu.memref_slice %arg3[%mul3A_2, %dma_start3A_147] : memref<8000x80xi32, #tpu.memory_space<hbm>> -> memref<5x80xi32, #tpu.memory_space<hbm>>
      %dma_start3A_149 = arith.constant 0 : i32
      %dma_start3A_150 = arith.constant 0 : i32
      %dma_start3A_151 = tpu.memref_slice %arg7[%dma_start3A_149, %dma_start3A_150] : memref<15x80xi32, #tpu.memory_space<vmem>> -> memref<5x80xi32, #tpu.memory_space<vmem>>
      %dma_start3A_152 = arith.constant 0 : i32
      %dma_start3A_153 = tpu.memref_slice %arg3[%mul3A_2, %dma_start3A_152] : memref<8000x80xi32, #tpu.memory_space<hbm>> -> memref<5x80xi32, #tpu.memory_space<hbm>>
      tpu.enqueue_dma source(%dma_start3A_153 : memref<5x80xi32, #tpu.memory_space<hbm>>) target(%dma_start3A_151 : memref<5x80xi32, #tpu.memory_space<vmem>>) target_semaphore(%run_scoped3A : memref<!tpu.dma_semaphore, #tpu.memory_space<semaphore_mem>>)
      %dma_wait3A_154 = arith.constant 0 : i32
      %dma_wait3A_155 = arith.constant 0 : i32
      %dma_wait3A_156 = tpu.memref_slice %arg7[%dma_wait3A_154, %dma_wait3A_155] : memref<15x80xi32, #tpu.memory_space<vmem>> -> memref<5x80xi32, #tpu.memory_space<vmem>>
      %dma_wait3A_157 = arith.constant 0 : i32
      %dma_wait3A_158 = tpu.memref_slice %arg3[%mul3A_2, %dma_wait3A_157] : memref<8000x80xi32, #tpu.memory_space<hbm>> -> memref<5x80xi32, #tpu.memory_space<hbm>>
      %dma_wait3A_159 = arith.constant 0 : i32
      %dma_wait3A_160 = arith.constant 0 : i32
      %dma_wait3A_161 = tpu.memref_slice %arg7[%dma_wait3A_159, %dma_wait3A_160] : memref<15x80xi32, #tpu.memory_space<vmem>> -> memref<5x80xi32, #tpu.memory_space<vmem>>
      %dma_wait3A_162 = arith.constant 0 : i32
      %dma_wait3A_163 = tpu.memref_slice %arg3[%mul3A_2, %dma_wait3A_162] : memref<8000x80xi32, #tpu.memory_space<hbm>> -> memref<5x80xi32, #tpu.memory_space<hbm>>
      tpu.wait_dma2 semaphore(%run_scoped3A : memref<!tpu.dma_semaphore, #tpu.memory_space<semaphore_mem>>) src(%dma_wait3A_163 : memref<5x80xi32, #tpu.memory_space<hbm>>) dst(%dma_wait3A_161 : memref<5x80xi32, #tpu.memory_space<vmem>>)
      tpu.yield
    }) : () -> ()
    "tpu.region"() ({
      %run_scoped3A = tpu.sem_alloc : memref<!tpu.dma_semaphore, #tpu.memory_space<semaphore_mem>>
      %dma_start3A_144 = arith.constant 0 : i32
      %dma_start3A_145 = arith.constant 0 : i32
      %dma_start3A_146 = tpu.memref_slice %arg8[%dma_start3A_144, %dma_start3A_145] : memref<15x80xi32, #tpu.memory_space<vmem>> -> memref<5x80xi32, #tpu.memory_space<vmem>>
      %dma_start3A_147 = arith.constant 0 : i32
      %dma_start3A_148 = tpu.memref_slice %arg4[%mul3A_2, %dma_start3A_147] : memref<8000x80xi32, #tpu.memory_space<hbm>> -> memref<5x80xi32, #tpu.memory_space<hbm>>
      %dma_start3A_149 = arith.constant 0 : i32
      %dma_start3A_150 = arith.constant 0 : i32
      %dma_start3A_151 = tpu.memref_slice %arg8[%dma_start3A_149, %dma_start3A_150] : memref<15x80xi32, #tpu.memory_space<vmem>> -> memref<5x80xi32, #tpu.memory_space<vmem>>
      %dma_start3A_152 = arith.constant 0 : i32
      %dma_start3A_153 = tpu.memref_slice %arg4[%mul3A_2, %dma_start3A_152] : memref<8000x80xi32, #tpu.memory_space<hbm>> -> memref<5x80xi32, #tpu.memory_space<hbm>>
      tpu.enqueue_dma source(%dma_start3A_153 : memref<5x80xi32, #tpu.memory_space<hbm>>) target(%dma_start3A_151 : memref<5x80xi32, #tpu.memory_space<vmem>>) target_semaphore(%run_scoped3A : memref<!tpu.dma_semaphore, #tpu.memory_space<semaphore_mem>>)
      %dma_wait3A_154 = arith.constant 0 : i32
      %dma_wait3A_155 = arith.constant 0 : i32
      %dma_wait3A_156 = tpu.memref_slice %arg8[%dma_wait3A_154, %dma_wait3A_155] : memref<15x80xi32, #tpu.memory_space<vmem>> -> memref<5x80xi32, #tpu.memory_space<vmem>>
      %dma_wait3A_157 = arith.constant 0 : i32
      %dma_wait3A_158 = tpu.memref_slice %arg4[%mul3A_2, %dma_wait3A_157] : memref<8000x80xi32, #tpu.memory_space<hbm>> -> memref<5x80xi32, #tpu.memory_space<hbm>>
      %dma_wait3A_159 = arith.constant 0 : i32
      %dma_wait3A_160 = arith.constant 0 : i32
      %dma_wait3A_161 = tpu.memref_slice %arg8[%dma_wait3A_159, %dma_wait3A_160] : memref<15x80xi32, #tpu.memory_space<vmem>> -> memref<5x80xi32, #tpu.memory_space<vmem>>
      %dma_wait3A_162 = arith.constant 0 : i32
      %dma_wait3A_163 = tpu.memref_slice %arg4[%mul3A_2, %dma_wait3A_162] : memref<8000x80xi32, #tpu.memory_space<hbm>> -> memref<5x80xi32, #tpu.memory_space<hbm>>
      tpu.wait_dma2 semaphore(%run_scoped3A : memref<!tpu.dma_semaphore, #tpu.memory_space<semaphore_mem>>) src(%dma_wait3A_163 : memref<5x80xi32, #tpu.memory_space<hbm>>) dst(%dma_wait3A_161 : memref<5x80xi32, #tpu.memory_space<vmem>>)
      tpu.yield
    }) : () -> ()
    %add3A_10 = arith.constant 5 : i32
    %add3A_11 = arith.addi %mul3A_2, %add3A_10 : i32
    %dma_start3A = arith.constant 5 : i32
    %dma_start3A_12 = arith.constant 0 : i32
    %dma_start3A_13 = tpu.memref_slice %arg7[%dma_start3A, %dma_start3A_12] : memref<15x80xi32, #tpu.memory_space<vmem>> -> memref<5x80xi32, #tpu.memory_space<vmem>>
    %dma_start3A_14 = arith.constant 0 : i32
    %dma_start3A_15 = tpu.memref_slice %arg3[%add3A_11, %dma_start3A_14] : memref<8000x80xi32, #tpu.memory_space<hbm>> -> memref<5x80xi32, #tpu.memory_space<hbm>>
    %dma_start3A_16 = arith.constant 5 : i32
    %dma_start3A_17 = arith.constant 0 : i32
    %dma_start3A_18 = tpu.memref_slice %arg7[%dma_start3A_16, %dma_start3A_17] : memref<15x80xi32, #tpu.memory_space<vmem>> -> memref<5x80xi32, #tpu.memory_space<vmem>>
    %dma_start3A_19 = arith.constant 0 : i32
    %dma_start3A_20 = tpu.memref_slice %arg3[%add3A_11, %dma_start3A_19] : memref<8000x80xi32, #tpu.memory_space<hbm>> -> memref<5x80xi32, #tpu.memory_space<hbm>>
    tpu.enqueue_dma source(%dma_start3A_20 : memref<5x80xi32, #tpu.memory_space<hbm>>) target(%dma_start3A_18 : memref<5x80xi32, #tpu.memory_space<vmem>>) target_semaphore(%arg14 : memref<!tpu.dma_semaphore, #tpu.memory_space<semaphore_mem>>)
    %add3A_21 = arith.constant 5 : i32
    %add3A_22 = arith.addi %mul3A_2, %add3A_21 : i32
    %dma_start3A_23 = arith.constant 5 : i32
    %dma_start3A_24 = arith.constant 0 : i32
    %dma_start3A_25 = tpu.memref_slice %arg8[%dma_start3A_23, %dma_start3A_24] : memref<15x80xi32, #tpu.memory_space<vmem>> -> memref<5x80xi32, #tpu.memory_space<vmem>>
    %dma_start3A_26 = arith.constant 0 : i32
    %dma_start3A_27 = tpu.memref_slice %arg4[%add3A_22, %dma_start3A_26] : memref<8000x80xi32, #tpu.memory_space<hbm>> -> memref<5x80xi32, #tpu.memory_space<hbm>>
    %dma_start3A_28 = arith.constant 5 : i32
    %dma_start3A_29 = arith.constant 0 : i32
    %dma_start3A_30 = tpu.memref_slice %arg8[%dma_start3A_28, %dma_start3A_29] : memref<15x80xi32, #tpu.memory_space<vmem>> -> memref<5x80xi32, #tpu.memory_space<vmem>>
    %dma_start3A_31 = arith.constant 0 : i32
    %dma_start3A_32 = tpu.memref_slice %arg4[%add3A_22, %dma_start3A_31] : memref<8000x80xi32, #tpu.memory_space<hbm>> -> memref<5x80xi32, #tpu.memory_space<hbm>>
    tpu.enqueue_dma source(%dma_start3A_32 : memref<5x80xi32, #tpu.memory_space<hbm>>) target(%dma_start3A_30 : memref<5x80xi32, #tpu.memory_space<vmem>>) target_semaphore(%arg14 : memref<!tpu.dma_semaphore, #tpu.memory_space<semaphore_mem>>)
    %dma_start3A_33 = arith.constant 0 : i32
    %dma_start3A_34 = arith.constant 0 : i32
    %dma_start3A_35 = arith.constant 0 : i32
    %dma_start3A_36 = tpu.memref_slice %arg9[%dma_start3A_34, %dma_start3A_35] : memref<800x64xf32, #tpu.memory_space<vmem>> -> memref<80x64xf32, #tpu.memory_space<vmem>>
    %dma_start3A_37 = arith.constant 0 : i32
    %dma_start3A_38 = tpu.memref_slice %arg7[%dma_start3A_33, %dma_start3A_37] : memref<15x80xi32, #tpu.memory_space<vmem>> -> memref<1x80xi32, #tpu.memory_space<vmem>>
    %dma_start3A_39 = tpu.memref_squeeze %dma_start3A_38 : memref<1x80xi32, #tpu.memory_space<vmem>> -> memref<80xi32, #tpu.memory_space<vmem>>
    %dma_start3A_40 = arith.constant 0 : i32
    %dma_start3A_41 = arith.constant 0 : i32
    %dma_start3A_42 = tpu.memref_slice %arg2[%dma_start3A_40, %dma_start3A_41] : memref<20000x64xf32, #tpu.memory_space<hbm>> -> memref<20000x64xf32, #tpu.memory_space<hbm>>
    tpu.enqueue_indirect_dma source(%dma_start3A_42 : memref<20000x64xf32, #tpu.memory_space<hbm>>) target(%dma_start3A_36 : memref<80x64xf32, #tpu.memory_space<vmem>>) offsets(%dma_start3A_39 : memref<80xi32, #tpu.memory_space<vmem>>) semaphore(%arg12 : memref<!tpu.dma_semaphore, #tpu.memory_space<semaphore_mem>>)
    %dma_start3A_43 = arith.constant 1 : i32
    %dma_start3A_44 = arith.constant 80 : i32
    %dma_start3A_45 = arith.constant 0 : i32
    %dma_start3A_46 = tpu.memref_slice %arg9[%dma_start3A_44, %dma_start3A_45] : memref<800x64xf32, #tpu.memory_space<vmem>> -> memref<80x64xf32, #tpu.memory_space<vmem>>
    %dma_start3A_47 = arith.constant 0 : i32
    %dma_start3A_48 = tpu.memref_slice %arg7[%dma_start3A_43, %dma_start3A_47] : memref<15x80xi32, #tpu.memory_space<vmem>> -> memref<1x80xi32, #tpu.memory_space<vmem>>
    %dma_start3A_49 = tpu.memref_squeeze %dma_start3A_48 : memref<1x80xi32, #tpu.memory_space<vmem>> -> memref<80xi32, #tpu.memory_space<vmem>>
    %dma_start3A_50 = arith.constant 0 : i32
    %dma_start3A_51 = arith.constant 0 : i32
    %dma_start3A_52 = tpu.memref_slice %arg2[%dma_start3A_50, %dma_start3A_51] : memref<20000x64xf32, #tpu.memory_space<hbm>> -> memref<20000x64xf32, #tpu.memory_space<hbm>>
    tpu.enqueue_indirect_dma source(%dma_start3A_52 : memref<20000x64xf32, #tpu.memory_space<hbm>>) target(%dma_start3A_46 : memref<80x64xf32, #tpu.memory_space<vmem>>) offsets(%dma_start3A_49 : memref<80xi32, #tpu.memory_space<vmem>>) semaphore(%arg12 : memref<!tpu.dma_semaphore, #tpu.memory_space<semaphore_mem>>)
    %dma_start3A_53 = arith.constant 2 : i32
    %dma_start3A_54 = arith.constant 160 : i32
    %dma_start3A_55 = arith.constant 0 : i32
    %dma_start3A_56 = tpu.memref_slice %arg9[%dma_start3A_54, %dma_start3A_55] : memref<800x64xf32, #tpu.memory_space<vmem>> -> memref<80x64xf32, #tpu.memory_space<vmem>>
    %dma_start3A_57 = arith.constant 0 : i32
    %dma_start3A_58 = tpu.memref_slice %arg7[%dma_start3A_53, %dma_start3A_57] : memref<15x80xi32, #tpu.memory_space<vmem>> -> memref<1x80xi32, #tpu.memory_space<vmem>>
    %dma_start3A_59 = tpu.memref_squeeze %dma_start3A_58 : memref<1x80xi32, #tpu.memory_space<vmem>> -> memref<80xi32, #tpu.memory_space<vmem>>
    %dma_start3A_60 = arith.constant 0 : i32
    %dma_start3A_61 = arith.constant 0 : i32
    %dma_start3A_62 = tpu.memref_slice %arg2[%dma_start3A_60, %dma_start3A_61] : memref<20000x64xf32, #tpu.memory_space<hbm>> -> memref<20000x64xf32, #tpu.memory_space<hbm>>
    tpu.enqueue_indirect_dma source(%dma_start3A_62 : memref<20000x64xf32, #tpu.memory_space<hbm>>) target(%dma_start3A_56 : memref<80x64xf32, #tpu.memory_space<vmem>>) offsets(%dma_start3A_59 : memref<80xi32, #tpu.memory_space<vmem>>) semaphore(%arg12 : memref<!tpu.dma_semaphore, #tpu.memory_space<semaphore_mem>>)
    %dma_start3A_63 = arith.constant 3 : i32
    %dma_start3A_64 = arith.constant 240 : i32
    %dma_start3A_65 = arith.constant 0 : i32
    %dma_start3A_66 = tpu.memref_slice %arg9[%dma_start3A_64, %dma_start3A_65] : memref<800x64xf32, #tpu.memory_space<vmem>> -> memref<80x64xf32, #tpu.memory_space<vmem>>
    %dma_start3A_67 = arith.constant 0 : i32
    %dma_start3A_68 = tpu.memref_slice %arg7[%dma_start3A_63, %dma_start3A_67] : memref<15x80xi32, #tpu.memory_space<vmem>> -> memref<1x80xi32, #tpu.memory_space<vmem>>
    %dma_start3A_69 = tpu.memref_squeeze %dma_start3A_68 : memref<1x80xi32, #tpu.memory_space<vmem>> -> memref<80xi32, #tpu.memory_space<vmem>>
    %dma_start3A_70 = arith.constant 0 : i32
    %dma_start3A_71 = arith.constant 0 : i32
    %dma_start3A_72 = tpu.memref_slice %arg2[%dma_start3A_70, %dma_start3A_71] : memref<20000x64xf32, #tpu.memory_space<hbm>> -> memref<20000x64xf32, #tpu.memory_space<hbm>>
    tpu.enqueue_indirect_dma source(%dma_start3A_72 : memref<20000x64xf32, #tpu.memory_space<hbm>>) target(%dma_start3A_66 : memref<80x64xf32, #tpu.memory_space<vmem>>) offsets(%dma_start3A_69 : memref<80xi32, #tpu.memory_space<vmem>>) semaphore(%arg12 : memref<!tpu.dma_semaphore, #tpu.memory_space<semaphore_mem>>)
    %dma_start3A_73 = arith.constant 4 : i32
    %dma_start3A_74 = arith.constant 320 : i32
    %dma_start3A_75 = arith.constant 0 : i32
    %dma_start3A_76 = tpu.memref_slice %arg9[%dma_start3A_74, %dma_start3A_75] : memref<800x64xf32, #tpu.memory_space<vmem>> -> memref<80x64xf32, #tpu.memory_space<vmem>>
    %dma_start3A_77 = arith.constant 0 : i32
    %dma_start3A_78 = tpu.memref_slice %arg7[%dma_start3A_73, %dma_start3A_77] : memref<15x80xi32, #tpu.memory_space<vmem>> -> memref<1x80xi32, #tpu.memory_space<vmem>>
    %dma_start3A_79 = tpu.memref_squeeze %dma_start3A_78 : memref<1x80xi32, #tpu.memory_space<vmem>> -> memref<80xi32, #tpu.memory_space<vmem>>
    %dma_start3A_80 = arith.constant 0 : i32
    %dma_start3A_81 = arith.constant 0 : i32
    %dma_start3A_82 = tpu.memref_slice %arg2[%dma_start3A_80, %dma_start3A_81] : memref<20000x64xf32, #tpu.memory_space<hbm>> -> memref<20000x64xf32, #tpu.memory_space<hbm>>
    tpu.enqueue_indirect_dma source(%dma_start3A_82 : memref<20000x64xf32, #tpu.memory_space<hbm>>) target(%dma_start3A_76 : memref<80x64xf32, #tpu.memory_space<vmem>>) offsets(%dma_start3A_79 : memref<80xi32, #tpu.memory_space<vmem>>) semaphore(%arg12 : memref<!tpu.dma_semaphore, #tpu.memory_space<semaphore_mem>>)
    %scan3A_83 = arith.constant 0 : i32
    %scan3A_84 = arith.constant 0 : i32
    %scan3A_85 = arith.constant 50 : i32
    %scan3A_86 = arith.addi %scan3A_84, %scan3A_85 : i32
    %scan3A_87 = arith.constant 1 : i32
    scf.for %scan3A_144 = %scan3A_84 to %scan3A_86 step %scan3A_87  : i32 {
      %rem3A = arith.constant 2 : i32
      %rem3A_145 = arith.remsi %scan3A_144, %rem3A : i32
      %mul3A_146 = arith.constant 5 : i32
      %mul3A_147 = arith.muli %rem3A_145, %mul3A_146 : i32
      %rem3A_148 = arith.constant 3 : i32
      %rem3A_149 = arith.remsi %scan3A_144, %rem3A_148 : i32
      %mul3A_150 = arith.constant 5 : i32
      %mul3A_151 = arith.muli %rem3A_149, %mul3A_150 : i32
      %add3A_152 = arith.constant 1 : i32
      %add3A_153 = arith.addi %scan3A_144, %add3A_152 : i32
      %rem3A_154 = arith.constant 3 : i32
      %rem3A_155 = arith.remsi %add3A_153, %rem3A_154 : i32
      %mul3A_156 = arith.constant 5 : i32
      %mul3A_157 = arith.muli %rem3A_155, %mul3A_156 : i32
      %add3A_158 = arith.constant 2 : i32
      %add3A_159 = arith.addi %scan3A_144, %add3A_158 : i32
      %rem3A_160 = arith.constant 3 : i32
      %rem3A_161 = arith.remsi %add3A_159, %rem3A_160 : i32
      %mul3A_162 = arith.constant 5 : i32
      %mul3A_163 = arith.muli %rem3A_161, %mul3A_162 : i32
      %dma_wait3A_164 = arith.constant 0 : i32
      %dma_wait3A_165 = arith.constant 0 : i32
      %dma_wait3A_166 = arith.constant 0 : i32
      %dma_wait3A_167 = tpu.memref_slice %arg9[%dma_wait3A_165, %dma_wait3A_166] : memref<800x64xf32, #tpu.memory_space<vmem>> -> memref<80x64xf32, #tpu.memory_space<vmem>>
      %dma_wait3A_168 = arith.constant 0 : i32
      %dma_wait3A_169 = tpu.memref_slice %arg7[%dma_wait3A_164, %dma_wait3A_168] : memref<15x80xi32, #tpu.memory_space<vmem>> -> memref<1x80xi32, #tpu.memory_space<vmem>>
      %dma_wait3A_170 = tpu.memref_squeeze %dma_wait3A_169 : memref<1x80xi32, #tpu.memory_space<vmem>> -> memref<80xi32, #tpu.memory_space<vmem>>
      %dma_wait3A_171 = arith.constant 0 : i32
      %dma_wait3A_172 = arith.constant 0 : i32
      %dma_wait3A_173 = tpu.memref_slice %arg2[%dma_wait3A_171, %dma_wait3A_172] : memref<20000x64xf32, #tpu.memory_space<hbm>> -> memref<20000x64xf32, #tpu.memory_space<hbm>>
      tpu.wait_indirect_dma semaphore(%arg12 : memref<!tpu.dma_semaphore, #tpu.memory_space<semaphore_mem>>) src(%dma_wait3A_173 : memref<20000x64xf32, #tpu.memory_space<hbm>>) dst(%dma_wait3A_167 : memref<80x64xf32, #tpu.memory_space<vmem>>)
      %dma_wait3A_174 = arith.constant 0 : i32
      %dma_wait3A_175 = arith.constant 0 : i32
      %dma_wait3A_176 = arith.constant 0 : i32
      %dma_wait3A_177 = tpu.memref_slice %arg9[%dma_wait3A_175, %dma_wait3A_176] : memref<800x64xf32, #tpu.memory_space<vmem>> -> memref<80x64xf32, #tpu.memory_space<vmem>>
      %dma_wait3A_178 = arith.constant 0 : i32
      %dma_wait3A_179 = tpu.memref_slice %arg7[%dma_wait3A_174, %dma_wait3A_178] : memref<15x80xi32, #tpu.memory_space<vmem>> -> memref<1x80xi32, #tpu.memory_space<vmem>>
      %dma_wait3A_180 = tpu.memref_squeeze %dma_wait3A_179 : memref<1x80xi32, #tpu.memory_space<vmem>> -> memref<80xi32, #tpu.memory_space<vmem>>
      %dma_wait3A_181 = arith.constant 0 : i32
      %dma_wait3A_182 = arith.constant 0 : i32
      %dma_wait3A_183 = tpu.memref_slice %arg2[%dma_wait3A_181, %dma_wait3A_182] : memref<20000x64xf32, #tpu.memory_space<hbm>> -> memref<20000x64xf32, #tpu.memory_space<hbm>>
      tpu.wait_indirect_dma semaphore(%arg12 : memref<!tpu.dma_semaphore, #tpu.memory_space<semaphore_mem>>) src(%dma_wait3A_183 : memref<20000x64xf32, #tpu.memory_space<hbm>>) dst(%dma_wait3A_177 : memref<80x64xf32, #tpu.memory_space<vmem>>)
      %dma_wait3A_184 = arith.constant 0 : i32
      %dma_wait3A_185 = arith.constant 0 : i32
      %dma_wait3A_186 = arith.constant 0 : i32
      %dma_wait3A_187 = tpu.memref_slice %arg9[%dma_wait3A_185, %dma_wait3A_186] : memref<800x64xf32, #tpu.memory_space<vmem>> -> memref<80x64xf32, #tpu.memory_space<vmem>>
      %dma_wait3A_188 = arith.constant 0 : i32
      %dma_wait3A_189 = tpu.memref_slice %arg7[%dma_wait3A_184, %dma_wait3A_188] : memref<15x80xi32, #tpu.memory_space<vmem>> -> memref<1x80xi32, #tpu.memory_space<vmem>>
      %dma_wait3A_190 = tpu.memref_squeeze %dma_wait3A_189 : memref<1x80xi32, #tpu.memory_space<vmem>> -> memref<80xi32, #tpu.memory_space<vmem>>
      %dma_wait3A_191 = arith.constant 0 : i32
      %dma_wait3A_192 = arith.constant 0 : i32
      %dma_wait3A_193 = tpu.memref_slice %arg2[%dma_wait3A_191, %dma_wait3A_192] : memref<20000x64xf32, #tpu.memory_space<hbm>> -> memref<20000x64xf32, #tpu.memory_space<hbm>>
      tpu.wait_indirect_dma semaphore(%arg12 : memref<!tpu.dma_semaphore, #tpu.memory_space<semaphore_mem>>) src(%dma_wait3A_193 : memref<20000x64xf32, #tpu.memory_space<hbm>>) dst(%dma_wait3A_187 : memref<80x64xf32, #tpu.memory_space<vmem>>)
      %dma_wait3A_194 = arith.constant 0 : i32
      %dma_wait3A_195 = arith.constant 0 : i32
      %dma_wait3A_196 = arith.constant 0 : i32
      %dma_wait3A_197 = tpu.memref_slice %arg9[%dma_wait3A_195, %dma_wait3A_196] : memref<800x64xf32, #tpu.memory_space<vmem>> -> memref<80x64xf32, #tpu.memory_space<vmem>>
      %dma_wait3A_198 = arith.constant 0 : i32
      %dma_wait3A_199 = tpu.memref_slice %arg7[%dma_wait3A_194, %dma_wait3A_198] : memref<15x80xi32, #tpu.memory_space<vmem>> -> memref<1x80xi32, #tpu.memory_space<vmem>>
      %dma_wait3A_200 = tpu.memref_squeeze %dma_wait3A_199 : memref<1x80xi32, #tpu.memory_space<vmem>> -> memref<80xi32, #tpu.memory_space<vmem>>
      %dma_wait3A_201 = arith.constant 0 : i32
      %dma_wait3A_202 = arith.constant 0 : i32
      %dma_wait3A_203 = tpu.memref_slice %arg2[%dma_wait3A_201, %dma_wait3A_202] : memref<20000x64xf32, #tpu.memory_space<hbm>> -> memref<20000x64xf32, #tpu.memory_space<hbm>>
      tpu.wait_indirect_dma semaphore(%arg12 : memref<!tpu.dma_semaphore, #tpu.memory_space<semaphore_mem>>) src(%dma_wait3A_203 : memref<20000x64xf32, #tpu.memory_space<hbm>>) dst(%dma_wait3A_197 : memref<80x64xf32, #tpu.memory_space<vmem>>)
      %dma_wait3A_204 = arith.constant 0 : i32
      %dma_wait3A_205 = arith.constant 0 : i32
      %dma_wait3A_206 = arith.constant 0 : i32
      %dma_wait3A_207 = tpu.memref_slice %arg9[%dma_wait3A_205, %dma_wait3A_206] : memref<800x64xf32, #tpu.memory_space<vmem>> -> memref<80x64xf32, #tpu.memory_space<vmem>>
      %dma_wait3A_208 = arith.constant 0 : i32
      %dma_wait3A_209 = tpu.memref_slice %arg7[%dma_wait3A_204, %dma_wait3A_208] : memref<15x80xi32, #tpu.memory_space<vmem>> -> memref<1x80xi32, #tpu.memory_space<vmem>>
      %dma_wait3A_210 = tpu.memref_squeeze %dma_wait3A_209 : memref<1x80xi32, #tpu.memory_space<vmem>> -> memref<80xi32, #tpu.memory_space<vmem>>
      %dma_wait3A_211 = arith.constant 0 : i32
      %dma_wait3A_212 = arith.constant 0 : i32
      %dma_wait3A_213 = tpu.memref_slice %arg2[%dma_wait3A_211, %dma_wait3A_212] : memref<20000x64xf32, #tpu.memory_space<hbm>> -> memref<20000x64xf32, #tpu.memory_space<hbm>>
      tpu.wait_indirect_dma semaphore(%arg12 : memref<!tpu.dma_semaphore, #tpu.memory_space<semaphore_mem>>) src(%dma_wait3A_213 : memref<20000x64xf32, #tpu.memory_space<hbm>>) dst(%dma_wait3A_207 : memref<80x64xf32, #tpu.memory_space<vmem>>)
      %ge3A = arith.constant 1 : i32
      %ge3A_214 = arith.cmpi sge, %scan3A_144, %ge3A : i32
      %convert_element_type3A_215 = arith.extui %ge3A_214 : i1 to i32
      %cond3A_216 = arith.constant 0 : i32
      %cond3A_217 = arith.cmpi ne, %convert_element_type3A_215, %cond3A_216 : i32
      scf.if %cond3A_217 {
        %dma_wait3A_302 = arith.constant 0 : i32
        %dma_wait3A_303 = arith.constant 0 : i32
        %dma_wait3A_304 = arith.constant 0 : i32
        %dma_wait3A_305 = tpu.memref_slice %arg9[%dma_wait3A_303, %dma_wait3A_304] : memref<800x64xf32, #tpu.memory_space<vmem>> -> memref<80x64xf32, #tpu.memory_space<vmem>>
        %dma_wait3A_306 = arith.constant 0 : i32
        %dma_wait3A_307 = tpu.memref_slice %arg7[%dma_wait3A_302, %dma_wait3A_306] : memref<15x80xi32, #tpu.memory_space<vmem>> -> memref<1x80xi32, #tpu.memory_space<vmem>>
        %dma_wait3A_308 = tpu.memref_squeeze %dma_wait3A_307 : memref<1x80xi32, #tpu.memory_space<vmem>> -> memref<80xi32, #tpu.memory_space<vmem>>
        %dma_wait3A_309 = arith.constant 0 : i32
        %dma_wait3A_310 = arith.constant 0 : i32
        %dma_wait3A_311 = tpu.memref_slice %arg2[%dma_wait3A_309, %dma_wait3A_310] : memref<20000x64xf32, #tpu.memory_space<hbm>> -> memref<20000x64xf32, #tpu.memory_space<hbm>>
        tpu.wait_indirect_dma semaphore(%arg13 : memref<!tpu.dma_semaphore, #tpu.memory_space<semaphore_mem>>) src(%dma_wait3A_311 : memref<20000x64xf32, #tpu.memory_space<hbm>>) dst(%dma_wait3A_305 : memref<80x64xf32, #tpu.memory_space<vmem>>)
        %dma_wait3A_312 = arith.constant 0 : i32
        %dma_wait3A_313 = arith.constant 0 : i32
        %dma_wait3A_314 = arith.constant 0 : i32
        %dma_wait3A_315 = tpu.memref_slice %arg9[%dma_wait3A_313, %dma_wait3A_314] : memref<800x64xf32, #tpu.memory_space<vmem>> -> memref<80x64xf32, #tpu.memory_space<vmem>>
        %dma_wait3A_316 = arith.constant 0 : i32
        %dma_wait3A_317 = tpu.memref_slice %arg7[%dma_wait3A_312, %dma_wait3A_316] : memref<15x80xi32, #tpu.memory_space<vmem>> -> memref<1x80xi32, #tpu.memory_space<vmem>>
        %dma_wait3A_318 = tpu.memref_squeeze %dma_wait3A_317 : memref<1x80xi32, #tpu.memory_space<vmem>> -> memref<80xi32, #tpu.memory_space<vmem>>
        %dma_wait3A_319 = arith.constant 0 : i32
        %dma_wait3A_320 = arith.constant 0 : i32
        %dma_wait3A_321 = tpu.memref_slice %arg2[%dma_wait3A_319, %dma_wait3A_320] : memref<20000x64xf32, #tpu.memory_space<hbm>> -> memref<20000x64xf32, #tpu.memory_space<hbm>>
        tpu.wait_indirect_dma semaphore(%arg13 : memref<!tpu.dma_semaphore, #tpu.memory_space<semaphore_mem>>) src(%dma_wait3A_321 : memref<20000x64xf32, #tpu.memory_space<hbm>>) dst(%dma_wait3A_315 : memref<80x64xf32, #tpu.memory_space<vmem>>)
        %dma_wait3A_322 = arith.constant 0 : i32
        %dma_wait3A_323 = arith.constant 0 : i32
        %dma_wait3A_324 = arith.constant 0 : i32
        %dma_wait3A_325 = tpu.memref_slice %arg9[%dma_wait3A_323, %dma_wait3A_324] : memref<800x64xf32, #tpu.memory_space<vmem>> -> memref<80x64xf32, #tpu.memory_space<vmem>>
        %dma_wait3A_326 = arith.constant 0 : i32
        %dma_wait3A_327 = tpu.memref_slice %arg7[%dma_wait3A_322, %dma_wait3A_326] : memref<15x80xi32, #tpu.memory_space<vmem>> -> memref<1x80xi32, #tpu.memory_space<vmem>>
        %dma_wait3A_328 = tpu.memref_squeeze %dma_wait3A_327 : memref<1x80xi32, #tpu.memory_space<vmem>> -> memref<80xi32, #tpu.memory_space<vmem>>
        %dma_wait3A_329 = arith.constant 0 : i32
        %dma_wait3A_330 = arith.constant 0 : i32
        %dma_wait3A_331 = tpu.memref_slice %arg2[%dma_wait3A_329, %dma_wait3A_330] : memref<20000x64xf32, #tpu.memory_space<hbm>> -> memref<20000x64xf32, #tpu.memory_space<hbm>>
        tpu.wait_indirect_dma semaphore(%arg13 : memref<!tpu.dma_semaphore, #tpu.memory_space<semaphore_mem>>) src(%dma_wait3A_331 : memref<20000x64xf32, #tpu.memory_space<hbm>>) dst(%dma_wait3A_325 : memref<80x64xf32, #tpu.memory_space<vmem>>)
        %dma_wait3A_332 = arith.constant 0 : i32
        %dma_wait3A_333 = arith.constant 0 : i32
        %dma_wait3A_334 = arith.constant 0 : i32
        %dma_wait3A_335 = tpu.memref_slice %arg9[%dma_wait3A_333, %dma_wait3A_334] : memref<800x64xf32, #tpu.memory_space<vmem>> -> memref<80x64xf32, #tpu.memory_space<vmem>>
        %dma_wait3A_336 = arith.constant 0 : i32
        %dma_wait3A_337 = tpu.memref_slice %arg7[%dma_wait3A_332, %dma_wait3A_336] : memref<15x80xi32, #tpu.memory_space<vmem>> -> memref<1x80xi32, #tpu.memory_space<vmem>>
        %dma_wait3A_338 = tpu.memref_squeeze %dma_wait3A_337 : memref<1x80xi32, #tpu.memory_space<vmem>> -> memref<80xi32, #tpu.memory_space<vmem>>
        %dma_wait3A_339 = arith.constant 0 : i32
        %dma_wait3A_340 = arith.constant 0 : i32
        %dma_wait3A_341 = tpu.memref_slice %arg2[%dma_wait3A_339, %dma_wait3A_340] : memref<20000x64xf32, #tpu.memory_space<hbm>> -> memref<20000x64xf32, #tpu.memory_space<hbm>>
        tpu.wait_indirect_dma semaphore(%arg13 : memref<!tpu.dma_semaphore, #tpu.memory_space<semaphore_mem>>) src(%dma_wait3A_341 : memref<20000x64xf32, #tpu.memory_space<hbm>>) dst(%dma_wait3A_335 : memref<80x64xf32, #tpu.memory_space<vmem>>)
        %dma_wait3A_342 = arith.constant 0 : i32
        %dma_wait3A_343 = arith.constant 0 : i32
        %dma_wait3A_344 = arith.constant 0 : i32
        %dma_wait3A_345 = tpu.memref_slice %arg9[%dma_wait3A_343, %dma_wait3A_344] : memref<800x64xf32, #tpu.memory_space<vmem>> -> memref<80x64xf32, #tpu.memory_space<vmem>>
        %dma_wait3A_346 = arith.constant 0 : i32
        %dma_wait3A_347 = tpu.memref_slice %arg7[%dma_wait3A_342, %dma_wait3A_346] : memref<15x80xi32, #tpu.memory_space<vmem>> -> memref<1x80xi32, #tpu.memory_space<vmem>>
        %dma_wait3A_348 = tpu.memref_squeeze %dma_wait3A_347 : memref<1x80xi32, #tpu.memory_space<vmem>> -> memref<80xi32, #tpu.memory_space<vmem>>
        %dma_wait3A_349 = arith.constant 0 : i32
        %dma_wait3A_350 = arith.constant 0 : i32
        %dma_wait3A_351 = tpu.memref_slice %arg2[%dma_wait3A_349, %dma_wait3A_350] : memref<20000x64xf32, #tpu.memory_space<hbm>> -> memref<20000x64xf32, #tpu.memory_space<hbm>>
        tpu.wait_indirect_dma semaphore(%arg13 : memref<!tpu.dma_semaphore, #tpu.memory_space<semaphore_mem>>) src(%dma_wait3A_351 : memref<20000x64xf32, #tpu.memory_space<hbm>>) dst(%dma_wait3A_345 : memref<80x64xf32, #tpu.memory_space<vmem>>)
      } else {
      }
      %add3A_218 = arith.constant 2 : i32
      %add3A_219 = arith.addi %scan3A_144, %add3A_218 : i32
      %lt3A_220 = arith.constant 50 : i32
      %lt3A_221 = arith.cmpi slt, %add3A_219, %lt3A_220 : i32
      %convert_element_type3A_222 = arith.extui %lt3A_221 : i1 to i32
      %cond3A_223 = arith.constant 0 : i32
      %cond3A_224 = arith.cmpi ne, %convert_element_type3A_222, %cond3A_223 : i32
      scf.if %cond3A_224 {
        %add3A_302 = arith.constant 2 : i32
        %add3A_303 = arith.addi %scan3A_144, %add3A_302 : i32
        %mul3A_304 = arith.constant 5 : i32
        %mul3A_305 = arith.muli %add3A_303, %mul3A_304 : i32
        %add3A_306 = arith.addi %mul3A_2, %mul3A_305 : i32
        %dma_start3A_307 = arith.constant 0 : i32
        %dma_start3A_308 = tpu.memref_slice %arg7[%mul3A_163, %dma_start3A_307] : memref<15x80xi32, #tpu.memory_space<vmem>> -> memref<5x80xi32, #tpu.memory_space<vmem>>
        %dma_start3A_309 = arith.constant 0 : i32
        %dma_start3A_310 = tpu.memref_slice %arg3[%add3A_306, %dma_start3A_309] : memref<8000x80xi32, #tpu.memory_space<hbm>> -> memref<5x80xi32, #tpu.memory_space<hbm>>
        %dma_start3A_311 = arith.constant 0 : i32
        %dma_start3A_312 = tpu.memref_slice %arg7[%mul3A_163, %dma_start3A_311] : memref<15x80xi32, #tpu.memory_space<vmem>> -> memref<5x80xi32, #tpu.memory_space<vmem>>
        %dma_start3A_313 = arith.constant 0 : i32
        %dma_start3A_314 = tpu.memref_slice %arg3[%add3A_306, %dma_start3A_313] : memref<8000x80xi32, #tpu.memory_space<hbm>> -> memref<5x80xi32, #tpu.memory_space<hbm>>
        tpu.enqueue_dma source(%dma_start3A_314 : memref<5x80xi32, #tpu.memory_space<hbm>>) target(%dma_start3A_312 : memref<5x80xi32, #tpu.memory_space<vmem>>) target_semaphore(%arg14 : memref<!tpu.dma_semaphore, #tpu.memory_space<semaphore_mem>>)
        %add3A_315 = arith.constant 2 : i32
        %add3A_316 = arith.addi %scan3A_144, %add3A_315 : i32
        %mul3A_317 = arith.constant 5 : i32
        %mul3A_318 = arith.muli %add3A_316, %mul3A_317 : i32
        %add3A_319 = arith.addi %mul3A_2, %mul3A_318 : i32
        %dma_start3A_320 = arith.constant 0 : i32
        %dma_start3A_321 = tpu.memref_slice %arg8[%mul3A_163, %dma_start3A_320] : memref<15x80xi32, #tpu.memory_space<vmem>> -> memref<5x80xi32, #tpu.memory_space<vmem>>
        %dma_start3A_322 = arith.constant 0 : i32
        %dma_start3A_323 = tpu.memref_slice %arg4[%add3A_319, %dma_start3A_322] : memref<8000x80xi32, #tpu.memory_space<hbm>> -> memref<5x80xi32, #tpu.memory_space<hbm>>
        %dma_start3A_324 = arith.constant 0 : i32
        %dma_start3A_325 = tpu.memref_slice %arg8[%mul3A_163, %dma_start3A_324] : memref<15x80xi32, #tpu.memory_space<vmem>> -> memref<5x80xi32, #tpu.memory_space<vmem>>
        %dma_start3A_326 = arith.constant 0 : i32
        %dma_start3A_327 = tpu.memref_slice %arg4[%add3A_319, %dma_start3A_326] : memref<8000x80xi32, #tpu.memory_space<hbm>> -> memref<5x80xi32, #tpu.memory_space<hbm>>
        tpu.enqueue_dma source(%dma_start3A_327 : memref<5x80xi32, #tpu.memory_space<hbm>>) target(%dma_start3A_325 : memref<5x80xi32, #tpu.memory_space<vmem>>) target_semaphore(%arg14 : memref<!tpu.dma_semaphore, #tpu.memory_space<semaphore_mem>>)
      } else {
      }
      %add3A_225 = arith.constant 0 : i32
      %add3A_226 = arith.addi %mul3A_147, %add3A_225 : i32
      %mul3A_227 = arith.constant 80 : i32
      %mul3A_228 = arith.muli %add3A_226, %mul3A_227 : i32
      %add3A_229 = arith.constant 0 : i32
      %add3A_230 = arith.addi %mul3A_151, %add3A_229 : i32
      %dma_start3A_231 = arith.constant 0 : i32
      %dma_start3A_232 = tpu.memref_slice %arg9[%mul3A_228, %dma_start3A_231] : memref<800x64xf32, #tpu.memory_space<vmem>> -> memref<80x64xf32, #tpu.memory_space<vmem>>
      %dma_start3A_233 = arith.constant 0 : i32
      %dma_start3A_234 = tpu.memref_slice %arg8[%add3A_230, %dma_start3A_233] : memref<15x80xi32, #tpu.memory_space<vmem>> -> memref<1x80xi32, #tpu.memory_space<vmem>>
      %dma_start3A_235 = tpu.memref_squeeze %dma_start3A_234 : memref<1x80xi32, #tpu.memory_space<vmem>> -> memref<80xi32, #tpu.memory_space<vmem>>
      %dma_start3A_236 = arith.constant 0 : i32
      %dma_start3A_237 = arith.constant 0 : i32
      %dma_start3A_238 = tpu.memref_slice %arg11[%dma_start3A_236, %dma_start3A_237] : memref<10016x64xf32, #tpu.memory_space<vmem_shared>> -> memref<10016x64xf32, #tpu.memory_space<vmem_shared>>
      tpu.enqueue_indirect_dma source(%dma_start3A_232 : memref<80x64xf32, #tpu.memory_space<vmem>>) target(%dma_start3A_238 : memref<10016x64xf32, #tpu.memory_space<vmem_shared>>) offsets(%dma_start3A_235 : memref<80xi32, #tpu.memory_space<vmem>>) semaphore(%arg13 : memref<!tpu.dma_semaphore, #tpu.memory_space<semaphore_mem>>) {add = true}
      %add3A_239 = arith.constant 1 : i32
      %add3A_240 = arith.addi %mul3A_147, %add3A_239 : i32
      %mul3A_241 = arith.constant 80 : i32
      %mul3A_242 = arith.muli %add3A_240, %mul3A_241 : i32
      %add3A_243 = arith.constant 1 : i32
      %add3A_244 = arith.addi %mul3A_151, %add3A_243 : i32
      %dma_start3A_245 = arith.constant 0 : i32
      %dma_start3A_246 = tpu.memref_slice %arg9[%mul3A_242, %dma_start3A_245] : memref<800x64xf32, #tpu.memory_space<vmem>> -> memref<80x64xf32, #tpu.memory_space<vmem>>
      %dma_start3A_247 = arith.constant 0 : i32
      %dma_start3A_248 = tpu.memref_slice %arg8[%add3A_244, %dma_start3A_247] : memref<15x80xi32, #tpu.memory_space<vmem>> -> memref<1x80xi32, #tpu.memory_space<vmem>>
      %dma_start3A_249 = tpu.memref_squeeze %dma_start3A_248 : memref<1x80xi32, #tpu.memory_space<vmem>> -> memref<80xi32, #tpu.memory_space<vmem>>
      %dma_start3A_250 = arith.constant 0 : i32
      %dma_start3A_251 = arith.constant 0 : i32
      %dma_start3A_252 = tpu.memref_slice %arg11[%dma_start3A_250, %dma_start3A_251] : memref<10016x64xf32, #tpu.memory_space<vmem_shared>> -> memref<10016x64xf32, #tpu.memory_space<vmem_shared>>
      tpu.enqueue_indirect_dma source(%dma_start3A_246 : memref<80x64xf32, #tpu.memory_space<vmem>>) target(%dma_start3A_252 : memref<10016x64xf32, #tpu.memory_space<vmem_shared>>) offsets(%dma_start3A_249 : memref<80xi32, #tpu.memory_space<vmem>>) semaphore(%arg13 : memref<!tpu.dma_semaphore, #tpu.memory_space<semaphore_mem>>) {add = true}
      %add3A_253 = arith.constant 2 : i32
      %add3A_254 = arith.addi %mul3A_147, %add3A_253 : i32
      %mul3A_255 = arith.constant 80 : i32
      %mul3A_256 = arith.muli %add3A_254, %mul3A_255 : i32
      %add3A_257 = arith.constant 2 : i32
      %add3A_258 = arith.addi %mul3A_151, %add3A_257 : i32
      %dma_start3A_259 = arith.constant 0 : i32
      %dma_start3A_260 = tpu.memref_slice %arg9[%mul3A_256, %dma_start3A_259] : memref<800x64xf32, #tpu.memory_space<vmem>> -> memref<80x64xf32, #tpu.memory_space<vmem>>
      %dma_start3A_261 = arith.constant 0 : i32
      %dma_start3A_262 = tpu.memref_slice %arg8[%add3A_258, %dma_start3A_261] : memref<15x80xi32, #tpu.memory_space<vmem>> -> memref<1x80xi32, #tpu.memory_space<vmem>>
      %dma_start3A_263 = tpu.memref_squeeze %dma_start3A_262 : memref<1x80xi32, #tpu.memory_space<vmem>> -> memref<80xi32, #tpu.memory_space<vmem>>
      %dma_start3A_264 = arith.constant 0 : i32
      %dma_start3A_265 = arith.constant 0 : i32
      %dma_start3A_266 = tpu.memref_slice %arg11[%dma_start3A_264, %dma_start3A_265] : memref<10016x64xf32, #tpu.memory_space<vmem_shared>> -> memref<10016x64xf32, #tpu.memory_space<vmem_shared>>
      tpu.enqueue_indirect_dma source(%dma_start3A_260 : memref<80x64xf32, #tpu.memory_space<vmem>>) target(%dma_start3A_266 : memref<10016x64xf32, #tpu.memory_space<vmem_shared>>) offsets(%dma_start3A_263 : memref<80xi32, #tpu.memory_space<vmem>>) semaphore(%arg13 : memref<!tpu.dma_semaphore, #tpu.memory_space<semaphore_mem>>) {add = true}
      %add3A_267 = arith.constant 3 : i32
      %add3A_268 = arith.addi %mul3A_147, %add3A_267 : i32
      %mul3A_269 = arith.constant 80 : i32
      %mul3A_270 = arith.muli %add3A_268, %mul3A_269 : i32
      %add3A_271 = arith.constant 3 : i32
      %add3A_272 = arith.addi %mul3A_151, %add3A_271 : i32
      %dma_start3A_273 = arith.constant 0 : i32
      %dma_start3A_274 = tpu.memref_slice %arg9[%mul3A_270, %dma_start3A_273] : memref<800x64xf32, #tpu.memory_space<vmem>> -> memref<80x64xf32, #tpu.memory_space<vmem>>
      %dma_start3A_275 = arith.constant 0 : i32
      %dma_start3A_276 = tpu.memref_slice %arg8[%add3A_272, %dma_start3A_275] : memref<15x80xi32, #tpu.memory_space<vmem>> -> memref<1x80xi32, #tpu.memory_space<vmem>>
      %dma_start3A_277 = tpu.memref_squeeze %dma_start3A_276 : memref<1x80xi32, #tpu.memory_space<vmem>> -> memref<80xi32, #tpu.memory_space<vmem>>
      %dma_start3A_278 = arith.constant 0 : i32
      %dma_start3A_279 = arith.constant 0 : i32
      %dma_start3A_280 = tpu.memref_slice %arg11[%dma_start3A_278, %dma_start3A_279] : memref<10016x64xf32, #tpu.memory_space<vmem_shared>> -> memref<10016x64xf32, #tpu.memory_space<vmem_shared>>
      tpu.enqueue_indirect_dma source(%dma_start3A_274 : memref<80x64xf32, #tpu.memory_space<vmem>>) target(%dma_start3A_280 : memref<10016x64xf32, #tpu.memory_space<vmem_shared>>) offsets(%dma_start3A_277 : memref<80xi32, #tpu.memory_space<vmem>>) semaphore(%arg13 : memref<!tpu.dma_semaphore, #tpu.memory_space<semaphore_mem>>) {add = true}
      %add3A_281 = arith.constant 4 : i32
      %add3A_282 = arith.addi %mul3A_147, %add3A_281 : i32
      %mul3A_283 = arith.constant 80 : i32
      %mul3A_284 = arith.muli %add3A_282, %mul3A_283 : i32
      %add3A_285 = arith.constant 4 : i32
      %add3A_286 = arith.addi %mul3A_151, %add3A_285 : i32
      %dma_start3A_287 = arith.constant 0 : i32
      %dma_start3A_288 = tpu.memref_slice %arg9[%mul3A_284, %dma_start3A_287] : memref<800x64xf32, #tpu.memory_space<vmem>> -> memref<80x64xf32, #tpu.memory_space<vmem>>
      %dma_start3A_289 = arith.constant 0 : i32
      %dma_start3A_290 = tpu.memref_slice %arg8[%add3A_286, %dma_start3A_289] : memref<15x80xi32, #tpu.memory_space<vmem>> -> memref<1x80xi32, #tpu.memory_space<vmem>>
      %dma_start3A_291 = tpu.memref_squeeze %dma_start3A_290 : memref<1x80xi32, #tpu.memory_space<vmem>> -> memref<80xi32, #tpu.memory_space<vmem>>
      %dma_start3A_292 = arith.constant 0 : i32
      %dma_start3A_293 = arith.constant 0 : i32
      %dma_start3A_294 = tpu.memref_slice %arg11[%dma_start3A_292, %dma_start3A_293] : memref<10016x64xf32, #tpu.memory_space<vmem_shared>> -> memref<10016x64xf32, #tpu.memory_space<vmem_shared>>
      tpu.enqueue_indirect_dma source(%dma_start3A_288 : memref<80x64xf32, #tpu.memory_space<vmem>>) target(%dma_start3A_294 : memref<10016x64xf32, #tpu.memory_space<vmem_shared>>) offsets(%dma_start3A_291 : memref<80xi32, #tpu.memory_space<vmem>>) semaphore(%arg13 : memref<!tpu.dma_semaphore, #tpu.memory_space<semaphore_mem>>) {add = true}
      %add3A_295 = arith.constant 1 : i32
      %add3A_296 = arith.addi %scan3A_144, %add3A_295 : i32
      %lt3A_297 = arith.constant 50 : i32
      %lt3A_298 = arith.cmpi slt, %add3A_296, %lt3A_297 : i32
      %convert_element_type3A_299 = arith.extui %lt3A_298 : i1 to i32
      %cond3A_300 = arith.constant 0 : i32
      %cond3A_301 = arith.cmpi ne, %convert_element_type3A_299, %cond3A_300 : i32
      scf.if %cond3A_301 {
        %dma_wait3A_302 = arith.constant 0 : i32
        %dma_wait3A_303 = arith.constant 0 : i32
        %dma_wait3A_304 = tpu.memref_slice %arg7[%dma_wait3A_302, %dma_wait3A_303] : memref<15x80xi32, #tpu.memory_space<vmem>> -> memref<5x80xi32, #tpu.memory_space<vmem>>
        %dma_wait3A_305 = arith.constant 0 : i32
        %dma_wait3A_306 = arith.constant 0 : i32
        %dma_wait3A_307 = tpu.memref_slice %arg3[%dma_wait3A_305, %dma_wait3A_306] : memref<8000x80xi32, #tpu.memory_space<hbm>> -> memref<5x80xi32, #tpu.memory_space<hbm>>
        %dma_wait3A_308 = arith.constant 0 : i32
        %dma_wait3A_309 = arith.constant 0 : i32
        %dma_wait3A_310 = tpu.memref_slice %arg7[%dma_wait3A_308, %dma_wait3A_309] : memref<15x80xi32, #tpu.memory_space<vmem>> -> memref<5x80xi32, #tpu.memory_space<vmem>>
        %dma_wait3A_311 = arith.constant 0 : i32
        %dma_wait3A_312 = arith.constant 0 : i32
        %dma_wait3A_313 = tpu.memref_slice %arg3[%dma_wait3A_311, %dma_wait3A_312] : memref<8000x80xi32, #tpu.memory_space<hbm>> -> memref<5x80xi32, #tpu.memory_space<hbm>>
        tpu.wait_dma2 semaphore(%arg14 : memref<!tpu.dma_semaphore, #tpu.memory_space<semaphore_mem>>) src(%dma_wait3A_313 : memref<5x80xi32, #tpu.memory_space<hbm>>) dst(%dma_wait3A_310 : memref<5x80xi32, #tpu.memory_space<vmem>>)
        %dma_wait3A_314 = arith.constant 0 : i32
        %dma_wait3A_315 = arith.constant 0 : i32
        %dma_wait3A_316 = tpu.memref_slice %arg7[%dma_wait3A_314, %dma_wait3A_315] : memref<15x80xi32, #tpu.memory_space<vmem>> -> memref<5x80xi32, #tpu.memory_space<vmem>>
        %dma_wait3A_317 = arith.constant 0 : i32
        %dma_wait3A_318 = arith.constant 0 : i32
        %dma_wait3A_319 = tpu.memref_slice %arg3[%dma_wait3A_317, %dma_wait3A_318] : memref<8000x80xi32, #tpu.memory_space<hbm>> -> memref<5x80xi32, #tpu.memory_space<hbm>>
        %dma_wait3A_320 = arith.constant 0 : i32
        %dma_wait3A_321 = arith.constant 0 : i32
        %dma_wait3A_322 = tpu.memref_slice %arg7[%dma_wait3A_320, %dma_wait3A_321] : memref<15x80xi32, #tpu.memory_space<vmem>> -> memref<5x80xi32, #tpu.memory_space<vmem>>
        %dma_wait3A_323 = arith.constant 0 : i32
        %dma_wait3A_324 = arith.constant 0 : i32
        %dma_wait3A_325 = tpu.memref_slice %arg3[%dma_wait3A_323, %dma_wait3A_324] : memref<8000x80xi32, #tpu.memory_space<hbm>> -> memref<5x80xi32, #tpu.memory_space<hbm>>
        tpu.wait_dma2 semaphore(%arg14 : memref<!tpu.dma_semaphore, #tpu.memory_space<semaphore_mem>>) src(%dma_wait3A_325 : memref<5x80xi32, #tpu.memory_space<hbm>>) dst(%dma_wait3A_322 : memref<5x80xi32, #tpu.memory_space<vmem>>)
        %add3A_326 = arith.constant 0 : i32
        %add3A_327 = arith.addi %mul3A_157, %add3A_326 : i32
        %sub3A = arith.constant 5 : i32
        %sub3A_328 = arith.subi %sub3A, %mul3A_147 : i32
        %add3A_329 = arith.constant 0 : i32
        %add3A_330 = arith.addi %sub3A_328, %add3A_329 : i32
        %mul3A_331 = arith.constant 80 : i32
        %mul3A_332 = arith.muli %add3A_330, %mul3A_331 : i32
        %dma_start3A_333 = arith.constant 0 : i32
        %dma_start3A_334 = tpu.memref_slice %arg9[%mul3A_332, %dma_start3A_333] : memref<800x64xf32, #tpu.memory_space<vmem>> -> memref<80x64xf32, #tpu.memory_space<vmem>>
        %dma_start3A_335 = arith.constant 0 : i32
        %dma_start3A_336 = tpu.memref_slice %arg7[%add3A_327, %dma_start3A_335] : memref<15x80xi32, #tpu.memory_space<vmem>> -> memref<1x80xi32, #tpu.memory_space<vmem>>
        %dma_start3A_337 = tpu.memref_squeeze %dma_start3A_336 : memref<1x80xi32, #tpu.memory_space<vmem>> -> memref<80xi32, #tpu.memory_space<vmem>>
        %dma_start3A_338 = arith.constant 0 : i32
        %dma_start3A_339 = arith.constant 0 : i32
        %dma_start3A_340 = tpu.memref_slice %arg2[%dma_start3A_338, %dma_start3A_339] : memref<20000x64xf32, #tpu.memory_space<hbm>> -> memref<20000x64xf32, #tpu.memory_space<hbm>>
        tpu.enqueue_indirect_dma source(%dma_start3A_340 : memref<20000x64xf32, #tpu.memory_space<hbm>>) target(%dma_start3A_334 : memref<80x64xf32, #tpu.memory_space<vmem>>) offsets(%dma_start3A_337 : memref<80xi32, #tpu.memory_space<vmem>>) semaphore(%arg12 : memref<!tpu.dma_semaphore, #tpu.memory_space<semaphore_mem>>)
        %add3A_341 = arith.constant 1 : i32
        %add3A_342 = arith.addi %mul3A_157, %add3A_341 : i32
        %sub3A_343 = arith.constant 5 : i32
        %sub3A_344 = arith.subi %sub3A_343, %mul3A_147 : i32
        %add3A_345 = arith.constant 1 : i32
        %add3A_346 = arith.addi %sub3A_344, %add3A_345 : i32
        %mul3A_347 = arith.constant 80 : i32
        %mul3A_348 = arith.muli %add3A_346, %mul3A_347 : i32
        %dma_start3A_349 = arith.constant 0 : i32
        %dma_start3A_350 = tpu.memref_slice %arg9[%mul3A_348, %dma_start3A_349] : memref<800x64xf32, #tpu.memory_space<vmem>> -> memref<80x64xf32, #tpu.memory_space<vmem>>
        %dma_start3A_351 = arith.constant 0 : i32
        %dma_start3A_352 = tpu.memref_slice %arg7[%add3A_342, %dma_start3A_351] : memref<15x80xi32, #tpu.memory_space<vmem>> -> memref<1x80xi32, #tpu.memory_space<vmem>>
        %dma_start3A_353 = tpu.memref_squeeze %dma_start3A_352 : memref<1x80xi32, #tpu.memory_space<vmem>> -> memref<80xi32, #tpu.memory_space<vmem>>
        %dma_start3A_354 = arith.constant 0 : i32
        %dma_start3A_355 = arith.constant 0 : i32
        %dma_start3A_356 = tpu.memref_slice %arg2[%dma_start3A_354, %dma_start3A_355] : memref<20000x64xf32, #tpu.memory_space<hbm>> -> memref<20000x64xf32, #tpu.memory_space<hbm>>
        tpu.enqueue_indirect_dma source(%dma_start3A_356 : memref<20000x64xf32, #tpu.memory_space<hbm>>) target(%dma_start3A_350 : memref<80x64xf32, #tpu.memory_space<vmem>>) offsets(%dma_start3A_353 : memref<80xi32, #tpu.memory_space<vmem>>) semaphore(%arg12 : memref<!tpu.dma_semaphore, #tpu.memory_space<semaphore_mem>>)
        %add3A_357 = arith.constant 2 : i32
        %add3A_358 = arith.addi %mul3A_157, %add3A_357 : i32
        %sub3A_359 = arith.constant 5 : i32
        %sub3A_360 = arith.subi %sub3A_359, %mul3A_147 : i32
        %add3A_361 = arith.constant 2 : i32
        %add3A_362 = arith.addi %sub3A_360, %add3A_361 : i32
        %mul3A_363 = arith.constant 80 : i32
        %mul3A_364 = arith.muli %add3A_362, %mul3A_363 : i32
        %dma_start3A_365 = arith.constant 0 : i32
        %dma_start3A_366 = tpu.memref_slice %arg9[%mul3A_364, %dma_start3A_365] : memref<800x64xf32, #tpu.memory_space<vmem>> -> memref<80x64xf32, #tpu.memory_space<vmem>>
        %dma_start3A_367 = arith.constant 0 : i32
        %dma_start3A_368 = tpu.memref_slice %arg7[%add3A_358, %dma_start3A_367] : memref<15x80xi32, #tpu.memory_space<vmem>> -> memref<1x80xi32, #tpu.memory_space<vmem>>
        %dma_start3A_369 = tpu.memref_squeeze %dma_start3A_368 : memref<1x80xi32, #tpu.memory_space<vmem>> -> memref<80xi32, #tpu.memory_space<vmem>>
        %dma_start3A_370 = arith.constant 0 : i32
        %dma_start3A_371 = arith.constant 0 : i32
        %dma_start3A_372 = tpu.memref_slice %arg2[%dma_start3A_370, %dma_start3A_371] : memref<20000x64xf32, #tpu.memory_space<hbm>> -> memref<20000x64xf32, #tpu.memory_space<hbm>>
        tpu.enqueue_indirect_dma source(%dma_start3A_372 : memref<20000x64xf32, #tpu.memory_space<hbm>>) target(%dma_start3A_366 : memref<80x64xf32, #tpu.memory_space<vmem>>) offsets(%dma_start3A_369 : memref<80xi32, #tpu.memory_space<vmem>>) semaphore(%arg12 : memref<!tpu.dma_semaphore, #tpu.memory_space<semaphore_mem>>)
        %add3A_373 = arith.constant 3 : i32
        %add3A_374 = arith.addi %mul3A_157, %add3A_373 : i32
        %sub3A_375 = arith.constant 5 : i32
        %sub3A_376 = arith.subi %sub3A_375, %mul3A_147 : i32
        %add3A_377 = arith.constant 3 : i32
        %add3A_378 = arith.addi %sub3A_376, %add3A_377 : i32
        %mul3A_379 = arith.constant 80 : i32
        %mul3A_380 = arith.muli %add3A_378, %mul3A_379 : i32
        %dma_start3A_381 = arith.constant 0 : i32
        %dma_start3A_382 = tpu.memref_slice %arg9[%mul3A_380, %dma_start3A_381] : memref<800x64xf32, #tpu.memory_space<vmem>> -> memref<80x64xf32, #tpu.memory_space<vmem>>
        %dma_start3A_383 = arith.constant 0 : i32
        %dma_start3A_384 = tpu.memref_slice %arg7[%add3A_374, %dma_start3A_383] : memref<15x80xi32, #tpu.memory_space<vmem>> -> memref<1x80xi32, #tpu.memory_space<vmem>>
        %dma_start3A_385 = tpu.memref_squeeze %dma_start3A_384 : memref<1x80xi32, #tpu.memory_space<vmem>> -> memref<80xi32, #tpu.memory_space<vmem>>
        %dma_start3A_386 = arith.constant 0 : i32
        %dma_start3A_387 = arith.constant 0 : i32
        %dma_start3A_388 = tpu.memref_slice %arg2[%dma_start3A_386, %dma_start3A_387] : memref<20000x64xf32, #tpu.memory_space<hbm>> -> memref<20000x64xf32, #tpu.memory_space<hbm>>
        tpu.enqueue_indirect_dma source(%dma_start3A_388 : memref<20000x64xf32, #tpu.memory_space<hbm>>) target(%dma_start3A_382 : memref<80x64xf32, #tpu.memory_space<vmem>>) offsets(%dma_start3A_385 : memref<80xi32, #tpu.memory_space<vmem>>) semaphore(%arg12 : memref<!tpu.dma_semaphore, #tpu.memory_space<semaphore_mem>>)
        %add3A_389 = arith.constant 4 : i32
        %add3A_390 = arith.addi %mul3A_157, %add3A_389 : i32
        %sub3A_391 = arith.constant 5 : i32
        %sub3A_392 = arith.subi %sub3A_391, %mul3A_147 : i32
        %add3A_393 = arith.constant 4 : i32
        %add3A_394 = arith.addi %sub3A_392, %add3A_393 : i32
        %mul3A_395 = arith.constant 80 : i32
        %mul3A_396 = arith.muli %add3A_394, %mul3A_395 : i32
        %dma_start3A_397 = arith.constant 0 : i32
        %dma_start3A_398 = tpu.memref_slice %arg9[%mul3A_396, %dma_start3A_397] : memref<800x64xf32, #tpu.memory_space<vmem>> -> memref<80x64xf32, #tpu.memory_space<vmem>>
        %dma_start3A_399 = arith.constant 0 : i32
        %dma_start3A_400 = tpu.memref_slice %arg7[%add3A_390, %dma_start3A_399] : memref<15x80xi32, #tpu.memory_space<vmem>> -> memref<1x80xi32, #tpu.memory_space<vmem>>
        %dma_start3A_401 = tpu.memref_squeeze %dma_start3A_400 : memref<1x80xi32, #tpu.memory_space<vmem>> -> memref<80xi32, #tpu.memory_space<vmem>>
        %dma_start3A_402 = arith.constant 0 : i32
        %dma_start3A_403 = arith.constant 0 : i32
        %dma_start3A_404 = tpu.memref_slice %arg2[%dma_start3A_402, %dma_start3A_403] : memref<20000x64xf32, #tpu.memory_space<hbm>> -> memref<20000x64xf32, #tpu.memory_space<hbm>>
        tpu.enqueue_indirect_dma source(%dma_start3A_404 : memref<20000x64xf32, #tpu.memory_space<hbm>>) target(%dma_start3A_398 : memref<80x64xf32, #tpu.memory_space<vmem>>) offsets(%dma_start3A_401 : memref<80xi32, #tpu.memory_space<vmem>>) semaphore(%arg12 : memref<!tpu.dma_semaphore, #tpu.memory_space<semaphore_mem>>)
      } else {
      }
    }
    %scan3A_88 = arith.constant 50 : i32
    %dma_wait3A = arith.constant 0 : i32
    %dma_wait3A_89 = arith.constant 0 : i32
    %dma_wait3A_90 = arith.constant 0 : i32
    %dma_wait3A_91 = tpu.memref_slice %arg9[%dma_wait3A_89, %dma_wait3A_90] : memref<800x64xf32, #tpu.memory_space<vmem>> -> memref<80x64xf32, #tpu.memory_space<vmem>>
    %dma_wait3A_92 = arith.constant 0 : i32
    %dma_wait3A_93 = tpu.memref_slice %arg7[%dma_wait3A, %dma_wait3A_92] : memref<15x80xi32, #tpu.memory_space<vmem>> -> memref<1x80xi32, #tpu.memory_space<vmem>>
    %dma_wait3A_94 = tpu.memref_squeeze %dma_wait3A_93 : memref<1x80xi32, #tpu.memory_space<vmem>> -> memref<80xi32, #tpu.memory_space<vmem>>
    %dma_wait3A_95 = arith.constant 0 : i32
    %dma_wait3A_96 = arith.constant 0 : i32
    %dma_wait3A_97 = tpu.memref_slice %arg2[%dma_wait3A_95, %dma_wait3A_96] : memref<20000x64xf32, #tpu.memory_space<hbm>> -> memref<20000x64xf32, #tpu.memory_space<hbm>>
    tpu.wait_indirect_dma semaphore(%arg13 : memref<!tpu.dma_semaphore, #tpu.memory_space<semaphore_mem>>) src(%dma_wait3A_97 : memref<20000x64xf32, #tpu.memory_space<hbm>>) dst(%dma_wait3A_91 : memref<80x64xf32, #tpu.memory_space<vmem>>)
    %dma_wait3A_98 = arith.constant 0 : i32
    %dma_wait3A_99 = arith.constant 0 : i32
    %dma_wait3A_100 = arith.constant 0 : i32
    %dma_wait3A_101 = tpu.memref_slice %arg9[%dma_wait3A_99, %dma_wait3A_100] : memref<800x64xf32, #tpu.memory_space<vmem>> -> memref<80x64xf32, #tpu.memory_space<vmem>>
    %dma_wait3A_102 = arith.constant 0 : i32
    %dma_wait3A_103 = tpu.memref_slice %arg7[%dma_wait3A_98, %dma_wait3A_102] : memref<15x80xi32, #tpu.memory_space<vmem>> -> memref<1x80xi32, #tpu.memory_space<vmem>>
    %dma_wait3A_104 = tpu.memref_squeeze %dma_wait3A_103 : memref<1x80xi32, #tpu.memory_space<vmem>> -> memref<80xi32, #tpu.memory_space<vmem>>
    %dma_wait3A_105 = arith.constant 0 : i32
    %dma_wait3A_106 = arith.constant 0 : i32
    %dma_wait3A_107 = tpu.memref_slice %arg2[%dma_wait3A_105, %dma_wait3A_106] : memref<20000x64xf32, #tpu.memory_space<hbm>> -> memref<20000x64xf32, #tpu.memory_space<hbm>>
    tpu.wait_indirect_dma semaphore(%arg13 : memref<!tpu.dma_semaphore, #tpu.memory_space<semaphore_mem>>) src(%dma_wait3A_107 : memref<20000x64xf32, #tpu.memory_space<hbm>>) dst(%dma_wait3A_101 : memref<80x64xf32, #tpu.memory_space<vmem>>)
    %dma_wait3A_108 = arith.constant 0 : i32
    %dma_wait3A_109 = arith.constant 0 : i32
    %dma_wait3A_110 = arith.constant 0 : i32
    %dma_wait3A_111 = tpu.memref_slice %arg9[%dma_wait3A_109, %dma_wait3A_110] : memref<800x64xf32, #tpu.memory_space<vmem>> -> memref<80x64xf32, #tpu.memory_space<vmem>>
    %dma_wait3A_112 = arith.constant 0 : i32
    %dma_wait3A_113 = tpu.memref_slice %arg7[%dma_wait3A_108, %dma_wait3A_112] : memref<15x80xi32, #tpu.memory_space<vmem>> -> memref<1x80xi32, #tpu.memory_space<vmem>>
    %dma_wait3A_114 = tpu.memref_squeeze %dma_wait3A_113 : memref<1x80xi32, #tpu.memory_space<vmem>> -> memref<80xi32, #tpu.memory_space<vmem>>
    %dma_wait3A_115 = arith.constant 0 : i32
    %dma_wait3A_116 = arith.constant 0 : i32
    %dma_wait3A_117 = tpu.memref_slice %arg2[%dma_wait3A_115, %dma_wait3A_116] : memref<20000x64xf32, #tpu.memory_space<hbm>> -> memref<20000x64xf32, #tpu.memory_space<hbm>>
    tpu.wait_indirect_dma semaphore(%arg13 : memref<!tpu.dma_semaphore, #tpu.memory_space<semaphore_mem>>) src(%dma_wait3A_117 : memref<20000x64xf32, #tpu.memory_space<hbm>>) dst(%dma_wait3A_111 : memref<80x64xf32, #tpu.memory_space<vmem>>)
    %dma_wait3A_118 = arith.constant 0 : i32
    %dma_wait3A_119 = arith.constant 0 : i32
    %dma_wait3A_120 = arith.constant 0 : i32
    %dma_wait3A_121 = tpu.memref_slice %arg9[%dma_wait3A_119, %dma_wait3A_120] : memref<800x64xf32, #tpu.memory_space<vmem>> -> memref<80x64xf32, #tpu.memory_space<vmem>>
    %dma_wait3A_122 = arith.constant 0 : i32
    %dma_wait3A_123 = tpu.memref_slice %arg7[%dma_wait3A_118, %dma_wait3A_122] : memref<15x80xi32, #tpu.memory_space<vmem>> -> memref<1x80xi32, #tpu.memory_space<vmem>>
    %dma_wait3A_124 = tpu.memref_squeeze %dma_wait3A_123 : memref<1x80xi32, #tpu.memory_space<vmem>> -> memref<80xi32, #tpu.memory_space<vmem>>
    %dma_wait3A_125 = arith.constant 0 : i32
    %dma_wait3A_126 = arith.constant 0 : i32
    %dma_wait3A_127 = tpu.memref_slice %arg2[%dma_wait3A_125, %dma_wait3A_126] : memref<20000x64xf32, #tpu.memory_space<hbm>> -> memref<20000x64xf32, #tpu.memory_space<hbm>>
    tpu.wait_indirect_dma semaphore(%arg13 : memref<!tpu.dma_semaphore, #tpu.memory_space<semaphore_mem>>) src(%dma_wait3A_127 : memref<20000x64xf32, #tpu.memory_space<hbm>>) dst(%dma_wait3A_121 : memref<80x64xf32, #tpu.memory_space<vmem>>)
    %dma_wait3A_128 = arith.constant 0 : i32
    %dma_wait3A_129 = arith.constant 0 : i32
    %dma_wait3A_130 = arith.constant 0 : i32
    %dma_wait3A_131 = tpu.memref_slice %arg9[%dma_wait3A_129, %dma_wait3A_130] : memref<800x64xf32, #tpu.memory_space<vmem>> -> memref<80x64xf32, #tpu.memory_space<vmem>>
    %dma_wait3A_132 = arith.constant 0 : i32
    %dma_wait3A_133 = tpu.memref_slice %arg7[%dma_wait3A_128, %dma_wait3A_132] : memref<15x80xi32, #tpu.memory_space<vmem>> -> memref<1x80xi32, #tpu.memory_space<vmem>>
    %dma_wait3A_134 = tpu.memref_squeeze %dma_wait3A_133 : memref<1x80xi32, #tpu.memory_space<vmem>> -> memref<80xi32, #tpu.memory_space<vmem>>
    %dma_wait3A_135 = arith.constant 0 : i32
    %dma_wait3A_136 = arith.constant 0 : i32
    %dma_wait3A_137 = tpu.memref_slice %arg2[%dma_wait3A_135, %dma_wait3A_136] : memref<20000x64xf32, #tpu.memory_space<hbm>> -> memref<20000x64xf32, #tpu.memory_space<hbm>>
    tpu.wait_indirect_dma semaphore(%arg13 : memref<!tpu.dma_semaphore, #tpu.memory_space<semaphore_mem>>) src(%dma_wait3A_137 : memref<20000x64xf32, #tpu.memory_space<hbm>>) dst(%dma_wait3A_131 : memref<80x64xf32, #tpu.memory_space<vmem>>)
    %barrier3A_138 = arith.constant 0 : index
    tpu.barrier barrier_id(%barrier3A_138)
    %lt3A_139 = arith.constant 10 : i32
    %lt3A_140 = arith.cmpi slt, %arg1, %lt3A_139 : i32
    %convert_element_type3A_141 = arith.extui %lt3A_140 : i1 to i32
    %cond3A_142 = arith.constant 0 : i32
    %cond3A_143 = arith.cmpi ne, %convert_element_type3A_141, %cond3A_142 : i32
    scf.if %cond3A_143 {
      %scan3A_144 = arith.constant 0 : i32
      %scan3A_145 = arith.constant 0 : i32
      %scan3A_146 = arith.constant 8 : i32
      %scan3A_147 = arith.addi %scan3A_145, %scan3A_146 : i32
      %scan3A_148 = arith.constant 1 : i32
      scf.for %scan3A_150 = %scan3A_145 to %scan3A_147 step %scan3A_148  : i32 {
        %mul3A_151 = arith.constant 1000 : i32
        %mul3A_152 = arith.muli %arg1, %mul3A_151 : i32
        %mul3A_153 = arith.constant 125 : i32
        %mul3A_154 = arith.muli %scan3A_150, %mul3A_153 : i32
        %add3A_155 = arith.addi %mul3A_152, %mul3A_154 : i32
        %eq3A = arith.constant 0 : i32
        %eq3A_156 = arith.cmpi eq, %arg0, %eq3A : i32
        %convert_element_type3A_157 = arith.extui %eq3A_156 : i1 to i32
        %cond3A_158 = arith.constant 0 : i32
        %cond3A_159 = arith.cmpi ne, %convert_element_type3A_157, %cond3A_158 : i32
        scf.if %cond3A_159 {
          "tpu.region"() ({
            %run_scoped3A = tpu.sem_alloc : memref<!tpu.dma_semaphore, #tpu.memory_space<semaphore_mem>>
            %dma_start3A_165 = arith.constant 0 : i32
            %dma_start3A_166 = tpu.memref_slice %arg5[%add3A_155, %dma_start3A_165] : memref<10000x64xf32, #tpu.memory_space<hbm>> -> memref<125x64xf32, #tpu.memory_space<hbm>>
            %dma_start3A_167 = arith.constant 0 : i32
            %dma_start3A_168 = tpu.memref_slice %arg11[%add3A_155, %dma_start3A_167] : memref<10016x64xf32, #tpu.memory_space<vmem_shared>> -> memref<125x64xf32, #tpu.memory_space<vmem_shared>>
            tpu.enqueue_dma source(%dma_start3A_168 : memref<125x64xf32, #tpu.memory_space<vmem_shared>>) target(%dma_start3A_166 : memref<125x64xf32, #tpu.memory_space<hbm>>) target_semaphore(%run_scoped3A : memref<!tpu.dma_semaphore, #tpu.memory_space<semaphore_mem>>)
            %dma_wait3A_169 = arith.constant 0 : i32
            %dma_wait3A_170 = tpu.memref_slice %arg5[%add3A_155, %dma_wait3A_169] : memref<10000x64xf32, #tpu.memory_space<hbm>> -> memref<125x64xf32, #tpu.memory_space<hbm>>
            %dma_wait3A_171 = arith.constant 0 : i32
            %dma_wait3A_172 = tpu.memref_slice %arg11[%add3A_155, %dma_wait3A_171] : memref<10016x64xf32, #tpu.memory_space<vmem_shared>> -> memref<125x64xf32, #tpu.memory_space<vmem_shared>>
            tpu.wait_dma2 semaphore(%run_scoped3A : memref<!tpu.dma_semaphore, #tpu.memory_space<semaphore_mem>>) src(%dma_wait3A_172 : memref<125x64xf32, #tpu.memory_space<vmem_shared>>) dst(%dma_wait3A_170 : memref<125x64xf32, #tpu.memory_space<hbm>>)
            tpu.yield
          }) : () -> ()
        } else {
        }
        %eq3A_160 = arith.constant 1 : i32
        %eq3A_161 = arith.cmpi eq, %arg0, %eq3A_160 : i32
        %convert_element_type3A_162 = arith.extui %eq3A_161 : i1 to i32
        %cond3A_163 = arith.constant 0 : i32
        %cond3A_164 = arith.cmpi ne, %convert_element_type3A_162, %cond3A_163 : i32
        scf.if %cond3A_164 {
          "tpu.region"() ({
            %run_scoped3A = tpu.sem_alloc : memref<!tpu.dma_semaphore, #tpu.memory_space<semaphore_mem>>
            %dma_start3A_165 = arith.constant 0 : i32
            %dma_start3A_166 = tpu.memref_slice %arg6[%add3A_155, %dma_start3A_165] : memref<10000x64xf32, #tpu.memory_space<hbm>> -> memref<125x64xf32, #tpu.memory_space<hbm>>
            %dma_start3A_167 = arith.constant 0 : i32
            %dma_start3A_168 = tpu.memref_slice %arg11[%add3A_155, %dma_start3A_167] : memref<10016x64xf32, #tpu.memory_space<vmem_shared>> -> memref<125x64xf32, #tpu.memory_space<vmem_shared>>
            tpu.enqueue_dma source(%dma_start3A_168 : memref<125x64xf32, #tpu.memory_space<vmem_shared>>) target(%dma_start3A_166 : memref<125x64xf32, #tpu.memory_space<hbm>>) target_semaphore(%run_scoped3A : memref<!tpu.dma_semaphore, #tpu.memory_space<semaphore_mem>>)
            %dma_wait3A_169 = arith.constant 0 : i32
            %dma_wait3A_170 = tpu.memref_slice %arg6[%add3A_155, %dma_wait3A_169] : memref<10000x64xf32, #tpu.memory_space<hbm>> -> memref<125x64xf32, #tpu.memory_space<hbm>>
            %dma_wait3A_171 = arith.constant 0 : i32
            %dma_wait3A_172 = tpu.memref_slice %arg11[%add3A_155, %dma_wait3A_171] : memref<10016x64xf32, #tpu.memory_space<vmem_shared>> -> memref<125x64xf32, #tpu.memory_space<vmem_shared>>
            tpu.wait_dma2 semaphore(%run_scoped3A : memref<!tpu.dma_semaphore, #tpu.memory_space<semaphore_mem>>) src(%dma_wait3A_172 : memref<125x64xf32, #tpu.memory_space<vmem_shared>>) dst(%dma_wait3A_170 : memref<125x64xf32, #tpu.memory_space<hbm>>)
            tpu.yield
          }) : () -> ()
        } else {
        }
      }
      %scan3A_149 = arith.constant 8 : i32
    } else {
    }
    return
  }
}

#map = affine_map<(d0, d1) -> (0, 0)>
#map1 = affine_map<(d0, d1) -> (0)>
module attributes {stable_mosaic.version = 14 : i64} {
  func.func @hist(%arg0: i32, %arg1: i32, %arg2: memref<4000x80xi32, #tpu.memory_space<hbm>>, %arg3: memref<20480xf32, #tpu.memory_space<hbm>>, %arg4: memref<10x80xi32, #tpu.memory_space<vmem>>, %arg5: memref<80xf32, #tpu.memory_space<vmem>>, %arg6: memref<640xf32, #tpu.memory_space<vmem>>, %arg7: memref<10240xf32, #tpu.memory_space<vmem_shared>>, %arg8: memref<!tpu.dma_semaphore, #tpu.memory_space<semaphore_mem>>) attributes {dimension_semantics = [#tpu.dimension_semantics<core_parallel>, #tpu.dimension_semantics<subcore_parallel>], iteration_bounds = array<i64: 2, 16>, scalar_prefetch = 0 : i64, scratch_operands = 5 : i64, tpu.core_type = #tpu.core_type<sc_vector_subcore>, window_params = [{transform_indices = #map}, {transform_indices = #map1}]} {
    %mul3A = arith.constant 16 : i32
    %mul3A_0 = arith.muli %arg0, %mul3A : i32
    %add3A = arith.addi %mul3A_0, %arg1 : i32
    %mul3A_1 = arith.constant 125 : i32
    %mul3A_2 = arith.muli %add3A, %mul3A_1 : i32
    %broadcast_in_dim3A = arith.constant 1.000000e+00 : f32
    %broadcast_in_dim3A_3 = vector.broadcast %broadcast_in_dim3A : f32 to vector<16xf32>
    %swap3A = arith.constant 0 : index
    %swap3A_4 = tpu.vector_load %arg5[%swap3A] {strides = array<i32>} : memref<80xf32, #tpu.memory_space<vmem>>, vector<16xf32>,
    tpu.vector_store %arg5[%swap3A], %broadcast_in_dim3A_3 {strides = array<i32>} : memref<80xf32, #tpu.memory_space<vmem>>, vector<16xf32>,
    %broadcast_in_dim3A_5 = arith.constant 1.000000e+00 : f32
    %broadcast_in_dim3A_6 = vector.broadcast %broadcast_in_dim3A_5 : f32 to vector<16xf32>
    %swap3A_7 = arith.constant 16 : index
    %swap3A_8 = tpu.vector_load %arg5[%swap3A_7] {strides = array<i32>} : memref<80xf32, #tpu.memory_space<vmem>>, vector<16xf32>,
    tpu.vector_store %arg5[%swap3A_7], %broadcast_in_dim3A_6 {strides = array<i32>} : memref<80xf32, #tpu.memory_space<vmem>>, vector<16xf32>,
    %broadcast_in_dim3A_9 = arith.constant 1.000000e+00 : f32
    %broadcast_in_dim3A_10 = vector.broadcast %broadcast_in_dim3A_9 : f32 to vector<16xf32>
    %swap3A_11 = arith.constant 32 : index
    %swap3A_12 = tpu.vector_load %arg5[%swap3A_11] {strides = array<i32>} : memref<80xf32, #tpu.memory_space<vmem>>, vector<16xf32>,
    tpu.vector_store %arg5[%swap3A_11], %broadcast_in_dim3A_10 {strides = array<i32>} : memref<80xf32, #tpu.memory_space<vmem>>, vector<16xf32>,
    %broadcast_in_dim3A_13 = arith.constant 1.000000e+00 : f32
    %broadcast_in_dim3A_14 = vector.broadcast %broadcast_in_dim3A_13 : f32 to vector<16xf32>
    %swap3A_15 = arith.constant 48 : index
    %swap3A_16 = tpu.vector_load %arg5[%swap3A_15] {strides = array<i32>} : memref<80xf32, #tpu.memory_space<vmem>>, vector<16xf32>,
    tpu.vector_store %arg5[%swap3A_15], %broadcast_in_dim3A_14 {strides = array<i32>} : memref<80xf32, #tpu.memory_space<vmem>>, vector<16xf32>,
    %broadcast_in_dim3A_17 = arith.constant 1.000000e+00 : f32
    %broadcast_in_dim3A_18 = vector.broadcast %broadcast_in_dim3A_17 : f32 to vector<16xf32>
    %swap3A_19 = arith.constant 64 : index
    %swap3A_20 = tpu.vector_load %arg5[%swap3A_19] {strides = array<i32>} : memref<80xf32, #tpu.memory_space<vmem>>, vector<16xf32>,
    tpu.vector_store %arg5[%swap3A_19], %broadcast_in_dim3A_18 {strides = array<i32>} : memref<80xf32, #tpu.memory_space<vmem>>, vector<16xf32>,
    %broadcast_in_dim3A_21 = arith.constant 0.000000e+00 : f32
    %broadcast_in_dim3A_22 = vector.broadcast %broadcast_in_dim3A_21 : f32 to vector<16xf32>
    %swap3A_23 = arith.constant 0 : index
    %swap3A_24 = tpu.vector_load %arg6[%swap3A_23] {strides = array<i32>} : memref<640xf32, #tpu.memory_space<vmem>>, vector<16xf32>,
    tpu.vector_store %arg6[%swap3A_23], %broadcast_in_dim3A_22 {strides = array<i32>} : memref<640xf32, #tpu.memory_space<vmem>>, vector<16xf32>,
    %broadcast_in_dim3A_25 = arith.constant 0.000000e+00 : f32
    %broadcast_in_dim3A_26 = vector.broadcast %broadcast_in_dim3A_25 : f32 to vector<16xf32>
    %swap3A_27 = arith.constant 16 : index
    %swap3A_28 = tpu.vector_load %arg6[%swap3A_27] {strides = array<i32>} : memref<640xf32, #tpu.memory_space<vmem>>, vector<16xf32>,
    tpu.vector_store %arg6[%swap3A_27], %broadcast_in_dim3A_26 {strides = array<i32>} : memref<640xf32, #tpu.memory_space<vmem>>, vector<16xf32>,
    %broadcast_in_dim3A_29 = arith.constant 0.000000e+00 : f32
    %broadcast_in_dim3A_30 = vector.broadcast %broadcast_in_dim3A_29 : f32 to vector<16xf32>
    %swap3A_31 = arith.constant 32 : index
    %swap3A_32 = tpu.vector_load %arg6[%swap3A_31] {strides = array<i32>} : memref<640xf32, #tpu.memory_space<vmem>>, vector<16xf32>,
    tpu.vector_store %arg6[%swap3A_31], %broadcast_in_dim3A_30 {strides = array<i32>} : memref<640xf32, #tpu.memory_space<vmem>>, vector<16xf32>,
    %broadcast_in_dim3A_33 = arith.constant 0.000000e+00 : f32
    %broadcast_in_dim3A_34 = vector.broadcast %broadcast_in_dim3A_33 : f32 to vector<16xf32>
    %swap3A_35 = arith.constant 48 : index
    %swap3A_36 = tpu.vector_load %arg6[%swap3A_35] {strides = array<i32>} : memref<640xf32, #tpu.memory_space<vmem>>, vector<16xf32>,
    tpu.vector_store %arg6[%swap3A_35], %broadcast_in_dim3A_34 {strides = array<i32>} : memref<640xf32, #tpu.memory_space<vmem>>, vector<16xf32>,
    %broadcast_in_dim3A_37 = arith.constant 0.000000e+00 : f32
    %broadcast_in_dim3A_38 = vector.broadcast %broadcast_in_dim3A_37 : f32 to vector<16xf32>
    %swap3A_39 = arith.constant 64 : index
    %swap3A_40 = tpu.vector_load %arg6[%swap3A_39] {strides = array<i32>} : memref<640xf32, #tpu.memory_space<vmem>>, vector<16xf32>,
    tpu.vector_store %arg6[%swap3A_39], %broadcast_in_dim3A_38 {strides = array<i32>} : memref<640xf32, #tpu.memory_space<vmem>>, vector<16xf32>,
    %broadcast_in_dim3A_41 = arith.constant 0.000000e+00 : f32
    %broadcast_in_dim3A_42 = vector.broadcast %broadcast_in_dim3A_41 : f32 to vector<16xf32>
    %swap3A_43 = arith.constant 80 : index
    %swap3A_44 = tpu.vector_load %arg6[%swap3A_43] {strides = array<i32>} : memref<640xf32, #tpu.memory_space<vmem>>, vector<16xf32>,
    tpu.vector_store %arg6[%swap3A_43], %broadcast_in_dim3A_42 {strides = array<i32>} : memref<640xf32, #tpu.memory_space<vmem>>, vector<16xf32>,
    %broadcast_in_dim3A_45 = arith.constant 0.000000e+00 : f32
    %broadcast_in_dim3A_46 = vector.broadcast %broadcast_in_dim3A_45 : f32 to vector<16xf32>
    %swap3A_47 = arith.constant 96 : index
    %swap3A_48 = tpu.vector_load %arg6[%swap3A_47] {strides = array<i32>} : memref<640xf32, #tpu.memory_space<vmem>>, vector<16xf32>,
    tpu.vector_store %arg6[%swap3A_47], %broadcast_in_dim3A_46 {strides = array<i32>} : memref<640xf32, #tpu.memory_space<vmem>>, vector<16xf32>,
    %broadcast_in_dim3A_49 = arith.constant 0.000000e+00 : f32
    %broadcast_in_dim3A_50 = vector.broadcast %broadcast_in_dim3A_49 : f32 to vector<16xf32>
    %swap3A_51 = arith.constant 112 : index
    %swap3A_52 = tpu.vector_load %arg6[%swap3A_51] {strides = array<i32>} : memref<640xf32, #tpu.memory_space<vmem>>, vector<16xf32>,
    tpu.vector_store %arg6[%swap3A_51], %broadcast_in_dim3A_50 {strides = array<i32>} : memref<640xf32, #tpu.memory_space<vmem>>, vector<16xf32>,
    %broadcast_in_dim3A_53 = arith.constant 0.000000e+00 : f32
    %broadcast_in_dim3A_54 = vector.broadcast %broadcast_in_dim3A_53 : f32 to vector<16xf32>
    %swap3A_55 = arith.constant 128 : index
    %swap3A_56 = tpu.vector_load %arg6[%swap3A_55] {strides = array<i32>} : memref<640xf32, #tpu.memory_space<vmem>>, vector<16xf32>,
    tpu.vector_store %arg6[%swap3A_55], %broadcast_in_dim3A_54 {strides = array<i32>} : memref<640xf32, #tpu.memory_space<vmem>>, vector<16xf32>,
    %broadcast_in_dim3A_57 = arith.constant 0.000000e+00 : f32
    %broadcast_in_dim3A_58 = vector.broadcast %broadcast_in_dim3A_57 : f32 to vector<16xf32>
    %swap3A_59 = arith.constant 144 : index
    %swap3A_60 = tpu.vector_load %arg6[%swap3A_59] {strides = array<i32>} : memref<640xf32, #tpu.memory_space<vmem>>, vector<16xf32>,
    tpu.vector_store %arg6[%swap3A_59], %broadcast_in_dim3A_58 {strides = array<i32>} : memref<640xf32, #tpu.memory_space<vmem>>, vector<16xf32>,
    %broadcast_in_dim3A_61 = arith.constant 0.000000e+00 : f32
    %broadcast_in_dim3A_62 = vector.broadcast %broadcast_in_dim3A_61 : f32 to vector<16xf32>
    %swap3A_63 = arith.constant 160 : index
    %swap3A_64 = tpu.vector_load %arg6[%swap3A_63] {strides = array<i32>} : memref<640xf32, #tpu.memory_space<vmem>>, vector<16xf32>,
    tpu.vector_store %arg6[%swap3A_63], %broadcast_in_dim3A_62 {strides = array<i32>} : memref<640xf32, #tpu.memory_space<vmem>>, vector<16xf32>,
    %broadcast_in_dim3A_65 = arith.constant 0.000000e+00 : f32
    %broadcast_in_dim3A_66 = vector.broadcast %broadcast_in_dim3A_65 : f32 to vector<16xf32>
    %swap3A_67 = arith.constant 176 : index
    %swap3A_68 = tpu.vector_load %arg6[%swap3A_67] {strides = array<i32>} : memref<640xf32, #tpu.memory_space<vmem>>, vector<16xf32>,
    tpu.vector_store %arg6[%swap3A_67], %broadcast_in_dim3A_66 {strides = array<i32>} : memref<640xf32, #tpu.memory_space<vmem>>, vector<16xf32>,
    %broadcast_in_dim3A_69 = arith.constant 0.000000e+00 : f32
    %broadcast_in_dim3A_70 = vector.broadcast %broadcast_in_dim3A_69 : f32 to vector<16xf32>
    %swap3A_71 = arith.constant 192 : index
    %swap3A_72 = tpu.vector_load %arg6[%swap3A_71] {strides = array<i32>} : memref<640xf32, #tpu.memory_space<vmem>>, vector<16xf32>,
    tpu.vector_store %arg6[%swap3A_71], %broadcast_in_dim3A_70 {strides = array<i32>} : memref<640xf32, #tpu.memory_space<vmem>>, vector<16xf32>,
    %broadcast_in_dim3A_73 = arith.constant 0.000000e+00 : f32
    %broadcast_in_dim3A_74 = vector.broadcast %broadcast_in_dim3A_73 : f32 to vector<16xf32>
    %swap3A_75 = arith.constant 208 : index
    %swap3A_76 = tpu.vector_load %arg6[%swap3A_75] {strides = array<i32>} : memref<640xf32, #tpu.memory_space<vmem>>, vector<16xf32>,
    tpu.vector_store %arg6[%swap3A_75], %broadcast_in_dim3A_74 {strides = array<i32>} : memref<640xf32, #tpu.memory_space<vmem>>, vector<16xf32>,
    %broadcast_in_dim3A_77 = arith.constant 0.000000e+00 : f32
    %broadcast_in_dim3A_78 = vector.broadcast %broadcast_in_dim3A_77 : f32 to vector<16xf32>
    %swap3A_79 = arith.constant 224 : index
    %swap3A_80 = tpu.vector_load %arg6[%swap3A_79] {strides = array<i32>} : memref<640xf32, #tpu.memory_space<vmem>>, vector<16xf32>,
    tpu.vector_store %arg6[%swap3A_79], %broadcast_in_dim3A_78 {strides = array<i32>} : memref<640xf32, #tpu.memory_space<vmem>>, vector<16xf32>,
    %broadcast_in_dim3A_81 = arith.constant 0.000000e+00 : f32
    %broadcast_in_dim3A_82 = vector.broadcast %broadcast_in_dim3A_81 : f32 to vector<16xf32>
    %swap3A_83 = arith.constant 240 : index
    %swap3A_84 = tpu.vector_load %arg6[%swap3A_83] {strides = array<i32>} : memref<640xf32, #tpu.memory_space<vmem>>, vector<16xf32>,
    tpu.vector_store %arg6[%swap3A_83], %broadcast_in_dim3A_82 {strides = array<i32>} : memref<640xf32, #tpu.memory_space<vmem>>, vector<16xf32>,
    %broadcast_in_dim3A_85 = arith.constant 0.000000e+00 : f32
    %broadcast_in_dim3A_86 = vector.broadcast %broadcast_in_dim3A_85 : f32 to vector<16xf32>
    %swap3A_87 = arith.constant 256 : index
    %swap3A_88 = tpu.vector_load %arg6[%swap3A_87] {strides = array<i32>} : memref<640xf32, #tpu.memory_space<vmem>>, vector<16xf32>,
    tpu.vector_store %arg6[%swap3A_87], %broadcast_in_dim3A_86 {strides = array<i32>} : memref<640xf32, #tpu.memory_space<vmem>>, vector<16xf32>,
    %broadcast_in_dim3A_89 = arith.constant 0.000000e+00 : f32
    %broadcast_in_dim3A_90 = vector.broadcast %broadcast_in_dim3A_89 : f32 to vector<16xf32>
    %swap3A_91 = arith.constant 272 : index
    %swap3A_92 = tpu.vector_load %arg6[%swap3A_91] {strides = array<i32>} : memref<640xf32, #tpu.memory_space<vmem>>, vector<16xf32>,
    tpu.vector_store %arg6[%swap3A_91], %broadcast_in_dim3A_90 {strides = array<i32>} : memref<640xf32, #tpu.memory_space<vmem>>, vector<16xf32>,
    %broadcast_in_dim3A_93 = arith.constant 0.000000e+00 : f32
    %broadcast_in_dim3A_94 = vector.broadcast %broadcast_in_dim3A_93 : f32 to vector<16xf32>
    %swap3A_95 = arith.constant 288 : index
    %swap3A_96 = tpu.vector_load %arg6[%swap3A_95] {strides = array<i32>} : memref<640xf32, #tpu.memory_space<vmem>>, vector<16xf32>,
    tpu.vector_store %arg6[%swap3A_95], %broadcast_in_dim3A_94 {strides = array<i32>} : memref<640xf32, #tpu.memory_space<vmem>>, vector<16xf32>,
    %broadcast_in_dim3A_97 = arith.constant 0.000000e+00 : f32
    %broadcast_in_dim3A_98 = vector.broadcast %broadcast_in_dim3A_97 : f32 to vector<16xf32>
    %swap3A_99 = arith.constant 304 : index
    %swap3A_100 = tpu.vector_load %arg6[%swap3A_99] {strides = array<i32>} : memref<640xf32, #tpu.memory_space<vmem>>, vector<16xf32>,
    tpu.vector_store %arg6[%swap3A_99], %broadcast_in_dim3A_98 {strides = array<i32>} : memref<640xf32, #tpu.memory_space<vmem>>, vector<16xf32>,
    %broadcast_in_dim3A_101 = arith.constant 0.000000e+00 : f32
    %broadcast_in_dim3A_102 = vector.broadcast %broadcast_in_dim3A_101 : f32 to vector<16xf32>
    %swap3A_103 = arith.constant 320 : index
    %swap3A_104 = tpu.vector_load %arg6[%swap3A_103] {strides = array<i32>} : memref<640xf32, #tpu.memory_space<vmem>>, vector<16xf32>,
    tpu.vector_store %arg6[%swap3A_103], %broadcast_in_dim3A_102 {strides = array<i32>} : memref<640xf32, #tpu.memory_space<vmem>>, vector<16xf32>,
    %broadcast_in_dim3A_105 = arith.constant 0.000000e+00 : f32
    %broadcast_in_dim3A_106 = vector.broadcast %broadcast_in_dim3A_105 : f32 to vector<16xf32>
    %swap3A_107 = arith.constant 336 : index
    %swap3A_108 = tpu.vector_load %arg6[%swap3A_107] {strides = array<i32>} : memref<640xf32, #tpu.memory_space<vmem>>, vector<16xf32>,
    tpu.vector_store %arg6[%swap3A_107], %broadcast_in_dim3A_106 {strides = array<i32>} : memref<640xf32, #tpu.memory_space<vmem>>, vector<16xf32>,
    %broadcast_in_dim3A_109 = arith.constant 0.000000e+00 : f32
    %broadcast_in_dim3A_110 = vector.broadcast %broadcast_in_dim3A_109 : f32 to vector<16xf32>
    %swap3A_111 = arith.constant 352 : index
    %swap3A_112 = tpu.vector_load %arg6[%swap3A_111] {strides = array<i32>} : memref<640xf32, #tpu.memory_space<vmem>>, vector<16xf32>,
    tpu.vector_store %arg6[%swap3A_111], %broadcast_in_dim3A_110 {strides = array<i32>} : memref<640xf32, #tpu.memory_space<vmem>>, vector<16xf32>,
    %broadcast_in_dim3A_113 = arith.constant 0.000000e+00 : f32
    %broadcast_in_dim3A_114 = vector.broadcast %broadcast_in_dim3A_113 : f32 to vector<16xf32>
    %swap3A_115 = arith.constant 368 : index
    %swap3A_116 = tpu.vector_load %arg6[%swap3A_115] {strides = array<i32>} : memref<640xf32, #tpu.memory_space<vmem>>, vector<16xf32>,
    tpu.vector_store %arg6[%swap3A_115], %broadcast_in_dim3A_114 {strides = array<i32>} : memref<640xf32, #tpu.memory_space<vmem>>, vector<16xf32>,
    %broadcast_in_dim3A_117 = arith.constant 0.000000e+00 : f32
    %broadcast_in_dim3A_118 = vector.broadcast %broadcast_in_dim3A_117 : f32 to vector<16xf32>
    %swap3A_119 = arith.constant 384 : index
    %swap3A_120 = tpu.vector_load %arg6[%swap3A_119] {strides = array<i32>} : memref<640xf32, #tpu.memory_space<vmem>>, vector<16xf32>,
    tpu.vector_store %arg6[%swap3A_119], %broadcast_in_dim3A_118 {strides = array<i32>} : memref<640xf32, #tpu.memory_space<vmem>>, vector<16xf32>,
    %broadcast_in_dim3A_121 = arith.constant 0.000000e+00 : f32
    %broadcast_in_dim3A_122 = vector.broadcast %broadcast_in_dim3A_121 : f32 to vector<16xf32>
    %swap3A_123 = arith.constant 400 : index
    %swap3A_124 = tpu.vector_load %arg6[%swap3A_123] {strides = array<i32>} : memref<640xf32, #tpu.memory_space<vmem>>, vector<16xf32>,
    tpu.vector_store %arg6[%swap3A_123], %broadcast_in_dim3A_122 {strides = array<i32>} : memref<640xf32, #tpu.memory_space<vmem>>, vector<16xf32>,
    %broadcast_in_dim3A_125 = arith.constant 0.000000e+00 : f32
    %broadcast_in_dim3A_126 = vector.broadcast %broadcast_in_dim3A_125 : f32 to vector<16xf32>
    %swap3A_127 = arith.constant 416 : index
    %swap3A_128 = tpu.vector_load %arg6[%swap3A_127] {strides = array<i32>} : memref<640xf32, #tpu.memory_space<vmem>>, vector<16xf32>,
    tpu.vector_store %arg6[%swap3A_127], %broadcast_in_dim3A_126 {strides = array<i32>} : memref<640xf32, #tpu.memory_space<vmem>>, vector<16xf32>,
    %broadcast_in_dim3A_129 = arith.constant 0.000000e+00 : f32
    %broadcast_in_dim3A_130 = vector.broadcast %broadcast_in_dim3A_129 : f32 to vector<16xf32>
    %swap3A_131 = arith.constant 432 : index
    %swap3A_132 = tpu.vector_load %arg6[%swap3A_131] {strides = array<i32>} : memref<640xf32, #tpu.memory_space<vmem>>, vector<16xf32>,
    tpu.vector_store %arg6[%swap3A_131], %broadcast_in_dim3A_130 {strides = array<i32>} : memref<640xf32, #tpu.memory_space<vmem>>, vector<16xf32>,
    %broadcast_in_dim3A_133 = arith.constant 0.000000e+00 : f32
    %broadcast_in_dim3A_134 = vector.broadcast %broadcast_in_dim3A_133 : f32 to vector<16xf32>
    %swap3A_135 = arith.constant 448 : index
    %swap3A_136 = tpu.vector_load %arg6[%swap3A_135] {strides = array<i32>} : memref<640xf32, #tpu.memory_space<vmem>>, vector<16xf32>,
    tpu.vector_store %arg6[%swap3A_135], %broadcast_in_dim3A_134 {strides = array<i32>} : memref<640xf32, #tpu.memory_space<vmem>>, vector<16xf32>,
    %broadcast_in_dim3A_137 = arith.constant 0.000000e+00 : f32
    %broadcast_in_dim3A_138 = vector.broadcast %broadcast_in_dim3A_137 : f32 to vector<16xf32>
    %swap3A_139 = arith.constant 464 : index
    %swap3A_140 = tpu.vector_load %arg6[%swap3A_139] {strides = array<i32>} : memref<640xf32, #tpu.memory_space<vmem>>, vector<16xf32>,
    tpu.vector_store %arg6[%swap3A_139], %broadcast_in_dim3A_138 {strides = array<i32>} : memref<640xf32, #tpu.memory_space<vmem>>, vector<16xf32>,
    %broadcast_in_dim3A_141 = arith.constant 0.000000e+00 : f32
    %broadcast_in_dim3A_142 = vector.broadcast %broadcast_in_dim3A_141 : f32 to vector<16xf32>
    %swap3A_143 = arith.constant 480 : index
    %swap3A_144 = tpu.vector_load %arg6[%swap3A_143] {strides = array<i32>} : memref<640xf32, #tpu.memory_space<vmem>>, vector<16xf32>,
    tpu.vector_store %arg6[%swap3A_143], %broadcast_in_dim3A_142 {strides = array<i32>} : memref<640xf32, #tpu.memory_space<vmem>>, vector<16xf32>,
    %broadcast_in_dim3A_145 = arith.constant 0.000000e+00 : f32
    %broadcast_in_dim3A_146 = vector.broadcast %broadcast_in_dim3A_145 : f32 to vector<16xf32>
    %swap3A_147 = arith.constant 496 : index
    %swap3A_148 = tpu.vector_load %arg6[%swap3A_147] {strides = array<i32>} : memref<640xf32, #tpu.memory_space<vmem>>, vector<16xf32>,
    tpu.vector_store %arg6[%swap3A_147], %broadcast_in_dim3A_146 {strides = array<i32>} : memref<640xf32, #tpu.memory_space<vmem>>, vector<16xf32>,
    %broadcast_in_dim3A_149 = arith.constant 0.000000e+00 : f32
    %broadcast_in_dim3A_150 = vector.broadcast %broadcast_in_dim3A_149 : f32 to vector<16xf32>
    %swap3A_151 = arith.constant 512 : index
    %swap3A_152 = tpu.vector_load %arg6[%swap3A_151] {strides = array<i32>} : memref<640xf32, #tpu.memory_space<vmem>>, vector<16xf32>,
    tpu.vector_store %arg6[%swap3A_151], %broadcast_in_dim3A_150 {strides = array<i32>} : memref<640xf32, #tpu.memory_space<vmem>>, vector<16xf32>,
    %broadcast_in_dim3A_153 = arith.constant 0.000000e+00 : f32
    %broadcast_in_dim3A_154 = vector.broadcast %broadcast_in_dim3A_153 : f32 to vector<16xf32>
    %swap3A_155 = arith.constant 528 : index
    %swap3A_156 = tpu.vector_load %arg6[%swap3A_155] {strides = array<i32>} : memref<640xf32, #tpu.memory_space<vmem>>, vector<16xf32>,
    tpu.vector_store %arg6[%swap3A_155], %broadcast_in_dim3A_154 {strides = array<i32>} : memref<640xf32, #tpu.memory_space<vmem>>, vector<16xf32>,
    %broadcast_in_dim3A_157 = arith.constant 0.000000e+00 : f32
    %broadcast_in_dim3A_158 = vector.broadcast %broadcast_in_dim3A_157 : f32 to vector<16xf32>
    %swap3A_159 = arith.constant 544 : index
    %swap3A_160 = tpu.vector_load %arg6[%swap3A_159] {strides = array<i32>} : memref<640xf32, #tpu.memory_space<vmem>>, vector<16xf32>,
    tpu.vector_store %arg6[%swap3A_159], %broadcast_in_dim3A_158 {strides = array<i32>} : memref<640xf32, #tpu.memory_space<vmem>>, vector<16xf32>,
    %broadcast_in_dim3A_161 = arith.constant 0.000000e+00 : f32
    %broadcast_in_dim3A_162 = vector.broadcast %broadcast_in_dim3A_161 : f32 to vector<16xf32>
    %swap3A_163 = arith.constant 560 : index
    %swap3A_164 = tpu.vector_load %arg6[%swap3A_163] {strides = array<i32>} : memref<640xf32, #tpu.memory_space<vmem>>, vector<16xf32>,
    tpu.vector_store %arg6[%swap3A_163], %broadcast_in_dim3A_162 {strides = array<i32>} : memref<640xf32, #tpu.memory_space<vmem>>, vector<16xf32>,
    %broadcast_in_dim3A_165 = arith.constant 0.000000e+00 : f32
    %broadcast_in_dim3A_166 = vector.broadcast %broadcast_in_dim3A_165 : f32 to vector<16xf32>
    %swap3A_167 = arith.constant 576 : index
    %swap3A_168 = tpu.vector_load %arg6[%swap3A_167] {strides = array<i32>} : memref<640xf32, #tpu.memory_space<vmem>>, vector<16xf32>,
    tpu.vector_store %arg6[%swap3A_167], %broadcast_in_dim3A_166 {strides = array<i32>} : memref<640xf32, #tpu.memory_space<vmem>>, vector<16xf32>,
    %broadcast_in_dim3A_169 = arith.constant 0.000000e+00 : f32
    %broadcast_in_dim3A_170 = vector.broadcast %broadcast_in_dim3A_169 : f32 to vector<16xf32>
    %swap3A_171 = arith.constant 592 : index
    %swap3A_172 = tpu.vector_load %arg6[%swap3A_171] {strides = array<i32>} : memref<640xf32, #tpu.memory_space<vmem>>, vector<16xf32>,
    tpu.vector_store %arg6[%swap3A_171], %broadcast_in_dim3A_170 {strides = array<i32>} : memref<640xf32, #tpu.memory_space<vmem>>, vector<16xf32>,
    %broadcast_in_dim3A_173 = arith.constant 0.000000e+00 : f32
    %broadcast_in_dim3A_174 = vector.broadcast %broadcast_in_dim3A_173 : f32 to vector<16xf32>
    %swap3A_175 = arith.constant 608 : index
    %swap3A_176 = tpu.vector_load %arg6[%swap3A_175] {strides = array<i32>} : memref<640xf32, #tpu.memory_space<vmem>>, vector<16xf32>,
    tpu.vector_store %arg6[%swap3A_175], %broadcast_in_dim3A_174 {strides = array<i32>} : memref<640xf32, #tpu.memory_space<vmem>>, vector<16xf32>,
    %broadcast_in_dim3A_177 = arith.constant 0.000000e+00 : f32
    %broadcast_in_dim3A_178 = vector.broadcast %broadcast_in_dim3A_177 : f32 to vector<16xf32>
    %swap3A_179 = arith.constant 624 : index
    %swap3A_180 = tpu.vector_load %arg6[%swap3A_179] {strides = array<i32>} : memref<640xf32, #tpu.memory_space<vmem>>, vector<16xf32>,
    tpu.vector_store %arg6[%swap3A_179], %broadcast_in_dim3A_178 {strides = array<i32>} : memref<640xf32, #tpu.memory_space<vmem>>, vector<16xf32>,
    %mul3A_181 = arith.constant 640 : i32
    %mul3A_182 = arith.muli %arg1, %mul3A_181 : i32
    "tpu.region"() ({
      %run_scoped3A = tpu.sem_alloc : memref<!tpu.dma_semaphore, #tpu.memory_space<semaphore_mem>>
      %dma_start3A_207 = tpu.memref_slice %arg7[%mul3A_182] : memref<10240xf32, #tpu.memory_space<vmem_shared>> -> memref<640xf32, #tpu.memory_space<vmem_shared>>
      %dma_start3A_208 = tpu.memref_slice %arg7[%mul3A_182] : memref<10240xf32, #tpu.memory_space<vmem_shared>> -> memref<640xf32, #tpu.memory_space<vmem_shared>>
      tpu.enqueue_dma source(%arg6 : memref<640xf32, #tpu.memory_space<vmem>>) target(%dma_start3A_208 : memref<640xf32, #tpu.memory_space<vmem_shared>>) target_semaphore(%run_scoped3A : memref<!tpu.dma_semaphore, #tpu.memory_space<semaphore_mem>>)
      %dma_wait3A = tpu.memref_slice %arg7[%mul3A_182] : memref<10240xf32, #tpu.memory_space<vmem_shared>> -> memref<640xf32, #tpu.memory_space<vmem_shared>>
      %dma_wait3A_209 = tpu.memref_slice %arg7[%mul3A_182] : memref<10240xf32, #tpu.memory_space<vmem_shared>> -> memref<640xf32, #tpu.memory_space<vmem_shared>>
      tpu.wait_dma2 semaphore(%run_scoped3A : memref<!tpu.dma_semaphore, #tpu.memory_space<semaphore_mem>>) src(%arg6 : memref<640xf32, #tpu.memory_space<vmem>>) dst(%dma_wait3A_209 : memref<640xf32, #tpu.memory_space<vmem_shared>>)
      tpu.yield
    }) : () -> ()
    %barrier3A = arith.constant 0 : index
    tpu.barrier barrier_id(%barrier3A)
    "tpu.region"() ({
      %run_scoped3A = tpu.sem_alloc : memref<!tpu.dma_semaphore, #tpu.memory_space<semaphore_mem>>
      %dma_start3A_207 = arith.constant 0 : i32
      %dma_start3A_208 = arith.constant 0 : i32
      %dma_start3A_209 = tpu.memref_slice %arg4[%dma_start3A_207, %dma_start3A_208] : memref<10x80xi32, #tpu.memory_space<vmem>> -> memref<5x80xi32, #tpu.memory_space<vmem>>
      %dma_start3A_210 = arith.constant 0 : i32
      %dma_start3A_211 = tpu.memref_slice %arg2[%mul3A_2, %dma_start3A_210] : memref<4000x80xi32, #tpu.memory_space<hbm>> -> memref<5x80xi32, #tpu.memory_space<hbm>>
      %dma_start3A_212 = arith.constant 0 : i32
      %dma_start3A_213 = arith.constant 0 : i32
      %dma_start3A_214 = tpu.memref_slice %arg4[%dma_start3A_212, %dma_start3A_213] : memref<10x80xi32, #tpu.memory_space<vmem>> -> memref<5x80xi32, #tpu.memory_space<vmem>>
      %dma_start3A_215 = arith.constant 0 : i32
      %dma_start3A_216 = tpu.memref_slice %arg2[%mul3A_2, %dma_start3A_215] : memref<4000x80xi32, #tpu.memory_space<hbm>> -> memref<5x80xi32, #tpu.memory_space<hbm>>
      tpu.enqueue_dma source(%dma_start3A_216 : memref<5x80xi32, #tpu.memory_space<hbm>>) target(%dma_start3A_214 : memref<5x80xi32, #tpu.memory_space<vmem>>) target_semaphore(%run_scoped3A : memref<!tpu.dma_semaphore, #tpu.memory_space<semaphore_mem>>)
      %dma_wait3A = arith.constant 0 : i32
      %dma_wait3A_217 = arith.constant 0 : i32
      %dma_wait3A_218 = tpu.memref_slice %arg4[%dma_wait3A, %dma_wait3A_217] : memref<10x80xi32, #tpu.memory_space<vmem>> -> memref<5x80xi32, #tpu.memory_space<vmem>>
      %dma_wait3A_219 = arith.constant 0 : i32
      %dma_wait3A_220 = tpu.memref_slice %arg2[%mul3A_2, %dma_wait3A_219] : memref<4000x80xi32, #tpu.memory_space<hbm>> -> memref<5x80xi32, #tpu.memory_space<hbm>>
      %dma_wait3A_221 = arith.constant 0 : i32
      %dma_wait3A_222 = arith.constant 0 : i32
      %dma_wait3A_223 = tpu.memref_slice %arg4[%dma_wait3A_221, %dma_wait3A_222] : memref<10x80xi32, #tpu.memory_space<vmem>> -> memref<5x80xi32, #tpu.memory_space<vmem>>
      %dma_wait3A_224 = arith.constant 0 : i32
      %dma_wait3A_225 = tpu.memref_slice %arg2[%mul3A_2, %dma_wait3A_224] : memref<4000x80xi32, #tpu.memory_space<hbm>> -> memref<5x80xi32, #tpu.memory_space<hbm>>
      tpu.wait_dma2 semaphore(%run_scoped3A : memref<!tpu.dma_semaphore, #tpu.memory_space<semaphore_mem>>) src(%dma_wait3A_225 : memref<5x80xi32, #tpu.memory_space<hbm>>) dst(%dma_wait3A_223 : memref<5x80xi32, #tpu.memory_space<vmem>>)
      tpu.yield
    }) : () -> ()
    %add3A_183 = arith.constant 5 : i32
    %add3A_184 = arith.addi %mul3A_2, %add3A_183 : i32
    %dma_start3A = arith.constant 5 : i32
    %dma_start3A_185 = arith.constant 0 : i32
    %dma_start3A_186 = tpu.memref_slice %arg4[%dma_start3A, %dma_start3A_185] : memref<10x80xi32, #tpu.memory_space<vmem>> -> memref<5x80xi32, #tpu.memory_space<vmem>>
    %dma_start3A_187 = arith.constant 0 : i32
    %dma_start3A_188 = tpu.memref_slice %arg2[%add3A_184, %dma_start3A_187] : memref<4000x80xi32, #tpu.memory_space<hbm>> -> memref<5x80xi32, #tpu.memory_space<hbm>>
    %dma_start3A_189 = arith.constant 5 : i32
    %dma_start3A_190 = arith.constant 0 : i32
    %dma_start3A_191 = tpu.memref_slice %arg4[%dma_start3A_189, %dma_start3A_190] : memref<10x80xi32, #tpu.memory_space<vmem>> -> memref<5x80xi32, #tpu.memory_space<vmem>>
    %dma_start3A_192 = arith.constant 0 : i32
    %dma_start3A_193 = tpu.memref_slice %arg2[%add3A_184, %dma_start3A_192] : memref<4000x80xi32, #tpu.memory_space<hbm>> -> memref<5x80xi32, #tpu.memory_space<hbm>>
    tpu.enqueue_dma source(%dma_start3A_193 : memref<5x80xi32, #tpu.memory_space<hbm>>) target(%dma_start3A_191 : memref<5x80xi32, #tpu.memory_space<vmem>>) target_semaphore(%arg8 : memref<!tpu.dma_semaphore, #tpu.memory_space<semaphore_mem>>)
    %scan3A = arith.constant 0 : i32
    %scan3A_194 = arith.constant 0 : i32
    %scan3A_195 = arith.constant 25 : i32
    %scan3A_196 = arith.addi %scan3A_194, %scan3A_195 : i32
    %scan3A_197 = arith.constant 1 : i32
    scf.for %scan3A_207 = %scan3A_194 to %scan3A_196 step %scan3A_197  : i32 {
      %rem3A = arith.constant 2 : i32
      %rem3A_208 = arith.remsi %scan3A_207, %rem3A : i32
      %mul3A_209 = arith.constant 5 : i32
      %mul3A_210 = arith.muli %rem3A_208, %mul3A_209 : i32
      %add3A_211 = arith.constant 0 : i32
      %add3A_212 = arith.addi %mul3A_210, %add3A_211 : i32
      "tpu.region"() ({
        %run_scoped3A = tpu.sem_alloc : memref<!tpu.dma_semaphore, #tpu.memory_space<semaphore_mem>>
        %dma_start3A_232 = arith.constant 0 : i32
        %dma_start3A_233 = tpu.memref_slice %arg4[%add3A_212, %dma_start3A_232] : memref<10x80xi32, #tpu.memory_space<vmem>> -> memref<1x80xi32, #tpu.memory_space<vmem>>
        %dma_start3A_234 = tpu.memref_squeeze %dma_start3A_233 : memref<1x80xi32, #tpu.memory_space<vmem>> -> memref<80xi32, #tpu.memory_space<vmem>>
        %dma_start3A_235 = arith.constant 0 : i32
        %dma_start3A_236 = tpu.memref_slice %arg7[%dma_start3A_235] : memref<10240xf32, #tpu.memory_space<vmem_shared>> -> memref<10240xf32, #tpu.memory_space<vmem_shared>>
        tpu.enqueue_indirect_dma source(%arg5 : memref<80xf32, #tpu.memory_space<vmem>>) target(%dma_start3A_236 : memref<10240xf32, #tpu.memory_space<vmem_shared>>) offsets(%dma_start3A_234 : memref<80xi32, #tpu.memory_space<vmem>>) semaphore(%run_scoped3A : memref<!tpu.dma_semaphore, #tpu.memory_space<semaphore_mem>>) {add = true}
        %dma_wait3A = arith.constant 0 : i32
        %dma_wait3A_237 = tpu.memref_slice %arg4[%add3A_212, %dma_wait3A] : memref<10x80xi32, #tpu.memory_space<vmem>> -> memref<1x80xi32, #tpu.memory_space<vmem>>
        %dma_wait3A_238 = tpu.memref_squeeze %dma_wait3A_237 : memref<1x80xi32, #tpu.memory_space<vmem>> -> memref<80xi32, #tpu.memory_space<vmem>>
        %dma_wait3A_239 = arith.constant 0 : i32
        %dma_wait3A_240 = tpu.memref_slice %arg7[%dma_wait3A_239] : memref<10240xf32, #tpu.memory_space<vmem_shared>> -> memref<10240xf32, #tpu.memory_space<vmem_shared>>
        tpu.wait_indirect_dma semaphore(%run_scoped3A : memref<!tpu.dma_semaphore, #tpu.memory_space<semaphore_mem>>) src(%arg5 : memref<80xf32, #tpu.memory_space<vmem>>) dst(%dma_wait3A_240 : memref<10240xf32, #tpu.memory_space<vmem_shared>>)
        tpu.yield
      }) : () -> ()
      %add3A_213 = arith.constant 1 : i32
      %add3A_214 = arith.addi %mul3A_210, %add3A_213 : i32
      "tpu.region"() ({
        %run_scoped3A = tpu.sem_alloc : memref<!tpu.dma_semaphore, #tpu.memory_space<semaphore_mem>>
        %dma_start3A_232 = arith.constant 0 : i32
        %dma_start3A_233 = tpu.memref_slice %arg4[%add3A_214, %dma_start3A_232] : memref<10x80xi32, #tpu.memory_space<vmem>> -> memref<1x80xi32, #tpu.memory_space<vmem>>
        %dma_start3A_234 = tpu.memref_squeeze %dma_start3A_233 : memref<1x80xi32, #tpu.memory_space<vmem>> -> memref<80xi32, #tpu.memory_space<vmem>>
        %dma_start3A_235 = arith.constant 0 : i32
        %dma_start3A_236 = tpu.memref_slice %arg7[%dma_start3A_235] : memref<10240xf32, #tpu.memory_space<vmem_shared>> -> memref<10240xf32, #tpu.memory_space<vmem_shared>>
        tpu.enqueue_indirect_dma source(%arg5 : memref<80xf32, #tpu.memory_space<vmem>>) target(%dma_start3A_236 : memref<10240xf32, #tpu.memory_space<vmem_shared>>) offsets(%dma_start3A_234 : memref<80xi32, #tpu.memory_space<vmem>>) semaphore(%run_scoped3A : memref<!tpu.dma_semaphore, #tpu.memory_space<semaphore_mem>>) {add = true}
        %dma_wait3A = arith.constant 0 : i32
        %dma_wait3A_237 = tpu.memref_slice %arg4[%add3A_214, %dma_wait3A] : memref<10x80xi32, #tpu.memory_space<vmem>> -> memref<1x80xi32, #tpu.memory_space<vmem>>
        %dma_wait3A_238 = tpu.memref_squeeze %dma_wait3A_237 : memref<1x80xi32, #tpu.memory_space<vmem>> -> memref<80xi32, #tpu.memory_space<vmem>>
        %dma_wait3A_239 = arith.constant 0 : i32
        %dma_wait3A_240 = tpu.memref_slice %arg7[%dma_wait3A_239] : memref<10240xf32, #tpu.memory_space<vmem_shared>> -> memref<10240xf32, #tpu.memory_space<vmem_shared>>
        tpu.wait_indirect_dma semaphore(%run_scoped3A : memref<!tpu.dma_semaphore, #tpu.memory_space<semaphore_mem>>) src(%arg5 : memref<80xf32, #tpu.memory_space<vmem>>) dst(%dma_wait3A_240 : memref<10240xf32, #tpu.memory_space<vmem_shared>>)
        tpu.yield
      }) : () -> ()
      %add3A_215 = arith.constant 2 : i32
      %add3A_216 = arith.addi %mul3A_210, %add3A_215 : i32
      "tpu.region"() ({
        %run_scoped3A = tpu.sem_alloc : memref<!tpu.dma_semaphore, #tpu.memory_space<semaphore_mem>>
        %dma_start3A_232 = arith.constant 0 : i32
        %dma_start3A_233 = tpu.memref_slice %arg4[%add3A_216, %dma_start3A_232] : memref<10x80xi32, #tpu.memory_space<vmem>> -> memref<1x80xi32, #tpu.memory_space<vmem>>
        %dma_start3A_234 = tpu.memref_squeeze %dma_start3A_233 : memref<1x80xi32, #tpu.memory_space<vmem>> -> memref<80xi32, #tpu.memory_space<vmem>>
        %dma_start3A_235 = arith.constant 0 : i32
        %dma_start3A_236 = tpu.memref_slice %arg7[%dma_start3A_235] : memref<10240xf32, #tpu.memory_space<vmem_shared>> -> memref<10240xf32, #tpu.memory_space<vmem_shared>>
        tpu.enqueue_indirect_dma source(%arg5 : memref<80xf32, #tpu.memory_space<vmem>>) target(%dma_start3A_236 : memref<10240xf32, #tpu.memory_space<vmem_shared>>) offsets(%dma_start3A_234 : memref<80xi32, #tpu.memory_space<vmem>>) semaphore(%run_scoped3A : memref<!tpu.dma_semaphore, #tpu.memory_space<semaphore_mem>>) {add = true}
        %dma_wait3A = arith.constant 0 : i32
        %dma_wait3A_237 = tpu.memref_slice %arg4[%add3A_216, %dma_wait3A] : memref<10x80xi32, #tpu.memory_space<vmem>> -> memref<1x80xi32, #tpu.memory_space<vmem>>
        %dma_wait3A_238 = tpu.memref_squeeze %dma_wait3A_237 : memref<1x80xi32, #tpu.memory_space<vmem>> -> memref<80xi32, #tpu.memory_space<vmem>>
        %dma_wait3A_239 = arith.constant 0 : i32
        %dma_wait3A_240 = tpu.memref_slice %arg7[%dma_wait3A_239] : memref<10240xf32, #tpu.memory_space<vmem_shared>> -> memref<10240xf32, #tpu.memory_space<vmem_shared>>
        tpu.wait_indirect_dma semaphore(%run_scoped3A : memref<!tpu.dma_semaphore, #tpu.memory_space<semaphore_mem>>) src(%arg5 : memref<80xf32, #tpu.memory_space<vmem>>) dst(%dma_wait3A_240 : memref<10240xf32, #tpu.memory_space<vmem_shared>>)
        tpu.yield
      }) : () -> ()
      %add3A_217 = arith.constant 3 : i32
      %add3A_218 = arith.addi %mul3A_210, %add3A_217 : i32
      "tpu.region"() ({
        %run_scoped3A = tpu.sem_alloc : memref<!tpu.dma_semaphore, #tpu.memory_space<semaphore_mem>>
        %dma_start3A_232 = arith.constant 0 : i32
        %dma_start3A_233 = tpu.memref_slice %arg4[%add3A_218, %dma_start3A_232] : memref<10x80xi32, #tpu.memory_space<vmem>> -> memref<1x80xi32, #tpu.memory_space<vmem>>
        %dma_start3A_234 = tpu.memref_squeeze %dma_start3A_233 : memref<1x80xi32, #tpu.memory_space<vmem>> -> memref<80xi32, #tpu.memory_space<vmem>>
        %dma_start3A_235 = arith.constant 0 : i32
        %dma_start3A_236 = tpu.memref_slice %arg7[%dma_start3A_235] : memref<10240xf32, #tpu.memory_space<vmem_shared>> -> memref<10240xf32, #tpu.memory_space<vmem_shared>>
        tpu.enqueue_indirect_dma source(%arg5 : memref<80xf32, #tpu.memory_space<vmem>>) target(%dma_start3A_236 : memref<10240xf32, #tpu.memory_space<vmem_shared>>) offsets(%dma_start3A_234 : memref<80xi32, #tpu.memory_space<vmem>>) semaphore(%run_scoped3A : memref<!tpu.dma_semaphore, #tpu.memory_space<semaphore_mem>>) {add = true}
        %dma_wait3A = arith.constant 0 : i32
        %dma_wait3A_237 = tpu.memref_slice %arg4[%add3A_218, %dma_wait3A] : memref<10x80xi32, #tpu.memory_space<vmem>> -> memref<1x80xi32, #tpu.memory_space<vmem>>
        %dma_wait3A_238 = tpu.memref_squeeze %dma_wait3A_237 : memref<1x80xi32, #tpu.memory_space<vmem>> -> memref<80xi32, #tpu.memory_space<vmem>>
        %dma_wait3A_239 = arith.constant 0 : i32
        %dma_wait3A_240 = tpu.memref_slice %arg7[%dma_wait3A_239] : memref<10240xf32, #tpu.memory_space<vmem_shared>> -> memref<10240xf32, #tpu.memory_space<vmem_shared>>
        tpu.wait_indirect_dma semaphore(%run_scoped3A : memref<!tpu.dma_semaphore, #tpu.memory_space<semaphore_mem>>) src(%arg5 : memref<80xf32, #tpu.memory_space<vmem>>) dst(%dma_wait3A_240 : memref<10240xf32, #tpu.memory_space<vmem_shared>>)
        tpu.yield
      }) : () -> ()
      %add3A_219 = arith.constant 4 : i32
      %add3A_220 = arith.addi %mul3A_210, %add3A_219 : i32
      "tpu.region"() ({
        %run_scoped3A = tpu.sem_alloc : memref<!tpu.dma_semaphore, #tpu.memory_space<semaphore_mem>>
        %dma_start3A_232 = arith.constant 0 : i32
        %dma_start3A_233 = tpu.memref_slice %arg4[%add3A_220, %dma_start3A_232] : memref<10x80xi32, #tpu.memory_space<vmem>> -> memref<1x80xi32, #tpu.memory_space<vmem>>
        %dma_start3A_234 = tpu.memref_squeeze %dma_start3A_233 : memref<1x80xi32, #tpu.memory_space<vmem>> -> memref<80xi32, #tpu.memory_space<vmem>>
        %dma_start3A_235 = arith.constant 0 : i32
        %dma_start3A_236 = tpu.memref_slice %arg7[%dma_start3A_235] : memref<10240xf32, #tpu.memory_space<vmem_shared>> -> memref<10240xf32, #tpu.memory_space<vmem_shared>>
        tpu.enqueue_indirect_dma source(%arg5 : memref<80xf32, #tpu.memory_space<vmem>>) target(%dma_start3A_236 : memref<10240xf32, #tpu.memory_space<vmem_shared>>) offsets(%dma_start3A_234 : memref<80xi32, #tpu.memory_space<vmem>>) semaphore(%run_scoped3A : memref<!tpu.dma_semaphore, #tpu.memory_space<semaphore_mem>>) {add = true}
        %dma_wait3A = arith.constant 0 : i32
        %dma_wait3A_237 = tpu.memref_slice %arg4[%add3A_220, %dma_wait3A] : memref<10x80xi32, #tpu.memory_space<vmem>> -> memref<1x80xi32, #tpu.memory_space<vmem>>
        %dma_wait3A_238 = tpu.memref_squeeze %dma_wait3A_237 : memref<1x80xi32, #tpu.memory_space<vmem>> -> memref<80xi32, #tpu.memory_space<vmem>>
        %dma_wait3A_239 = arith.constant 0 : i32
        %dma_wait3A_240 = tpu.memref_slice %arg7[%dma_wait3A_239] : memref<10240xf32, #tpu.memory_space<vmem_shared>> -> memref<10240xf32, #tpu.memory_space<vmem_shared>>
        tpu.wait_indirect_dma semaphore(%run_scoped3A : memref<!tpu.dma_semaphore, #tpu.memory_space<semaphore_mem>>) src(%arg5 : memref<80xf32, #tpu.memory_space<vmem>>) dst(%dma_wait3A_240 : memref<10240xf32, #tpu.memory_space<vmem_shared>>)
        tpu.yield
      }) : () -> ()
      %add3A_221 = arith.constant 1 : i32
      %add3A_222 = arith.addi %scan3A_207, %add3A_221 : i32
      %lt3A = arith.constant 25 : i32
      %lt3A_223 = arith.cmpi slt, %add3A_222, %lt3A : i32
      %convert_element_type3A = arith.extui %lt3A_223 : i1 to i32
      %cond3A = arith.constant 0 : i32
      %cond3A_224 = arith.cmpi ne, %convert_element_type3A, %cond3A : i32
      scf.if %cond3A_224 {
        %dma_wait3A = arith.constant 0 : i32
        %dma_wait3A_232 = arith.constant 0 : i32
        %dma_wait3A_233 = tpu.memref_slice %arg4[%dma_wait3A, %dma_wait3A_232] : memref<10x80xi32, #tpu.memory_space<vmem>> -> memref<5x80xi32, #tpu.memory_space<vmem>>
        %dma_wait3A_234 = arith.constant 0 : i32
        %dma_wait3A_235 = arith.constant 0 : i32
        %dma_wait3A_236 = tpu.memref_slice %arg2[%dma_wait3A_234, %dma_wait3A_235] : memref<4000x80xi32, #tpu.memory_space<hbm>> -> memref<5x80xi32, #tpu.memory_space<hbm>>
        %dma_wait3A_237 = arith.constant 0 : i32
        %dma_wait3A_238 = arith.constant 0 : i32
        %dma_wait3A_239 = tpu.memref_slice %arg4[%dma_wait3A_237, %dma_wait3A_238] : memref<10x80xi32, #tpu.memory_space<vmem>> -> memref<5x80xi32, #tpu.memory_space<vmem>>
        %dma_wait3A_240 = arith.constant 0 : i32
        %dma_wait3A_241 = arith.constant 0 : i32
        %dma_wait3A_242 = tpu.memref_slice %arg2[%dma_wait3A_240, %dma_wait3A_241] : memref<4000x80xi32, #tpu.memory_space<hbm>> -> memref<5x80xi32, #tpu.memory_space<hbm>>
        tpu.wait_dma2 semaphore(%arg8 : memref<!tpu.dma_semaphore, #tpu.memory_space<semaphore_mem>>) src(%dma_wait3A_242 : memref<5x80xi32, #tpu.memory_space<hbm>>) dst(%dma_wait3A_239 : memref<5x80xi32, #tpu.memory_space<vmem>>)
      } else {
      }
      %add3A_225 = arith.constant 2 : i32
      %add3A_226 = arith.addi %scan3A_207, %add3A_225 : i32
      %lt3A_227 = arith.constant 25 : i32
      %lt3A_228 = arith.cmpi slt, %add3A_226, %lt3A_227 : i32
      %convert_element_type3A_229 = arith.extui %lt3A_228 : i1 to i32
      %cond3A_230 = arith.constant 0 : i32
      %cond3A_231 = arith.cmpi ne, %convert_element_type3A_229, %cond3A_230 : i32
      scf.if %cond3A_231 {
        %add3A_232 = arith.constant 2 : i32
        %add3A_233 = arith.addi %scan3A_207, %add3A_232 : i32
        %mul3A_234 = arith.constant 5 : i32
        %mul3A_235 = arith.muli %add3A_233, %mul3A_234 : i32
        %add3A_236 = arith.addi %mul3A_2, %mul3A_235 : i32
        %dma_start3A_237 = arith.constant 0 : i32
        %dma_start3A_238 = tpu.memref_slice %arg4[%mul3A_210, %dma_start3A_237] : memref<10x80xi32, #tpu.memory_space<vmem>> -> memref<5x80xi32, #tpu.memory_space<vmem>>
        %dma_start3A_239 = arith.constant 0 : i32
        %dma_start3A_240 = tpu.memref_slice %arg2[%add3A_236, %dma_start3A_239] : memref<4000x80xi32, #tpu.memory_space<hbm>> -> memref<5x80xi32, #tpu.memory_space<hbm>>
        %dma_start3A_241 = arith.constant 0 : i32
        %dma_start3A_242 = tpu.memref_slice %arg4[%mul3A_210, %dma_start3A_241] : memref<10x80xi32, #tpu.memory_space<vmem>> -> memref<5x80xi32, #tpu.memory_space<vmem>>
        %dma_start3A_243 = arith.constant 0 : i32
        %dma_start3A_244 = tpu.memref_slice %arg2[%add3A_236, %dma_start3A_243] : memref<4000x80xi32, #tpu.memory_space<hbm>> -> memref<5x80xi32, #tpu.memory_space<hbm>>
        tpu.enqueue_dma source(%dma_start3A_244 : memref<5x80xi32, #tpu.memory_space<hbm>>) target(%dma_start3A_242 : memref<5x80xi32, #tpu.memory_space<vmem>>) target_semaphore(%arg8 : memref<!tpu.dma_semaphore, #tpu.memory_space<semaphore_mem>>)
      } else {
      }
    }
    %scan3A_198 = arith.constant 25 : i32
    %barrier3A_199 = arith.constant 0 : index
    tpu.barrier barrier_id(%barrier3A_199)
    %mul3A_200 = arith.constant 640 : i32
    %mul3A_201 = arith.muli %arg1, %mul3A_200 : i32
    %mul3A_202 = arith.constant 10240 : i32
    %mul3A_203 = arith.muli %arg0, %mul3A_202 : i32
    %mul3A_204 = arith.constant 640 : i32
    %mul3A_205 = arith.muli %arg1, %mul3A_204 : i32
    %add3A_206 = arith.addi %mul3A_203, %mul3A_205 : i32
    "tpu.region"() ({
      %run_scoped3A = tpu.sem_alloc : memref<!tpu.dma_semaphore, #tpu.memory_space<semaphore_mem>>
      %dma_start3A_207 = tpu.memref_slice %arg3[%add3A_206] : memref<20480xf32, #tpu.memory_space<hbm>> -> memref<640xf32, #tpu.memory_space<hbm>>
      %dma_start3A_208 = tpu.memref_slice %arg7[%mul3A_201] : memref<10240xf32, #tpu.memory_space<vmem_shared>> -> memref<640xf32, #tpu.memory_space<vmem_shared>>
      tpu.enqueue_dma source(%dma_start3A_208 : memref<640xf32, #tpu.memory_space<vmem_shared>>) target(%dma_start3A_207 : memref<640xf32, #tpu.memory_space<hbm>>) target_semaphore(%run_scoped3A : memref<!tpu.dma_semaphore, #tpu.memory_space<semaphore_mem>>)
      %dma_wait3A = tpu.memref_slice %arg3[%add3A_206] : memref<20480xf32, #tpu.memory_space<hbm>> -> memref<640xf32, #tpu.memory_space<hbm>>
      %dma_wait3A_209 = tpu.memref_slice %arg7[%mul3A_201] : memref<10240xf32, #tpu.memory_space<vmem_shared>> -> memref<640xf32, #tpu.memory_space<vmem_shared>>
      tpu.wait_dma2 semaphore(%run_scoped3A : memref<!tpu.dma_semaphore, #tpu.memory_space<semaphore_mem>>) src(%dma_wait3A_209 : memref<640xf32, #tpu.memory_space<vmem_shared>>) dst(%dma_wait3A : memref<640xf32, #tpu.memory_space<hbm>>)
      tpu.yield
    }) : () -> ()
    return
  }
}

#map = affine_map<(d0, d1) -> (0, 0)>
#map1 = affine_map<(d0, d1) -> (0, 0, 0)>
#map2 = affine_map<(d0, d1) -> (0)>
module attributes {stable_mosaic.version = 14 : i64} {
  func.func @decode(%arg0: i32, %arg1: i32, %arg2: memref<10000x64xf32, #tpu.memory_space<hbm>>, %arg3: memref<32x10x64xi32, #tpu.memory_space<hbm>>, %arg4: memref<32x10x64xi32, #tpu.memory_space<hbm>>, %arg5: memref<20480xf32, #tpu.memory_space<hbm>>, %arg6: memref<10x64xi32, #tpu.memory_space<vmem>>, %arg7: memref<10x64xi32, #tpu.memory_space<vmem>>, %arg8: memref<128x64xf32, #tpu.memory_space<vmem>>, %arg9: memref<128x64xf32, #tpu.memory_space<vmem>>, %arg10: memref<64xf32, #tpu.memory_space<vmem>>, %arg11: memref<!tpu.dma_semaphore, #tpu.memory_space<semaphore_mem>>) attributes {dimension_semantics = [#tpu.dimension_semantics<core_parallel>, #tpu.dimension_semantics<subcore_parallel>], iteration_bounds = array<i64: 2, 16>, scalar_prefetch = 0 : i64, scratch_operands = 6 : i64, tpu.core_type = #tpu.core_type<sc_vector_subcore>, window_params = [{transform_indices = #map}, {transform_indices = #map1}, {transform_indices = #map1}, {transform_indices = #map2}]} {
    %mul3A = arith.constant 16 : i32
    %mul3A_0 = arith.muli %arg0, %mul3A : i32
    %add3A = arith.addi %mul3A_0, %arg1 : i32
    "tpu.region"() ({
      %run_scoped3A = tpu.sem_alloc : memref<!tpu.dma_semaphore, #tpu.memory_space<semaphore_mem>>
      %dma_start3A_25 = arith.constant 0 : i32
      %dma_start3A_26 = arith.constant 0 : i32
      %dma_start3A_27 = tpu.memref_slice %arg3[%add3A, %dma_start3A_25, %dma_start3A_26] : memref<32x10x64xi32, #tpu.memory_space<hbm>> -> memref<1x10x64xi32, #tpu.memory_space<hbm>>
      %dma_start3A_28 = tpu.memref_squeeze %dma_start3A_27 : memref<1x10x64xi32, #tpu.memory_space<hbm>> -> memref<10x64xi32, #tpu.memory_space<hbm>>
      %dma_start3A_29 = arith.constant 0 : i32
      %dma_start3A_30 = arith.constant 0 : i32
      %dma_start3A_31 = tpu.memref_slice %arg3[%add3A, %dma_start3A_29, %dma_start3A_30] : memref<32x10x64xi32, #tpu.memory_space<hbm>> -> memref<1x10x64xi32, #tpu.memory_space<hbm>>
      %dma_start3A_32 = tpu.memref_squeeze %dma_start3A_31 : memref<1x10x64xi32, #tpu.memory_space<hbm>> -> memref<10x64xi32, #tpu.memory_space<hbm>>
      tpu.enqueue_dma source(%dma_start3A_32 : memref<10x64xi32, #tpu.memory_space<hbm>>) target(%arg6 : memref<10x64xi32, #tpu.memory_space<vmem>>) target_semaphore(%run_scoped3A : memref<!tpu.dma_semaphore, #tpu.memory_space<semaphore_mem>>)
      %dma_wait3A = arith.constant 0 : i32
      %dma_wait3A_33 = arith.constant 0 : i32
      %dma_wait3A_34 = tpu.memref_slice %arg3[%add3A, %dma_wait3A, %dma_wait3A_33] : memref<32x10x64xi32, #tpu.memory_space<hbm>> -> memref<1x10x64xi32, #tpu.memory_space<hbm>>
      %dma_wait3A_35 = tpu.memref_squeeze %dma_wait3A_34 : memref<1x10x64xi32, #tpu.memory_space<hbm>> -> memref<10x64xi32, #tpu.memory_space<hbm>>
      %dma_wait3A_36 = arith.constant 0 : i32
      %dma_wait3A_37 = arith.constant 0 : i32
      %dma_wait3A_38 = tpu.memref_slice %arg3[%add3A, %dma_wait3A_36, %dma_wait3A_37] : memref<32x10x64xi32, #tpu.memory_space<hbm>> -> memref<1x10x64xi32, #tpu.memory_space<hbm>>
      %dma_wait3A_39 = tpu.memref_squeeze %dma_wait3A_38 : memref<1x10x64xi32, #tpu.memory_space<hbm>> -> memref<10x64xi32, #tpu.memory_space<hbm>>
      tpu.wait_dma2 semaphore(%run_scoped3A : memref<!tpu.dma_semaphore, #tpu.memory_space<semaphore_mem>>) src(%dma_wait3A_39 : memref<10x64xi32, #tpu.memory_space<hbm>>) dst(%arg6 : memref<10x64xi32, #tpu.memory_space<vmem>>)
      tpu.yield
    }) : () -> ()
    "tpu.region"() ({
      %run_scoped3A = tpu.sem_alloc : memref<!tpu.dma_semaphore, #tpu.memory_space<semaphore_mem>>
      %dma_start3A_25 = arith.constant 0 : i32
      %dma_start3A_26 = arith.constant 0 : i32
      %dma_start3A_27 = tpu.memref_slice %arg4[%add3A, %dma_start3A_25, %dma_start3A_26] : memref<32x10x64xi32, #tpu.memory_space<hbm>> -> memref<1x10x64xi32, #tpu.memory_space<hbm>>
      %dma_start3A_28 = tpu.memref_squeeze %dma_start3A_27 : memref<1x10x64xi32, #tpu.memory_space<hbm>> -> memref<10x64xi32, #tpu.memory_space<hbm>>
      %dma_start3A_29 = arith.constant 0 : i32
      %dma_start3A_30 = arith.constant 0 : i32
      %dma_start3A_31 = tpu.memref_slice %arg4[%add3A, %dma_start3A_29, %dma_start3A_30] : memref<32x10x64xi32, #tpu.memory_space<hbm>> -> memref<1x10x64xi32, #tpu.memory_space<hbm>>
      %dma_start3A_32 = tpu.memref_squeeze %dma_start3A_31 : memref<1x10x64xi32, #tpu.memory_space<hbm>> -> memref<10x64xi32, #tpu.memory_space<hbm>>
      tpu.enqueue_dma source(%dma_start3A_32 : memref<10x64xi32, #tpu.memory_space<hbm>>) target(%arg7 : memref<10x64xi32, #tpu.memory_space<vmem>>) target_semaphore(%run_scoped3A : memref<!tpu.dma_semaphore, #tpu.memory_space<semaphore_mem>>)
      %dma_wait3A = arith.constant 0 : i32
      %dma_wait3A_33 = arith.constant 0 : i32
      %dma_wait3A_34 = tpu.memref_slice %arg4[%add3A, %dma_wait3A, %dma_wait3A_33] : memref<32x10x64xi32, #tpu.memory_space<hbm>> -> memref<1x10x64xi32, #tpu.memory_space<hbm>>
      %dma_wait3A_35 = tpu.memref_squeeze %dma_wait3A_34 : memref<1x10x64xi32, #tpu.memory_space<hbm>> -> memref<10x64xi32, #tpu.memory_space<hbm>>
      %dma_wait3A_36 = arith.constant 0 : i32
      %dma_wait3A_37 = arith.constant 0 : i32
      %dma_wait3A_38 = tpu.memref_slice %arg4[%add3A, %dma_wait3A_36, %dma_wait3A_37] : memref<32x10x64xi32, #tpu.memory_space<hbm>> -> memref<1x10x64xi32, #tpu.memory_space<hbm>>
      %dma_wait3A_39 = tpu.memref_squeeze %dma_wait3A_38 : memref<1x10x64xi32, #tpu.memory_space<hbm>> -> memref<10x64xi32, #tpu.memory_space<hbm>>
      tpu.wait_dma2 semaphore(%run_scoped3A : memref<!tpu.dma_semaphore, #tpu.memory_space<semaphore_mem>>) src(%dma_wait3A_39 : memref<10x64xi32, #tpu.memory_space<hbm>>) dst(%arg7 : memref<10x64xi32, #tpu.memory_space<vmem>>)
      tpu.yield
    }) : () -> ()
    %iota3A = tpu.iota {dimensions = array<i32: 0>} : vector<16xi32>
    %dma_start3A = arith.constant 0 : i32
    %dma_start3A_1 = arith.constant 0 : i32
    %dma_start3A_2 = arith.constant 0 : i32
    %dma_start3A_3 = tpu.memref_slice %arg8[%dma_start3A_1, %dma_start3A_2] : memref<128x64xf32, #tpu.memory_space<vmem>> -> memref<64x64xf32, #tpu.memory_space<vmem>>
    %dma_start3A_4 = arith.constant 0 : i32
    %dma_start3A_5 = tpu.memref_slice %arg6[%dma_start3A, %dma_start3A_4] : memref<10x64xi32, #tpu.memory_space<vmem>> -> memref<1x64xi32, #tpu.memory_space<vmem>>
    %dma_start3A_6 = tpu.memref_squeeze %dma_start3A_5 : memref<1x64xi32, #tpu.memory_space<vmem>> -> memref<64xi32, #tpu.memory_space<vmem>>
    %dma_start3A_7 = arith.constant 0 : i32
    %dma_start3A_8 = arith.constant 0 : i32
    %dma_start3A_9 = tpu.memref_slice %arg2[%dma_start3A_7, %dma_start3A_8] : memref<10000x64xf32, #tpu.memory_space<hbm>> -> memref<10000x64xf32, #tpu.memory_space<hbm>>
    tpu.enqueue_indirect_dma source(%dma_start3A_9 : memref<10000x64xf32, #tpu.memory_space<hbm>>) target(%dma_start3A_3 : memref<64x64xf32, #tpu.memory_space<vmem>>) offsets(%dma_start3A_6 : memref<64xi32, #tpu.memory_space<vmem>>) semaphore(%arg11 : memref<!tpu.dma_semaphore, #tpu.memory_space<semaphore_mem>>)
    %dma_start3A_10 = arith.constant 0 : i32
    %dma_start3A_11 = arith.constant 0 : i32
    %dma_start3A_12 = arith.constant 0 : i32
    %dma_start3A_13 = tpu.memref_slice %arg9[%dma_start3A_11, %dma_start3A_12] : memref<128x64xf32, #tpu.memory_space<vmem>> -> memref<64x64xf32, #tpu.memory_space<vmem>>
    %dma_start3A_14 = arith.constant 0 : i32
    %dma_start3A_15 = tpu.memref_slice %arg7[%dma_start3A_10, %dma_start3A_14] : memref<10x64xi32, #tpu.memory_space<vmem>> -> memref<1x64xi32, #tpu.memory_space<vmem>>
    %dma_start3A_16 = tpu.memref_squeeze %dma_start3A_15 : memref<1x64xi32, #tpu.memory_space<vmem>> -> memref<64xi32, #tpu.memory_space<vmem>>
    %dma_start3A_17 = arith.constant 0 : i32
    %dma_start3A_18 = arith.constant 0 : i32
    %dma_start3A_19 = tpu.memref_slice %arg2[%dma_start3A_17, %dma_start3A_18] : memref<10000x64xf32, #tpu.memory_space<hbm>> -> memref<10000x64xf32, #tpu.memory_space<hbm>>
    tpu.enqueue_indirect_dma source(%dma_start3A_19 : memref<10000x64xf32, #tpu.memory_space<hbm>>) target(%dma_start3A_13 : memref<64x64xf32, #tpu.memory_space<vmem>>) offsets(%dma_start3A_16 : memref<64xi32, #tpu.memory_space<vmem>>) semaphore(%arg11 : memref<!tpu.dma_semaphore, #tpu.memory_space<semaphore_mem>>)
    %scan3A = arith.constant 0 : i32
    %scan3A_20 = arith.constant 0 : i32
    %scan3A_21 = arith.constant 10 : i32
    %scan3A_22 = arith.addi %scan3A_20, %scan3A_21 : i32
    %scan3A_23 = arith.constant 1 : i32
    scf.for %scan3A_25 = %scan3A_20 to %scan3A_22 step %scan3A_23  : i32 {
      %rem3A = arith.constant 2 : i32
      %rem3A_26 = arith.remsi %scan3A_25, %rem3A : i32
      %mul3A_27 = arith.constant 64 : i32
      %mul3A_28 = arith.muli %rem3A_26, %mul3A_27 : i32
      %dma_wait3A = arith.constant 0 : i32
      %dma_wait3A_29 = arith.constant 0 : i32
      %dma_wait3A_30 = arith.constant 0 : i32
      %dma_wait3A_31 = tpu.memref_slice %arg8[%dma_wait3A_29, %dma_wait3A_30] : memref<128x64xf32, #tpu.memory_space<vmem>> -> memref<64x64xf32, #tpu.memory_space<vmem>>
      %dma_wait3A_32 = arith.constant 0 : i32
      %dma_wait3A_33 = tpu.memref_slice %arg6[%dma_wait3A, %dma_wait3A_32] : memref<10x64xi32, #tpu.memory_space<vmem>> -> memref<1x64xi32, #tpu.memory_space<vmem>>
      %dma_wait3A_34 = tpu.memref_squeeze %dma_wait3A_33 : memref<1x64xi32, #tpu.memory_space<vmem>> -> memref<64xi32, #tpu.memory_space<vmem>>
      %dma_wait3A_35 = arith.constant 0 : i32
      %dma_wait3A_36 = arith.constant 0 : i32
      %dma_wait3A_37 = tpu.memref_slice %arg2[%dma_wait3A_35, %dma_wait3A_36] : memref<10000x64xf32, #tpu.memory_space<hbm>> -> memref<10000x64xf32, #tpu.memory_space<hbm>>
      tpu.wait_indirect_dma semaphore(%arg11 : memref<!tpu.dma_semaphore, #tpu.memory_space<semaphore_mem>>) src(%dma_wait3A_37 : memref<10000x64xf32, #tpu.memory_space<hbm>>) dst(%dma_wait3A_31 : memref<64x64xf32, #tpu.memory_space<vmem>>)
      %dma_wait3A_38 = arith.constant 0 : i32
      %dma_wait3A_39 = arith.constant 0 : i32
      %dma_wait3A_40 = arith.constant 0 : i32
      %dma_wait3A_41 = tpu.memref_slice %arg8[%dma_wait3A_39, %dma_wait3A_40] : memref<128x64xf32, #tpu.memory_space<vmem>> -> memref<64x64xf32, #tpu.memory_space<vmem>>
      %dma_wait3A_42 = arith.constant 0 : i32
      %dma_wait3A_43 = tpu.memref_slice %arg6[%dma_wait3A_38, %dma_wait3A_42] : memref<10x64xi32, #tpu.memory_space<vmem>> -> memref<1x64xi32, #tpu.memory_space<vmem>>
      %dma_wait3A_44 = tpu.memref_squeeze %dma_wait3A_43 : memref<1x64xi32, #tpu.memory_space<vmem>> -> memref<64xi32, #tpu.memory_space<vmem>>
      %dma_wait3A_45 = arith.constant 0 : i32
      %dma_wait3A_46 = arith.constant 0 : i32
      %dma_wait3A_47 = tpu.memref_slice %arg2[%dma_wait3A_45, %dma_wait3A_46] : memref<10000x64xf32, #tpu.memory_space<hbm>> -> memref<10000x64xf32, #tpu.memory_space<hbm>>
      tpu.wait_indirect_dma semaphore(%arg11 : memref<!tpu.dma_semaphore, #tpu.memory_space<semaphore_mem>>) src(%dma_wait3A_47 : memref<10000x64xf32, #tpu.memory_space<hbm>>) dst(%dma_wait3A_41 : memref<64x64xf32, #tpu.memory_space<vmem>>)
      %add3A_48 = arith.constant 1 : i32
      %add3A_49 = arith.addi %scan3A_25, %add3A_48 : i32
      %lt3A = arith.constant 10 : i32
      %lt3A_50 = arith.cmpi slt, %add3A_49, %lt3A : i32
      %convert_element_type3A = arith.extui %lt3A_50 : i1 to i32
      %cond3A = arith.constant 0 : i32
      %cond3A_51 = arith.cmpi ne, %convert_element_type3A, %cond3A : i32
      scf.if %cond3A_51 {
        %sub3A = arith.constant 64 : i32
        %sub3A_117 = arith.subi %sub3A, %mul3A_28 : i32
        %add3A_118 = arith.constant 1 : i32
        %add3A_119 = arith.addi %scan3A_25, %add3A_118 : i32
        %dma_start3A_120 = arith.constant 0 : i32
        %dma_start3A_121 = tpu.memref_slice %arg8[%sub3A_117, %dma_start3A_120] : memref<128x64xf32, #tpu.memory_space<vmem>> -> memref<64x64xf32, #tpu.memory_space<vmem>>
        %dma_start3A_122 = arith.constant 0 : i32
        %dma_start3A_123 = tpu.memref_slice %arg6[%add3A_119, %dma_start3A_122] : memref<10x64xi32, #tpu.memory_space<vmem>> -> memref<1x64xi32, #tpu.memory_space<vmem>>
        %dma_start3A_124 = tpu.memref_squeeze %dma_start3A_123 : memref<1x64xi32, #tpu.memory_space<vmem>> -> memref<64xi32, #tpu.memory_space<vmem>>
        %dma_start3A_125 = arith.constant 0 : i32
        %dma_start3A_126 = arith.constant 0 : i32
        %dma_start3A_127 = tpu.memref_slice %arg2[%dma_start3A_125, %dma_start3A_126] : memref<10000x64xf32, #tpu.memory_space<hbm>> -> memref<10000x64xf32, #tpu.memory_space<hbm>>
        tpu.enqueue_indirect_dma source(%dma_start3A_127 : memref<10000x64xf32, #tpu.memory_space<hbm>>) target(%dma_start3A_121 : memref<64x64xf32, #tpu.memory_space<vmem>>) offsets(%dma_start3A_124 : memref<64xi32, #tpu.memory_space<vmem>>) semaphore(%arg11 : memref<!tpu.dma_semaphore, #tpu.memory_space<semaphore_mem>>)
        %add3A_128 = arith.constant 1 : i32
        %add3A_129 = arith.addi %scan3A_25, %add3A_128 : i32
        %dma_start3A_130 = arith.constant 0 : i32
        %dma_start3A_131 = tpu.memref_slice %arg9[%sub3A_117, %dma_start3A_130] : memref<128x64xf32, #tpu.memory_space<vmem>> -> memref<64x64xf32, #tpu.memory_space<vmem>>
        %dma_start3A_132 = arith.constant 0 : i32
        %dma_start3A_133 = tpu.memref_slice %arg7[%add3A_129, %dma_start3A_132] : memref<10x64xi32, #tpu.memory_space<vmem>> -> memref<1x64xi32, #tpu.memory_space<vmem>>
        %dma_start3A_134 = tpu.memref_squeeze %dma_start3A_133 : memref<1x64xi32, #tpu.memory_space<vmem>> -> memref<64xi32, #tpu.memory_space<vmem>>
        %dma_start3A_135 = arith.constant 0 : i32
        %dma_start3A_136 = arith.constant 0 : i32
        %dma_start3A_137 = tpu.memref_slice %arg2[%dma_start3A_135, %dma_start3A_136] : memref<10000x64xf32, #tpu.memory_space<hbm>> -> memref<10000x64xf32, #tpu.memory_space<hbm>>
        tpu.enqueue_indirect_dma source(%dma_start3A_137 : memref<10000x64xf32, #tpu.memory_space<hbm>>) target(%dma_start3A_131 : memref<64x64xf32, #tpu.memory_space<vmem>>) offsets(%dma_start3A_134 : memref<64xi32, #tpu.memory_space<vmem>>) semaphore(%arg11 : memref<!tpu.dma_semaphore, #tpu.memory_space<semaphore_mem>>)
      } else {
      }
      %add3A_52 = arith.constant 0 : i32
      %add3A_53 = vector.broadcast %add3A_52 : i32 to vector<16xi32>
      %add3A_54 = arith.addi %iota3A, %add3A_53 : vector<16xi32>
      %add3A_55 = vector.broadcast %mul3A_28 : i32 to vector<16xi32>
      %add3A_56 = arith.addi %add3A_54, %add3A_55 : vector<16xi32>
      %broadcast_in_dim3A = arith.constant 0.000000e+00 : f32
      %broadcast_in_dim3A_57 = vector.broadcast %broadcast_in_dim3A : f32 to vector<16xf32>
      %scan3A_58 = arith.constant 0 : i32
      %scan3A_59 = arith.constant 8 : i32
      %scan3A_60 = arith.addi %scan3A_58, %scan3A_59 : i32
      %scan3A_61 = arith.constant 1 : i32
      %scan3A_62 = scf.for %scan3A_117 = %scan3A_58 to %scan3A_60 step %scan3A_61 iter_args(%scan3A_118 = %broadcast_in_dim3A_57) -> (vector<16xf32>)  : i32 {
        %mul3A_119 = arith.constant 8 : i32
        %mul3A_120 = arith.muli %mul3A_119, %scan3A_117 : i32
        %broadcast_in_dim3A_121 = vector.broadcast %mul3A_120 : i32 to vector<16xi32>
        %add3A_122 = arith.constant 0 : i32
        %add3A_123 = vector.broadcast %add3A_122 : i32 to vector<16xi32>
        %add3A_124 = arith.addi %broadcast_in_dim3A_121, %add3A_123 : vector<16xi32>
        %gather3A = tpu.vector_load_idx %arg8[%add3A_56, %add3A_124] : memref<128x64xf32, #tpu.memory_space<vmem>>[vector<16xi32>, vector<16xi32>], vector<16xf32>,
        %gather3A_125 = tpu.vector_load_idx %arg9[%add3A_56, %add3A_124] : memref<128x64xf32, #tpu.memory_space<vmem>>[vector<16xi32>, vector<16xi32>], vector<16xf32>,
        %mul3A_126 = arith.mulf %gather3A, %gather3A_125 : vector<16xf32>
        %add3A_127 = arith.addf %scan3A_118, %mul3A_126 : vector<16xf32>
        %add3A_128 = arith.constant 1 : i32
        %add3A_129 = vector.broadcast %add3A_128 : i32 to vector<16xi32>
        %add3A_130 = arith.addi %broadcast_in_dim3A_121, %add3A_129 : vector<16xi32>
        %gather3A_131 = tpu.vector_load_idx %arg8[%add3A_56, %add3A_130] : memref<128x64xf32, #tpu.memory_space<vmem>>[vector<16xi32>, vector<16xi32>], vector<16xf32>,
        %gather3A_132 = tpu.vector_load_idx %arg9[%add3A_56, %add3A_130] : memref<128x64xf32, #tpu.memory_space<vmem>>[vector<16xi32>, vector<16xi32>], vector<16xf32>,
        %mul3A_133 = arith.mulf %gather3A_131, %gather3A_132 : vector<16xf32>
        %add3A_134 = arith.addf %add3A_127, %mul3A_133 : vector<16xf32>
        %add3A_135 = arith.constant 2 : i32
        %add3A_136 = vector.broadcast %add3A_135 : i32 to vector<16xi32>
        %add3A_137 = arith.addi %broadcast_in_dim3A_121, %add3A_136 : vector<16xi32>
        %gather3A_138 = tpu.vector_load_idx %arg8[%add3A_56, %add3A_137] : memref<128x64xf32, #tpu.memory_space<vmem>>[vector<16xi32>, vector<16xi32>], vector<16xf32>,
        %gather3A_139 = tpu.vector_load_idx %arg9[%add3A_56, %add3A_137] : memref<128x64xf32, #tpu.memory_space<vmem>>[vector<16xi32>, vector<16xi32>], vector<16xf32>,
        %mul3A_140 = arith.mulf %gather3A_138, %gather3A_139 : vector<16xf32>
        %add3A_141 = arith.addf %add3A_134, %mul3A_140 : vector<16xf32>
        %add3A_142 = arith.constant 3 : i32
        %add3A_143 = vector.broadcast %add3A_142 : i32 to vector<16xi32>
        %add3A_144 = arith.addi %broadcast_in_dim3A_121, %add3A_143 : vector<16xi32>
        %gather3A_145 = tpu.vector_load_idx %arg8[%add3A_56, %add3A_144] : memref<128x64xf32, #tpu.memory_space<vmem>>[vector<16xi32>, vector<16xi32>], vector<16xf32>,
        %gather3A_146 = tpu.vector_load_idx %arg9[%add3A_56, %add3A_144] : memref<128x64xf32, #tpu.memory_space<vmem>>[vector<16xi32>, vector<16xi32>], vector<16xf32>,
        %mul3A_147 = arith.mulf %gather3A_145, %gather3A_146 : vector<16xf32>
        %add3A_148 = arith.addf %add3A_141, %mul3A_147 : vector<16xf32>
        %add3A_149 = arith.constant 4 : i32
        %add3A_150 = vector.broadcast %add3A_149 : i32 to vector<16xi32>
        %add3A_151 = arith.addi %broadcast_in_dim3A_121, %add3A_150 : vector<16xi32>
        %gather3A_152 = tpu.vector_load_idx %arg8[%add3A_56, %add3A_151] : memref<128x64xf32, #tpu.memory_space<vmem>>[vector<16xi32>, vector<16xi32>], vector<16xf32>,
        %gather3A_153 = tpu.vector_load_idx %arg9[%add3A_56, %add3A_151] : memref<128x64xf32, #tpu.memory_space<vmem>>[vector<16xi32>, vector<16xi32>], vector<16xf32>,
        %mul3A_154 = arith.mulf %gather3A_152, %gather3A_153 : vector<16xf32>
        %add3A_155 = arith.addf %add3A_148, %mul3A_154 : vector<16xf32>
        %add3A_156 = arith.constant 5 : i32
        %add3A_157 = vector.broadcast %add3A_156 : i32 to vector<16xi32>
        %add3A_158 = arith.addi %broadcast_in_dim3A_121, %add3A_157 : vector<16xi32>
        %gather3A_159 = tpu.vector_load_idx %arg8[%add3A_56, %add3A_158] : memref<128x64xf32, #tpu.memory_space<vmem>>[vector<16xi32>, vector<16xi32>], vector<16xf32>,
        %gather3A_160 = tpu.vector_load_idx %arg9[%add3A_56, %add3A_158] : memref<128x64xf32, #tpu.memory_space<vmem>>[vector<16xi32>, vector<16xi32>], vector<16xf32>,
        %mul3A_161 = arith.mulf %gather3A_159, %gather3A_160 : vector<16xf32>
        %add3A_162 = arith.addf %add3A_155, %mul3A_161 : vector<16xf32>
        %add3A_163 = arith.constant 6 : i32
        %add3A_164 = vector.broadcast %add3A_163 : i32 to vector<16xi32>
        %add3A_165 = arith.addi %broadcast_in_dim3A_121, %add3A_164 : vector<16xi32>
        %gather3A_166 = tpu.vector_load_idx %arg8[%add3A_56, %add3A_165] : memref<128x64xf32, #tpu.memory_space<vmem>>[vector<16xi32>, vector<16xi32>], vector<16xf32>,
        %gather3A_167 = tpu.vector_load_idx %arg9[%add3A_56, %add3A_165] : memref<128x64xf32, #tpu.memory_space<vmem>>[vector<16xi32>, vector<16xi32>], vector<16xf32>,
        %mul3A_168 = arith.mulf %gather3A_166, %gather3A_167 : vector<16xf32>
        %add3A_169 = arith.addf %add3A_162, %mul3A_168 : vector<16xf32>
        %add3A_170 = arith.constant 7 : i32
        %add3A_171 = vector.broadcast %add3A_170 : i32 to vector<16xi32>
        %add3A_172 = arith.addi %broadcast_in_dim3A_121, %add3A_171 : vector<16xi32>
        %gather3A_173 = tpu.vector_load_idx %arg8[%add3A_56, %add3A_172] : memref<128x64xf32, #tpu.memory_space<vmem>>[vector<16xi32>, vector<16xi32>], vector<16xf32>,
        %gather3A_174 = tpu.vector_load_idx %arg9[%add3A_56, %add3A_172] : memref<128x64xf32, #tpu.memory_space<vmem>>[vector<16xi32>, vector<16xi32>], vector<16xf32>,
        %mul3A_175 = arith.mulf %gather3A_173, %gather3A_174 : vector<16xf32>
        %add3A_176 = arith.addf %add3A_169, %mul3A_175 : vector<16xf32>
        scf.yield %add3A_176 : vector<16xf32>
      }
      %scan3A_63 = arith.constant 8 : i32
      %swap3A = arith.constant 0 : index
      %swap3A_64 = tpu.vector_load %arg10[%swap3A] {strides = array<i32>} : memref<64xf32, #tpu.memory_space<vmem>>, vector<16xf32>,
      tpu.vector_store %arg10[%swap3A], %scan3A_62 {strides = array<i32>} : memref<64xf32, #tpu.memory_space<vmem>>, vector<16xf32>,
      %add3A_65 = arith.constant 16 : i32
      %add3A_66 = vector.broadcast %add3A_65 : i32 to vector<16xi32>
      %add3A_67 = arith.addi %iota3A, %add3A_66 : vector<16xi32>
      %add3A_68 = vector.broadcast %mul3A_28 : i32 to vector<16xi32>
      %add3A_69 = arith.addi %add3A_67, %add3A_68 : vector<16xi32>
      %broadcast_in_dim3A_70 = arith.constant 0.000000e+00 : f32
      %broadcast_in_dim3A_71 = vector.broadcast %broadcast_in_dim3A_70 : f32 to vector<16xf32>
      %scan3A_72 = arith.constant 0 : i32
      %scan3A_73 = arith.constant 8 : i32
      %scan3A_74 = arith.addi %scan3A_72, %scan3A_73 : i32
      %scan3A_75 = arith.constant 1 : i32
      %scan3A_76 = scf.for %scan3A_117 = %scan3A_72 to %scan3A_74 step %scan3A_75 iter_args(%scan3A_118 = %broadcast_in_dim3A_71) -> (vector<16xf32>)  : i32 {
        %mul3A_119 = arith.constant 8 : i32
        %mul3A_120 = arith.muli %mul3A_119, %scan3A_117 : i32
        %broadcast_in_dim3A_121 = vector.broadcast %mul3A_120 : i32 to vector<16xi32>
        %add3A_122 = arith.constant 0 : i32
        %add3A_123 = vector.broadcast %add3A_122 : i32 to vector<16xi32>
        %add3A_124 = arith.addi %broadcast_in_dim3A_121, %add3A_123 : vector<16xi32>
        %gather3A = tpu.vector_load_idx %arg8[%add3A_69, %add3A_124] : memref<128x64xf32, #tpu.memory_space<vmem>>[vector<16xi32>, vector<16xi32>], vector<16xf32>,
        %gather3A_125 = tpu.vector_load_idx %arg9[%add3A_69, %add3A_124] : memref<128x64xf32, #tpu.memory_space<vmem>>[vector<16xi32>, vector<16xi32>], vector<16xf32>,
        %mul3A_126 = arith.mulf %gather3A, %gather3A_125 : vector<16xf32>
        %add3A_127 = arith.addf %scan3A_118, %mul3A_126 : vector<16xf32>
        %add3A_128 = arith.constant 1 : i32
        %add3A_129 = vector.broadcast %add3A_128 : i32 to vector<16xi32>
        %add3A_130 = arith.addi %broadcast_in_dim3A_121, %add3A_129 : vector<16xi32>
        %gather3A_131 = tpu.vector_load_idx %arg8[%add3A_69, %add3A_130] : memref<128x64xf32, #tpu.memory_space<vmem>>[vector<16xi32>, vector<16xi32>], vector<16xf32>,
        %gather3A_132 = tpu.vector_load_idx %arg9[%add3A_69, %add3A_130] : memref<128x64xf32, #tpu.memory_space<vmem>>[vector<16xi32>, vector<16xi32>], vector<16xf32>,
        %mul3A_133 = arith.mulf %gather3A_131, %gather3A_132 : vector<16xf32>
        %add3A_134 = arith.addf %add3A_127, %mul3A_133 : vector<16xf32>
        %add3A_135 = arith.constant 2 : i32
        %add3A_136 = vector.broadcast %add3A_135 : i32 to vector<16xi32>
        %add3A_137 = arith.addi %broadcast_in_dim3A_121, %add3A_136 : vector<16xi32>
        %gather3A_138 = tpu.vector_load_idx %arg8[%add3A_69, %add3A_137] : memref<128x64xf32, #tpu.memory_space<vmem>>[vector<16xi32>, vector<16xi32>], vector<16xf32>,
        %gather3A_139 = tpu.vector_load_idx %arg9[%add3A_69, %add3A_137] : memref<128x64xf32, #tpu.memory_space<vmem>>[vector<16xi32>, vector<16xi32>], vector<16xf32>,
        %mul3A_140 = arith.mulf %gather3A_138, %gather3A_139 : vector<16xf32>
        %add3A_141 = arith.addf %add3A_134, %mul3A_140 : vector<16xf32>
        %add3A_142 = arith.constant 3 : i32
        %add3A_143 = vector.broadcast %add3A_142 : i32 to vector<16xi32>
        %add3A_144 = arith.addi %broadcast_in_dim3A_121, %add3A_143 : vector<16xi32>
        %gather3A_145 = tpu.vector_load_idx %arg8[%add3A_69, %add3A_144] : memref<128x64xf32, #tpu.memory_space<vmem>>[vector<16xi32>, vector<16xi32>], vector<16xf32>,
        %gather3A_146 = tpu.vector_load_idx %arg9[%add3A_69, %add3A_144] : memref<128x64xf32, #tpu.memory_space<vmem>>[vector<16xi32>, vector<16xi32>], vector<16xf32>,
        %mul3A_147 = arith.mulf %gather3A_145, %gather3A_146 : vector<16xf32>
        %add3A_148 = arith.addf %add3A_141, %mul3A_147 : vector<16xf32>
        %add3A_149 = arith.constant 4 : i32
        %add3A_150 = vector.broadcast %add3A_149 : i32 to vector<16xi32>
        %add3A_151 = arith.addi %broadcast_in_dim3A_121, %add3A_150 : vector<16xi32>
        %gather3A_152 = tpu.vector_load_idx %arg8[%add3A_69, %add3A_151] : memref<128x64xf32, #tpu.memory_space<vmem>>[vector<16xi32>, vector<16xi32>], vector<16xf32>,
        %gather3A_153 = tpu.vector_load_idx %arg9[%add3A_69, %add3A_151] : memref<128x64xf32, #tpu.memory_space<vmem>>[vector<16xi32>, vector<16xi32>], vector<16xf32>,
        %mul3A_154 = arith.mulf %gather3A_152, %gather3A_153 : vector<16xf32>
        %add3A_155 = arith.addf %add3A_148, %mul3A_154 : vector<16xf32>
        %add3A_156 = arith.constant 5 : i32
        %add3A_157 = vector.broadcast %add3A_156 : i32 to vector<16xi32>
        %add3A_158 = arith.addi %broadcast_in_dim3A_121, %add3A_157 : vector<16xi32>
        %gather3A_159 = tpu.vector_load_idx %arg8[%add3A_69, %add3A_158] : memref<128x64xf32, #tpu.memory_space<vmem>>[vector<16xi32>, vector<16xi32>], vector<16xf32>,
        %gather3A_160 = tpu.vector_load_idx %arg9[%add3A_69, %add3A_158] : memref<128x64xf32, #tpu.memory_space<vmem>>[vector<16xi32>, vector<16xi32>], vector<16xf32>,
        %mul3A_161 = arith.mulf %gather3A_159, %gather3A_160 : vector<16xf32>
        %add3A_162 = arith.addf %add3A_155, %mul3A_161 : vector<16xf32>
        %add3A_163 = arith.constant 6 : i32
        %add3A_164 = vector.broadcast %add3A_163 : i32 to vector<16xi32>
        %add3A_165 = arith.addi %broadcast_in_dim3A_121, %add3A_164 : vector<16xi32>
        %gather3A_166 = tpu.vector_load_idx %arg8[%add3A_69, %add3A_165] : memref<128x64xf32, #tpu.memory_space<vmem>>[vector<16xi32>, vector<16xi32>], vector<16xf32>,
        %gather3A_167 = tpu.vector_load_idx %arg9[%add3A_69, %add3A_165] : memref<128x64xf32, #tpu.memory_space<vmem>>[vector<16xi32>, vector<16xi32>], vector<16xf32>,
        %mul3A_168 = arith.mulf %gather3A_166, %gather3A_167 : vector<16xf32>
        %add3A_169 = arith.addf %add3A_162, %mul3A_168 : vector<16xf32>
        %add3A_170 = arith.constant 7 : i32
        %add3A_171 = vector.broadcast %add3A_170 : i32 to vector<16xi32>
        %add3A_172 = arith.addi %broadcast_in_dim3A_121, %add3A_171 : vector<16xi32>
        %gather3A_173 = tpu.vector_load_idx %arg8[%add3A_69, %add3A_172] : memref<128x64xf32, #tpu.memory_space<vmem>>[vector<16xi32>, vector<16xi32>], vector<16xf32>,
        %gather3A_174 = tpu.vector_load_idx %arg9[%add3A_69, %add3A_172] : memref<128x64xf32, #tpu.memory_space<vmem>>[vector<16xi32>, vector<16xi32>], vector<16xf32>,
        %mul3A_175 = arith.mulf %gather3A_173, %gather3A_174 : vector<16xf32>
        %add3A_176 = arith.addf %add3A_169, %mul3A_175 : vector<16xf32>
        scf.yield %add3A_176 : vector<16xf32>
      }
      %scan3A_77 = arith.constant 8 : i32
      %swap3A_78 = arith.constant 16 : index
      %swap3A_79 = tpu.vector_load %arg10[%swap3A_78] {strides = array<i32>} : memref<64xf32, #tpu.memory_space<vmem>>, vector<16xf32>,
      tpu.vector_store %arg10[%swap3A_78], %scan3A_76 {strides = array<i32>} : memref<64xf32, #tpu.memory_space<vmem>>, vector<16xf32>,
      %add3A_80 = arith.constant 32 : i32
      %add3A_81 = vector.broadcast %add3A_80 : i32 to vector<16xi32>
      %add3A_82 = arith.addi %iota3A, %add3A_81 : vector<16xi32>
      %add3A_83 = vector.broadcast %mul3A_28 : i32 to vector<16xi32>
      %add3A_84 = arith.addi %add3A_82, %add3A_83 : vector<16xi32>
      %broadcast_in_dim3A_85 = arith.constant 0.000000e+00 : f32
      %broadcast_in_dim3A_86 = vector.broadcast %broadcast_in_dim3A_85 : f32 to vector<16xf32>
      %scan3A_87 = arith.constant 0 : i32
      %scan3A_88 = arith.constant 8 : i32
      %scan3A_89 = arith.addi %scan3A_87, %scan3A_88 : i32
      %scan3A_90 = arith.constant 1 : i32
      %scan3A_91 = scf.for %scan3A_117 = %scan3A_87 to %scan3A_89 step %scan3A_90 iter_args(%scan3A_118 = %broadcast_in_dim3A_86) -> (vector<16xf32>)  : i32 {
        %mul3A_119 = arith.constant 8 : i32
        %mul3A_120 = arith.muli %mul3A_119, %scan3A_117 : i32
        %broadcast_in_dim3A_121 = vector.broadcast %mul3A_120 : i32 to vector<16xi32>
        %add3A_122 = arith.constant 0 : i32
        %add3A_123 = vector.broadcast %add3A_122 : i32 to vector<16xi32>
        %add3A_124 = arith.addi %broadcast_in_dim3A_121, %add3A_123 : vector<16xi32>
        %gather3A = tpu.vector_load_idx %arg8[%add3A_84, %add3A_124] : memref<128x64xf32, #tpu.memory_space<vmem>>[vector<16xi32>, vector<16xi32>], vector<16xf32>,
        %gather3A_125 = tpu.vector_load_idx %arg9[%add3A_84, %add3A_124] : memref<128x64xf32, #tpu.memory_space<vmem>>[vector<16xi32>, vector<16xi32>], vector<16xf32>,
        %mul3A_126 = arith.mulf %gather3A, %gather3A_125 : vector<16xf32>
        %add3A_127 = arith.addf %scan3A_118, %mul3A_126 : vector<16xf32>
        %add3A_128 = arith.constant 1 : i32
        %add3A_129 = vector.broadcast %add3A_128 : i32 to vector<16xi32>
        %add3A_130 = arith.addi %broadcast_in_dim3A_121, %add3A_129 : vector<16xi32>
        %gather3A_131 = tpu.vector_load_idx %arg8[%add3A_84, %add3A_130] : memref<128x64xf32, #tpu.memory_space<vmem>>[vector<16xi32>, vector<16xi32>], vector<16xf32>,
        %gather3A_132 = tpu.vector_load_idx %arg9[%add3A_84, %add3A_130] : memref<128x64xf32, #tpu.memory_space<vmem>>[vector<16xi32>, vector<16xi32>], vector<16xf32>,
        %mul3A_133 = arith.mulf %gather3A_131, %gather3A_132 : vector<16xf32>
        %add3A_134 = arith.addf %add3A_127, %mul3A_133 : vector<16xf32>
        %add3A_135 = arith.constant 2 : i32
        %add3A_136 = vector.broadcast %add3A_135 : i32 to vector<16xi32>
        %add3A_137 = arith.addi %broadcast_in_dim3A_121, %add3A_136 : vector<16xi32>
        %gather3A_138 = tpu.vector_load_idx %arg8[%add3A_84, %add3A_137] : memref<128x64xf32, #tpu.memory_space<vmem>>[vector<16xi32>, vector<16xi32>], vector<16xf32>,
        %gather3A_139 = tpu.vector_load_idx %arg9[%add3A_84, %add3A_137] : memref<128x64xf32, #tpu.memory_space<vmem>>[vector<16xi32>, vector<16xi32>], vector<16xf32>,
        %mul3A_140 = arith.mulf %gather3A_138, %gather3A_139 : vector<16xf32>
        %add3A_141 = arith.addf %add3A_134, %mul3A_140 : vector<16xf32>
        %add3A_142 = arith.constant 3 : i32
        %add3A_143 = vector.broadcast %add3A_142 : i32 to vector<16xi32>
        %add3A_144 = arith.addi %broadcast_in_dim3A_121, %add3A_143 : vector<16xi32>
        %gather3A_145 = tpu.vector_load_idx %arg8[%add3A_84, %add3A_144] : memref<128x64xf32, #tpu.memory_space<vmem>>[vector<16xi32>, vector<16xi32>], vector<16xf32>,
        %gather3A_146 = tpu.vector_load_idx %arg9[%add3A_84, %add3A_144] : memref<128x64xf32, #tpu.memory_space<vmem>>[vector<16xi32>, vector<16xi32>], vector<16xf32>,
        %mul3A_147 = arith.mulf %gather3A_145, %gather3A_146 : vector<16xf32>
        %add3A_148 = arith.addf %add3A_141, %mul3A_147 : vector<16xf32>
        %add3A_149 = arith.constant 4 : i32
        %add3A_150 = vector.broadcast %add3A_149 : i32 to vector<16xi32>
        %add3A_151 = arith.addi %broadcast_in_dim3A_121, %add3A_150 : vector<16xi32>
        %gather3A_152 = tpu.vector_load_idx %arg8[%add3A_84, %add3A_151] : memref<128x64xf32, #tpu.memory_space<vmem>>[vector<16xi32>, vector<16xi32>], vector<16xf32>,
        %gather3A_153 = tpu.vector_load_idx %arg9[%add3A_84, %add3A_151] : memref<128x64xf32, #tpu.memory_space<vmem>>[vector<16xi32>, vector<16xi32>], vector<16xf32>,
        %mul3A_154 = arith.mulf %gather3A_152, %gather3A_153 : vector<16xf32>
        %add3A_155 = arith.addf %add3A_148, %mul3A_154 : vector<16xf32>
        %add3A_156 = arith.constant 5 : i32
        %add3A_157 = vector.broadcast %add3A_156 : i32 to vector<16xi32>
        %add3A_158 = arith.addi %broadcast_in_dim3A_121, %add3A_157 : vector<16xi32>
        %gather3A_159 = tpu.vector_load_idx %arg8[%add3A_84, %add3A_158] : memref<128x64xf32, #tpu.memory_space<vmem>>[vector<16xi32>, vector<16xi32>], vector<16xf32>,
        %gather3A_160 = tpu.vector_load_idx %arg9[%add3A_84, %add3A_158] : memref<128x64xf32, #tpu.memory_space<vmem>>[vector<16xi32>, vector<16xi32>], vector<16xf32>,
        %mul3A_161 = arith.mulf %gather3A_159, %gather3A_160 : vector<16xf32>
        %add3A_162 = arith.addf %add3A_155, %mul3A_161 : vector<16xf32>
        %add3A_163 = arith.constant 6 : i32
        %add3A_164 = vector.broadcast %add3A_163 : i32 to vector<16xi32>
        %add3A_165 = arith.addi %broadcast_in_dim3A_121, %add3A_164 : vector<16xi32>
        %gather3A_166 = tpu.vector_load_idx %arg8[%add3A_84, %add3A_165] : memref<128x64xf32, #tpu.memory_space<vmem>>[vector<16xi32>, vector<16xi32>], vector<16xf32>,
        %gather3A_167 = tpu.vector_load_idx %arg9[%add3A_84, %add3A_165] : memref<128x64xf32, #tpu.memory_space<vmem>>[vector<16xi32>, vector<16xi32>], vector<16xf32>,
        %mul3A_168 = arith.mulf %gather3A_166, %gather3A_167 : vector<16xf32>
        %add3A_169 = arith.addf %add3A_162, %mul3A_168 : vector<16xf32>
        %add3A_170 = arith.constant 7 : i32
        %add3A_171 = vector.broadcast %add3A_170 : i32 to vector<16xi32>
        %add3A_172 = arith.addi %broadcast_in_dim3A_121, %add3A_171 : vector<16xi32>
        %gather3A_173 = tpu.vector_load_idx %arg8[%add3A_84, %add3A_172] : memref<128x64xf32, #tpu.memory_space<vmem>>[vector<16xi32>, vector<16xi32>], vector<16xf32>,
        %gather3A_174 = tpu.vector_load_idx %arg9[%add3A_84, %add3A_172] : memref<128x64xf32, #tpu.memory_space<vmem>>[vector<16xi32>, vector<16xi32>], vector<16xf32>,
        %mul3A_175 = arith.mulf %gather3A_173, %gather3A_174 : vector<16xf32>
        %add3A_176 = arith.addf %add3A_169, %mul3A_175 : vector<16xf32>
        scf.yield %add3A_176 : vector<16xf32>
      }
      %scan3A_92 = arith.constant 8 : i32
      %swap3A_93 = arith.constant 32 : index
      %swap3A_94 = tpu.vector_load %arg10[%swap3A_93] {strides = array<i32>} : memref<64xf32, #tpu.memory_space<vmem>>, vector<16xf32>,
      tpu.vector_store %arg10[%swap3A_93], %scan3A_91 {strides = array<i32>} : memref<64xf32, #tpu.memory_space<vmem>>, vector<16xf32>,
      %add3A_95 = arith.constant 48 : i32
      %add3A_96 = vector.broadcast %add3A_95 : i32 to vector<16xi32>
      %add3A_97 = arith.addi %iota3A, %add3A_96 : vector<16xi32>
      %add3A_98 = vector.broadcast %mul3A_28 : i32 to vector<16xi32>
      %add3A_99 = arith.addi %add3A_97, %add3A_98 : vector<16xi32>
      %broadcast_in_dim3A_100 = arith.constant 0.000000e+00 : f32
      %broadcast_in_dim3A_101 = vector.broadcast %broadcast_in_dim3A_100 : f32 to vector<16xf32>
      %scan3A_102 = arith.constant 0 : i32
      %scan3A_103 = arith.constant 8 : i32
      %scan3A_104 = arith.addi %scan3A_102, %scan3A_103 : i32
      %scan3A_105 = arith.constant 1 : i32
      %scan3A_106 = scf.for %scan3A_117 = %scan3A_102 to %scan3A_104 step %scan3A_105 iter_args(%scan3A_118 = %broadcast_in_dim3A_101) -> (vector<16xf32>)  : i32 {
        %mul3A_119 = arith.constant 8 : i32
        %mul3A_120 = arith.muli %mul3A_119, %scan3A_117 : i32
        %broadcast_in_dim3A_121 = vector.broadcast %mul3A_120 : i32 to vector<16xi32>
        %add3A_122 = arith.constant 0 : i32
        %add3A_123 = vector.broadcast %add3A_122 : i32 to vector<16xi32>
        %add3A_124 = arith.addi %broadcast_in_dim3A_121, %add3A_123 : vector<16xi32>
        %gather3A = tpu.vector_load_idx %arg8[%add3A_99, %add3A_124] : memref<128x64xf32, #tpu.memory_space<vmem>>[vector<16xi32>, vector<16xi32>], vector<16xf32>,
        %gather3A_125 = tpu.vector_load_idx %arg9[%add3A_99, %add3A_124] : memref<128x64xf32, #tpu.memory_space<vmem>>[vector<16xi32>, vector<16xi32>], vector<16xf32>,
        %mul3A_126 = arith.mulf %gather3A, %gather3A_125 : vector<16xf32>
        %add3A_127 = arith.addf %scan3A_118, %mul3A_126 : vector<16xf32>
        %add3A_128 = arith.constant 1 : i32
        %add3A_129 = vector.broadcast %add3A_128 : i32 to vector<16xi32>
        %add3A_130 = arith.addi %broadcast_in_dim3A_121, %add3A_129 : vector<16xi32>
        %gather3A_131 = tpu.vector_load_idx %arg8[%add3A_99, %add3A_130] : memref<128x64xf32, #tpu.memory_space<vmem>>[vector<16xi32>, vector<16xi32>], vector<16xf32>,
        %gather3A_132 = tpu.vector_load_idx %arg9[%add3A_99, %add3A_130] : memref<128x64xf32, #tpu.memory_space<vmem>>[vector<16xi32>, vector<16xi32>], vector<16xf32>,
        %mul3A_133 = arith.mulf %gather3A_131, %gather3A_132 : vector<16xf32>
        %add3A_134 = arith.addf %add3A_127, %mul3A_133 : vector<16xf32>
        %add3A_135 = arith.constant 2 : i32
        %add3A_136 = vector.broadcast %add3A_135 : i32 to vector<16xi32>
        %add3A_137 = arith.addi %broadcast_in_dim3A_121, %add3A_136 : vector<16xi32>
        %gather3A_138 = tpu.vector_load_idx %arg8[%add3A_99, %add3A_137] : memref<128x64xf32, #tpu.memory_space<vmem>>[vector<16xi32>, vector<16xi32>], vector<16xf32>,
        %gather3A_139 = tpu.vector_load_idx %arg9[%add3A_99, %add3A_137] : memref<128x64xf32, #tpu.memory_space<vmem>>[vector<16xi32>, vector<16xi32>], vector<16xf32>,
        %mul3A_140 = arith.mulf %gather3A_138, %gather3A_139 : vector<16xf32>
        %add3A_141 = arith.addf %add3A_134, %mul3A_140 : vector<16xf32>
        %add3A_142 = arith.constant 3 : i32
        %add3A_143 = vector.broadcast %add3A_142 : i32 to vector<16xi32>
        %add3A_144 = arith.addi %broadcast_in_dim3A_121, %add3A_143 : vector<16xi32>
        %gather3A_145 = tpu.vector_load_idx %arg8[%add3A_99, %add3A_144] : memref<128x64xf32, #tpu.memory_space<vmem>>[vector<16xi32>, vector<16xi32>], vector<16xf32>,
        %gather3A_146 = tpu.vector_load_idx %arg9[%add3A_99, %add3A_144] : memref<128x64xf32, #tpu.memory_space<vmem>>[vector<16xi32>, vector<16xi32>], vector<16xf32>,
        %mul3A_147 = arith.mulf %gather3A_145, %gather3A_146 : vector<16xf32>
        %add3A_148 = arith.addf %add3A_141, %mul3A_147 : vector<16xf32>
        %add3A_149 = arith.constant 4 : i32
        %add3A_150 = vector.broadcast %add3A_149 : i32 to vector<16xi32>
        %add3A_151 = arith.addi %broadcast_in_dim3A_121, %add3A_150 : vector<16xi32>
        %gather3A_152 = tpu.vector_load_idx %arg8[%add3A_99, %add3A_151] : memref<128x64xf32, #tpu.memory_space<vmem>>[vector<16xi32>, vector<16xi32>], vector<16xf32>,
        %gather3A_153 = tpu.vector_load_idx %arg9[%add3A_99, %add3A_151] : memref<128x64xf32, #tpu.memory_space<vmem>>[vector<16xi32>, vector<16xi32>], vector<16xf32>,
        %mul3A_154 = arith.mulf %gather3A_152, %gather3A_153 : vector<16xf32>
        %add3A_155 = arith.addf %add3A_148, %mul3A_154 : vector<16xf32>
        %add3A_156 = arith.constant 5 : i32
        %add3A_157 = vector.broadcast %add3A_156 : i32 to vector<16xi32>
        %add3A_158 = arith.addi %broadcast_in_dim3A_121, %add3A_157 : vector<16xi32>
        %gather3A_159 = tpu.vector_load_idx %arg8[%add3A_99, %add3A_158] : memref<128x64xf32, #tpu.memory_space<vmem>>[vector<16xi32>, vector<16xi32>], vector<16xf32>,
        %gather3A_160 = tpu.vector_load_idx %arg9[%add3A_99, %add3A_158] : memref<128x64xf32, #tpu.memory_space<vmem>>[vector<16xi32>, vector<16xi32>], vector<16xf32>,
        %mul3A_161 = arith.mulf %gather3A_159, %gather3A_160 : vector<16xf32>
        %add3A_162 = arith.addf %add3A_155, %mul3A_161 : vector<16xf32>
        %add3A_163 = arith.constant 6 : i32
        %add3A_164 = vector.broadcast %add3A_163 : i32 to vector<16xi32>
        %add3A_165 = arith.addi %broadcast_in_dim3A_121, %add3A_164 : vector<16xi32>
        %gather3A_166 = tpu.vector_load_idx %arg8[%add3A_99, %add3A_165] : memref<128x64xf32, #tpu.memory_space<vmem>>[vector<16xi32>, vector<16xi32>], vector<16xf32>,
        %gather3A_167 = tpu.vector_load_idx %arg9[%add3A_99, %add3A_165] : memref<128x64xf32, #tpu.memory_space<vmem>>[vector<16xi32>, vector<16xi32>], vector<16xf32>,
        %mul3A_168 = arith.mulf %gather3A_166, %gather3A_167 : vector<16xf32>
        %add3A_169 = arith.addf %add3A_162, %mul3A_168 : vector<16xf32>
        %add3A_170 = arith.constant 7 : i32
        %add3A_171 = vector.broadcast %add3A_170 : i32 to vector<16xi32>
        %add3A_172 = arith.addi %broadcast_in_dim3A_121, %add3A_171 : vector<16xi32>
        %gather3A_173 = tpu.vector_load_idx %arg8[%add3A_99, %add3A_172] : memref<128x64xf32, #tpu.memory_space<vmem>>[vector<16xi32>, vector<16xi32>], vector<16xf32>,
        %gather3A_174 = tpu.vector_load_idx %arg9[%add3A_99, %add3A_172] : memref<128x64xf32, #tpu.memory_space<vmem>>[vector<16xi32>, vector<16xi32>], vector<16xf32>,
        %mul3A_175 = arith.mulf %gather3A_173, %gather3A_174 : vector<16xf32>
        %add3A_176 = arith.addf %add3A_169, %mul3A_175 : vector<16xf32>
        scf.yield %add3A_176 : vector<16xf32>
      }
      %scan3A_107 = arith.constant 8 : i32
      %swap3A_108 = arith.constant 48 : index
      %swap3A_109 = tpu.vector_load %arg10[%swap3A_108] {strides = array<i32>} : memref<64xf32, #tpu.memory_space<vmem>>, vector<16xf32>,
      tpu.vector_store %arg10[%swap3A_108], %scan3A_106 {strides = array<i32>} : memref<64xf32, #tpu.memory_space<vmem>>, vector<16xf32>,
      %mul3A_110 = arith.constant 10 : i32
      %mul3A_111 = arith.muli %add3A, %mul3A_110 : i32
      %mul3A_112 = arith.constant 64 : i32
      %mul3A_113 = arith.muli %mul3A_111, %mul3A_112 : i32
      %mul3A_114 = arith.constant 64 : i32
      %mul3A_115 = arith.muli %scan3A_25, %mul3A_114 : i32
      %add3A_116 = arith.addi %mul3A_113, %mul3A_115 : i32
      "tpu.region"() ({
        %run_scoped3A = tpu.sem_alloc : memref<!tpu.dma_semaphore, #tpu.memory_space<semaphore_mem>>
        %dma_start3A_117 = tpu.memref_slice %arg5[%add3A_116] : memref<20480xf32, #tpu.memory_space<hbm>> -> memref<64xf32, #tpu.memory_space<hbm>>
        %dma_start3A_118 = tpu.memref_slice %arg5[%add3A_116] : memref<20480xf32, #tpu.memory_space<hbm>> -> memref<64xf32, #tpu.memory_space<hbm>>
        tpu.enqueue_dma source(%arg10 : memref<64xf32, #tpu.memory_space<vmem>>) target(%dma_start3A_118 : memref<64xf32, #tpu.memory_space<hbm>>) target_semaphore(%run_scoped3A : memref<!tpu.dma_semaphore, #tpu.memory_space<semaphore_mem>>)
        %dma_wait3A_119 = tpu.memref_slice %arg5[%add3A_116] : memref<20480xf32, #tpu.memory_space<hbm>> -> memref<64xf32, #tpu.memory_space<hbm>>
        %dma_wait3A_120 = tpu.memref_slice %arg5[%add3A_116] : memref<20480xf32, #tpu.memory_space<hbm>> -> memref<64xf32, #tpu.memory_space<hbm>>
        tpu.wait_dma2 semaphore(%run_scoped3A : memref<!tpu.dma_semaphore, #tpu.memory_space<semaphore_mem>>) src(%arg10 : memref<64xf32, #tpu.memory_space<vmem>>) dst(%dma_wait3A_120 : memref<64xf32, #tpu.memory_space<hbm>>)
        tpu.yield
      }) : () -> ()
    }
    %scan3A_24 = arith.constant 10 : i32
    return
  }
}

module attributes {stable_mosaic.version = 14 : i64} {
  func.func @body(%arg0: i32, %arg1: i32, %arg2: memref<2000x128xf32, #tpu.memory_space<vmem>>, %arg3: memref<1x128x64xf32, #tpu.memory_space<vmem>>, %arg4: memref<2000x1xf32, #tpu.memory_space<vmem>>, %arg5: memref<2000x1xf32, #tpu.memory_space<vmem>>, %arg6: memref<2000x64xf32, #tpu.memory_space<vmem>>, %arg7: memref<2000x1xf32, #tpu.memory_space<vmem>>) attributes {dimension_semantics = [#tpu.dimension_semantics<arbitrary>, #tpu.dimension_semantics<arbitrary>], iteration_bounds = array<i64: 5, 2>, scalar_prefetch = 0 : i64, scratch_operands = 0 : i64, tpu.core_type = #tpu.core_type<tc>, window_params = [{transform_indices = @transform_0, window_bounds = array<i64: 2000, 128>}, {transform_indices = @transform_1, window_bounds = array<i64: 1, 128, 64>}, {transform_indices = @transform_2, window_bounds = array<i64: 2000, 1>}, {transform_indices = @transform_3, window_bounds = array<i64: 2000, 1>}, {transform_indices = @transform_4, window_bounds = array<i64: 2000, 64>}, {transform_indices = @transform_5, window_bounds = array<i64: 2000, 1>}]} {
    %get3A = arith.constant 0 : index
    %get3A_0 = arith.constant 0 : index
    %get3A_1 = vector.load %arg4[%get3A, %get3A_0] : memref<2000x1xf32, #tpu.memory_space<vmem>>, vector<2000x1xf32>
    %add3A = arith.constant 1.000000e+00 : f32
    %add3A_2 = vector.broadcast %add3A : f32 to vector<2000x1xf32>
    %add3A_3 = arith.addf %add3A_2, %get3A_1 : vector<2000x1xf32>
    %get3A_4 = arith.constant 0 : index
    %get3A_5 = arith.constant 0 : index
    %get3A_6 = vector.load %arg5[%get3A_4, %get3A_5] : memref<2000x1xf32, #tpu.memory_space<vmem>>, vector<2000x1xf32>
    %add3A_7 = arith.addf %add3A_3, %get3A_6 : vector<2000x1xf32>
    %rsqrt3A = math.rsqrt %add3A_7 : vector<2000x1xf32>
    %get3A_8 = arith.constant 0 : index
    %get3A_9 = arith.constant 0 : index
    %get3A_10 = vector.load %arg2[%get3A_8, %get3A_9] : memref<2000x128xf32, #tpu.memory_space<vmem>>, vector<2000x128xf32>
    %get3A_11 = arith.constant 0 : index
    %get3A_12 = arith.constant 0 : index
    %get3A_13 = arith.constant 0 : index
    %get3A_14 = vector.load %arg3[%get3A_11, %get3A_12, %get3A_13] : memref<1x128x64xf32, #tpu.memory_space<vmem>>, vector<1x128x64xf32>
    %get3A_15 = vector.shape_cast %get3A_14 : vector<1x128x64xf32> to vector<128x64xf32>
    %dot_general3A = arith.constant dense<0.000000e+00> : vector<2000x64xf32>
    %dot_general3A_16 = tpu.matmul %get3A_10, %get3A_15, %dot_general3A {dimension_numbers = #tpu.dot_dimension_numbers<[1], [0], [0], [1], [0, 0, 1, 1], [], []>, transpose_lhs_hint = false} : vector<2000x128xf32>, vector<128x64xf32>, vector<2000x64xf32> -> vector<2000x64xf32>
    %mul3A = vector.broadcast %rsqrt3A : vector<2000x1xf32> to vector<2000x64xf32>
    %mul3A_17 = arith.mulf %mul3A, %dot_general3A_16 : vector<2000x64xf32>
    %swap3A = arith.constant 0 : index
    %swap3A_18 = arith.constant 0 : index
    %swap3A_19 = vector.load %arg6[%swap3A, %swap3A_18] : memref<2000x64xf32, #tpu.memory_space<vmem>>, vector<2000x64xf32>
    tpu.vector_store %arg6[%swap3A, %swap3A_18], %mul3A_17 {strides = array<i32>} : memref<2000x64xf32, #tpu.memory_space<vmem>>, vector<2000x64xf32>,
    %swap3A_20 = arith.constant 0 : index
    %swap3A_21 = arith.constant 0 : index
    %swap3A_22 = vector.load %arg7[%swap3A_20, %swap3A_21] : memref<2000x1xf32, #tpu.memory_space<vmem>>, vector<2000x1xf32>
    tpu.vector_store %arg7[%swap3A_20, %swap3A_21], %rsqrt3A {strides = array<i32>} : memref<2000x1xf32, #tpu.memory_space<vmem>>, vector<2000x1xf32>,
    return
  }
  func.func @transform_0(%arg0: i32, %arg1: i32) -> (i32, i32) {
    %c0_i32 = arith.constant 0 : i32
    %c0_i32_0 = arith.constant 0 : i32
    return %arg0, %c0_i32 : i32, i32
  }
  func.func @transform_1(%arg0: i32, %arg1: i32) -> (i32, i32, i32) {
    %c0_i32 = arith.constant 0 : i32
    %c0_i32_0 = arith.constant 0 : i32
    %c0_i32_1 = arith.constant 0 : i32
    return %arg1, %c0_i32, %c0_i32_0 : i32, i32, i32
  }
  func.func @transform_2(%arg0: i32, %arg1: i32) -> (i32, i32) {
    %c0_i32 = arith.constant 0 : i32
    %c0_i32_0 = arith.constant 0 : i32
    return %arg0, %c0_i32 : i32, i32
  }
  func.func @transform_3(%arg0: i32, %arg1: i32) -> (i32, i32) {
    %c0_i32 = arith.constant 0 : i32
    %c0_i32_0 = arith.constant 0 : i32
    return %arg0, %c0_i32 : i32, i32
  }
  func.func @transform_4(%arg0: i32, %arg1: i32) -> (i32, i32) {
    %mul3A = arith.constant 5 : i32
    %mul3A_0 = arith.muli %arg1, %mul3A : i32
    %add3A = arith.addi %mul3A_0, %arg0 : i32
    %c0_i32 = arith.constant 0 : i32
    %c0_i32_1 = arith.constant 0 : i32
    return %add3A, %c0_i32 : i32, i32
  }
  func.func @transform_5(%arg0: i32, %arg1: i32) -> (i32, i32) {
    %c0_i32 = arith.constant 0 : i32
    %c0_i32_0 = arith.constant 0 : i32
    return %arg0, %c0_i32 : i32, i32
  }
}

module attributes {stable_mosaic.version = 14 : i64} {
  func.func @body(%arg0: i32, %arg1: i32, %arg2: memref<2000x64xf32, #tpu.memory_space<vmem>>, %arg3: memref<2000x64xf32, #tpu.memory_space<vmem>>, %arg4: memref<2000x64xf32, #tpu.memory_space<vmem>>, %arg5: memref<2000x64xf32, #tpu.memory_space<vmem>>, %arg6: memref<2000x1xf32, #tpu.memory_space<vmem>>, %arg7: memref<1x128xf32, #tpu.memory_space<vmem>>, %arg8: memref<1x128x32xf32, #tpu.memory_space<vmem>>, %arg9: memref<2000x32xf32, #tpu.memory_space<vmem>>) attributes {dimension_semantics = [#tpu.dimension_semantics<arbitrary>, #tpu.dimension_semantics<arbitrary>], iteration_bounds = array<i64: 5, 2>, scalar_prefetch = 0 : i64, scratch_operands = 0 : i64, tpu.core_type = #tpu.core_type<tc>, window_params = [{transform_indices = @transform_0, window_bounds = array<i64: 2000, 64>}, {transform_indices = @transform_1, window_bounds = array<i64: 2000, 64>}, {transform_indices = @transform_2, window_bounds = array<i64: 2000, 64>}, {transform_indices = @transform_3, window_bounds = array<i64: 2000, 64>}, {transform_indices = @transform_4, window_bounds = array<i64: 2000, 1>}, {pipeline_mode = #tpu.pipeline_mode<synchronous>, transform_indices = @transform_5, window_bounds = array<i64: 1, 128>}, {transform_indices = @transform_6, window_bounds = array<i64: 1, 128, 32>}, {transform_indices = @transform_7, window_bounds = array<i64: 2000, 32>}]} {
    %get3A = arith.constant 0 : index
    %get3A_0 = arith.constant 0 : index
    %get3A_1 = vector.load %arg6[%get3A, %get3A_0] : memref<2000x1xf32, #tpu.memory_space<vmem>>, vector<2000x1xf32>
    %get3A_2 = arith.constant 0 : index
    %get3A_3 = arith.constant 0 : index
    %get3A_4 = vector.load %arg4[%get3A_2, %get3A_3] : memref<2000x64xf32, #tpu.memory_space<vmem>>, vector<2000x64xf32>
    %get3A_5 = arith.constant 0 : index
    %get3A_6 = arith.constant 0 : index
    %get3A_7 = vector.load %arg2[%get3A_5, %get3A_6] : memref<2000x64xf32, #tpu.memory_space<vmem>>, vector<2000x64xf32>
    %add3A = arith.addf %get3A_4, %get3A_7 : vector<2000x64xf32>
    %mul3A = vector.broadcast %get3A_1 : vector<2000x1xf32> to vector<2000x64xf32>
    %mul3A_8 = arith.mulf %mul3A, %add3A : vector<2000x64xf32>
    %get3A_9 = arith.constant 0 : index
    %get3A_10 = arith.constant 0 : index
    %get3A_11 = vector.load %arg7[%get3A_9, %get3A_10] : memref<1x128xf32, #tpu.memory_space<vmem>>, vector<1x64xf32>
    %add3A_12 = vector.broadcast %get3A_11 : vector<1x64xf32> to vector<2000x64xf32>
    %add3A_13 = arith.addf %mul3A_8, %add3A_12 : vector<2000x64xf32>
    %max3A = arith.constant 0.000000e+00 : f32
    %max3A_14 = vector.broadcast %max3A : f32 to vector<2000x64xf32>
    %max3A_15 = arith.maximumf %add3A_13, %max3A_14 : vector<2000x64xf32>
    %get3A_16 = arith.constant 0 : index
    %get3A_17 = arith.constant 0 : index
    %get3A_18 = vector.load %arg5[%get3A_16, %get3A_17] : memref<2000x64xf32, #tpu.memory_space<vmem>>, vector<2000x64xf32>
    %get3A_19 = arith.constant 0 : index
    %get3A_20 = arith.constant 0 : index
    %get3A_21 = vector.load %arg3[%get3A_19, %get3A_20] : memref<2000x64xf32, #tpu.memory_space<vmem>>, vector<2000x64xf32>
    %add3A_22 = arith.addf %get3A_18, %get3A_21 : vector<2000x64xf32>
    %mul3A_23 = vector.broadcast %get3A_1 : vector<2000x1xf32> to vector<2000x64xf32>
    %mul3A_24 = arith.mulf %mul3A_23, %add3A_22 : vector<2000x64xf32>
    %get3A_25 = arith.constant 0 : index
    %get3A_26 = arith.constant 64 : index
    %get3A_27 = vector.load %arg7[%get3A_25, %get3A_26] : memref<1x128xf32, #tpu.memory_space<vmem>>, vector<1x64xf32>
    %add3A_28 = vector.broadcast %get3A_27 : vector<1x64xf32> to vector<2000x64xf32>
    %add3A_29 = arith.addf %mul3A_24, %add3A_28 : vector<2000x64xf32>
    %max3A_30 = arith.constant 0.000000e+00 : f32
    %max3A_31 = vector.broadcast %max3A_30 : f32 to vector<2000x64xf32>
    %max3A_32 = arith.maximumf %add3A_29, %max3A_31 : vector<2000x64xf32>
    %concatenate3A = tpu.concatenate %max3A_15, %max3A_32 in 1 : vector<2000x64xf32>, vector<2000x64xf32> -> vector<2000x128xf32>
    %get3A_33 = arith.constant 0 : index
    %get3A_34 = arith.constant 0 : index
    %get3A_35 = arith.constant 0 : index
    %get3A_36 = vector.load %arg8[%get3A_33, %get3A_34, %get3A_35] : memref<1x128x32xf32, #tpu.memory_space<vmem>>, vector<1x128x32xf32>
    %get3A_37 = vector.shape_cast %get3A_36 : vector<1x128x32xf32> to vector<128x32xf32>
    %dot_general3A = arith.constant dense<0.000000e+00> : vector<2000x32xf32>
    %dot_general3A_38 = tpu.matmul %concatenate3A, %get3A_37, %dot_general3A {dimension_numbers = #tpu.dot_dimension_numbers<[1], [0], [0], [1], [0, 0, 1, 1], [], []>, transpose_lhs_hint = false} : vector<2000x128xf32>, vector<128x32xf32>, vector<2000x32xf32> -> vector<2000x32xf32>
    %mul3A_39 = vector.broadcast %get3A_1 : vector<2000x1xf32> to vector<2000x32xf32>
    %mul3A_40 = arith.mulf %mul3A_39, %dot_general3A_38 : vector<2000x32xf32>
    %swap3A = arith.constant 0 : index
    %swap3A_41 = arith.constant 0 : index
    %swap3A_42 = vector.load %arg9[%swap3A, %swap3A_41] : memref<2000x32xf32, #tpu.memory_space<vmem>>, vector<2000x32xf32>
    tpu.vector_store %arg9[%swap3A, %swap3A_41], %mul3A_40 {strides = array<i32>} : memref<2000x32xf32, #tpu.memory_space<vmem>>, vector<2000x32xf32>,
    return
  }
  func.func @transform_0(%arg0: i32, %arg1: i32) -> (i32, i32) {
    %c0_i32 = arith.constant 0 : i32
    %c0_i32_0 = arith.constant 0 : i32
    return %arg0, %c0_i32 : i32, i32
  }
  func.func @transform_1(%arg0: i32, %arg1: i32) -> (i32, i32) {
    %add3A = arith.constant 5 : i32
    %add3A_0 = arith.addi %add3A, %arg0 : i32
    %c0_i32 = arith.constant 0 : i32
    %c0_i32_1 = arith.constant 0 : i32
    return %add3A_0, %c0_i32 : i32, i32
  }
  func.func @transform_2(%arg0: i32, %arg1: i32) -> (i32, i32) {
    %c0_i32 = arith.constant 0 : i32
    %c0_i32_0 = arith.constant 0 : i32
    return %arg0, %c0_i32 : i32, i32
  }
  func.func @transform_3(%arg0: i32, %arg1: i32) -> (i32, i32) {
    %c0_i32 = arith.constant 0 : i32
    %c0_i32_0 = arith.constant 0 : i32
    return %arg0, %c0_i32 : i32, i32
  }
  func.func @transform_4(%arg0: i32, %arg1: i32) -> (i32, i32) {
    %c0_i32 = arith.constant 0 : i32
    %c0_i32_0 = arith.constant 0 : i32
    return %arg0, %c0_i32 : i32, i32
  }
  func.func @transform_5(%arg0: i32, %arg1: i32) -> (i32, i32) {
    %c0_i32 = arith.constant 0 : i32
    %c0_i32_0 = arith.constant 0 : i32
    %c0_i32_1 = arith.constant 0 : i32
    return %c0_i32, %c0_i32_0 : i32, i32
  }
  func.func @transform_6(%arg0: i32, %arg1: i32) -> (i32, i32, i32) {
    %c0_i32 = arith.constant 0 : i32
    %c0_i32_0 = arith.constant 0 : i32
    %c0_i32_1 = arith.constant 0 : i32
    return %arg1, %c0_i32, %c0_i32_0 : i32, i32, i32
  }
  func.func @transform_7(%arg0: i32, %arg1: i32) -> (i32, i32) {
    %mul3A = arith.constant 5 : i32
    %mul3A_0 = arith.muli %arg1, %mul3A : i32
    %add3A = arith.addi %mul3A_0, %arg0 : i32
    %c0_i32 = arith.constant 0 : i32
    %c0_i32_1 = arith.constant 0 : i32
    return %add3A, %c0_i32 : i32, i32
  }
}

module attributes {stable_mosaic.version = 14 : i64} {
  func.func @body(%arg0: i32, %arg1: memref<2000x32xf32, #tpu.memory_space<vmem>>, %arg2: memref<2000x32xf32, #tpu.memory_space<vmem>>, %arg3: memref<2000x32xf32, #tpu.memory_space<vmem>>, %arg4: memref<2000x32xf32, #tpu.memory_space<vmem>>, %arg5: memref<2000x1xf32, #tpu.memory_space<vmem>>, %arg6: memref<1x64xf32, #tpu.memory_space<vmem>>, %arg7: memref<2000x64xf32, #tpu.memory_space<vmem>>) attributes {dimension_semantics = [#tpu.dimension_semantics<arbitrary>], iteration_bounds = array<i64: 5>, scalar_prefetch = 0 : i64, scratch_operands = 0 : i64, tpu.core_type = #tpu.core_type<tc>, window_params = [{transform_indices = @transform_0, window_bounds = array<i64: 2000, 32>}, {transform_indices = @transform_1, window_bounds = array<i64: 2000, 32>}, {transform_indices = @transform_2, window_bounds = array<i64: 2000, 32>}, {transform_indices = @transform_3, window_bounds = array<i64: 2000, 32>}, {transform_indices = @transform_4, window_bounds = array<i64: 2000, 1>}, {pipeline_mode = #tpu.pipeline_mode<synchronous>, transform_indices = @transform_5, window_bounds = array<i64: 1, 64>}, {transform_indices = @transform_6, window_bounds = array<i64: 2000, 64>}]} {
    %get3A = arith.constant 0 : index
    %get3A_0 = arith.constant 0 : index
    %get3A_1 = vector.load %arg5[%get3A, %get3A_0] : memref<2000x1xf32, #tpu.memory_space<vmem>>, vector<2000x1xf32>
    %get3A_2 = arith.constant 0 : index
    %get3A_3 = arith.constant 0 : index
    %get3A_4 = vector.load %arg3[%get3A_2, %get3A_3] : memref<2000x32xf32, #tpu.memory_space<vmem>>, vector<2000x32xf32>
    %get3A_5 = arith.constant 0 : index
    %get3A_6 = arith.constant 0 : index
    %get3A_7 = vector.load %arg1[%get3A_5, %get3A_6] : memref<2000x32xf32, #tpu.memory_space<vmem>>, vector<2000x32xf32>
    %add3A = arith.addf %get3A_4, %get3A_7 : vector<2000x32xf32>
    %mul3A = vector.broadcast %get3A_1 : vector<2000x1xf32> to vector<2000x32xf32>
    %mul3A_8 = arith.mulf %mul3A, %add3A : vector<2000x32xf32>
    %get3A_9 = arith.constant 0 : index
    %get3A_10 = arith.constant 0 : index
    %get3A_11 = vector.load %arg6[%get3A_9, %get3A_10] : memref<1x64xf32, #tpu.memory_space<vmem>>, vector<1x32xf32>
    %add3A_12 = vector.broadcast %get3A_11 : vector<1x32xf32> to vector<2000x32xf32>
    %add3A_13 = arith.addf %mul3A_8, %add3A_12 : vector<2000x32xf32>
    %get3A_14 = arith.constant 0 : index
    %get3A_15 = arith.constant 0 : index
    %get3A_16 = vector.load %arg4[%get3A_14, %get3A_15] : memref<2000x32xf32, #tpu.memory_space<vmem>>, vector<2000x32xf32>
    %get3A_17 = arith.constant 0 : index
    %get3A_18 = arith.constant 0 : index
    %get3A_19 = vector.load %arg2[%get3A_17, %get3A_18] : memref<2000x32xf32, #tpu.memory_space<vmem>>, vector<2000x32xf32>
    %add3A_20 = arith.addf %get3A_16, %get3A_19 : vector<2000x32xf32>
    %mul3A_21 = vector.broadcast %get3A_1 : vector<2000x1xf32> to vector<2000x32xf32>
    %mul3A_22 = arith.mulf %mul3A_21, %add3A_20 : vector<2000x32xf32>
    %get3A_23 = arith.constant 0 : index
    %get3A_24 = arith.constant 32 : index
    %get3A_25 = vector.load %arg6[%get3A_23, %get3A_24] : memref<1x64xf32, #tpu.memory_space<vmem>>, vector<1x32xf32>
    %add3A_26 = vector.broadcast %get3A_25 : vector<1x32xf32> to vector<2000x32xf32>
    %add3A_27 = arith.addf %mul3A_22, %add3A_26 : vector<2000x32xf32>
    %concatenate3A = tpu.concatenate %add3A_13, %add3A_27 in 1 : vector<2000x32xf32>, vector<2000x32xf32> -> vector<2000x64xf32>
    %swap3A = arith.constant 0 : index
    %swap3A_28 = arith.constant 0 : index
    %swap3A_29 = vector.load %arg7[%swap3A, %swap3A_28] : memref<2000x64xf32, #tpu.memory_space<vmem>>, vector<2000x64xf32>
    tpu.vector_store %arg7[%swap3A, %swap3A_28], %concatenate3A {strides = array<i32>} : memref<2000x64xf32, #tpu.memory_space<vmem>>, vector<2000x64xf32>,
    return
  }
  func.func @transform_0(%arg0: i32) -> (i32, i32) {
    %c0_i32 = arith.constant 0 : i32
    %c0_i32_0 = arith.constant 0 : i32
    return %arg0, %c0_i32 : i32, i32
  }
  func.func @transform_1(%arg0: i32) -> (i32, i32) {
    %add3A = arith.constant 5 : i32
    %add3A_0 = arith.addi %add3A, %arg0 : i32
    %c0_i32 = arith.constant 0 : i32
    %c0_i32_1 = arith.constant 0 : i32
    return %add3A_0, %c0_i32 : i32, i32
  }
  func.func @transform_2(%arg0: i32) -> (i32, i32) {
    %c0_i32 = arith.constant 0 : i32
    %c0_i32_0 = arith.constant 0 : i32
    return %arg0, %c0_i32 : i32, i32
  }
  func.func @transform_3(%arg0: i32) -> (i32, i32) {
    %c0_i32 = arith.constant 0 : i32
    %c0_i32_0 = arith.constant 0 : i32
    return %arg0, %c0_i32 : i32, i32
  }
  func.func @transform_4(%arg0: i32) -> (i32, i32) {
    %c0_i32 = arith.constant 0 : i32
    %c0_i32_0 = arith.constant 0 : i32
    return %arg0, %c0_i32 : i32, i32
  }
  func.func @transform_5(%arg0: i32) -> (i32, i32) {
    %c0_i32 = arith.constant 0 : i32
    %c0_i32_0 = arith.constant 0 : i32
    %c0_i32_1 = arith.constant 0 : i32
    return %c0_i32, %c0_i32_0 : i32, i32
  }
  func.func @transform_6(%arg0: i32) -> (i32, i32) {
    %c0_i32 = arith.constant 0 : i32
    %c0_i32_0 = arith.constant 0 : i32
    return %arg0, %c0_i32 : i32, i32
  }
}

</mosaic_0001>

<sc_bundles>
// kernel: kernel.12.cloned.1.call-start
scs
__scs_entry_jumppad:
0x0: {  	(pc) =	sbr.rel $0x88, $3  }
0x1: {  	(tag) =	ssettag $0x0;
	lr =	simm.s32 $0x1  }
0x2: {  	[smem:$0x3F9A] =	sst lr;
	_ =	strace $0xD0000000  }
0x3: {  	_ = 	snop  }
0x4: {  	_ = 	snop  }
0x5: {  	_ = 	snop  }
0x6: {  	_ = 	snop  }
0x7: {  	_ = 	snop  }
__scs_overlays_trampoline_lowered:
0x8: {  	[smem:$0x3FA9] =	sst s0  }
0x9: {  	[smem:$0x3FAA] =	sst s1  }
0xa: {  	[smem:$0x3FAB] =	sst s2  }
0xb: {  	[smem:$0x3FAC] =	sst s3  }
0xc: {  	[smem:$0x3FAD] =	sst s4  }
0xd: {  	[smem:$0x3FAE] =	sst s5  }
0xe: {  	[smem:$0x3FAF] =	sst s6  }
0xf: {  	[smem:$0x3FB0] =	sst s7  }
0x10: {  	[smem:$0x3FB1] =	sst s8  }
0x11: {  	[smem:$0x3FB2] =	sst s9;
	s0 =	simm.s32 @!p0 $0x0  }
0x12: {  	s1 =	sld [smem:$0x3F98];
	s0 =	simm.s32 @p0 $0x1  }
0x13: {  	[smem:$0x3FB3] =	sst s0;
	s0 =	simm.s32 @!p1 $0x0  }
0x14: {  	s2 =	sld [smem:$0x3F97];
	s0 =	simm.s32 @p1 $0x1  }
0x15: {  	[smem:$0x3FB4] =	sst s0;
	s0 =	simm.s32 @!p2 $0x0  }
0x16: {  	s3 =	sld [smem:$0x3FDB];
	s0 =	simm.s32 @p2 $0x1  }
0x17: {  	s4 =	simm.s32 $0x1BF5;
	[smem:$0x3FB6] =	sst s0  }
0x18: {  	s0 =	sld [smem:$0x3F99];
	_ =	swait.ge [sflag:s4], $0x0  }
0x19: {  	s7 =	sld [smem:$0x3F9A]  }
0x1a: {  	s8 =	sadd.s32 $0xFFFFE003, lr  }
0x1b: {  	s9 =	sadd.s32 $0xFFFFFEF7, lr;
	s5 =	simm.s32 $0xFFFFFFFF;
	p2 =	slt.u32 s8, $0xFFFFF086  }
0x1c: {  	p1 =	slt.u32 s9, $0xF7A;
	s5 =	simm.s32 @!p2 $0x0  }
0x1d: {  	s5 =	simm.s32 @p1 $0x1;
	p0 =	seq.s32 s7, s2  }
0x1e: {  	s7 =	smul.u32 @!p0 $0xF7A, s2;
	p2 =	seq.s32 @!p0 s5, $0x0  }
0x1f: {  	s9 =	smul.u32 $0xF7A, s1;
	s8 =	simm.s32 @!p0 $0x1BF5;
	p2 =	por !p2, p0  }
0x20: {  	[sflag:s8] =	ssyncset.s32 @!p0 $0xFFFFF086;
	s6 =	sadd.s32 @!p0 s3, s7;
	s7 =	simm.s32 @!p0 $0x108  }
0x21: {  	s3 =	sadd.s32 s3, s9;
	s6 =	sadd.s32 @!p0 $0x88, s6;
	s7 =	simm.s32 @p2 $0x1082  }
0x22: {  	[simem:s7], [sflag:s8] =	dma.local @!p0 [hbm:s6], $0xF7A  }
0x23: {  	s9 =	sor.u32 $0xD0000000, s2;
	s6 =	simm.s32 $0x108;
	_ =	swait.ge @!p0 [sflag:s8], $0x0  }
0x24: {  	s3 =	sadd.s32 $0x88, s3;
	s6 =	simm.s32 @!p1 $0x1082;
	[sflag:s4] =	ssyncset.s32 $0xFFFFF086  }
0x25: {  	[simem:s6], [sflag:s4] =	dma.local [hbm:s3], $0xF7A  }
0x26: {  	[smem:$0x3F9A] =	sst s1;
	(tag) =	ssettag s2;
	_ =	strace s9  }
0x27: {  	s1 =	sld [smem:$0x3FAA]  }
0x28: {  	s2 =	sld [smem:$0x3FAB]  }
0x29: {  	s4 =	sld [smem:$0x3FAD]  }
0x2a: {  	p0 =	seq.s32 s5, $0x0;
	s5 =	sld [smem:$0x3FAE]  }
0x2b: {  	s6 =	sld [smem:$0x3FAF]  }
0x2c: {  	s7 =	sld [smem:$0x3FB0]  }
0x2d: {  	s3 =	simm.s32 $0x108;
	s8 =	sld [smem:$0x3FB1]  }
0x2e: {  	s3 =	simm.s32 @!p0 $0x1082;
	s9 =	sld [smem:$0x3FB2]  }
0x2f: {  	lr =	sadd.s32 s0, s3;
	s0 =	sld [smem:$0x3FA9]  }
0x30: {  	s3 =	sld [smem:$0x3FAC]  }
0x31: {  	[smem:$0x3FB5] =	sst s10  }
0x32: {  	s10 =	sld [smem:$0x3FB3];
	_ =	sdelay $0x3  }
0x33: {  	p0 =	seq.s32 s10, $0x1;
	s10 =	sld [smem:$0x3FB5];
	_ =	sdelay $0x3  }
0x34: {  	[smem:$0x3FB5] =	sst s10  }
0x35: {  	s10 =	sld [smem:$0x3FB4];
	_ =	sdelay $0x3  }
0x36: {  	p1 =	seq.s32 s10, $0x1;
	s10 =	sld [smem:$0x3FB5];
	_ =	sdelay $0x3  }
0x37: {  	[smem:$0x3FB5] =	sst s10  }
0x38: {  	s10 =	sld [smem:$0x3FB6]  }
0x39: {  	_ = 	snop;
	(pc) =	sbr.ind lr, $3  }
0x3a: {  	_ = 	snop  }
0x3b: {  	_ = 	snop  }
0x3c: {  	p2 =	seq.s32 s10, $0x1;
	s10 =	sld [smem:$0x3FB5]  }
0x3d: {  	_ =	shalt  }
0x3e: {  	_ =	shalt  }
0x3f: {  	_ =	shalt  }
0x40: {  	_ =	shalt  }
0x41: {  	_ =	shalt  }
0x42: {  	_ =	shalt  }
0x43: {  	_ =	shalt  }
0x44: {  	_ =	shalt  }
0x45: {  	_ =	shalt  }
0x46: {  	_ =	shalt  }
0x47: {  	_ =	shalt  }
0x48: {  	_ =	shalt  }
0x49: {  	_ =	shalt  }
0x4a: {  	_ =	shalt  }
0x4b: {  	_ =	shalt  }
0x4c: {  	_ =	shalt  }
0x4d: {  	_ =	shalt  }
0x4e: {  	_ =	shalt  }
0x4f: {  	_ =	shalt  }
0x50: {  	_ =	shalt  }
0x51: {  	_ =	shalt  }
0x52: {  	_ =	shalt  }
0x53: {  	_ =	shalt  }
0x54: {  	_ =	shalt  }
0x55: {  	_ =	shalt  }
0x56: {  	_ =	shalt  }
0x57: {  	_ =	shalt  }
0x58: {  	_ =	shalt  }
0x59: {  	_ =	shalt  }
0x5a: {  	_ =	shalt  }
0x5b: {  	_ =	shalt  }
0x5c: {  	_ =	shalt  }
0x5d: {  	_ =	shalt  }
0x5e: {  	_ =	shalt  }
0x5f: {  	_ =	shalt  }
0x60: {  	_ =	shalt  }
0x61: {  	_ =	shalt  }
0x62: {  	_ =	shalt  }
0x63: {  	_ =	shalt  }
0x64: {  	_ =	shalt  }
0x65: {  	_ =	shalt  }
0x66: {  	_ =	shalt  }
0x67: {  	_ =	shalt  }
0x68: {  	_ =	shalt  }
0x69: {  	_ =	shalt  }
0x6a: {  	_ =	shalt  }
0x6b: {  	_ =	shalt  }
0x6c: {  	_ =	shalt  }
0x6d: {  	_ =	shalt  }
0x6e: {  	_ =	shalt  }
0x6f: {  	_ =	shalt  }
0x70: {  	_ =	shalt  }
0x71: {  	_ =	shalt  }
0x72: {  	_ =	shalt  }
0x73: {  	_ =	shalt  }
0x74: {  	_ =	shalt  }
0x75: {  	_ =	shalt  }
0x76: {  	_ =	shalt  }
0x77: {  	_ =	shalt  }
0x78: {  	_ =	shalt  }
0x79: {  	_ =	shalt  }
0x7a: {  	_ =	shalt  }
0x7b: {  	_ =	shalt  }
0x7c: {  	_ =	shalt  }
0x7d: {  	_ =	shalt  }
0x7e: {  	_ =	shalt  }
0x7f: {  	_ =	shalt  }
0x80: {  	_ =	shalt  }
0x81: {  	_ =	shalt  }
0x82: {  	_ =	shalt  }
0x83: {  	_ =	shalt  }
0x84: {  	_ =	shalt  }
0x85: {  	_ =	shalt  }
0x86: {  	_ =	shalt  }
0x87: {  	_ =	shalt  }
.Lfunc_end0:
.L_simem_size_0:
called_computation.1_lowered:
.L_overlay_start_0:
0x88: {  	s2 =	sld [smem:$0x3FD9]  }
0x89: {  	s3 =	sld [smem:$0x3FFE];
	_ =	sdelay $0x1  }
0x8a: {  	s1 =	srdreg.scid  }
0x8b: {  	s0 =	sand.u32 $0x1, s1  }
0x8c: {  	s16 =	sshll.u32 s0, $0xA;
	s2 =	sadd.s32 s3, s2  }
0x8d: {  	s2 =	sadd.s32 s2, s16  }
0x8e: {  	[smem:$0x3FC1] =	sst s2  }
0x8f: {  	_ = 	snop  }
0x90: {  	(tm) =	ssettm $0x1  }
0x91: {  	s17 =	sld [smem:$0x3FFB];
	_ =	sdelay $0x3  }
0x92: {  	_ =	strace s17  }
0x93: {  	s2 =	sld [smem:$0x3FFC];
	_ =	sdelay $0x3  }
0x94: {  	_ =	strace s2  }
0x95: {  	s2 =	sld [smem:$0x3FFD];
	_ =	sdelay $0x3  }
0x96: {  	_ =	strace s2  }
0x97: {  	_ =	strace $0x8FFFFFFF  }
0x98: {  	s18 =	sld [smem:$0x3FDB];
	_ =	sdelay $0x1  }
0x99: {  	s19 =	simm.s32 $_scs_section_size  }
0x9a: {  	s4 =	simm.s32 $_size__tile_overlayer_lowered;
	s5 =	simm.s32 $_tile_overlayer_lowered  }
0x9b: {  	s22 =	simm.s32 $0x1BFF;
	s21 =	sshll.u32 s5, $0x1;
	s2 =	sadd.s32 s19, s18  }
0x9c: {  	s6 =	simm.s32 $0x0;
	s20 =	sshll.u32 s4, $0x1;
	s4 =	sadd.s32 s21, s2  }
0x9d: {  	[timem:s6], [sflag:s22] =	dma.local [hbm:s4], s20  }
0x9e: {  	_ =	swait.ge [sflag:s22], s20  }
0x9f: {  	s3 =	ssub.s32 $0x0, s20;
	[sflag:s22] =	ssyncset.done $0x0  }
0xa0: {  	[sflag:s22] =	ssyncadd.s32 s3;
	_ =	sdelay $0x1  }
0xa1: {  	s23 =	simm.s32 $0x1B8B  }
0xa2: {  	_ =	swait.ge [sflag:s23], $0x1  }
0xa3: {  	[sflag:s23] =	ssyncset.done $0x0  }
0xa4: {  	s25 =	simm.s32 $0x1B8E;
	s24 =	sld [smem:$0x3FFE];
	[sflag:s23] =	ssyncadd.s32 $0xFFFFFFFF  }
0xa5: {  	s26 =	simm.s32 $execute0_lowered;
	[smem:$0x3FD2] =	sst s25  }
0xa6: {  	s4 =	sshll.u32 s26, $0x1;
	_ =	strace $0x80000049;
	[dreg:$0x1] =	wrdreg $0xFFFFFFFF  }
0xa7: {  	s28 =	simm.s32 $_size_execute0_lowered;
	s2 =	sadd.s32 s2, s4;
	[dreg:$0x0] =	wrdreg $0x0  }
0xa8: {  	s4 =	sshll.u32 s28, $0x1;
	[dreg:$0x2] =	wrdreg s2  }
0xa9: {  	[dreg:$0x3] =	wrdreg s4  }
0xaa: {  	[dreg:$0x4] =	wrdreg $0xC0  }
0xab: {  	_ =	task [dreg:s6], $0x5FFFF  }
0xac: {  	[dreg:$0x1] =	wrdreg $0xFFFFFFFF  }
0xad: {  	[dreg:$0x0] =	wrdreg $0x60  }
0xae: {  	[dreg:$0x2] =	wrdreg s24  }
0xaf: {  	[dreg:$0x3] =	wrdreg $0xDB600  }
0xb0: {  	[dreg:$0x4] =	wrdreg $0x9  }
0xb1: {  	_ =	task.clear_ibuf [dreg:s6], $0x5FFFF;
	_ =	strace $0x90000049  }
0xb2: {  	s29 =	simm.s32 $0x9;
	_ =	strace $0x8000004B  }
0xb3: {  	_ =	swait.ge [sflag:s29], $0x1  }
0xb4: {  	[sflag:s29] =	ssyncadd.s32 $0xFFFFFFFF  }
0xb5: {  	_ =	strace $0x9000004B  }
0xb6: {  	_ =	sfence  }
0xb7: {  	s30 =	sld [smem:$0x0];
	_ =	sdelay $0x2  }
0xb8: {  	s31 =	sshll.u32 s1, $0xD;
	s1 =	sshrl.u32 s1, $0x2  }
0xb9: {  	s3 =	sand.u32 $0x4000, s31;
	s1 =	sadd.s32 s1, s30  }
0xba: {  	s0 =	sor.u32 s3, s0;
	s1 =	sshll.u32 s1, $0x11  }
0xbb: {  	s0 =	sor.u32 s1, s0  }
0xbc: {  	s0 =	sadd.s32 $0x8F2B, s0  }
0xbd: {  	[sflag:s0] =	ssyncadd.remote.s32 $0x1  }
0xbe: {  	_ =	sfence.sel $0xFFFF  }
0xbf: {  	[dreg:$0x0] =	wrdreg $0xFFFFFFFF;
	(pc) =	sbr.abs _section_cstart, $3  }
0xc0: {  	[dreg:$0x1] =	wrdreg $0xFFFFFFFF  }
0xc1: {  	_ =	task.clear_ibuf [dreg:s6], $0x2FFFF;
	_ =	strace $0x9FFFFFFF  }
0xc2: {  	(tm) =	ssettm $0x7FFFFFFF  }
0xc3: {  	_ =	shalt  }
tec
execute0_lowered:
.L_overlay_start_1:
0x0: {  	(tag) =	ssettag $0x1  }
0x1: {  	s0 =	rddreg [dreg:$0x0]  }
0x2: {  	s1 =	rddreg [dreg:$0x1];
	s2 =	simm.s32 $0x0  }
0x3: {  	s3 =	srdreg.scid;
	s31 =	simm.s32 $0xD160;
	s29 =	simm.s32 $0x2  }
0x4: {  	[smem:$0x7FF] =	sst s2;
	s13 =	sand.u32 $0x1, s3;
	s4 =	sadd.s32 $0x82600, s0  }
0x5: {  	s3 =	stileid.u32;
	s16 =	sadd.s32 $0xD000, s0;
	s17 =	sadd.s32 $0x20A00, s0  }
0x6: {  	s6 =	sadd.s32 $0xA9800, s0;
	_ =	strace $0x8000004A;
	s19 =	smul.u32 $0x3E8, s3  }
0x7: {  	s5 =	sshll.u32 s13, $0x4;
	s8 =	ssub.s32 $0x2, s13;
	s12 =	smul.u32 $0x3E800, s3  }
0x8: {  	p0 =	sne.s32 s13, $0x0;
	s30 =	smul.u32 $0x1F40, s3;
	s7 =	sor.u32 s3, s5  }
0x9: {  	p1 =	sgt.u32 s3, $0x9;
	s28 =	sshrl.u32 s8, $0x1;
	s9 =	smul.u32 $0x4E20, s7  }
0xa: {  	s5 =	sadd.s32 $0xBD200, s0;
	s10 =	smul.u32 $0x9C4, s7;
	s0 =	ssub.s32 s8, s28  }
0xb: {  	s18 =	sshrl.u32 s12, $0x2;
	s22 =	sadd.s32 $0x177, s19;
	s24 =	sadd.s32 $0x1F4, s19  }
0xc: {  	s25 =	sadd.s32 $0x271, s19;
	s8 =	sadd.s32 $0x36B, s19;
	s23 =	sshll.u32 s22, $0x3  }
0xd: {  	s12 =	sadd.s32 s18, s1;
	s26 =	sshll.u32 s25, $0x3;
	[dreg:$0x8] =	wrdreg s23  }
0xe: {  	s28 =	sshll.u32 s25, $0x6;
	s7 =	sadd.s32 s16, s10;
	[dreg:$0x9] =	wrdreg s26  }
0xf: {  	s9 =	sshrl.u32 s9, $0x3;
	s10 =	sadd.s32 s17, s10;
	[dreg:$0x3] =	wrdreg s7  }
0x10: {  	s23 =	sshll.u32 s24, $0x6;
	s11 =	sadd.s32 $0x32, s9;
	[dreg:$0x4] =	wrdreg s10  }
0x11: {  	s7 =	sadd.s32 $0x2EE, s19;
	s10 =	sshll.u32 s8, $0x6;
	s14 =	sadd.s32 s16, s11  }
0x12: {  	s15 =	sadd.s32 s17, s11;
	s11 =	smax.u32 s0, $0x1;
	[dreg:$0x5] =	wrdreg s14  }
0x13: {  	s9 =	sshll.u32 s7, $0x6;
	[dreg:$0x6] =	wrdreg s15;
	s14 =	sadd.s32 $0x7D, s19  }
0x14: {  	s15 =	sadd.s32 $0xFA, s19;
	s19 =	sadd.s32 s10, s1;
	s20 =	sshll.u32 s14, $0x6  }
0x15: {  	s21 =	sshll.u32 s14, $0x3;
	s18 =	sshll.u32 s15, $0x6;
	s14 =	sshll.u32 s15, $0x3  }
0x16: {  	[dreg:$0x7] =	wrdreg s21;
	s0 =	sadd.s32 s20, s1;
	s20 =	smul.u32 $0x9C40, s13  }
0x17: {  	s15 =	sadd.s32 s18, s1;
	s18 =	sshll.u32 s22, $0x6;
	s21 =	smul.u32 $0x9C4, s3  }
0x18: {  	s13 =	sshll.u32 s8, $0x3;
	s22 =	sadd.s32 s18, s1;
	s18 =	sadd.s32 s23, s1  }
0x19: {  	[dreg:$0xa] =	wrdreg s13;
	s0 =	sshrl.u32 s0, $0x3;
	s16 =	sadd.s32 s20, s16  }
0x1a: {  	s20 =	sadd.s32 s20, s17;
	s17 =	sshll.u32 s24, $0x3;
	s24 =	sadd.s32 s28, s1  }
0x1b: {  	[dreg:$0xb] =	wrdreg s0;
	s28 =	sshrl.u32 s19, $0x3;
	s0 =	simm.s32 $0x4  }
.Ltmp0:
0x1c: {  	s19 =	simm.s32 $0x1;
	s16 =	sadd.s32 s21, s16;
	(pc) =	sbr.rel .LBB2_1-.Ltmp0, $4  }
0x1d: {  	s23 =	sadd.s32 s21, s20;
	s20 =	sshll.u32 s7, $0x3;
	s21 =	sadd.s32 s9, s1  }
0x1e: {  	s25 =	sshrl.u32 s24, $0x3;
	[dreg:$0xe] =	wrdreg s28;
	s26 =	sadd.s32 $0x64, s16  }
0x1f: {  	s13 =	sadd.s32 $0x64, s23;
	s23 =	sshrl.u32 s22, $0x3;
	[dreg:$0xd] =	wrdreg s25  }
0x20: {  	v0 =	vimm.f32 $0.0e+00;
	s22 =	simm.s32 $0x50;
	s25 =	simm.s32 $0x0;
	[dreg:$0xc] =	wrdreg s23  }
.LBB2_11:
0x21: {  	s25 =	sadd.s32 $0x1, s25  }
0x22: {  	p2 =	sne.s32 s25, s11  }
.Ltmp1:
0x23: {  	_ = 	snop;
	(pc) =	sbr.rel @!p2 .LBB2_12-.Ltmp1, $1  }
0x24: {  	_ =	sdelay $0x3  }
.LBB2_1:
0x25: {  	s23 =	simm.s32 $0x100;
	s16 =	simm.s32 $0x0  }
.LBB2_2:
0x26: {  	p2 =	sne.s32 s23, $0x2700;
	[tilespmem:s16+$0xD190] =	vst v0;
	s24 =	smov.u32 s23;
	s23 =	sadd.s32 $0x100, s23  }
.Ltmp2:
0x27: {  	[tilespmem:s16+$0xD180] =	vst v0;
	(pc) =	sbr.rel @p2 .LBB2_2-.Ltmp2, $3  }
0x28: {  	[tilespmem:s16+$0xD160] =	vst v0  }
0x29: {  	[tilespmem:s16+$0xD170] =	vst v0;
	_ =	sdelay $0x1  }
0x2a: {  	s16 =	sshra.s32 s24, $0x2  }
.Ltmp3:
0x2b: {  	(pc) =	sbr.rel @p1 .LBB2_7-.Ltmp3, $4  }
0x2c: {  	[tilespmem:s16+$0xD190] =	vst v0  }
0x2d: {  	[tilespmem:s16+$0xD180] =	vst v0  }
0x2e: {  	[tilespmem:s16+$0xD160] =	vst v0  }
0x2f: {  	[tilespmem:s16+$0xD170] =	vst v0  }
0x30: {  	s16 =	sadd.s32 $0x0, s12  }
0x31: {  	[spmem:s16] =	stream.linear.scatter [tilespmem:s31], [sflag:$0x4], $0xA00, $0x38;
	[tilespmem:$0x177E0] =	vst v63  }
0x32: {  	s16 =	simm.s32 $0x2800;
	_ =	swait.ge [sflag:s0], $0xA00  }
.LBB2_5:
0x33: {  	s23 =	sshra.s32 s16, $0x2;
	[sflag:s0] =	ssyncset.done $0x0;
	p2 =	sne.s32 s16, $0x3C000  }
.Ltmp4:
0x34: {  	s23 =	sadd.s32 s23, s12;
	[sflag:s0] =	ssyncadd.s32 $0xFFFFF600;
	(pc) =	sbr.rel @p2 .LBB2_5-.Ltmp4, $3  }
0x35: {  	[spmem:s23] =	stream.linear.scatter [tilespmem:s31], [sflag:$0x4], $0xA00, $0x38;
	[tilespmem:$0x177E0] =	vst v63  }
0x36: {  	s16 =	sadd.s32 $0x2800, s16;
	_ =	sdelay $0x1  }
0x37: {  	_ =	swait.ge [sflag:s0], $0xA00  }
0x38: {  	[sflag:s0] =	ssyncset.done $0x0  }
0x39: {  	[sflag:s0] =	ssyncadd.s32 $0xFFFFF600  }
.LBB2_7:
0x3a: {  	[bflag:$0x0] =	sbarrier.arrive $0xFFFF  }
0x3b: {  	s16 =	simm.s32 $0x0;
	s3 =	rddreg [dreg:$0x3]  }
0x3c: {  	[tilespmem:s16], [sflag:$0x4] =	stream.linear.gather [hbm4b:s3+s16], $0x190, $0x38;
	[tilespmem:$0x177E0] =	vst v63  }
0x3d: {  	_ =	swait.ge [sflag:s0], $0x190  }
0x3e: {  	[sflag:s0] =	ssyncset.done $0x0  }
0x3f: {  	s7 =	simm.s32 $0x4B0;
	s8 =	rddreg [dreg:$0x4];
	[sflag:s0] =	ssyncadd.s32 $0xFFFFFE70  }
0x40: {  	[tilespmem:s7], [sflag:$0x4] =	stream.linear.gather [hbm4b:s8+s16], $0x190, $0x38;
	[tilespmem:$0x177E0] =	vst v63  }
0x41: {  	_ =	swait.ge [sflag:s0], $0x190  }
0x42: {  	[sflag:s0] =	ssyncset.done $0x0  }
0x43: {  	s10 =	simm.s32 $0x190;
	s9 =	rddreg [dreg:$0x5];
	[sflag:s0] =	ssyncadd.s32 $0xFFFFFE70  }
0x44: {  	[tilespmem:s10], [sflag:$0x3] =	stream.linear.gather [hbm4b:s9+s16], $0x190, $0x38;
	[tilespmem:$0x177E0] =	vst v63  }
0x45: {  	s24 =	simm.s32 $0x640;
	s23 =	rddreg [dreg:$0x6]  }
0x46: {  	[tilespmem:s24], [sflag:$0x3] =	stream.linear.gather [hbm4b:s23+s16], $0x190, $0x38;
	[tilespmem:$0x177E0] =	vst v63  }
0x47: {  	s28 =	simm.s32 $0x960  }
0x48: {  	[tilespmem:s28], [sflag:$0x1] =	stream.indirect.gather [hbm4b:s4+s22], $0x40, s16, s22, $0xb8;
	[tilespmem:$0x177E0] =	vst v63  }
0x49: {  	s7 =	simm.s32 $0x1D60  }
0x4a: {  	[tilespmem:s7], [sflag:$0x1] =	stream.indirect.gather [hbm4b:s4+s22], $0x40, s22, s22, $0xb8;
	[tilespmem:$0x177E0] =	vst v63  }
0x4b: {  	s8 =	simm.s32 $0xA0;
	s9 =	simm.s32 $0x3160  }
0x4c: {  	[tilespmem:s9], [sflag:$0x1] =	stream.indirect.gather [hbm4b:s4+s22], $0x40, s8, s22, $0xb8;
	[tilespmem:$0x177E0] =	vst v63  }
0x4d: {  	s10 =	simm.s32 $0xF0;
	s23 =	simm.s32 $0x4560  }
0x4e: {  	[tilespmem:s23], [sflag:$0x1] =	stream.indirect.gather [hbm4b:s4+s22], $0x40, s10, s22, $0xb8;
	[tilespmem:$0x177E0] =	vst v63  }
0x4f: {  	s24 =	simm.s32 $0x140;
	s28 =	simm.s32 $0x5960  }
0x50: {  	[tilespmem:s28], [sflag:$0x1] =	stream.indirect.gather [hbm4b:s4+s22], $0x40, s24, s22, $0xb8;
	[tilespmem:$0x177E0] =	vst v63  }
0x51: {  	s23 =	smov.u32 s26;
	s24 =	smov.u32 s13  }
.LBB2_8:
0x52: {  	_ =	swait.ge [sflag:s19], $0x1400  }
0x53: {  	[sflag:s19] =	ssyncset.done $0x0  }
0x54: {  	[sflag:s19] =	ssyncadd.s32 $0xFFFFEC00  }
0x55: {  	_ =	swait.ge [sflag:s19], $0x1400  }
0x56: {  	[sflag:s19] =	ssyncset.done $0x0  }
0x57: {  	[sflag:s19] =	ssyncadd.s32 $0xFFFFEC00  }
0x58: {  	_ =	swait.ge [sflag:s19], $0x1400  }
0x59: {  	[sflag:s19] =	ssyncset.done $0x0  }
0x5a: {  	[sflag:s19] =	ssyncadd.s32 $0xFFFFEC00  }
0x5b: {  	_ =	swait.ge [sflag:s19], $0x1400  }
0x5c: {  	[sflag:s19] =	ssyncset.done $0x0  }
0x5d: {  	[sflag:s19] =	ssyncadd.s32 $0xFFFFEC00  }
0x5e: {  	_ =	swait.ge [sflag:s19], $0x1400  }
0x5f: {  	p2 =	seq.s32 s16, $0x0;
	[sflag:s19] =	ssyncset.done $0x0  }
0x60: {  	s3 =	simm.s32 @!p2 $0x2;
	[sflag:s19] =	ssyncadd.s32 $0xFFFFEC00  }
0x61: {  	_ =	swait.ge @!p2 [sflag:s3], $0x1400  }
0x62: {  	[sflag:s3] =	ssyncset.done @!p2 $0x0  }
0x63: {  	[sflag:s3] =	ssyncadd.s32 @!p2 $0xFFFFEC00  }
0x64: {  	_ =	swait.ge @!p2 [sflag:s3], $0x1400  }
0x65: {  	[sflag:s3] =	ssyncset.done @!p2 $0x0  }
0x66: {  	[sflag:s3] =	ssyncadd.s32 @!p2 $0xFFFFEC00  }
0x67: {  	_ =	swait.ge @!p2 [sflag:s3], $0x1400  }
0x68: {  	[sflag:s3] =	ssyncset.done @!p2 $0x0  }
0x69: {  	[sflag:s3] =	ssyncadd.s32 @!p2 $0xFFFFEC00  }
0x6a: {  	_ =	swait.ge @!p2 [sflag:s3], $0x1400  }
0x6b: {  	[sflag:s3] =	ssyncset.done @!p2 $0x0  }
0x6c: {  	[sflag:s3] =	ssyncadd.s32 @!p2 $0xFFFFEC00  }
0x6d: {  	s28 =	smul.u32 $0xAB, s16;
	p3 =	sgt.u32 @!p2 s16, $0x2F;
	_ =	swait.ge @!p2 [sflag:s3], $0x1400  }
0x6e: {  	p3 =	por p2, !p3;
	[sflag:s3] =	ssyncset.done @!p2 $0x0  }
0x6f: {  	[sflag:s3] =	ssyncadd.s32 @!p2 $0xFFFFEC00;
	s3 =	sadd.s32 @p3 $0x156, s28  }
0x70: {  	s3 =	sshrl.u32 @p3 s3, $0x9  }
0x71: {  	s3 =	sand.u32 @p3 $0x7F, s3  }
0x72: {  	s3 =	smul.u32 @p3 $0x3, s3;
	_ =	sdelay $0x1  }
0x73: {  	s3 =	ssub.s32 @p3 s16, s3  }
0x74: {  	s3 =	sadd.s32 @p3 $0x2, s3  }
0x75: {  	s3 =	sand.u32 @p3 $0xFF, s3  }
0x76: {  	s3 =	smul.u32 @p3 $0x190, s3;
	_ =	sdelay $0x1  }
0x77: {  	[tilespmem:s3], [sflag:$0x3] =	stream.linear.gather @p3 [hbm4b:s23+s2], $0x190, $0x38;
	[tilespmem:$0x177E0] =	vst v63  }
0x78: {  	s9 =	sshrl.u32 s28, $0x9;
	s3 =	sadd.s32 @p3 $0x4B0, s3  }
0x79: {  	[tilespmem:s3], [sflag:$0x3] =	stream.linear.gather @p3 [hbm4b:s24+s2], $0x190, $0x38;
	[tilespmem:$0x177E0] =	vst v63  }
0x7a: {  	s3 =	sand.u32 $0x7F, s9  }
0x7b: {  	s3 =	smul.u32 $0x3, s3;
	_ =	sdelay $0x1  }
0x7c: {  	s7 =	sand.u32 $0x1, s16;
	s3 =	ssub.s32 s16, s3  }
0x7d: {  	s8 =	smul.u32 $0x19000, s7;
	s3 =	sand.u32 $0xFF, s3  }
0x7e: {  	s3 =	smul.u32 $0x640, s3;
	_ =	sdelay $0x1  }
0x7f: {  	s8 =	sshrl.u32 s8, $0x2;
	s3 =	sshrl.u32 s3, $0x2  }
0x80: {  	s9 =	sadd.s32 $0x960, s8;
	s10 =	sadd.s32 $0x4B0, s3  }
0x81: {  	[spmem:s1] =	stream.indirect.scatter.add.f32 [tilespmem:s9], [sflag:$0x2], $0x40, s10, s22, $0xb8;
	[tilespmem:$0x177E0] =	vst v63  }
0x82: {  	s9 =	sadd.s32 $0x1D60, s8;
	s10 =	sadd.s32 $0x500, s3  }
0x83: {  	[spmem:s1] =	stream.indirect.scatter.add.f32 [tilespmem:s9], [sflag:$0x2], $0x40, s10, s22, $0xb8;
	[tilespmem:$0x177E0] =	vst v63  }
0x84: {  	s9 =	sadd.s32 $0x3160, s8;
	s10 =	sadd.s32 $0x550, s3  }
0x85: {  	[spmem:s1] =	stream.indirect.scatter.add.f32 [tilespmem:s9], [sflag:$0x2], $0x40, s10, s22, $0xb8;
	[tilespmem:$0x177E0] =	vst v63  }
0x86: {  	s9 =	sadd.s32 $0x4560, s8;
	s10 =	sadd.s32 $0x5A0, s3  }
0x87: {  	[spmem:s1] =	stream.indirect.scatter.add.f32 [tilespmem:s9], [sflag:$0x2], $0x40, s10, s22, $0xb8;
	[tilespmem:$0x177E0] =	vst v63  }
0x88: {  	p2 =	seq.s32 s16, $0x31;
	s10 =	sadd.s32 $0xAB, s28  }
0x89: {  	s8 =	sadd.s32 $0x5960, s8;
	s3 =	sadd.s32 $0x5F0, s3;
	s28 =	sshrl.u32 s10, $0x9  }
0x8a: {  	[spmem:s1] =	stream.indirect.scatter.add.f32 [tilespmem:s8], [sflag:$0x2], $0x40, s3, s22, $0xb8;
	[tilespmem:$0x177E0] =	vst v63  }
0x8b: {  	s7 =	smul.u32 $0x5, s7;
	s3 =	sand.u32 $0x7F, s28;
	s8 =	simm.s32 @!p2 $0x3  }
0x8c: {  	s3 =	smul.u32 $0x3, s3;
	_ =	swait.ge @!p2 [sflag:s8], $0x190  }
0x8d: {  	s16 =	sadd.s32 $0x1, s16;
	s9 =	ssub.s32 @!p2 $0x5, s7;
	[sflag:s8] =	ssyncset.done @!p2 $0x0  }
0x8e: {  	s9 =	smul.u32 @!p2 $0x5000, s9;
	s3 =	ssub.s32 s16, s3;
	[sflag:s8] =	ssyncadd.s32 @!p2 $0xFFFFFE70  }
0x8f: {  	s3 =	sand.u32 $0xFF, s3;
	_ =	swait.ge @!p2 [sflag:s8], $0x190  }
0x90: {  	s9 =	sshrl.u32 @!p2 s9, $0x2;
	[sflag:s8] =	ssyncset.done @!p2 $0x0;
	s3 =	smul.u32 @!p2 $0x640, s3  }
0x91: {  	[sflag:s8] =	ssyncadd.s32 @!p2 $0xFFFFFE70;
	s8 =	sadd.s32 @!p2 $0x960, s9;
	s9 =	ssub.s32 @!p2 $0x6, s7  }
0x92: {  	s10 =	simm.s32 @!p2 $0x50;
	s3 =	sshrl.u32 @!p2 s3, $0x2;
	s9 =	smul.u32 @!p2 $0x5000, s9  }
0x93: {  	[tilespmem:s8], [sflag:$0x1] =	stream.indirect.gather @!p2 [hbm4b:s4+s10], $0x40, s3, s10, $0xb8;
	[tilespmem:$0x177E0] =	vst v63  }
0x94: {  	s8 =	sshrl.u32 @!p2 s9, $0x2;
	s9 =	sxor.u32 @!p2 $0x7, s7  }
0x95: {  	s28 =	sadd.s32 @!p2 $0x50, s3;
	s8 =	sadd.s32 @!p2 $0x960, s8;
	s9 =	smul.u32 @!p2 $0x5000, s9  }
0x96: {  	[tilespmem:s8], [sflag:$0x1] =	stream.indirect.gather @!p2 [hbm4b:s4+s10], $0x40, s28, s10, $0xb8;
	[tilespmem:$0x177E0] =	vst v63  }
0x97: {  	p3 =	sne.s32 @!p2 s16, $0x32;
	s8 =	sshrl.u32 @!p2 s9, $0x2;
	s9 =	ssub.s32 @!p2 $0x8, s7  }
0x98: {  	p3 =	por p2, !p3;
	s7 =	ssub.s32 @!p2 $0x9, s7;
	s9 =	smul.u32 @!p2 $0x5000, s9  }
0x99: {  	s28 =	sadd.s32 @!p2 $0xA0, s3;
	s8 =	sadd.s32 @!p2 $0x960, s8;
	s7 =	smul.u32 @!p2 $0x5000, s7  }
0x9a: {  	[tilespmem:s8], [sflag:$0x1] =	stream.indirect.gather @!p2 [hbm4b:s4+s10], $0x40, s28, s10, $0xb8;
	[tilespmem:$0x177E0] =	vst v63  }
.Ltmp5:
0x9b: {  	s23 =	sadd.s32 @!p2 $0x32, s23;
	s8 =	sshrl.u32 @!p2 s9, $0x2;
	(pc) =	sbr.rel @!p3 .LBB2_8-.Ltmp5, $4  }
0x9c: {  	s9 =	sadd.s32 @!p2 $0xF0, s3;
	s7 =	sshrl.u32 @!p2 s7, $0x2;
	s8 =	sadd.s32 @!p2 $0x960, s8  }
0x9d: {  	[tilespmem:s8], [sflag:$0x1] =	stream.indirect.gather @!p2 [hbm4b:s4+s10], $0x40, s9, s10, $0xb8;
	[tilespmem:$0x177E0] =	vst v63  }
0x9e: {  	s24 =	sadd.s32 @!p2 $0x32, s24;
	s3 =	sadd.s32 @!p2 $0x140, s3;
	s7 =	sadd.s32 @!p2 $0x960, s7  }
0x9f: {  	[tilespmem:s7], [sflag:$0x1] =	stream.indirect.gather @!p2 [hbm4b:s4+s10], $0x40, s3, s10, $0xb8;
	[tilespmem:$0x177E0] =	vst v63  }
0xa0: {  	_ =	swait.ge [sflag:s29], $0x1400  }
0xa1: {  	[sflag:s29] =	ssyncset.done $0x0  }
0xa2: {  	[sflag:s29] =	ssyncadd.s32 $0xFFFFEC00  }
0xa3: {  	_ =	swait.ge [sflag:s29], $0x1400  }
0xa4: {  	[sflag:s29] =	ssyncset.done $0x0  }
0xa5: {  	[sflag:s29] =	ssyncadd.s32 $0xFFFFEC00  }
0xa6: {  	_ =	swait.ge [sflag:s29], $0x1400  }
0xa7: {  	[sflag:s29] =	ssyncset.done $0x0  }
0xa8: {  	[sflag:s29] =	ssyncadd.s32 $0xFFFFEC00  }
0xa9: {  	_ =	swait.ge [sflag:s29], $0x1400  }
0xaa: {  	[sflag:s29] =	ssyncset.done $0x0  }
0xab: {  	[sflag:s29] =	ssyncadd.s32 $0xFFFFEC00  }
.Ltmp6:
0xac: {  	_ =	swait.ge [sflag:s29], $0x1400;
	(pc) =	sbr.rel @p1 .LBB2_11-.Ltmp6, $3  }
0xad: {  	[sflag:s29] =	ssyncset.done $0x0  }
0xae: {  	[sflag:s29] =	ssyncadd.s32 $0xFFFFEC00  }
0xaf: {  	[bflag:$0x0] =	sbarrier.arrive $0xFFFF;
	_ =	sdelay $0x1  }
0xb0: {  	s9 =	stileid.u32  }
0xb1: {  	s7 =	sadd.s32 @p0 s6, s30;
	s23 =	simm.s32 @p0 $0x4;
	s3 =	sshll.u32 @p0 s9, $0x6  }
0xb2: {  	s16 =	simm.s32 @!p0 $0x5;
	s24 =	sor.u32 @p0 $0x1C04, s3;
	s3 =	sshrl.u32 @p0 s12, $0x3  }
0xb3: {  	[hbm:s7], [sflag:s24] =	dma.local @p0 [spmem:s3], $0x3E8  }
0xb4: {  	s8 =	sshrl.u32 @!p0 s12, $0x3;
	s16 =	simm.s32 @p0 $0x4;
	_ =	swait.ge @p0 [sflag:s23], $0x3E8  }
0xb5: {  	s3 =	sshll.u32 @!p0 s9, $0x6;
	s7 =	sadd.s32 @!p0 s5, s30;
	[sflag:s23] =	ssyncset.done @p0 $0x0  }
0xb6: {  	s9 =	sshll.u32 s9, $0x6;
	s3 =	sor.u32 @!p0 $0x1C05, s3;
	[sflag:s23] =	ssyncadd.s32 @p0 $0xFFFFFC18  }
0xb7: {  	[hbm:s7], [sflag:s3] =	dma.local @!p0 [spmem:s8], $0x3E8  }
0xb8: {  	s9 =	sadd.s32 s16, s9;
	s7 =	simm.s32 @!p0 $0x5  }
0xb9: {  	s9 =	sadd.s32 $0x1C00, s9;
	s8 =	smov.u32 s5;
	_ =	swait.ge @!p0 [sflag:s7], $0x3E8  }
0xba: {  	s8 =	smov.u32 @p0 s6;
	[sflag:s7] =	ssyncset.done @!p0 $0x0;
	s10 =	rddreg [dreg:$0x7]  }
0xbb: {  	s28 =	rddreg [dreg:$0xb];
	[sflag:s7] =	ssyncadd.s32 @!p0 $0xFFFFFC18;
	s10 =	sadd.s32 s8, s10  }
0xbc: {  	[hbm:s10], [sflag:s9] =	dma.local [spmem:s28], $0x3E8  }
0xbd: {  	_ =	swait.ge [sflag:s16], $0x3E8  }
0xbe: {  	[sflag:s16] =	ssyncset.done $0x0  }
0xbf: {  	s10 =	sadd.s32 @p0 s6, s14;
	s28 =	sshrl.u32 @p0 s15, $0x3;
	[sflag:s16] =	ssyncadd.s32 $0xFFFFFC18  }
0xc0: {  	[hbm:s10], [sflag:s24] =	dma.local @p0 [spmem:s28], $0x3E8  }
0xc1: {  	_ =	swait.ge @p0 [sflag:s23], $0x3E8  }
0xc2: {  	[sflag:s23] =	ssyncset.done @p0 $0x0  }
0xc3: {  	s10 =	sadd.s32 @!p0 s5, s14;
	s28 =	sshrl.u32 @!p0 s15, $0x3;
	[sflag:s23] =	ssyncadd.s32 @p0 $0xFFFFFC18  }
0xc4: {  	[hbm:s10], [sflag:s3] =	dma.local @!p0 [spmem:s28], $0x3E8  }
0xc5: {  	_ =	swait.ge @!p0 [sflag:s7], $0x3E8  }
0xc6: {  	[sflag:s7] =	ssyncset.done @!p0 $0x0;
	s28 =	rddreg [dreg:$0x8]  }
0xc7: {  	[sflag:s7] =	ssyncadd.s32 @!p0 $0xFFFFFC18;
	s10 =	sadd.s32 s8, s28;
	s28 =	rddreg [dreg:$0xc]  }
0xc8: {  	[hbm:s10], [sflag:s9] =	dma.local [spmem:s28], $0x3E8  }
0xc9: {  	_ =	swait.ge [sflag:s16], $0x3E8  }
0xca: {  	[sflag:s16] =	ssyncset.done $0x0  }
0xcb: {  	s10 =	sadd.s32 @p0 s6, s17;
	s28 =	sshrl.u32 @p0 s18, $0x3;
	[sflag:s16] =	ssyncadd.s32 $0xFFFFFC18  }
0xcc: {  	[hbm:s10], [sflag:s24] =	dma.local @p0 [spmem:s28], $0x3E8  }
0xcd: {  	_ =	swait.ge @p0 [sflag:s23], $0x3E8  }
0xce: {  	[sflag:s23] =	ssyncset.done @p0 $0x0  }
0xcf: {  	s10 =	sadd.s32 @!p0 s5, s17;
	s28 =	sshrl.u32 @!p0 s18, $0x3;
	[sflag:s23] =	ssyncadd.s32 @p0 $0xFFFFFC18  }
0xd0: {  	[hbm:s10], [sflag:s3] =	dma.local @!p0 [spmem:s28], $0x3E8  }
0xd1: {  	_ =	swait.ge @!p0 [sflag:s7], $0x3E8  }
0xd2: {  	[sflag:s7] =	ssyncset.done @!p0 $0x0;
	s28 =	rddreg [dreg:$0x9]  }
0xd3: {  	[sflag:s7] =	ssyncadd.s32 @!p0 $0xFFFFFC18;
	s10 =	sadd.s32 s8, s28;
	s28 =	rddreg [dreg:$0xd]  }
0xd4: {  	[hbm:s10], [sflag:s9] =	dma.local [spmem:s28], $0x3E8  }
0xd5: {  	_ =	swait.ge [sflag:s16], $0x3E8  }
0xd6: {  	[sflag:s16] =	ssyncset.done $0x0  }
0xd7: {  	s10 =	sadd.s32 @p0 s6, s20;
	s28 =	sshrl.u32 @p0 s21, $0x3;
	[sflag:s16] =	ssyncadd.s32 $0xFFFFFC18  }
0xd8: {  	[hbm:s10], [sflag:s24] =	dma.local @p0 [spmem:s28], $0x3E8  }
0xd9: {  	_ =	swait.ge @p0 [sflag:s23], $0x3E8  }
0xda: {  	[sflag:s23] =	ssyncset.done @p0 $0x0  }
0xdb: {  	s10 =	sadd.s32 @!p0 s5, s20;
	[sflag:s23] =	ssyncadd.s32 @p0 $0xFFFFFC18;
	s23 =	sshrl.u32 @!p0 s21, $0x3  }
0xdc: {  	[hbm:s10], [sflag:s3] =	dma.local @!p0 [spmem:s23], $0x3E8  }
0xdd: {  	_ =	swait.ge @!p0 [sflag:s7], $0x3E8  }
0xde: {  	s24 =	rddreg [dreg:$0xa]  }
0xdf: {  	[sflag:s7] =	ssyncset.done @!p0 $0x0;
	s28 =	rddreg [dreg:$0xe]  }
.Ltmp7:
0xe0: {  	[sflag:s7] =	ssyncadd.s32 @!p0 $0xFFFFFC18;
	s3 =	sadd.s32 s8, s24;
	(pc) =	sbr.rel .LBB2_11-.Ltmp7, $4  }
0xe1: {  	[hbm:s3], [sflag:s9] =	dma.local [spmem:s28], $0x3E8  }
0xe2: {  	_ =	swait.ge [sflag:s16], $0x3E8  }
0xe3: {  	[sflag:s16] =	ssyncset.done $0x0  }
0xe4: {  	[sflag:s16] =	ssyncadd.s32 $0xFFFFFC18  }
.LBB2_12:
0xe5: {  	_ =	sfence.sel $0x180000  }
0xe6: {  	[bflag:$0x0] =	sbarrier.arrive $0xFFFF  }
0xe7: {  	_ =	strace $0x9000004A  }
0xe8: {  	s0 =	stileid.u32;
	[bflag:$0x2] =	sbarrier.arrive $0xFFFF  }
0xe9: {  	p0 =	sne.s32 s0, $0x0;
	s0 =	rddreg [dreg:$0x2]  }
0xea: {  	s0 =	sadd.s32 @!p0 $0x100000, s0  }
0xeb: {  	[sflag:s0] =	ssyncadd.tile.s32 @!p0 $0x1;
	_ =	shalt  }
.Lfunc_end2:
_tile_overlayer_lowered:
.L_overlay_start_2:
0xec: {  	(tag) =	ssettag $0x2  }
0xed: {  	s0 =	rddreg [dreg:$0x0];
	s2 =	stileid.u32  }
0xee: {  	s1 =	rddreg [dreg:$0x1];
	p0 =	sne.s32 s2, $0x0  }
0xef: {  	s3 =	rddreg [dreg:$0x2];
	[bflag:$0x3] =	sbarrier.arrive $0xFFFF;
	s2 =	simm.s32 @!p0 $0x1C04  }
0xf0: {  	[timem:s3], [sflag:s2] =	dma.local @!p0 [hbm:s0], s1  }
0xf1: {  	s0 =	simm.s32 @!p0 $0x4  }
0xf2: {  	_ =	swait.ge @!p0 [sflag:s0], s1  }
0xf3: {  	s1 =	ssub.s32 @!p0 $0x0, s1;
	[sflag:s0] =	ssyncset.done @!p0 $0x0  }
0xf4: {  	[sflag:s0] =	ssyncadd.s32 @!p0 s1  }
0xf5: {  	[bflag:$0x3] =	sbarrier.arrive $0xFFFF  }
0xf6: {  	_ =	shalt  }

// kernel: kernel.15.cloned.1.call-start
scs
__scs_entry_jumppad:
0x0: {  	(pc) =	sbr.rel $0x88, $3  }
0x1: {  	(tag) =	ssettag $0x0;
	lr =	simm.s32 $0x1  }
0x2: {  	[smem:$0x3F9A] =	sst lr;
	_ =	strace $0xD0000000  }
0x3: {  	_ = 	snop  }
0x4: {  	_ = 	snop  }
0x5: {  	_ = 	snop  }
0x6: {  	_ = 	snop  }
0x7: {  	_ = 	snop  }
__scs_overlays_trampoline_lowered:
0x8: {  	[smem:$0x3FA9] =	sst s0  }
0x9: {  	[smem:$0x3FAA] =	sst s1  }
0xa: {  	[smem:$0x3FAB] =	sst s2  }
0xb: {  	[smem:$0x3FAC] =	sst s3  }
0xc: {  	[smem:$0x3FAD] =	sst s4  }
0xd: {  	[smem:$0x3FAE] =	sst s5  }
0xe: {  	[smem:$0x3FAF] =	sst s6  }
0xf: {  	[smem:$0x3FB0] =	sst s7  }
0x10: {  	[smem:$0x3FB1] =	sst s8  }
0x11: {  	[smem:$0x3FB2] =	sst s9;
	s0 =	simm.s32 @!p0 $0x0  }
0x12: {  	s1 =	sld [smem:$0x3F98];
	s0 =	simm.s32 @p0 $0x1  }
0x13: {  	[smem:$0x3FB3] =	sst s0;
	s0 =	simm.s32 @!p1 $0x0  }
0x14: {  	s2 =	sld [smem:$0x3F97];
	s0 =	simm.s32 @p1 $0x1  }
0x15: {  	[smem:$0x3FB4] =	sst s0;
	s0 =	simm.s32 @!p2 $0x0  }
0x16: {  	s3 =	sld [smem:$0x3FDB];
	s0 =	simm.s32 @p2 $0x1  }
0x17: {  	s4 =	simm.s32 $0x1BF5;
	[smem:$0x3FB6] =	sst s0  }
0x18: {  	s0 =	sld [smem:$0x3F99];
	_ =	swait.ge [sflag:s4], $0x0  }
0x19: {  	s7 =	sld [smem:$0x3F9A]  }
0x1a: {  	s8 =	sadd.s32 $0xFFFFE003, lr  }
0x1b: {  	s9 =	sadd.s32 $0xFFFFFEF7, lr;
	s5 =	simm.s32 $0xFFFFFFFF;
	p2 =	slt.u32 s8, $0xFFFFF086  }
0x1c: {  	p1 =	slt.u32 s9, $0xF7A;
	s5 =	simm.s32 @!p2 $0x0  }
0x1d: {  	s5 =	simm.s32 @p1 $0x1;
	p0 =	seq.s32 s7, s2  }
0x1e: {  	s7 =	smul.u32 @!p0 $0xF7A, s2;
	p2 =	seq.s32 @!p0 s5, $0x0  }
0x1f: {  	s9 =	smul.u32 $0xF7A, s1;
	s8 =	simm.s32 @!p0 $0x1BF5;
	p2 =	por !p2, p0  }
0x20: {  	[sflag:s8] =	ssyncset.s32 @!p0 $0xFFFFF086;
	s6 =	sadd.s32 @!p0 s3, s7;
	s7 =	simm.s32 @!p0 $0x108  }
0x21: {  	s3 =	sadd.s32 s3, s9;
	s6 =	sadd.s32 @!p0 $0x88, s6;
	s7 =	simm.s32 @p2 $0x1082  }
0x22: {  	[simem:s7], [sflag:s8] =	dma.local @!p0 [hbm:s6], $0xF7A  }
0x23: {  	s9 =	sor.u32 $0xD0000000, s2;
	s6 =	simm.s32 $0x108;
	_ =	swait.ge @!p0 [sflag:s8], $0x0  }
0x24: {  	s3 =	sadd.s32 $0x88, s3;
	s6 =	simm.s32 @!p1 $0x1082;
	[sflag:s4] =	ssyncset.s32 $0xFFFFF086  }
0x25: {  	[simem:s6], [sflag:s4] =	dma.local [hbm:s3], $0xF7A  }
0x26: {  	[smem:$0x3F9A] =	sst s1;
	(tag) =	ssettag s2;
	_ =	strace s9  }
0x27: {  	s1 =	sld [smem:$0x3FAA]  }
0x28: {  	s2 =	sld [smem:$0x3FAB]  }
0x29: {  	s4 =	sld [smem:$0x3FAD]  }
0x2a: {  	p0 =	seq.s32 s5, $0x0;
	s5 =	sld [smem:$0x3FAE]  }
0x2b: {  	s6 =	sld [smem:$0x3FAF]  }
0x2c: {  	s7 =	sld [smem:$0x3FB0]  }
0x2d: {  	s3 =	simm.s32 $0x108;
	s8 =	sld [smem:$0x3FB1]  }
0x2e: {  	s3 =	simm.s32 @!p0 $0x1082;
	s9 =	sld [smem:$0x3FB2]  }
0x2f: {  	lr =	sadd.s32 s0, s3;
	s0 =	sld [smem:$0x3FA9]  }
0x30: {  	s3 =	sld [smem:$0x3FAC]  }
0x31: {  	[smem:$0x3FB5] =	sst s10  }
0x32: {  	s10 =	sld [smem:$0x3FB3];
	_ =	sdelay $0x3  }
0x33: {  	p0 =	seq.s32 s10, $0x1;
	s10 =	sld [smem:$0x3FB5];
	_ =	sdelay $0x3  }
0x34: {  	[smem:$0x3FB5] =	sst s10  }
0x35: {  	s10 =	sld [smem:$0x3FB4];
	_ =	sdelay $0x3  }
0x36: {  	p1 =	seq.s32 s10, $0x1;
	s10 =	sld [smem:$0x3FB5];
	_ =	sdelay $0x3  }
0x37: {  	[smem:$0x3FB5] =	sst s10  }
0x38: {  	s10 =	sld [smem:$0x3FB6]  }
0x39: {  	_ = 	snop;
	(pc) =	sbr.ind lr, $3  }
0x3a: {  	_ = 	snop  }
0x3b: {  	_ = 	snop  }
0x3c: {  	p2 =	seq.s32 s10, $0x1;
	s10 =	sld [smem:$0x3FB5]  }
0x3d: {  	_ =	shalt  }
0x3e: {  	_ =	shalt  }
0x3f: {  	_ =	shalt  }
0x40: {  	_ =	shalt  }
0x41: {  	_ =	shalt  }
0x42: {  	_ =	shalt  }
0x43: {  	_ =	shalt  }
0x44: {  	_ =	shalt  }
0x45: {  	_ =	shalt  }
0x46: {  	_ =	shalt  }
0x47: {  	_ =	shalt  }
0x48: {  	_ =	shalt  }
0x49: {  	_ =	shalt  }
0x4a: {  	_ =	shalt  }
0x4b: {  	_ =	shalt  }
0x4c: {  	_ =	shalt  }
0x4d: {  	_ =	shalt  }
0x4e: {  	_ =	shalt  }
0x4f: {  	_ =	shalt  }
0x50: {  	_ =	shalt  }
0x51: {  	_ =	shalt  }
0x52: {  	_ =	shalt  }
0x53: {  	_ =	shalt  }
0x54: {  	_ =	shalt  }
0x55: {  	_ =	shalt  }
0x56: {  	_ =	shalt  }
0x57: {  	_ =	shalt  }
0x58: {  	_ =	shalt  }
0x59: {  	_ =	shalt  }
0x5a: {  	_ =	shalt  }
0x5b: {  	_ =	shalt  }
0x5c: {  	_ =	shalt  }
0x5d: {  	_ =	shalt  }
0x5e: {  	_ =	shalt  }
0x5f: {  	_ =	shalt  }
0x60: {  	_ =	shalt  }
0x61: {  	_ =	shalt  }
0x62: {  	_ =	shalt  }
0x63: {  	_ =	shalt  }
0x64: {  	_ =	shalt  }
0x65: {  	_ =	shalt  }
0x66: {  	_ =	shalt  }
0x67: {  	_ =	shalt  }
0x68: {  	_ =	shalt  }
0x69: {  	_ =	shalt  }
0x6a: {  	_ =	shalt  }
0x6b: {  	_ =	shalt  }
0x6c: {  	_ =	shalt  }
0x6d: {  	_ =	shalt  }
0x6e: {  	_ =	shalt  }
0x6f: {  	_ =	shalt  }
0x70: {  	_ =	shalt  }
0x71: {  	_ =	shalt  }
0x72: {  	_ =	shalt  }
0x73: {  	_ =	shalt  }
0x74: {  	_ =	shalt  }
0x75: {  	_ =	shalt  }
0x76: {  	_ =	shalt  }
0x77: {  	_ =	shalt  }
0x78: {  	_ =	shalt  }
0x79: {  	_ =	shalt  }
0x7a: {  	_ =	shalt  }
0x7b: {  	_ =	shalt  }
0x7c: {  	_ =	shalt  }
0x7d: {  	_ =	shalt  }
0x7e: {  	_ =	shalt  }
0x7f: {  	_ =	shalt  }
0x80: {  	_ =	shalt  }
0x81: {  	_ =	shalt  }
0x82: {  	_ =	shalt  }
0x83: {  	_ =	shalt  }
0x84: {  	_ =	shalt  }
0x85: {  	_ =	shalt  }
0x86: {  	_ =	shalt  }
0x87: {  	_ =	shalt  }
.Lfunc_end0:
.L_simem_size_0:
called_computation.2_lowered:
.L_overlay_start_0:
0x88: {  	s2 =	sld [smem:$0x3FD9]  }
0x89: {  	s3 =	sld [smem:$0x3FFE];
	_ =	sdelay $0x1  }
0x8a: {  	s1 =	srdreg.scid  }
0x8b: {  	s0 =	sand.u32 $0x1, s1  }
0x8c: {  	s16 =	sshll.u32 s0, $0xA;
	s2 =	sadd.s32 s3, s2  }
0x8d: {  	s2 =	sadd.s32 s2, s16  }
0x8e: {  	[smem:$0x3FC1] =	sst s2  }
0x8f: {  	_ = 	snop  }
0x90: {  	(tm) =	ssettm $0x1  }
0x91: {  	s17 =	sld [smem:$0x3FFB];
	_ =	sdelay $0x3  }
0x92: {  	_ =	strace s17  }
0x93: {  	s2 =	sld [smem:$0x3FFC];
	_ =	sdelay $0x3  }
0x94: {  	_ =	strace s2  }
0x95: {  	s2 =	sld [smem:$0x3FFD];
	_ =	sdelay $0x3  }
0x96: {  	_ =	strace s2  }
0x97: {  	_ =	strace $0x8FFFFFFF  }
0x98: {  	s18 =	sld [smem:$0x3FDB];
	_ =	sdelay $0x1  }
0x99: {  	s19 =	simm.s32 $_scs_section_size  }
0x9a: {  	s4 =	simm.s32 $_size__tile_overlayer_lowered;
	s5 =	simm.s32 $_tile_overlayer_lowered  }
0x9b: {  	s22 =	simm.s32 $0x1BFF;
	s21 =	sshll.u32 s5, $0x1;
	s2 =	sadd.s32 s19, s18  }
0x9c: {  	s6 =	simm.s32 $0x0;
	s20 =	sshll.u32 s4, $0x1;
	s4 =	sadd.s32 s21, s2  }
0x9d: {  	[timem:s6], [sflag:s22] =	dma.local [hbm:s4], s20  }
0x9e: {  	_ =	swait.ge [sflag:s22], s20  }
0x9f: {  	s3 =	ssub.s32 $0x0, s20;
	[sflag:s22] =	ssyncset.done $0x0  }
0xa0: {  	[sflag:s22] =	ssyncadd.s32 s3;
	_ =	sdelay $0x1  }
0xa1: {  	s23 =	simm.s32 $0x1B8B  }
0xa2: {  	_ =	swait.ge [sflag:s23], $0x1  }
0xa3: {  	[sflag:s23] =	ssyncset.done $0x0  }
0xa4: {  	s25 =	simm.s32 $0x1B8E;
	s24 =	sld [smem:$0x3FFE];
	[sflag:s23] =	ssyncadd.s32 $0xFFFFFFFF  }
0xa5: {  	s26 =	simm.s32 $execute0_lowered;
	[smem:$0x3FD2] =	sst s25  }
0xa6: {  	s4 =	sshll.u32 s26, $0x1;
	_ =	strace $0x8000004C;
	[dreg:$0x1] =	wrdreg $0xFFFFFFFF  }
0xa7: {  	s28 =	simm.s32 $_size_execute0_lowered;
	s2 =	sadd.s32 s2, s4;
	[dreg:$0x0] =	wrdreg $0x0  }
0xa8: {  	s4 =	sshll.u32 s28, $0x1;
	[dreg:$0x2] =	wrdreg s2  }
0xa9: {  	[dreg:$0x3] =	wrdreg s4  }
0xaa: {  	[dreg:$0x4] =	wrdreg $0xC0  }
0xab: {  	_ =	task [dreg:s6], $0x5FFFF  }
0xac: {  	[dreg:$0x1] =	wrdreg $0xFFFFFFFF  }
0xad: {  	[dreg:$0x0] =	wrdreg $0x60  }
0xae: {  	[dreg:$0x2] =	wrdreg s24  }
0xaf: {  	[dreg:$0x3] =	wrdreg $0x72600  }
0xb0: {  	[dreg:$0x4] =	wrdreg $0x9  }
0xb1: {  	_ =	task.clear_ibuf [dreg:s6], $0x5FFFF;
	_ =	strace $0x9000004C  }
0xb2: {  	s29 =	simm.s32 $0x9;
	_ =	strace $0x8000004E  }
0xb3: {  	_ =	swait.ge [sflag:s29], $0x1  }
0xb4: {  	[sflag:s29] =	ssyncadd.s32 $0xFFFFFFFF  }
0xb5: {  	_ =	strace $0x9000004E  }
0xb6: {  	_ =	sfence  }
0xb7: {  	s30 =	sld [smem:$0x0];
	_ =	sdelay $0x2  }
0xb8: {  	s31 =	sshll.u32 s1, $0xD;
	s1 =	sshrl.u32 s1, $0x2  }
0xb9: {  	s3 =	sand.u32 $0x4000, s31;
	s1 =	sadd.s32 s1, s30  }
0xba: {  	s0 =	sor.u32 s3, s0;
	s1 =	sshll.u32 s1, $0x11  }
0xbb: {  	s0 =	sor.u32 s1, s0  }
0xbc: {  	s0 =	sadd.s32 $0x8F2B, s0  }
0xbd: {  	[sflag:s0] =	ssyncadd.remote.s32 $0x1  }
0xbe: {  	_ =	sfence.sel $0xFFFF  }
0xbf: {  	[dreg:$0x0] =	wrdreg $0xFFFFFFFF;
	(pc) =	sbr.abs _section_cstart, $3  }
0xc0: {  	[dreg:$0x1] =	wrdreg $0xFFFFFFFF  }
0xc1: {  	_ =	task.clear_ibuf [dreg:s6], $0x2FFFF;
	_ =	strace $0x9FFFFFFF  }
0xc2: {  	(tm) =	ssettm $0x7FFFFFFF  }
0xc3: {  	_ =	shalt  }
tec
execute0_lowered:
.L_overlay_start_1:
0x0: {  	(tag) =	ssettag $0x1  }
0x1: {  	s0 =	rddreg [dreg:$0x0]  }
0x2: {  	s1 =	rddreg [dreg:$0x1];
	s2 =	simm.s32 $0x0  }
0x3: {  	s3 =	srdreg.scid;
	s31 =	simm.s32 $0x6D60;
	s29 =	simm.s32 $0x2  }
0x4: {  	[smem:$0x7FF] =	sst s2;
	s13 =	sand.u32 $0x1, s3;
	s4 =	sadd.s32 $0x34400, s0  }
0x5: {  	s3 =	stileid.u32;
	s16 =	sadd.s32 $0xD000, s0;
	s17 =	sadd.s32 $0x20A00, s0  }
0x6: {  	s6 =	sadd.s32 $0x3200, s0;
	_ =	strace $0x8000004D;
	s19 =	smul.u32 $0x3E8, s3  }
0x7: {  	s5 =	sshll.u32 s13, $0x4;
	s8 =	ssub.s32 $0x2, s13;
	s12 =	smul.u32 $0x1F400, s3  }
0x8: {  	p0 =	sne.s32 s13, $0x0;
	s30 =	smul.u32 $0xFA0, s3;
	s7 =	sor.u32 s3, s5  }
0x9: {  	p1 =	sgt.u32 s3, $0x9;
	s28 =	sshrl.u32 s8, $0x1;
	s9 =	smul.u32 $0x4E20, s7  }
0xa: {  	s5 =	sadd.s32 $0x47E00, s0;
	s10 =	smul.u32 $0x9C4, s7;
	s0 =	ssub.s32 s8, s28  }
0xb: {  	s18 =	sshrl.u32 s12, $0x2;
	s22 =	sadd.s32 $0x177, s19;
	s24 =	sadd.s32 $0x1F4, s19  }
0xc: {  	s25 =	sadd.s32 $0x271, s19;
	s8 =	sadd.s32 $0x36B, s19;
	s23 =	sshll.u32 s22, $0x2  }
0xd: {  	s12 =	sadd.s32 s18, s1;
	s26 =	sshll.u32 s25, $0x2;
	[dreg:$0x8] =	wrdreg s23  }
0xe: {  	s28 =	sshll.u32 s25, $0x5;
	s7 =	sadd.s32 s16, s10;
	[dreg:$0x9] =	wrdreg s26  }
0xf: {  	s9 =	sshrl.u32 s9, $0x3;
	s10 =	sadd.s32 s17, s10;
	[dreg:$0x3] =	wrdreg s7  }
0x10: {  	s23 =	sshll.u32 s24, $0x5;
	s11 =	sadd.s32 $0x32, s9;
	[dreg:$0x4] =	wrdreg s10  }
0x11: {  	s7 =	sadd.s32 $0x2EE, s19;
	s10 =	sshll.u32 s8, $0x5;
	s14 =	sadd.s32 s16, s11  }
0x12: {  	s15 =	sadd.s32 s17, s11;
	s11 =	smax.u32 s0, $0x1;
	[dreg:$0x5] =	wrdreg s14  }
0x13: {  	s9 =	sshll.u32 s7, $0x5;
	[dreg:$0x6] =	wrdreg s15;
	s14 =	sadd.s32 $0x7D, s19  }
0x14: {  	s15 =	sadd.s32 $0xFA, s19;
	s19 =	sadd.s32 s10, s1;
	s20 =	sshll.u32 s14, $0x5  }
0x15: {  	s21 =	sshll.u32 s14, $0x2;
	s18 =	sshll.u32 s15, $0x5;
	s14 =	sshll.u32 s15, $0x2  }
0x16: {  	[dreg:$0x7] =	wrdreg s21;
	s0 =	sadd.s32 s20, s1;
	s20 =	smul.u32 $0x9C40, s13  }
0x17: {  	s15 =	sadd.s32 s18, s1;
	s18 =	sshll.u32 s22, $0x5;
	s21 =	smul.u32 $0x9C4, s3  }
0x18: {  	s13 =	sshll.u32 s8, $0x2;
	s22 =	sadd.s32 s18, s1;
	s18 =	sadd.s32 s23, s1  }
0x19: {  	[dreg:$0xa] =	wrdreg s13;
	s0 =	sshrl.u32 s0, $0x3;
	s16 =	sadd.s32 s20, s16  }
0x1a: {  	s20 =	sadd.s32 s20, s17;
	s17 =	sshll.u32 s24, $0x2;
	s24 =	sadd.s32 s28, s1  }
0x1b: {  	[dreg:$0xb] =	wrdreg s0;
	s28 =	sshrl.u32 s19, $0x3;
	s0 =	simm.s32 $0x4  }
.Ltmp0:
0x1c: {  	s19 =	simm.s32 $0x1;
	s16 =	sadd.s32 s21, s16;
	(pc) =	sbr.rel .LBB2_1-.Ltmp0, $4  }
0x1d: {  	s23 =	sadd.s32 s21, s20;
	s20 =	sshll.u32 s7, $0x2;
	s21 =	sadd.s32 s9, s1  }
0x1e: {  	s25 =	sshrl.u32 s24, $0x3;
	[dreg:$0xe] =	wrdreg s28;
	s26 =	sadd.s32 $0x64, s16  }
0x1f: {  	s13 =	sadd.s32 $0x64, s23;
	s23 =	sshrl.u32 s22, $0x3;
	[dreg:$0xd] =	wrdreg s25  }
0x20: {  	v0 =	vimm.f32 $0.0e+00;
	s22 =	simm.s32 $0x50;
	s25 =	simm.s32 $0x0;
	[dreg:$0xc] =	wrdreg s23  }
.LBB2_11:
0x21: {  	s25 =	sadd.s32 $0x1, s25  }
0x22: {  	p2 =	sne.s32 s25, s11  }
.Ltmp1:
0x23: {  	_ = 	snop;
	(pc) =	sbr.rel @!p2 .LBB2_12-.Ltmp1, $1  }
0x24: {  	_ =	sdelay $0x3  }
.LBB2_1:
0x25: {  	s16 =	simm.s32 $0x80;
	s23 =	simm.s32 $0x0  }
.LBB2_2:
0x26: {  	p2 =	sne.s32 s16, $0x1380;
	[tilespmem:s23+$0x6D60] =	vst v0;
	s24 =	smov.u32 s16;
	s16 =	sadd.s32 $0x80, s16  }
.Ltmp2:
0x27: {  	[tilespmem:s23+$0x6D70] =	vst v0;
	(pc) =	sbr.rel @p2 .LBB2_2-.Ltmp2, $2  }
0x28: {  	_ =	sdelay $0x2  }
0x29: {  	s23 =	sshra.s32 s24, $0x2  }
.Ltmp3:
0x2a: {  	(pc) =	sbr.rel @p1 .LBB2_7-.Ltmp3, $3  }
0x2b: {  	_ =	sdelay $0x1  }
0x2c: {  	[tilespmem:s23+$0x6D60] =	vst v0  }
0x2d: {  	[tilespmem:s23+$0x6D70] =	vst v0  }
0x2e: {  	s16 =	sadd.s32 $0x0, s12  }
0x2f: {  	[spmem:s16] =	stream.linear.scatter [tilespmem:s31], [sflag:$0x4], $0x500, $0x38;
	[tilespmem:$0xC0A0] =	vst v63  }
0x30: {  	s16 =	simm.s32 $0x1400;
	_ =	swait.ge [sflag:s0], $0x500  }
.LBB2_5:
0x31: {  	s23 =	sshra.s32 s16, $0x2;
	[sflag:s0] =	ssyncset.done $0x0;
	p2 =	sne.s32 s16, $0x1E000  }
.Ltmp4:
0x32: {  	s23 =	sadd.s32 s23, s12;
	[sflag:s0] =	ssyncadd.s32 $0xFFFFFB00;
	(pc) =	sbr.rel @p2 .LBB2_5-.Ltmp4, $3  }
0x33: {  	[spmem:s23] =	stream.linear.scatter [tilespmem:s31], [sflag:$0x4], $0x500, $0x38;
	[tilespmem:$0xC0A0] =	vst v63  }
0x34: {  	s16 =	sadd.s32 $0x1400, s16;
	_ =	sdelay $0x1  }
0x35: {  	_ =	swait.ge [sflag:s0], $0x500  }
0x36: {  	[sflag:s0] =	ssyncset.done $0x0  }
0x37: {  	[sflag:s0] =	ssyncadd.s32 $0xFFFFFB00  }
.LBB2_7:
0x38: {  	[bflag:$0x0] =	sbarrier.arrive $0xFFFF  }
0x39: {  	s16 =	simm.s32 $0x0;
	s3 =	rddreg [dreg:$0x3]  }
0x3a: {  	[tilespmem:s16], [sflag:$0x4] =	stream.linear.gather [hbm4b:s3+s16], $0x190, $0x38;
	[tilespmem:$0xC0A0] =	vst v63  }
0x3b: {  	_ =	swait.ge [sflag:s0], $0x190  }
0x3c: {  	[sflag:s0] =	ssyncset.done $0x0  }
0x3d: {  	s7 =	simm.s32 $0x4B0;
	s8 =	rddreg [dreg:$0x4];
	[sflag:s0] =	ssyncadd.s32 $0xFFFFFE70  }
0x3e: {  	[tilespmem:s7], [sflag:$0x4] =	stream.linear.gather [hbm4b:s8+s16], $0x190, $0x38;
	[tilespmem:$0xC0A0] =	vst v63  }
0x3f: {  	_ =	swait.ge [sflag:s0], $0x190  }
0x40: {  	[sflag:s0] =	ssyncset.done $0x0  }
0x41: {  	s10 =	simm.s32 $0x190;
	s9 =	rddreg [dreg:$0x5];
	[sflag:s0] =	ssyncadd.s32 $0xFFFFFE70  }
0x42: {  	[tilespmem:s10], [sflag:$0x3] =	stream.linear.gather [hbm4b:s9+s16], $0x190, $0x38;
	[tilespmem:$0xC0A0] =	vst v63  }
0x43: {  	s24 =	simm.s32 $0x640;
	s23 =	rddreg [dreg:$0x6]  }
0x44: {  	[tilespmem:s24], [sflag:$0x3] =	stream.linear.gather [hbm4b:s23+s16], $0x190, $0x38;
	[tilespmem:$0xC0A0] =	vst v63  }
0x45: {  	s28 =	simm.s32 $0x960  }
0x46: {  	[tilespmem:s28], [sflag:$0x1] =	stream.indirect.gather [hbm4b:s4+s22], $0x20, s16, s22, $0xb8;
	[tilespmem:$0xC0A0] =	vst v63  }
0x47: {  	s7 =	simm.s32 $0x1360  }
0x48: {  	[tilespmem:s7], [sflag:$0x1] =	stream.indirect.gather [hbm4b:s4+s22], $0x20, s22, s22, $0xb8;
	[tilespmem:$0xC0A0] =	vst v63  }
0x49: {  	s8 =	simm.s32 $0xA0;
	s9 =	simm.s32 $0x1D60  }
0x4a: {  	[tilespmem:s9], [sflag:$0x1] =	stream.indirect.gather [hbm4b:s4+s22], $0x20, s8, s22, $0xb8;
	[tilespmem:$0xC0A0] =	vst v63  }
0x4b: {  	s10 =	simm.s32 $0xF0;
	s23 =	simm.s32 $0x2760  }
0x4c: {  	[tilespmem:s23], [sflag:$0x1] =	stream.indirect.gather [hbm4b:s4+s22], $0x20, s10, s22, $0xb8;
	[tilespmem:$0xC0A0] =	vst v63  }
0x4d: {  	s24 =	simm.s32 $0x140;
	s28 =	simm.s32 $0x3160  }
0x4e: {  	[tilespmem:s28], [sflag:$0x1] =	stream.indirect.gather [hbm4b:s4+s22], $0x20, s24, s22, $0xb8;
	[tilespmem:$0xC0A0] =	vst v63  }
0x4f: {  	s23 =	smov.u32 s26;
	s24 =	smov.u32 s13  }
.LBB2_8:
0x50: {  	_ =	swait.ge [sflag:s19], $0xA00  }
0x51: {  	[sflag:s19] =	ssyncset.done $0x0  }
0x52: {  	[sflag:s19] =	ssyncadd.s32 $0xFFFFF600  }
0x53: {  	_ =	swait.ge [sflag:s19], $0xA00  }
0x54: {  	[sflag:s19] =	ssyncset.done $0x0  }
0x55: {  	[sflag:s19] =	ssyncadd.s32 $0xFFFFF600  }
0x56: {  	_ =	swait.ge [sflag:s19], $0xA00  }
0x57: {  	[sflag:s19] =	ssyncset.done $0x0  }
0x58: {  	[sflag:s19] =	ssyncadd.s32 $0xFFFFF600  }
0x59: {  	_ =	swait.ge [sflag:s19], $0xA00  }
0x5a: {  	[sflag:s19] =	ssyncset.done $0x0  }
0x5b: {  	[sflag:s19] =	ssyncadd.s32 $0xFFFFF600  }
0x5c: {  	_ =	swait.ge [sflag:s19], $0xA00  }
0x5d: {  	p2 =	seq.s32 s16, $0x0;
	[sflag:s19] =	ssyncset.done $0x0  }
0x5e: {  	s3 =	simm.s32 @!p2 $0x2;
	[sflag:s19] =	ssyncadd.s32 $0xFFFFF600  }
0x5f: {  	_ =	swait.ge @!p2 [sflag:s3], $0xA00  }
0x60: {  	[sflag:s3] =	ssyncset.done @!p2 $0x0  }
0x61: {  	[sflag:s3] =	ssyncadd.s32 @!p2 $0xFFFFF600  }
0x62: {  	_ =	swait.ge @!p2 [sflag:s3], $0xA00  }
0x63: {  	[sflag:s3] =	ssyncset.done @!p2 $0x0  }
0x64: {  	[sflag:s3] =	ssyncadd.s32 @!p2 $0xFFFFF600  }
0x65: {  	_ =	swait.ge @!p2 [sflag:s3], $0xA00  }
0x66: {  	[sflag:s3] =	ssyncset.done @!p2 $0x0  }
0x67: {  	[sflag:s3] =	ssyncadd.s32 @!p2 $0xFFFFF600  }
0x68: {  	_ =	swait.ge @!p2 [sflag:s3], $0xA00  }
0x69: {  	[sflag:s3] =	ssyncset.done @!p2 $0x0  }
0x6a: {  	[sflag:s3] =	ssyncadd.s32 @!p2 $0xFFFFF600  }
0x6b: {  	s28 =	smul.u32 $0xAB, s16;
	p3 =	sgt.u32 @!p2 s16, $0x2F;
	_ =	swait.ge @!p2 [sflag:s3], $0xA00  }
0x6c: {  	p3 =	por p2, !p3;
	[sflag:s3] =	ssyncset.done @!p2 $0x0  }
0x6d: {  	[sflag:s3] =	ssyncadd.s32 @!p2 $0xFFFFF600;
	s3 =	sadd.s32 @p3 $0x156, s28  }
0x6e: {  	s3 =	sshrl.u32 @p3 s3, $0x9  }
0x6f: {  	s3 =	sand.u32 @p3 $0x7F, s3  }
0x70: {  	s3 =	smul.u32 @p3 $0x3, s3;
	_ =	sdelay $0x1  }
0x71: {  	s3 =	ssub.s32 @p3 s16, s3  }
0x72: {  	s3 =	sadd.s32 @p3 $0x2, s3  }
0x73: {  	s3 =	sand.u32 @p3 $0xFF, s3  }
0x74: {  	s3 =	smul.u32 @p3 $0x190, s3;
	_ =	sdelay $0x1  }
0x75: {  	[tilespmem:s3], [sflag:$0x3] =	stream.linear.gather @p3 [hbm4b:s23+s2], $0x190, $0x38;
	[tilespmem:$0xC0A0] =	vst v63  }
0x76: {  	s9 =	sshrl.u32 s28, $0x9;
	s3 =	sadd.s32 @p3 $0x4B0, s3  }
0x77: {  	[tilespmem:s3], [sflag:$0x3] =	stream.linear.gather @p3 [hbm4b:s24+s2], $0x190, $0x38;
	[tilespmem:$0xC0A0] =	vst v63  }
0x78: {  	s3 =	sand.u32 $0x7F, s9  }
0x79: {  	s3 =	smul.u32 $0x3, s3;
	_ =	sdelay $0x1  }
0x7a: {  	s7 =	sand.u32 $0x1, s16;
	s3 =	ssub.s32 s16, s3  }
0x7b: {  	s8 =	smul.u32 $0xC800, s7;
	s3 =	sand.u32 $0xFF, s3  }
0x7c: {  	s3 =	smul.u32 $0x640, s3;
	_ =	sdelay $0x1  }
0x7d: {  	s8 =	sshrl.u32 s8, $0x2;
	s3 =	sshrl.u32 s3, $0x2  }
0x7e: {  	s9 =	sadd.s32 $0x960, s8;
	s10 =	sadd.s32 $0x4B0, s3  }
0x7f: {  	[spmem:s1] =	stream.indirect.scatter.add.f32 [tilespmem:s9], [sflag:$0x2], $0x20, s10, s22, $0xb8;
	[tilespmem:$0xC0A0] =	vst v63  }
0x80: {  	s9 =	sadd.s32 $0x1360, s8;
	s10 =	sadd.s32 $0x500, s3  }
0x81: {  	[spmem:s1] =	stream.indirect.scatter.add.f32 [tilespmem:s9], [sflag:$0x2], $0x20, s10, s22, $0xb8;
	[tilespmem:$0xC0A0] =	vst v63  }
0x82: {  	s9 =	sadd.s32 $0x1D60, s8;
	s10 =	sadd.s32 $0x550, s3  }
0x83: {  	[spmem:s1] =	stream.indirect.scatter.add.f32 [tilespmem:s9], [sflag:$0x2], $0x20, s10, s22, $0xb8;
	[tilespmem:$0xC0A0] =	vst v63  }
0x84: {  	s9 =	sadd.s32 $0x2760, s8;
	s10 =	sadd.s32 $0x5A0, s3  }
0x85: {  	[spmem:s1] =	stream.indirect.scatter.add.f32 [tilespmem:s9], [sflag:$0x2], $0x20, s10, s22, $0xb8;
	[tilespmem:$0xC0A0] =	vst v63  }
0x86: {  	p2 =	seq.s32 s16, $0x31;
	s10 =	sadd.s32 $0xAB, s28  }
0x87: {  	s8 =	sadd.s32 $0x3160, s8;
	s3 =	sadd.s32 $0x5F0, s3;
	s28 =	sshrl.u32 s10, $0x9  }
0x88: {  	[spmem:s1] =	stream.indirect.scatter.add.f32 [tilespmem:s8], [sflag:$0x2], $0x20, s3, s22, $0xb8;
	[tilespmem:$0xC0A0] =	vst v63  }
0x89: {  	s7 =	smul.u32 $0x5, s7;
	s3 =	sand.u32 $0x7F, s28;
	s8 =	simm.s32 @!p2 $0x3  }
0x8a: {  	s3 =	smul.u32 $0x3, s3;
	_ =	swait.ge @!p2 [sflag:s8], $0x190  }
0x8b: {  	s16 =	sadd.s32 $0x1, s16;
	s9 =	ssub.s32 @!p2 $0x5, s7;
	[sflag:s8] =	ssyncset.done @!p2 $0x0  }
0x8c: {  	s9 =	smul.u32 @!p2 $0x2800, s9;
	s3 =	ssub.s32 s16, s3;
	[sflag:s8] =	ssyncadd.s32 @!p2 $0xFFFFFE70  }
0x8d: {  	s3 =	sand.u32 $0xFF, s3;
	_ =	swait.ge @!p2 [sflag:s8], $0x190  }
0x8e: {  	s9 =	sshrl.u32 @!p2 s9, $0x2;
	[sflag:s8] =	ssyncset.done @!p2 $0x0;
	s3 =	smul.u32 @!p2 $0x640, s3  }
0x8f: {  	[sflag:s8] =	ssyncadd.s32 @!p2 $0xFFFFFE70;
	s8 =	sadd.s32 @!p2 $0x960, s9;
	s9 =	ssub.s32 @!p2 $0x6, s7  }
0x90: {  	s10 =	simm.s32 @!p2 $0x50;
	s3 =	sshrl.u32 @!p2 s3, $0x2;
	s9 =	smul.u32 @!p2 $0x2800, s9  }
0x91: {  	[tilespmem:s8], [sflag:$0x1] =	stream.indirect.gather @!p2 [hbm4b:s4+s10], $0x20, s3, s10, $0xb8;
	[tilespmem:$0xC0A0] =	vst v63  }
0x92: {  	s8 =	sshrl.u32 @!p2 s9, $0x2;
	s9 =	sxor.u32 @!p2 $0x7, s7  }
0x93: {  	s28 =	sadd.s32 @!p2 $0x50, s3;
	s8 =	sadd.s32 @!p2 $0x960, s8;
	s9 =	smul.u32 @!p2 $0x2800, s9  }
0x94: {  	[tilespmem:s8], [sflag:$0x1] =	stream.indirect.gather @!p2 [hbm4b:s4+s10], $0x20, s28, s10, $0xb8;
	[tilespmem:$0xC0A0] =	vst v63  }
0x95: {  	p3 =	sne.s32 @!p2 s16, $0x32;
	s8 =	sshrl.u32 @!p2 s9, $0x2;
	s9 =	ssub.s32 @!p2 $0x8, s7  }
0x96: {  	p3 =	por p2, !p3;
	s7 =	ssub.s32 @!p2 $0x9, s7;
	s9 =	smul.u32 @!p2 $0x2800, s9  }
0x97: {  	s28 =	sadd.s32 @!p2 $0xA0, s3;
	s8 =	sadd.s32 @!p2 $0x960, s8;
	s7 =	smul.u32 @!p2 $0x2800, s7  }
0x98: {  	[tilespmem:s8], [sflag:$0x1] =	stream.indirect.gather @!p2 [hbm4b:s4+s10], $0x20, s28, s10, $0xb8;
	[tilespmem:$0xC0A0] =	vst v63  }
.Ltmp5:
0x99: {  	s23 =	sadd.s32 @!p2 $0x32, s23;
	s8 =	sshrl.u32 @!p2 s9, $0x2;
	(pc) =	sbr.rel @!p3 .LBB2_8-.Ltmp5, $4  }
0x9a: {  	s9 =	sadd.s32 @!p2 $0xF0, s3;
	s7 =	sshrl.u32 @!p2 s7, $0x2;
	s8 =	sadd.s32 @!p2 $0x960, s8  }
0x9b: {  	[tilespmem:s8], [sflag:$0x1] =	stream.indirect.gather @!p2 [hbm4b:s4+s10], $0x20, s9, s10, $0xb8;
	[tilespmem:$0xC0A0] =	vst v63  }
0x9c: {  	s24 =	sadd.s32 @!p2 $0x32, s24;
	s3 =	sadd.s32 @!p2 $0x140, s3;
	s7 =	sadd.s32 @!p2 $0x960, s7  }
0x9d: {  	[tilespmem:s7], [sflag:$0x1] =	stream.indirect.gather @!p2 [hbm4b:s4+s10], $0x20, s3, s10, $0xb8;
	[tilespmem:$0xC0A0] =	vst v63  }
0x9e: {  	_ =	swait.ge [sflag:s29], $0xA00  }
0x9f: {  	[sflag:s29] =	ssyncset.done $0x0  }
0xa0: {  	[sflag:s29] =	ssyncadd.s32 $0xFFFFF600  }
0xa1: {  	_ =	swait.ge [sflag:s29], $0xA00  }
0xa2: {  	[sflag:s29] =	ssyncset.done $0x0  }
0xa3: {  	[sflag:s29] =	ssyncadd.s32 $0xFFFFF600  }
0xa4: {  	_ =	swait.ge [sflag:s29], $0xA00  }
0xa5: {  	[sflag:s29] =	ssyncset.done $0x0  }
0xa6: {  	[sflag:s29] =	ssyncadd.s32 $0xFFFFF600  }
0xa7: {  	_ =	swait.ge [sflag:s29], $0xA00  }
0xa8: {  	[sflag:s29] =	ssyncset.done $0x0  }
0xa9: {  	[sflag:s29] =	ssyncadd.s32 $0xFFFFF600  }
.Ltmp6:
0xaa: {  	_ =	swait.ge [sflag:s29], $0xA00;
	(pc) =	sbr.rel @p1 .LBB2_11-.Ltmp6, $3  }
0xab: {  	[sflag:s29] =	ssyncset.done $0x0  }
0xac: {  	[sflag:s29] =	ssyncadd.s32 $0xFFFFF600  }
0xad: {  	[bflag:$0x0] =	sbarrier.arrive $0xFFFF;
	_ =	sdelay $0x1  }
0xae: {  	s9 =	stileid.u32  }
0xaf: {  	s7 =	sadd.s32 @p0 s6, s30;
	s23 =	simm.s32 @p0 $0x4;
	s3 =	sshll.u32 @p0 s9, $0x6  }
0xb0: {  	s16 =	simm.s32 @!p0 $0x5;
	s24 =	sor.u32 @p0 $0x1C04, s3;
	s3 =	sshrl.u32 @p0 s12, $0x3  }
0xb1: {  	[hbm:s7], [sflag:s24] =	dma.local @p0 [spmem:s3], $0x1F4  }
0xb2: {  	s8 =	sshrl.u32 @!p0 s12, $0x3;
	s16 =	simm.s32 @p0 $0x4;
	_ =	swait.ge @p0 [sflag:s23], $0x1F4  }
0xb3: {  	s3 =	sshll.u32 @!p0 s9, $0x6;
	s7 =	sadd.s32 @!p0 s5, s30;
	[sflag:s23] =	ssyncset.done @p0 $0x0  }
0xb4: {  	s9 =	sshll.u32 s9, $0x6;
	s3 =	sor.u32 @!p0 $0x1C05, s3;
	[sflag:s23] =	ssyncadd.s32 @p0 $0xFFFFFE0C  }
0xb5: {  	[hbm:s7], [sflag:s3] =	dma.local @!p0 [spmem:s8], $0x1F4  }
0xb6: {  	s9 =	sadd.s32 s16, s9;
	s7 =	simm.s32 @!p0 $0x5  }
0xb7: {  	s9 =	sadd.s32 $0x1C00, s9;
	s8 =	smov.u32 s5;
	_ =	swait.ge @!p0 [sflag:s7], $0x1F4  }
0xb8: {  	s8 =	smov.u32 @p0 s6;
	[sflag:s7] =	ssyncset.done @!p0 $0x0;
	s10 =	rddreg [dreg:$0x7]  }
0xb9: {  	s28 =	rddreg [dreg:$0xb];
	[sflag:s7] =	ssyncadd.s32 @!p0 $0xFFFFFE0C;
	s10 =	sadd.s32 s8, s10  }
0xba: {  	[hbm:s10], [sflag:s9] =	dma.local [spmem:s28], $0x1F4  }
0xbb: {  	_ =	swait.ge [sflag:s16], $0x1F4  }
0xbc: {  	[sflag:s16] =	ssyncset.done $0x0  }
0xbd: {  	s10 =	sadd.s32 @p0 s6, s14;
	s28 =	sshrl.u32 @p0 s15, $0x3;
	[sflag:s16] =	ssyncadd.s32 $0xFFFFFE0C  }
0xbe: {  	[hbm:s10], [sflag:s24] =	dma.local @p0 [spmem:s28], $0x1F4  }
0xbf: {  	_ =	swait.ge @p0 [sflag:s23], $0x1F4  }
0xc0: {  	[sflag:s23] =	ssyncset.done @p0 $0x0  }
0xc1: {  	s10 =	sadd.s32 @!p0 s5, s14;
	s28 =	sshrl.u32 @!p0 s15, $0x3;
	[sflag:s23] =	ssyncadd.s32 @p0 $0xFFFFFE0C  }
0xc2: {  	[hbm:s10], [sflag:s3] =	dma.local @!p0 [spmem:s28], $0x1F4  }
0xc3: {  	_ =	swait.ge @!p0 [sflag:s7], $0x1F4  }
0xc4: {  	[sflag:s7] =	ssyncset.done @!p0 $0x0;
	s28 =	rddreg [dreg:$0x8]  }
0xc5: {  	[sflag:s7] =	ssyncadd.s32 @!p0 $0xFFFFFE0C;
	s10 =	sadd.s32 s8, s28;
	s28 =	rddreg [dreg:$0xc]  }
0xc6: {  	[hbm:s10], [sflag:s9] =	dma.local [spmem:s28], $0x1F4  }
0xc7: {  	_ =	swait.ge [sflag:s16], $0x1F4  }
0xc8: {  	[sflag:s16] =	ssyncset.done $0x0  }
0xc9: {  	s10 =	sadd.s32 @p0 s6, s17;
	s28 =	sshrl.u32 @p0 s18, $0x3;
	[sflag:s16] =	ssyncadd.s32 $0xFFFFFE0C  }
0xca: {  	[hbm:s10], [sflag:s24] =	dma.local @p0 [spmem:s28], $0x1F4  }
0xcb: {  	_ =	swait.ge @p0 [sflag:s23], $0x1F4  }
0xcc: {  	[sflag:s23] =	ssyncset.done @p0 $0x0  }
0xcd: {  	s10 =	sadd.s32 @!p0 s5, s17;
	s28 =	sshrl.u32 @!p0 s18, $0x3;
	[sflag:s23] =	ssyncadd.s32 @p0 $0xFFFFFE0C  }
0xce: {  	[hbm:s10], [sflag:s3] =	dma.local @!p0 [spmem:s28], $0x1F4  }
0xcf: {  	_ =	swait.ge @!p0 [sflag:s7], $0x1F4  }
0xd0: {  	[sflag:s7] =	ssyncset.done @!p0 $0x0;
	s28 =	rddreg [dreg:$0x9]  }
0xd1: {  	[sflag:s7] =	ssyncadd.s32 @!p0 $0xFFFFFE0C;
	s10 =	sadd.s32 s8, s28;
	s28 =	rddreg [dreg:$0xd]  }
0xd2: {  	[hbm:s10], [sflag:s9] =	dma.local [spmem:s28], $0x1F4  }
0xd3: {  	_ =	swait.ge [sflag:s16], $0x1F4  }
0xd4: {  	[sflag:s16] =	ssyncset.done $0x0  }
0xd5: {  	s10 =	sadd.s32 @p0 s6, s20;
	s28 =	sshrl.u32 @p0 s21, $0x3;
	[sflag:s16] =	ssyncadd.s32 $0xFFFFFE0C  }
0xd6: {  	[hbm:s10], [sflag:s24] =	dma.local @p0 [spmem:s28], $0x1F4  }
0xd7: {  	_ =	swait.ge @p0 [sflag:s23], $0x1F4  }
0xd8: {  	[sflag:s23] =	ssyncset.done @p0 $0x0  }
0xd9: {  	s10 =	sadd.s32 @!p0 s5, s20;
	[sflag:s23] =	ssyncadd.s32 @p0 $0xFFFFFE0C;
	s23 =	sshrl.u32 @!p0 s21, $0x3  }
0xda: {  	[hbm:s10], [sflag:s3] =	dma.local @!p0 [spmem:s23], $0x1F4  }
0xdb: {  	_ =	swait.ge @!p0 [sflag:s7], $0x1F4  }
0xdc: {  	s24 =	rddreg [dreg:$0xa]  }
0xdd: {  	[sflag:s7] =	ssyncset.done @!p0 $0x0;
	s28 =	rddreg [dreg:$0xe]  }
.Ltmp7:
0xde: {  	[sflag:s7] =	ssyncadd.s32 @!p0 $0xFFFFFE0C;
	s3 =	sadd.s32 s8, s24;
	(pc) =	sbr.rel .LBB2_11-.Ltmp7, $4  }
0xdf: {  	[hbm:s3], [sflag:s9] =	dma.local [spmem:s28], $0x1F4  }
0xe0: {  	_ =	swait.ge [sflag:s16], $0x1F4  }
0xe1: {  	[sflag:s16] =	ssyncset.done $0x0  }
0xe2: {  	[sflag:s16] =	ssyncadd.s32 $0xFFFFFE0C  }
.LBB2_12:
0xe3: {  	_ =	sfence.sel $0x180000  }
0xe4: {  	[bflag:$0x0] =	sbarrier.arrive $0xFFFF  }
0xe5: {  	_ =	strace $0x9000004D  }
0xe6: {  	s0 =	stileid.u32;
	[bflag:$0x2] =	sbarrier.arrive $0xFFFF  }
0xe7: {  	p0 =	sne.s32 s0, $0x0;
	s0 =	rddreg [dreg:$0x2]  }
0xe8: {  	s0 =	sadd.s32 @!p0 $0x100000, s0  }
0xe9: {  	[sflag:s0] =	ssyncadd.tile.s32 @!p0 $0x1;
	_ =	shalt  }
.Lfunc_end2:
_tile_overlayer_lowered:
.L_overlay_start_2:
0xea: {  	(tag) =	ssettag $0x2  }
0xeb: {  	s0 =	rddreg [dreg:$0x0];
	s2 =	stileid.u32  }
0xec: {  	s1 =	rddreg [dreg:$0x1];
	p0 =	sne.s32 s2, $0x0  }
0xed: {  	s3 =	rddreg [dreg:$0x2];
	[bflag:$0x3] =	sbarrier.arrive $0xFFFF;
	s2 =	simm.s32 @!p0 $0x1C04  }
0xee: {  	[timem:s3], [sflag:s2] =	dma.local @!p0 [hbm:s0], s1  }
0xef: {  	s0 =	simm.s32 @!p0 $0x4  }
0xf0: {  	_ =	swait.ge @!p0 [sflag:s0], s1  }
0xf1: {  	s1 =	ssub.s32 @!p0 $0x0, s1;
	[sflag:s0] =	ssyncset.done @!p0 $0x0  }
0xf2: {  	[sflag:s0] =	ssyncadd.s32 @!p0 s1  }
0xf3: {  	[bflag:$0x3] =	sbarrier.arrive $0xFFFF  }
0xf4: {  	_ =	shalt  }

// kernel: kernel.18.cloned.1.call-start
scs
__scs_entry_jumppad:
0x0: {  	(pc) =	sbr.rel $0x88, $3  }
0x1: {  	(tag) =	ssettag $0x0;
	lr =	simm.s32 $0x1  }
0x2: {  	[smem:$0x3F9A] =	sst lr;
	_ =	strace $0xD0000000  }
0x3: {  	_ = 	snop  }
0x4: {  	_ = 	snop  }
0x5: {  	_ = 	snop  }
0x6: {  	_ = 	snop  }
0x7: {  	_ = 	snop  }
__scs_overlays_trampoline_lowered:
0x8: {  	[smem:$0x3FA9] =	sst s0  }
0x9: {  	[smem:$0x3FAA] =	sst s1  }
0xa: {  	[smem:$0x3FAB] =	sst s2  }
0xb: {  	[smem:$0x3FAC] =	sst s3  }
0xc: {  	[smem:$0x3FAD] =	sst s4  }
0xd: {  	[smem:$0x3FAE] =	sst s5  }
0xe: {  	[smem:$0x3FAF] =	sst s6  }
0xf: {  	[smem:$0x3FB0] =	sst s7  }
0x10: {  	[smem:$0x3FB1] =	sst s8  }
0x11: {  	[smem:$0x3FB2] =	sst s9;
	s0 =	simm.s32 @!p0 $0x0  }
0x12: {  	s1 =	sld [smem:$0x3F98];
	s0 =	simm.s32 @p0 $0x1  }
0x13: {  	[smem:$0x3FB3] =	sst s0;
	s0 =	simm.s32 @!p1 $0x0  }
0x14: {  	s2 =	sld [smem:$0x3F97];
	s0 =	simm.s32 @p1 $0x1  }
0x15: {  	[smem:$0x3FB4] =	sst s0;
	s0 =	simm.s32 @!p2 $0x0  }
0x16: {  	s3 =	sld [smem:$0x3FDB];
	s0 =	simm.s32 @p2 $0x1  }
0x17: {  	s4 =	simm.s32 $0x1BF5;
	[smem:$0x3FB6] =	sst s0  }
0x18: {  	s0 =	sld [smem:$0x3F99];
	_ =	swait.ge [sflag:s4], $0x0  }
0x19: {  	s7 =	sld [smem:$0x3F9A]  }
0x1a: {  	s8 =	sadd.s32 $0xFFFFE003, lr  }
0x1b: {  	s9 =	sadd.s32 $0xFFFFFEF7, lr;
	s5 =	simm.s32 $0xFFFFFFFF;
	p2 =	slt.u32 s8, $0xFFFFF086  }
0x1c: {  	p1 =	slt.u32 s9, $0xF7A;
	s5 =	simm.s32 @!p2 $0x0  }
0x1d: {  	s5 =	simm.s32 @p1 $0x1;
	p0 =	seq.s32 s7, s2  }
0x1e: {  	s7 =	smul.u32 @!p0 $0xF7A, s2;
	p2 =	seq.s32 @!p0 s5, $0x0  }
0x1f: {  	s9 =	smul.u32 $0xF7A, s1;
	s8 =	simm.s32 @!p0 $0x1BF5;
	p2 =	por !p2, p0  }
0x20: {  	[sflag:s8] =	ssyncset.s32 @!p0 $0xFFFFF086;
	s6 =	sadd.s32 @!p0 s3, s7;
	s7 =	simm.s32 @!p0 $0x108  }
0x21: {  	s3 =	sadd.s32 s3, s9;
	s6 =	sadd.s32 @!p0 $0x88, s6;
	s7 =	simm.s32 @p2 $0x1082  }
0x22: {  	[simem:s7], [sflag:s8] =	dma.local @!p0 [hbm:s6], $0xF7A  }
0x23: {  	s9 =	sor.u32 $0xD0000000, s2;
	s6 =	simm.s32 $0x108;
	_ =	swait.ge @!p0 [sflag:s8], $0x0  }
0x24: {  	s3 =	sadd.s32 $0x88, s3;
	s6 =	simm.s32 @!p1 $0x1082;
	[sflag:s4] =	ssyncset.s32 $0xFFFFF086  }
0x25: {  	[simem:s6], [sflag:s4] =	dma.local [hbm:s3], $0xF7A  }
0x26: {  	[smem:$0x3F9A] =	sst s1;
	(tag) =	ssettag s2;
	_ =	strace s9  }
0x27: {  	s1 =	sld [smem:$0x3FAA]  }
0x28: {  	s2 =	sld [smem:$0x3FAB]  }
0x29: {  	s4 =	sld [smem:$0x3FAD]  }
0x2a: {  	p0 =	seq.s32 s5, $0x0;
	s5 =	sld [smem:$0x3FAE]  }
0x2b: {  	s6 =	sld [smem:$0x3FAF]  }
0x2c: {  	s7 =	sld [smem:$0x3FB0]  }
0x2d: {  	s3 =	simm.s32 $0x108;
	s8 =	sld [smem:$0x3FB1]  }
0x2e: {  	s3 =	simm.s32 @!p0 $0x1082;
	s9 =	sld [smem:$0x3FB2]  }
0x2f: {  	lr =	sadd.s32 s0, s3;
	s0 =	sld [smem:$0x3FA9]  }
0x30: {  	s3 =	sld [smem:$0x3FAC]  }
0x31: {  	[smem:$0x3FB5] =	sst s10  }
0x32: {  	s10 =	sld [smem:$0x3FB3];
	_ =	sdelay $0x3  }
0x33: {  	p0 =	seq.s32 s10, $0x1;
	s10 =	sld [smem:$0x3FB5];
	_ =	sdelay $0x3  }
0x34: {  	[smem:$0x3FB5] =	sst s10  }
0x35: {  	s10 =	sld [smem:$0x3FB4];
	_ =	sdelay $0x3  }
0x36: {  	p1 =	seq.s32 s10, $0x1;
	s10 =	sld [smem:$0x3FB5];
	_ =	sdelay $0x3  }
0x37: {  	[smem:$0x3FB5] =	sst s10  }
0x38: {  	s10 =	sld [smem:$0x3FB6]  }
0x39: {  	_ = 	snop;
	(pc) =	sbr.ind lr, $3  }
0x3a: {  	_ = 	snop  }
0x3b: {  	_ = 	snop  }
0x3c: {  	p2 =	seq.s32 s10, $0x1;
	s10 =	sld [smem:$0x3FB5]  }
0x3d: {  	_ =	shalt  }
0x3e: {  	_ =	shalt  }
0x3f: {  	_ =	shalt  }
0x40: {  	_ =	shalt  }
0x41: {  	_ =	shalt  }
0x42: {  	_ =	shalt  }
0x43: {  	_ =	shalt  }
0x44: {  	_ =	shalt  }
0x45: {  	_ =	shalt  }
0x46: {  	_ =	shalt  }
0x47: {  	_ =	shalt  }
0x48: {  	_ =	shalt  }
0x49: {  	_ =	shalt  }
0x4a: {  	_ =	shalt  }
0x4b: {  	_ =	shalt  }
0x4c: {  	_ =	shalt  }
0x4d: {  	_ =	shalt  }
0x4e: {  	_ =	shalt  }
0x4f: {  	_ =	shalt  }
0x50: {  	_ =	shalt  }
0x51: {  	_ =	shalt  }
0x52: {  	_ =	shalt  }
0x53: {  	_ =	shalt  }
0x54: {  	_ =	shalt  }
0x55: {  	_ =	shalt  }
0x56: {  	_ =	shalt  }
0x57: {  	_ =	shalt  }
0x58: {  	_ =	shalt  }
0x59: {  	_ =	shalt  }
0x5a: {  	_ =	shalt  }
0x5b: {  	_ =	shalt  }
0x5c: {  	_ =	shalt  }
0x5d: {  	_ =	shalt  }
0x5e: {  	_ =	shalt  }
0x5f: {  	_ =	shalt  }
0x60: {  	_ =	shalt  }
0x61: {  	_ =	shalt  }
0x62: {  	_ =	shalt  }
0x63: {  	_ =	shalt  }
0x64: {  	_ =	shalt  }
0x65: {  	_ =	shalt  }
0x66: {  	_ =	shalt  }
0x67: {  	_ =	shalt  }
0x68: {  	_ =	shalt  }
0x69: {  	_ =	shalt  }
0x6a: {  	_ =	shalt  }
0x6b: {  	_ =	shalt  }
0x6c: {  	_ =	shalt  }
0x6d: {  	_ =	shalt  }
0x6e: {  	_ =	shalt  }
0x6f: {  	_ =	shalt  }
0x70: {  	_ =	shalt  }
0x71: {  	_ =	shalt  }
0x72: {  	_ =	shalt  }
0x73: {  	_ =	shalt  }
0x74: {  	_ =	shalt  }
0x75: {  	_ =	shalt  }
0x76: {  	_ =	shalt  }
0x77: {  	_ =	shalt  }
0x78: {  	_ =	shalt  }
0x79: {  	_ =	shalt  }
0x7a: {  	_ =	shalt  }
0x7b: {  	_ =	shalt  }
0x7c: {  	_ =	shalt  }
0x7d: {  	_ =	shalt  }
0x7e: {  	_ =	shalt  }
0x7f: {  	_ =	shalt  }
0x80: {  	_ =	shalt  }
0x81: {  	_ =	shalt  }
0x82: {  	_ =	shalt  }
0x83: {  	_ =	shalt  }
0x84: {  	_ =	shalt  }
0x85: {  	_ =	shalt  }
0x86: {  	_ =	shalt  }
0x87: {  	_ =	shalt  }
.Lfunc_end0:
.L_simem_size_0:
called_computation.3_lowered:
.L_overlay_start_0:
0x88: {  	s2 =	sld [smem:$0x3FD9]  }
0x89: {  	s3 =	sld [smem:$0x3FFE];
	_ =	sdelay $0x1  }
0x8a: {  	s1 =	srdreg.scid  }
0x8b: {  	s0 =	sand.u32 $0x1, s1  }
0x8c: {  	s17 =	sshll.u32 s0, $0xA;
	s2 =	sadd.s32 s3, s2  }
0x8d: {  	s2 =	sadd.s32 s2, s17  }
0x8e: {  	[smem:$0x3FC1] =	sst s2  }
0x8f: {  	_ = 	snop  }
0x90: {  	s2 =	sld [smem:$0x3FD0];
	(tm) =	ssettm $0x1  }
0x91: {  	s18 =	sld [smem:$0x3FFB];
	_ =	sdelay $0x3  }
0x92: {  	_ =	strace s18  }
0x93: {  	s3 =	sld [smem:$0x3FFC];
	_ =	sdelay $0x3  }
0x94: {  	_ =	strace s3  }
0x95: {  	s3 =	sld [smem:$0x3FFD];
	_ =	sdelay $0x3  }
0x96: {  	_ =	strace s3  }
0x97: {  	_ =	strace $0x8FFFFFFF  }
0x98: {  	s19 =	sld [smem:$0x3FDB];
	_ =	sdelay $0x1  }
0x99: {  	s4 =	simm.s32 $_scs_section_size  }
0x9a: {  	s5 =	simm.s32 $_size__tile_overlayer_lowered;
	s6 =	simm.s32 $_tile_overlayer_lowered  }
0x9b: {  	s22 =	simm.s32 $0x1BFF;
	s21 =	sshll.u32 s6, $0x1;
	s3 =	sadd.s32 s4, s19  }
0x9c: {  	s7 =	simm.s32 $0x0;
	s20 =	sshll.u32 s5, $0x1;
	s5 =	sadd.s32 s21, s3  }
0x9d: {  	[timem:s7], [sflag:s22] =	dma.local [hbm:s5], s20  }
0x9e: {  	_ =	swait.ge [sflag:s22], s20  }
0x9f: {  	s4 =	ssub.s32 $0x0, s20;
	[sflag:s22] =	ssyncset.done $0x0  }
0xa0: {  	[sflag:s22] =	ssyncadd.s32 s4;
	_ =	sdelay $0x1  }
0xa1: {  	s23 =	simm.s32 $0x1B8B  }
0xa2: {  	_ =	swait.ge [sflag:s23], $0x1  }
0xa3: {  	[sflag:s23] =	ssyncset.done $0x0  }
0xa4: {  	s25 =	simm.s32 $0x1B8E;
	s24 =	sld [smem:$0x3FFE];
	[sflag:s23] =	ssyncadd.s32 $0xFFFFFFFF  }
0xa5: {  	s26 =	simm.s32 $execute0_lowered;
	[smem:$0x3FD2] =	sst s25  }
0xa6: {  	s5 =	sshll.u32 s26, $0x1;
	_ =	strace $0x8000004F;
	[dreg:$0x1] =	wrdreg $0xFFFFFFFF  }
0xa7: {  	s28 =	simm.s32 $_size_execute0_lowered;
	s3 =	sadd.s32 s3, s5;
	[dreg:$0x0] =	wrdreg $0x0  }
0xa8: {  	s5 =	sshll.u32 s28, $0x1;
	[dreg:$0x2] =	wrdreg s3  }
0xa9: {  	[dreg:$0x3] =	wrdreg s5  }
0xaa: {  	[dreg:$0x4] =	wrdreg $0xC0  }
0xab: {  	_ =	task [dreg:s7], $0x5FFFF  }
0xac: {  	[dreg:$0x1] =	wrdreg $0xFFFFFFFF  }
0xad: {  	[dreg:$0x0] =	wrdreg $0x60  }
0xae: {  	[dreg:$0x2] =	wrdreg s24  }
0xaf: {  	[dreg:$0x3] =	wrdreg s2  }
0xb0: {  	[dreg:$0x4] =	wrdreg $0x9  }
0xb1: {  	_ =	task.clear_ibuf [dreg:s7], $0x5FFFF;
	_ =	strace $0x9000004F  }
0xb2: {  	s29 =	simm.s32 $0x9;
	_ =	strace $0x80000051  }
0xb3: {  	_ =	swait.ge [sflag:s29], $0x1  }
0xb4: {  	[sflag:s29] =	ssyncadd.s32 $0xFFFFFFFF  }
0xb5: {  	_ =	strace $0x90000051  }
0xb6: {  	_ =	sfence  }
0xb7: {  	s30 =	sld [smem:$0x0];
	_ =	sdelay $0x2  }
0xb8: {  	s31 =	sshll.u32 s1, $0xD;
	s1 =	sshrl.u32 s1, $0x2  }
0xb9: {  	s3 =	sand.u32 $0x4000, s31;
	s1 =	sadd.s32 s1, s30  }
0xba: {  	s0 =	sor.u32 s3, s0;
	s1 =	sshll.u32 s1, $0x11  }
0xbb: {  	s0 =	sor.u32 s1, s0  }
0xbc: {  	s0 =	sadd.s32 $0x8F2B, s0  }
0xbd: {  	[sflag:s0] =	ssyncadd.remote.s32 $0x1  }
0xbe: {  	_ =	sfence.sel $0xFFFF  }
0xbf: {  	[dreg:$0x0] =	wrdreg $0xFFFFFFFF;
	(pc) =	sbr.abs _section_cstart, $3  }
0xc0: {  	[dreg:$0x1] =	wrdreg $0xFFFFFFFF  }
0xc1: {  	_ =	task.clear_ibuf [dreg:s7], $0x2FFFF;
	_ =	strace $0x9FFFFFFF  }
0xc2: {  	(tm) =	ssettm $0x7FFFFFFF  }
0xc3: {  	_ =	shalt  }
tec
execute0_lowered:
.L_overlay_start_1:
0x0: {  	(tag) =	ssettag $0x1  }
0x1: {  	s5 =	rddreg [dreg:$0x0]  }
0x2: {  	s0 =	srdreg.scid;
	s7 =	rddreg [dreg:$0x1]  }
0x3: {  	s1 =	stileid.u32;
	s2 =	simm.s32 $0x0;
	s6 =	sand.u32 $0x1, s0  }
0x4: {  	s11 =	simm.s32 $0x40;
	s12 =	simm.s32 $0x500;
	s3 =	sshll.u32 s6, $0x4  }
0x5: {  	s13 =	simm.s32 $0x2500;
	s14 =	simm.s32 $0x1;
	s3 =	sor.u32 s1, s3  }
0x6: {  	s15 =	simm.s32 $0x4500;
	s0 =	rddreg [dreg:$0x2];
	s3 =	smul.u32 $0x280, s3  }
0x7: {  	s16 =	simm.s32 $0x0;
	[smem:$0x7FF] =	sst s2;
	s6 =	ssub.s32 $0x2, s6  }
0x8: {  	v0 =	vlaneseq.u32;
	s4 =	sadd.s32 $0x3200, s5;
	s10 =	sshrl.u32 s6, $0x1;
	s8 =	sshrl.u32 s3, $0x3  }
0x9: {  	v0 =	vmul.u32 $0x40, v0;
	_ =	strace $0x80000050;
	s10 =	ssub.s32 s6, s10;
	s9 =	sadd.s32 s8, s5  }
0xa: {  	s5 =	sadd.s32 $0x16C00, s5;
	s6 =	sadd.s32 s7, s8;
	s8 =	smax.u32 s10, $0x1  }
0xb: {  	v1 =	vor.u32 $0x400, v0;
	v2 =	vor.u32 $0x800, v0;
	v3 =	vor.u32 $0xC00, v0;
	s10 =	simm.s32 $0x280;
	s7 =	sadd.s32 $0x51C00, s9;
	s9 =	simm.s32 $0x2  }
.LBB2_1:
0xc: {  	[tilespmem:s2], [sflag:$0x2] =	stream.linear.gather [hbm4b:s6+s2], $0x280, $0x38;
	[tilespmem:$0x4540] =	vst v63  }
0xd: {  	_ =	swait.ge [sflag:s9], $0x280  }
0xe: {  	[sflag:s9] =	ssyncset.done $0x0  }
0xf: {  	[sflag:s9] =	ssyncadd.s32 $0xFFFFFD80  }
0x10: {  	[tilespmem:s10], [sflag:$0x2] =	stream.linear.gather [hbm4b:s7+s2], $0x280, $0x38;
	[tilespmem:$0x4540] =	vst v63  }
0x11: {  	_ =	swait.ge [sflag:s9], $0x280  }
0x12: {  	[sflag:s9] =	ssyncset.done $0x0  }
0x13: {  	[sflag:s9] =	ssyncadd.s32 $0xFFFFFD80  }
0x14: {  	[tilespmem:s12], [sflag:$0x1] =	stream.indirect.gather [hbm4b:s4+s11], $0x40, s2, s11, $0xb8;
	[tilespmem:$0x4540] =	vst v63  }
0x15: {  	s17 =	simm.s32 $0x0  }
0x16: {  	[tilespmem:s13], [sflag:$0x1] =	stream.indirect.gather [hbm4b:s4+s11], $0x40, s10, s11, $0xb8;
	[tilespmem:$0x4540] =	vst v63  }
.LBB2_2:
0x17: {  	s19 =	sand.u32 $0x1, s17  }
0x18: {  	_ =	swait.ge [sflag:s14], $0x1000;
	s18 =	sshll.u32 s19, $0x6  }
0x19: {  	[sflag:s14] =	ssyncset.done $0x0;
	v4 =	vmov s18  }
0x1a: {  	p0 =	seq.s32 s17, $0x9;
	[sflag:s14] =	ssyncadd.s32 $0xFFFFF000;
	v4 =	vshll.u32 v4, $0x6  }
0x1b: {  	s20 =	simm.s32 $0x0;
	s19 =	sshll.u32 @!p0 s19, $0xC;
	_ =	swait.ge [sflag:s14], $0x1000;
	v5 =	vor.u32 v0, v4  }
0x1c: {  	s22 =	simm.s32 @!p0 $0x40;
	s18 =	sadd.s32 $0x1, s17;
	[sflag:s14] =	ssyncset.done $0x0;
	v6 =	vadd.s32 s20, v5  }
0x1d: {  	s21 =	sshll.u32 @!p0 s18, $0x6;
	[sflag:s14] =	ssyncadd.s32 $0xFFFFF000;
	s20 =	sxor.u32 @!p0 $0x1500, s19  }
0x1e: {  	[tilespmem:s20], [sflag:$0x1] =	stream.indirect.gather @!p0 [hbm4b:s4+s22], $0x40, s21, s22, $0xb8;
	v7 =	vor.u32 $0x1, v6;
	[tilespmem:$0x4540] =	vst v63  }
0x1f: {  	s19 =	sxor.u32 @!p0 $0x3500, s19;
	s20 =	sadd.s32 @!p0 $0x280, s21  }
0x20: {  	v8 =	vor.u32 $0x2, v6;
	[tilespmem:s19], [sflag:$0x1] =	stream.indirect.gather @!p0 [hbm4b:s4+s22], $0x40, s20, s22, $0xb8;
	[tilespmem:$0x4540] =	vst v63  }
0x21: {  	v10 =	vld.idx.msk [tilespmem:v6+s12+$0x0], $0xffff  }
0x22: {  	v11 =	vor.u32 $0x3, v6;
	v13 =	vld.idx.msk [tilespmem:v6+s13+$0x0], $0xffff  }
0x23: {  	v14 =	vld.idx.msk [tilespmem:v7+s12+$0x0], $0xffff  }
0x24: {  	v15 =	vor.u32 $0x4, v6;
	v7 =	vld.idx.msk [tilespmem:v7+s13+$0x0], $0xffff  }
0x25: {  	v17 =	vld.idx.msk [tilespmem:v8+s12+$0x0], $0xffff  }
0x26: {  	v16 =	vor.u32 $0x5, v6;
	v18 =	vld.idx.msk [tilespmem:v8+s13+$0x0], $0xffff  }
0x27: {  	v9 =	vld.idx.msk [tilespmem:v11+s12+$0x0], $0xffff  }
0x28: {  	v12 =	vld.idx.msk [tilespmem:v11+s13+$0x0], $0xffff;
	v11 =	vor.u32 $0x6, v6;
	v10 =	vmul.f32 v13, v10  }
0x29: {  	v19 =	vimm.f32 $0.0e+00;
	v8 =	vld.idx.msk [tilespmem:v15+s12+$0x0], $0xffff  }
0x2a: {  	v13 =	vld.idx.msk [tilespmem:v15+s13+$0x0], $0xffff;
	v15 =	vor.u32 $0x7, v6;
	v10 =	vadd.f32 v10, v19;
	v19 =	vmul.f32 v7, v14  }
0x2b: {  	v7 =	vld.idx.msk [tilespmem:v16+s12+$0x0], $0xffff  }
0x2c: {  	s31 =	simm.s32 $0x8;
	v17 =	vmul.f32 v18, v17;
	v14 =	vld.idx.msk [tilespmem:v16+s13+$0x0], $0xffff;
	v16 =	vadd.f32 v19, v10  }
0x2d: {  	s19 =	simm.s32 $0x10;
	v6 =	vadd.s32 s31, v5;
	v10 =	vld.idx.msk [tilespmem:v11+s12+$0x0], $0xffff  }
.LBB2_3:
0x2e: {  	p0 =	sne.s32 s19, $0x38;
	v18 =	vor.u32 $0x1, v6;
	v16 =	vadd.f32 v17, v16;
	v9 =	vmul.f32 v12, v9;
	v11 =	vld.idx.msk [tilespmem:v11+s13+$0x0], $0xffff  }
0x2f: {  	v12 =	vld.idx.msk [tilespmem:v15+s12+$0x0], $0xffff  }
0x30: {  	v17 =	vor.u32 $0x2, v6;
	v8 =	vmul.f32 v13, v8;
	v9 =	vadd.f32 v9, v16;
	v13 =	vld.idx.msk [tilespmem:v15+s13+$0x0], $0xffff  }
0x31: {  	v15 =	vld.idx.msk [tilespmem:v6+s12+$0x0], $0xffff  }
0x32: {  	v19 =	vor.u32 $0x3, v6;
	v7 =	vmul.f32 v14, v7;
	v16 =	vld.idx.msk [tilespmem:v6+s13+$0x0], $0xffff;
	v8 =	vadd.f32 v8, v9  }
0x33: {  	v14 =	vld.idx.msk [tilespmem:v18+s12+$0x0], $0xffff  }
0x34: {  	v20 =	vor.u32 $0x4, v6;
	v18 =	vld.idx.msk [tilespmem:v18+s13+$0x0], $0xffff;
	v7 =	vadd.f32 v7, v8;
	v8 =	vmul.f32 v11, v10  }
0x35: {  	v10 =	vld.idx.msk [tilespmem:v17+s12+$0x0], $0xffff  }
0x36: {  	v21 =	vor.u32 $0x5, v6;
	v17 =	vld.idx.msk [tilespmem:v17+s13+$0x0], $0xffff;
	v7 =	vadd.f32 v8, v7;
	v8 =	vmul.f32 v13, v12  }
0x37: {  	v9 =	vld.idx.msk [tilespmem:v19+s12+$0x0], $0xffff  }
0x38: {  	v11 =	vor.u32 $0x6, v6;
	v13 =	vmul.f32 v16, v15;
	v12 =	vld.idx.msk [tilespmem:v19+s13+$0x0], $0xffff;
	v7 =	vadd.f32 v8, v7  }
.Ltmp0:
0x39: {  	v8 =	vld.idx.msk [tilespmem:v20+s12+$0x0], $0xffff;
	(pc) =	sbr.rel @p0 .LBB2_3-.Ltmp0, $4  }
0x3a: {  	v15 =	vor.u32 $0x7, v6;
	v14 =	vmul.f32 v18, v14;
	v16 =	vadd.f32 v13, v7;
	v13 =	vld.idx.msk [tilespmem:v20+s13+$0x0], $0xffff  }
0x3b: {  	v7 =	vld.idx.msk [tilespmem:v21+s12+$0x0], $0xffff  }
0x3c: {  	v6 =	vadd.s32 s19, v5;
	v17 =	vmul.f32 v17, v10;
	v16 =	vadd.f32 v14, v16;
	v14 =	vld.idx.msk [tilespmem:v21+s13+$0x0], $0xffff  }
0x3d: {  	s19 =	sadd.s32 $0x8, s19;
	v10 =	vld.idx.msk [tilespmem:v11+s12+$0x0], $0xffff  }
0x3e: {  	_ =	sdelay $0x2  }
0x3f: {  	v5 =	vadd.f32 v17, v16;
	v9 =	vmul.f32 v12, v9  }
0x40: {  	v12 =	vor.u32 $0x1, v6;
	v11 =	vld.idx.msk [tilespmem:v11+s13+$0x0], $0xffff  }
0x41: {  	v16 =	vld.idx.msk [tilespmem:v15+s12+$0x0], $0xffff;
	v8 =	vmul.f32 v13, v8;
	v5 =	vadd.f32 v9, v5  }
0x42: {  	v13 =	vld.idx.msk [tilespmem:v15+s13+$0x0], $0xffff;
	v9 =	vor.u32 $0x2, v6  }
0x43: {  	v15 =	vld.idx.msk [tilespmem:v6+s12+$0x0], $0xffff;
	v7 =	vmul.f32 v14, v7;
	v5 =	vadd.f32 v8, v5  }
0x44: {  	v14 =	vor.u32 $0x3, v6;
	v8 =	vld.idx.msk [tilespmem:v6+s13+$0x0], $0xffff  }
0x45: {  	v17 =	vld.idx.msk [tilespmem:v12+s12+$0x0], $0xffff;
	v5 =	vadd.f32 v7, v5;
	v7 =	vmul.f32 v11, v10  }
0x46: {  	v10 =	vld.idx.msk [tilespmem:v12+s13+$0x0], $0xffff;
	v11 =	vor.u32 $0x4, v6  }
0x47: {  	v12 =	vld.idx.msk [tilespmem:v9+s12+$0x0], $0xffff;
	v5 =	vadd.f32 v7, v5;
	v7 =	vmul.f32 v13, v16  }
0x48: {  	v9 =	vld.idx.msk [tilespmem:v9+s13+$0x0], $0xffff;
	v13 =	vor.u32 $0x5, v6  }
0x49: {  	v16 =	vld.idx.msk [tilespmem:v14+s12+$0x0], $0xffff;
	v8 =	vmul.f32 v8, v15;
	v5 =	vadd.f32 v7, v5  }
0x4a: {  	v7 =	vld.idx.msk [tilespmem:v14+s13+$0x0], $0xffff;
	v14 =	vor.u32 $0x6, v6  }
0x4b: {  	v15 =	vld.idx.msk [tilespmem:v11+s12+$0x0], $0xffff;
	v5 =	vadd.f32 v8, v5;
	v8 =	vmul.f32 v10, v17  }
0x4c: {  	v6 =	vor.u32 $0x7, v6;
	v10 =	vld.idx.msk [tilespmem:v11+s13+$0x0], $0xffff  }
0x4d: {  	v11 =	vld.idx.msk [tilespmem:v13+s12+$0x0], $0xffff;
	v5 =	vadd.f32 v8, v5;
	v8 =	vmul.f32 v9, v12  }
0x4e: {  	v9 =	vld.idx.msk [tilespmem:v13+s13+$0x0], $0xffff  }
0x4f: {  	v12 =	vld.idx.msk [tilespmem:v14+s12+$0x0], $0xffff;
	v7 =	vmul.f32 v7, v16;
	v5 =	vadd.f32 v8, v5  }
0x50: {  	v8 =	vld.idx.msk [tilespmem:v14+s13+$0x0], $0xffff  }
0x51: {  	v13 =	vld.idx.msk [tilespmem:v6+s12+$0x0], $0xffff;
	v5 =	vadd.f32 v7, v5;
	v7 =	vmul.f32 v10, v15  }
0x52: {  	v6 =	vld.idx.msk [tilespmem:v6+s13+$0x0], $0xffff  }
0x53: {  	v5 =	vadd.f32 v7, v5;
	v7 =	vmul.f32 v9, v11;
	_ =	sdelay $0x1  }
0x54: {  	v8 =	vmul.f32 v8, v12;
	v7 =	vadd.f32 v7, v5  }
0x55: {  	s19 =	simm.s32 $0x0;
	v5 =	vor.u32 v1, v4  }
0x56: {  	v6 =	vmul.f32 v6, v13;
	v10 =	vadd.s32 s19, v5;
	v7 =	vadd.f32 v8, v7;
	_ =	sdelay $0x1  }
0x57: {  	v11 =	vor.u32 $0x3, v10;
	v6 =	vadd.f32 v6, v7;
	_ =	sdelay $0x1  }
0x58: {  	v7 =	vor.u32 $0x1, v10;
	[tilespmem:$0x4500] =	vst v6  }
0x59: {  	v8 =	vld.idx.msk [tilespmem:v10+s12+$0x0], $0xffff  }
0x5a: {  	v6 =	vor.u32 $0x2, v10;
	v13 =	vld.idx.msk [tilespmem:v10+s13+$0x0], $0xffff  }
0x5b: {  	v9 =	vld.idx.msk [tilespmem:v11+s12+$0x0], $0xffff  }
0x5c: {  	v12 =	vld.idx.msk [tilespmem:v11+s13+$0x0], $0xffff  }
0x5d: {  	v15 =	vor.u32 $0x4, v10;
	v14 =	vld.idx.msk [tilespmem:v7+s12+$0x0], $0xffff  }
0x5e: {  	v7 =	vld.idx.msk [tilespmem:v7+s13+$0x0], $0xffff  }
0x5f: {  	v11 =	vor.u32 $0x6, v10;
	v17 =	vld.idx.msk [tilespmem:v6+s12+$0x0], $0xffff  }
0x60: {  	v18 =	vld.idx.msk [tilespmem:v6+s13+$0x0], $0xffff;
	v6 =	vor.u32 $0x5, v10  }
0x61: {  	v16 =	vmul.f32 v13, v8  }
0x62: {  	v19 =	vimm.f32 $0.0e+00;
	v8 =	vld.idx.msk [tilespmem:v15+s12+$0x0], $0xffff  }
0x63: {  	v13 =	vld.idx.msk [tilespmem:v15+s13+$0x0], $0xffff;
	v15 =	vor.u32 $0x7, v10;
	v16 =	vadd.f32 v16, v19;
	v19 =	vmul.f32 v7, v14  }
0x64: {  	v10 =	vld.idx.msk [tilespmem:v11+s12+$0x0], $0xffff  }
0x65: {  	s31 =	simm.s32 $0x8;
	v7 =	vld.idx.msk [tilespmem:v6+s12+$0x0], $0xffff;
	v16 =	vadd.f32 v19, v16;
	v17 =	vmul.f32 v18, v17  }
0x66: {  	s19 =	simm.s32 $0x10;
	v14 =	vld.idx.msk [tilespmem:v6+s13+$0x0], $0xffff;
	v6 =	vadd.s32 s31, v5  }
.LBB2_5:
0x67: {  	p0 =	sne.s32 s19, $0x38;
	v18 =	vor.u32 $0x1, v6;
	v16 =	vadd.f32 v17, v16;
	v9 =	vmul.f32 v12, v9;
	v11 =	vld.idx.msk [tilespmem:v11+s13+$0x0], $0xffff  }
0x68: {  	v12 =	vld.idx.msk [tilespmem:v15+s12+$0x0], $0xffff  }
0x69: {  	v17 =	vor.u32 $0x2, v6;
	v8 =	vmul.f32 v13, v8;
	v9 =	vadd.f32 v9, v16;
	v13 =	vld.idx.msk [tilespmem:v15+s13+$0x0], $0xffff  }
0x6a: {  	v15 =	vld.idx.msk [tilespmem:v6+s12+$0x0], $0xffff  }
0x6b: {  	v19 =	vor.u32 $0x3, v6;
	v7 =	vmul.f32 v14, v7;
	v16 =	vld.idx.msk [tilespmem:v6+s13+$0x0], $0xffff;
	v8 =	vadd.f32 v8, v9  }
0x6c: {  	v14 =	vld.idx.msk [tilespmem:v18+s12+$0x0], $0xffff  }
0x6d: {  	v20 =	vor.u32 $0x4, v6;
	v18 =	vld.idx.msk [tilespmem:v18+s13+$0x0], $0xffff;
	v7 =	vadd.f32 v7, v8;
	v8 =	vmul.f32 v11, v10  }
0x6e: {  	v10 =	vld.idx.msk [tilespmem:v17+s12+$0x0], $0xffff  }
0x6f: {  	v21 =	vor.u32 $0x5, v6;
	v17 =	vld.idx.msk [tilespmem:v17+s13+$0x0], $0xffff;
	v7 =	vadd.f32 v8, v7;
	v8 =	vmul.f32 v13, v12  }
0x70: {  	v9 =	vld.idx.msk [tilespmem:v19+s12+$0x0], $0xffff  }
0x71: {  	v11 =	vor.u32 $0x6, v6;
	v13 =	vmul.f32 v16, v15;
	v12 =	vld.idx.msk [tilespmem:v19+s13+$0x0], $0xffff;
	v7 =	vadd.f32 v8, v7  }
.Ltmp1:
0x72: {  	v8 =	vld.idx.msk [tilespmem:v20+s12+$0x0], $0xffff;
	(pc) =	sbr.rel @p0 .LBB2_5-.Ltmp1, $4  }
0x73: {  	v15 =	vor.u32 $0x7, v6;
	v14 =	vmul.f32 v18, v14;
	v16 =	vadd.f32 v13, v7;
	v13 =	vld.idx.msk [tilespmem:v20+s13+$0x0], $0xffff  }
0x74: {  	v7 =	vld.idx.msk [tilespmem:v21+s12+$0x0], $0xffff  }
0x75: {  	v6 =	vadd.s32 s19, v5;
	v17 =	vmul.f32 v17, v10;
	v16 =	vadd.f32 v14, v16;
	v14 =	vld.idx.msk [tilespmem:v21+s13+$0x0], $0xffff  }
0x76: {  	s19 =	sadd.s32 $0x8, s19;
	v10 =	vld.idx.msk [tilespmem:v11+s12+$0x0], $0xffff  }
0x77: {  	_ =	sdelay $0x2  }
0x78: {  	v5 =	vadd.f32 v17, v16;
	v9 =	vmul.f32 v12, v9  }
0x79: {  	v12 =	vor.u32 $0x1, v6;
	v11 =	vld.idx.msk [tilespmem:v11+s13+$0x0], $0xffff  }
0x7a: {  	v16 =	vld.idx.msk [tilespmem:v15+s12+$0x0], $0xffff;
	v8 =	vmul.f32 v13, v8;
	v5 =	vadd.f32 v9, v5  }
0x7b: {  	v13 =	vld.idx.msk [tilespmem:v15+s13+$0x0], $0xffff;
	v9 =	vor.u32 $0x2, v6  }
0x7c: {  	v15 =	vld.idx.msk [tilespmem:v6+s12+$0x0], $0xffff;
	v7 =	vmul.f32 v14, v7;
	v5 =	vadd.f32 v8, v5  }
0x7d: {  	v14 =	vor.u32 $0x3, v6;
	v8 =	vld.idx.msk [tilespmem:v6+s13+$0x0], $0xffff  }
0x7e: {  	v17 =	vld.idx.msk [tilespmem:v12+s12+$0x0], $0xffff;
	v5 =	vadd.f32 v7, v5;
	v7 =	vmul.f32 v11, v10  }
0x7f: {  	v10 =	vld.idx.msk [tilespmem:v12+s13+$0x0], $0xffff;
	v11 =	vor.u32 $0x4, v6  }
0x80: {  	v12 =	vld.idx.msk [tilespmem:v9+s12+$0x0], $0xffff;
	v5 =	vadd.f32 v7, v5;
	v7 =	vmul.f32 v13, v16  }
0x81: {  	v9 =	vld.idx.msk [tilespmem:v9+s13+$0x0], $0xffff;
	v13 =	vor.u32 $0x5, v6  }
0x82: {  	v16 =	vld.idx.msk [tilespmem:v14+s12+$0x0], $0xffff;
	v8 =	vmul.f32 v8, v15;
	v5 =	vadd.f32 v7, v5  }
0x83: {  	v7 =	vld.idx.msk [tilespmem:v14+s13+$0x0], $0xffff;
	v14 =	vor.u32 $0x6, v6  }
0x84: {  	v15 =	vld.idx.msk [tilespmem:v11+s12+$0x0], $0xffff;
	v5 =	vadd.f32 v8, v5;
	v8 =	vmul.f32 v10, v17  }
0x85: {  	v6 =	vor.u32 $0x7, v6;
	v10 =	vld.idx.msk [tilespmem:v11+s13+$0x0], $0xffff  }
0x86: {  	v11 =	vld.idx.msk [tilespmem:v13+s12+$0x0], $0xffff;
	v5 =	vadd.f32 v8, v5;
	v8 =	vmul.f32 v9, v12  }
0x87: {  	v9 =	vld.idx.msk [tilespmem:v13+s13+$0x0], $0xffff  }
0x88: {  	v12 =	vld.idx.msk [tilespmem:v14+s12+$0x0], $0xffff;
	v7 =	vmul.f32 v7, v16;
	v5 =	vadd.f32 v8, v5  }
0x89: {  	v8 =	vld.idx.msk [tilespmem:v14+s13+$0x0], $0xffff  }
0x8a: {  	v13 =	vld.idx.msk [tilespmem:v6+s12+$0x0], $0xffff;
	v5 =	vadd.f32 v7, v5;
	v7 =	vmul.f32 v10, v15  }
0x8b: {  	v6 =	vld.idx.msk [tilespmem:v6+s13+$0x0], $0xffff  }
0x8c: {  	v5 =	vadd.f32 v7, v5;
	v7 =	vmul.f32 v9, v11;
	_ =	sdelay $0x1  }
0x8d: {  	v8 =	vmul.f32 v8, v12;
	v7 =	vadd.f32 v7, v5  }
0x8e: {  	s19 =	simm.s32 $0x0;
	v5 =	vor.u32 v2, v4  }
0x8f: {  	v6 =	vmul.f32 v6, v13;
	v10 =	vadd.s32 s19, v5;
	v7 =	vadd.f32 v8, v7;
	_ =	sdelay $0x1  }
0x90: {  	v11 =	vor.u32 $0x3, v10;
	v6 =	vadd.f32 v6, v7;
	_ =	sdelay $0x1  }
0x91: {  	v7 =	vor.u32 $0x1, v10;
	[tilespmem:$0x4510] =	vst v6  }
0x92: {  	v8 =	vld.idx.msk [tilespmem:v10+s12+$0x0], $0xffff  }
0x93: {  	v6 =	vor.u32 $0x2, v10;
	v13 =	vld.idx.msk [tilespmem:v10+s13+$0x0], $0xffff  }
0x94: {  	v9 =	vld.idx.msk [tilespmem:v11+s12+$0x0], $0xffff  }
0x95: {  	v12 =	vld.idx.msk [tilespmem:v11+s13+$0x0], $0xffff  }
0x96: {  	v15 =	vor.u32 $0x4, v10;
	v14 =	vld.idx.msk [tilespmem:v7+s12+$0x0], $0xffff  }
0x97: {  	v7 =	vld.idx.msk [tilespmem:v7+s13+$0x0], $0xffff  }
0x98: {  	v11 =	vor.u32 $0x6, v10;
	v17 =	vld.idx.msk [tilespmem:v6+s12+$0x0], $0xffff  }
0x99: {  	v18 =	vld.idx.msk [tilespmem:v6+s13+$0x0], $0xffff;
	v6 =	vor.u32 $0x5, v10  }
0x9a: {  	v16 =	vmul.f32 v13, v8  }
0x9b: {  	v19 =	vimm.f32 $0.0e+00;
	v8 =	vld.idx.msk [tilespmem:v15+s12+$0x0], $0xffff  }
0x9c: {  	v13 =	vld.idx.msk [tilespmem:v15+s13+$0x0], $0xffff;
	v15 =	vor.u32 $0x7, v10;
	v16 =	vadd.f32 v16, v19;
	v19 =	vmul.f32 v7, v14  }
0x9d: {  	v10 =	vld.idx.msk [tilespmem:v11+s12+$0x0], $0xffff  }
0x9e: {  	s31 =	simm.s32 $0x8;
	v7 =	vld.idx.msk [tilespmem:v6+s12+$0x0], $0xffff;
	v16 =	vadd.f32 v19, v16;
	v17 =	vmul.f32 v18, v17  }
0x9f: {  	s19 =	simm.s32 $0x10;
	v14 =	vld.idx.msk [tilespmem:v6+s13+$0x0], $0xffff;
	v6 =	vadd.s32 s31, v5  }
.LBB2_7:
0xa0: {  	p0 =	sne.s32 s19, $0x38;
	v18 =	vor.u32 $0x1, v6;
	v16 =	vadd.f32 v17, v16;
	v9 =	vmul.f32 v12, v9;
	v11 =	vld.idx.msk [tilespmem:v11+s13+$0x0], $0xffff  }
0xa1: {  	v12 =	vld.idx.msk [tilespmem:v15+s12+$0x0], $0xffff  }
0xa2: {  	v17 =	vor.u32 $0x2, v6;
	v8 =	vmul.f32 v13, v8;
	v9 =	vadd.f32 v9, v16;
	v13 =	vld.idx.msk [tilespmem:v15+s13+$0x0], $0xffff  }
0xa3: {  	v15 =	vld.idx.msk [tilespmem:v6+s12+$0x0], $0xffff  }
0xa4: {  	v19 =	vor.u32 $0x3, v6;
	v7 =	vmul.f32 v14, v7;
	v16 =	vld.idx.msk [tilespmem:v6+s13+$0x0], $0xffff;
	v8 =	vadd.f32 v8, v9  }
0xa5: {  	v14 =	vld.idx.msk [tilespmem:v18+s12+$0x0], $0xffff  }
0xa6: {  	v20 =	vor.u32 $0x4, v6;
	v18 =	vld.idx.msk [tilespmem:v18+s13+$0x0], $0xffff;
	v7 =	vadd.f32 v7, v8;
	v8 =	vmul.f32 v11, v10  }
0xa7: {  	v10 =	vld.idx.msk [tilespmem:v17+s12+$0x0], $0xffff  }
0xa8: {  	v21 =	vor.u32 $0x5, v6;
	v17 =	vld.idx.msk [tilespmem:v17+s13+$0x0], $0xffff;
	v7 =	vadd.f32 v8, v7;
	v8 =	vmul.f32 v13, v12  }
0xa9: {  	v9 =	vld.idx.msk [tilespmem:v19+s12+$0x0], $0xffff  }
0xaa: {  	v11 =	vor.u32 $0x6, v6;
	v13 =	vmul.f32 v16, v15;
	v12 =	vld.idx.msk [tilespmem:v19+s13+$0x0], $0xffff;
	v7 =	vadd.f32 v8, v7  }
.Ltmp2:
0xab: {  	v8 =	vld.idx.msk [tilespmem:v20+s12+$0x0], $0xffff;
	(pc) =	sbr.rel @p0 .LBB2_7-.Ltmp2, $4  }
0xac: {  	v15 =	vor.u32 $0x7, v6;
	v14 =	vmul.f32 v18, v14;
	v16 =	vadd.f32 v13, v7;
	v13 =	vld.idx.msk [tilespmem:v20+s13+$0x0], $0xffff  }
0xad: {  	v7 =	vld.idx.msk [tilespmem:v21+s12+$0x0], $0xffff  }
0xae: {  	v6 =	vadd.s32 s19, v5;
	v17 =	vmul.f32 v17, v10;
	v16 =	vadd.f32 v14, v16;
	v14 =	vld.idx.msk [tilespmem:v21+s13+$0x0], $0xffff  }
0xaf: {  	s19 =	sadd.s32 $0x8, s19;
	v10 =	vld.idx.msk [tilespmem:v11+s12+$0x0], $0xffff  }
0xb0: {  	_ =	sdelay $0x2  }
0xb1: {  	v5 =	vadd.f32 v17, v16;
	v9 =	vmul.f32 v12, v9  }
0xb2: {  	v12 =	vor.u32 $0x1, v6;
	v11 =	vld.idx.msk [tilespmem:v11+s13+$0x0], $0xffff  }
0xb3: {  	v16 =	vld.idx.msk [tilespmem:v15+s12+$0x0], $0xffff;
	v8 =	vmul.f32 v13, v8;
	v5 =	vadd.f32 v9, v5  }
0xb4: {  	v13 =	vld.idx.msk [tilespmem:v15+s13+$0x0], $0xffff;
	v9 =	vor.u32 $0x2, v6  }
0xb5: {  	v15 =	vld.idx.msk [tilespmem:v6+s12+$0x0], $0xffff;
	v7 =	vmul.f32 v14, v7;
	v5 =	vadd.f32 v8, v5  }
0xb6: {  	v14 =	vor.u32 $0x3, v6;
	v8 =	vld.idx.msk [tilespmem:v6+s13+$0x0], $0xffff  }
0xb7: {  	v17 =	vld.idx.msk [tilespmem:v12+s12+$0x0], $0xffff;
	v5 =	vadd.f32 v7, v5;
	v7 =	vmul.f32 v11, v10  }
0xb8: {  	v10 =	vld.idx.msk [tilespmem:v12+s13+$0x0], $0xffff;
	v11 =	vor.u32 $0x4, v6  }
0xb9: {  	v12 =	vld.idx.msk [tilespmem:v9+s12+$0x0], $0xffff;
	v5 =	vadd.f32 v7, v5;
	v7 =	vmul.f32 v13, v16  }
0xba: {  	v9 =	vld.idx.msk [tilespmem:v9+s13+$0x0], $0xffff;
	v13 =	vor.u32 $0x5, v6  }
0xbb: {  	v16 =	vld.idx.msk [tilespmem:v14+s12+$0x0], $0xffff;
	v8 =	vmul.f32 v8, v15;
	v5 =	vadd.f32 v7, v5  }
0xbc: {  	v7 =	vld.idx.msk [tilespmem:v14+s13+$0x0], $0xffff;
	v14 =	vor.u32 $0x6, v6  }
0xbd: {  	v15 =	vld.idx.msk [tilespmem:v11+s12+$0x0], $0xffff;
	v5 =	vadd.f32 v8, v5;
	v8 =	vmul.f32 v10, v17  }
0xbe: {  	v6 =	vor.u32 $0x7, v6;
	v10 =	vld.idx.msk [tilespmem:v11+s13+$0x0], $0xffff  }
0xbf: {  	v11 =	vld.idx.msk [tilespmem:v13+s12+$0x0], $0xffff;
	v5 =	vadd.f32 v8, v5;
	v8 =	vmul.f32 v9, v12  }
0xc0: {  	v9 =	vld.idx.msk [tilespmem:v13+s13+$0x0], $0xffff  }
0xc1: {  	v12 =	vld.idx.msk [tilespmem:v14+s12+$0x0], $0xffff;
	v7 =	vmul.f32 v7, v16;
	v5 =	vadd.f32 v8, v5  }
0xc2: {  	v8 =	vld.idx.msk [tilespmem:v14+s13+$0x0], $0xffff  }
0xc3: {  	v13 =	vld.idx.msk [tilespmem:v6+s12+$0x0], $0xffff;
	v5 =	vadd.f32 v7, v5;
	v7 =	vmul.f32 v10, v15  }
0xc4: {  	v6 =	vld.idx.msk [tilespmem:v6+s13+$0x0], $0xffff  }
0xc5: {  	v5 =	vadd.f32 v7, v5;
	v7 =	vmul.f32 v9, v11;
	_ =	sdelay $0x1  }
0xc6: {  	v5 =	vadd.f32 v7, v5;
	v7 =	vmul.f32 v8, v12  }
0xc7: {  	v4 =	vor.u32 v3, v4;
	s19 =	simm.s32 $0x0  }
0xc8: {  	v6 =	vmul.f32 v6, v13;
	v9 =	vadd.s32 s19, v4;
	v5 =	vadd.f32 v7, v5;
	_ =	sdelay $0x1  }
0xc9: {  	v10 =	vor.u32 $0x3, v9;
	v5 =	vadd.f32 v6, v5;
	_ =	sdelay $0x1  }
0xca: {  	v6 =	vor.u32 $0x1, v9;
	[tilespmem:$0x4520] =	vst v5  }
0xcb: {  	v7 =	vld.idx.msk [tilespmem:v9+s12+$0x0], $0xffff  }
0xcc: {  	v5 =	vor.u32 $0x2, v9;
	v12 =	vld.idx.msk [tilespmem:v9+s13+$0x0], $0xffff  }
0xcd: {  	v8 =	vld.idx.msk [tilespmem:v10+s12+$0x0], $0xffff  }
0xce: {  	v11 =	vld.idx.msk [tilespmem:v10+s13+$0x0], $0xffff  }
0xcf: {  	v14 =	vor.u32 $0x4, v9;
	v13 =	vld.idx.msk [tilespmem:v6+s12+$0x0], $0xffff  }
0xd0: {  	v6 =	vld.idx.msk [tilespmem:v6+s13+$0x0], $0xffff  }
0xd1: {  	v10 =	vor.u32 $0x6, v9;
	v16 =	vld.idx.msk [tilespmem:v5+s12+$0x0], $0xffff  }
0xd2: {  	v17 =	vld.idx.msk [tilespmem:v5+s13+$0x0], $0xffff;
	v5 =	vor.u32 $0x5, v9  }
0xd3: {  	v15 =	vmul.f32 v12, v7  }
0xd4: {  	v18 =	vimm.f32 $0.0e+00;
	v7 =	vld.idx.msk [tilespmem:v14+s12+$0x0], $0xffff  }
0xd5: {  	v12 =	vld.idx.msk [tilespmem:v14+s13+$0x0], $0xffff;
	v14 =	vor.u32 $0x7, v9;
	v15 =	vadd.f32 v15, v18;
	v18 =	vmul.f32 v6, v13  }
0xd6: {  	v9 =	vld.idx.msk [tilespmem:v10+s12+$0x0], $0xffff  }
0xd7: {  	s31 =	simm.s32 $0x8;
	v6 =	vld.idx.msk [tilespmem:v5+s12+$0x0], $0xffff;
	v15 =	vadd.f32 v18, v15;
	v16 =	vmul.f32 v17, v16  }
0xd8: {  	s19 =	simm.s32 $0x10;
	v13 =	vld.idx.msk [tilespmem:v5+s13+$0x0], $0xffff;
	v5 =	vadd.s32 s31, v4  }
.LBB2_9:
0xd9: {  	p0 =	sne.s32 s19, $0x38;
	v17 =	vor.u32 $0x1, v5;
	v15 =	vadd.f32 v16, v15;
	v8 =	vmul.f32 v11, v8;
	v10 =	vld.idx.msk [tilespmem:v10+s13+$0x0], $0xffff  }
0xda: {  	v11 =	vld.idx.msk [tilespmem:v14+s12+$0x0], $0xffff  }
0xdb: {  	v16 =	vor.u32 $0x2, v5;
	v7 =	vmul.f32 v12, v7;
	v8 =	vadd.f32 v8, v15;
	v12 =	vld.idx.msk [tilespmem:v14+s13+$0x0], $0xffff  }
0xdc: {  	v14 =	vld.idx.msk [tilespmem:v5+s12+$0x0], $0xffff  }
0xdd: {  	v18 =	vor.u32 $0x3, v5;
	v6 =	vmul.f32 v13, v6;
	v15 =	vld.idx.msk [tilespmem:v5+s13+$0x0], $0xffff;
	v7 =	vadd.f32 v7, v8  }
0xde: {  	v13 =	vld.idx.msk [tilespmem:v17+s12+$0x0], $0xffff  }
0xdf: {  	v19 =	vor.u32 $0x4, v5;
	v17 =	vld.idx.msk [tilespmem:v17+s13+$0x0], $0xffff;
	v6 =	vadd.f32 v6, v7;
	v7 =	vmul.f32 v10, v9  }
0xe0: {  	v9 =	vld.idx.msk [tilespmem:v16+s12+$0x0], $0xffff  }
0xe1: {  	v20 =	vor.u32 $0x5, v5;
	v16 =	vld.idx.msk [tilespmem:v16+s13+$0x0], $0xffff;
	v6 =	vadd.f32 v7, v6;
	v7 =	vmul.f32 v12, v11  }
0xe2: {  	v8 =	vld.idx.msk [tilespmem:v18+s12+$0x0], $0xffff  }
0xe3: {  	v10 =	vor.u32 $0x6, v5;
	v12 =	vmul.f32 v15, v14;
	v11 =	vld.idx.msk [tilespmem:v18+s13+$0x0], $0xffff;
	v6 =	vadd.f32 v7, v6  }
.Ltmp3:
0xe4: {  	v7 =	vld.idx.msk [tilespmem:v19+s12+$0x0], $0xffff;
	(pc) =	sbr.rel @p0 .LBB2_9-.Ltmp3, $4  }
0xe5: {  	v14 =	vor.u32 $0x7, v5;
	v13 =	vmul.f32 v17, v13;
	v15 =	vadd.f32 v12, v6;
	v12 =	vld.idx.msk [tilespmem:v19+s13+$0x0], $0xffff  }
0xe6: {  	v6 =	vld.idx.msk [tilespmem:v20+s12+$0x0], $0xffff  }
0xe7: {  	v5 =	vadd.s32 s19, v4;
	v16 =	vmul.f32 v16, v9;
	v15 =	vadd.f32 v13, v15;
	v13 =	vld.idx.msk [tilespmem:v20+s13+$0x0], $0xffff  }
0xe8: {  	s19 =	sadd.s32 $0x8, s19;
	v9 =	vld.idx.msk [tilespmem:v10+s12+$0x0], $0xffff  }
0xe9: {  	_ =	sdelay $0x2  }
0xea: {  	v4 =	vadd.f32 v16, v15;
	v8 =	vmul.f32 v11, v8  }
0xeb: {  	v35 =	vor.u32 $0x1, v5;
	v10 =	vld.idx.msk [tilespmem:v10+s13+$0x0], $0xffff  }
0xec: {  	v36 =	vld.idx.msk [tilespmem:v14+s12+$0x0], $0xffff;
	v7 =	vmul.f32 v12, v7;
	v4 =	vadd.f32 v8, v4  }
0xed: {  	v37 =	vor.u32 $0x2, v5;
	v38 =	vld.idx.msk [tilespmem:v14+s13+$0x0], $0xffff  }
0xee: {  	v39 =	vld.idx.msk [tilespmem:v5+s12+$0x0], $0xffff;
	v6 =	vmul.f32 v13, v6;
	v4 =	vadd.f32 v7, v4  }
0xef: {  	v40 =	vld.idx.msk [tilespmem:v5+s13+$0x0], $0xffff;
	v41 =	vor.u32 $0x3, v5  }
0xf0: {  	v42 =	vld.idx.msk [tilespmem:v35+s12+$0x0], $0xffff;
	v43 =	vmul.f32 v10, v9;
	v4 =	vadd.f32 v6, v4  }
0xf1: {  	v45 =	vor.u32 $0x4, v5;
	v44 =	vld.idx.msk [tilespmem:v35+s13+$0x0], $0xffff  }
0xf2: {  	v46 =	vld.idx.msk [tilespmem:v37+s12+$0x0], $0xffff;
	v47 =	vmul.f32 v38, v36;
	v4 =	vadd.f32 v43, v4  }
0xf3: {  	v48 =	vor.u32 $0x5, v5;
	v8 =	vld.idx.msk [tilespmem:v37+s13+$0x0], $0xffff  }
0xf4: {  	v49 =	vld.idx.msk [tilespmem:v41+s12+$0x0], $0xffff;
	v7 =	vmul.f32 v40, v39;
	v4 =	vadd.f32 v47, v4  }
0xf5: {  	v51 =	vor.u32 $0x6, v5;
	v50 =	vld.idx.msk [tilespmem:v41+s13+$0x0], $0xffff  }
0xf6: {  	v52 =	vld.idx.msk [tilespmem:v45+s12+$0x0], $0xffff;
	v53 =	vmul.f32 v44, v42;
	v4 =	vadd.f32 v7, v4  }
0xf7: {  	v5 =	vor.u32 $0x7, v5;
	v54 =	vld.idx.msk [tilespmem:v45+s13+$0x0], $0xffff  }
0xf8: {  	v55 =	vld.idx.msk [tilespmem:v48+s12+$0x0], $0xffff;
	v56 =	vmul.f32 v8, v46;
	v4 =	vadd.f32 v53, v4  }
0xf9: {  	v57 =	vld.idx.msk [tilespmem:v48+s13+$0x0], $0xffff  }
0xfa: {  	v58 =	vld.idx.msk [tilespmem:v51+s12+$0x0], $0xffff;
	v6 =	vmul.f32 v50, v49;
	v4 =	vadd.f32 v56, v4  }
0xfb: {  	v59 =	vld.idx.msk [tilespmem:v51+s13+$0x0], $0xffff  }
0xfc: {  	v60 =	vld.idx.msk [tilespmem:v5+s12+$0x0], $0xffff;
	v61 =	vmul.f32 v54, v52;
	v4 =	vadd.f32 v6, v4  }
0xfd: {  	v5 =	vld.idx.msk [tilespmem:v5+s13+$0x0], $0xffff  }
0xfe: {  	v62 =	vmul.f32 v57, v55;
	v4 =	vadd.f32 v61, v4;
	_ =	sdelay $0x1  }
0xff: {  	v63 =	vmul.f32 v59, v58;
	v4 =	vadd.f32 v62, v4;
	_ =	sdelay $0x1  }
0x100: {  	v5 =	vmul.f32 v5, v60;
	v4 =	vadd.f32 v63, v4  }
0x101: {  	s17 =	sshll.u32 s17, $0x6  }
0x102: {  	s17 =	sadd.s32 s3, s17;
	v4 =	vadd.f32 v5, v4  }
0x103: {  	p0 =	sne.s32 s18, $0xA;
	s17 =	sshrl.u32 s17, $0x3  }
.Ltmp4:
0x104: {  	s17 =	sadd.s32 s5, s17;
	[tilespmem:$0x4530] =	vst v4;
	(pc) =	sbr.rel @p0 .LBB2_2-.Ltmp4, $4  }
0x105: {  	[hbm4b:s17+s2] =	stream.linear.scatter [tilespmem:s15], [sflag:$0x2], $0x40, $0x38;
	[tilespmem:$0x4540] =	vst v63  }
0x106: {  	_ =	swait.ge [sflag:s9], $0x40  }
0x107: {  	[sflag:s9] =	ssyncset.done $0x0  }
0x108: {  	s17 =	smov.u32 s18;
	[sflag:s9] =	ssyncadd.s32 $0xFFFFFFC0  }
0x109: {  	s16 =	sadd.s32 $0x1, s16  }
0x10a: {  	p0 =	sne.s32 s16, s8  }
.Ltmp5:
0x10b: {  	_ = 	snop;
	(pc) =	sbr.rel @p0 .LBB2_1-.Ltmp5, $1  }
0x10c: {  	_ =	sdelay $0x3  }
0x10d: {  	_ =	sfence.sel $0x180000  }
0x10e: {  	[bflag:$0x0] =	sbarrier.arrive $0xFFFF  }
0x10f: {  	p0 =	sne.s32 s1, $0x0;
	_ =	strace $0x90000050  }
0x110: {  	s0 =	sadd.s32 @!p0 $0x100000, s0;
	[bflag:$0x2] =	sbarrier.arrive $0xFFFF  }
0x111: {  	[sflag:s0] =	ssyncadd.tile.s32 @!p0 $0x1;
	_ =	shalt  }
.Lfunc_end2:
_tile_overlayer_lowered:
.L_overlay_start_2:
0x112: {  	(tag) =	ssettag $0x2  }
0x113: {  	s0 =	rddreg [dreg:$0x0];
	s2 =	stileid.u32  }
0x114: {  	s1 =	rddreg [dreg:$0x1];
	p0 =	sne.s32 s2, $0x0  }
0x115: {  	s3 =	rddreg [dreg:$0x2];
	[bflag:$0x3] =	sbarrier.arrive $0xFFFF;
	s2 =	simm.s32 @!p0 $0x1C02  }
0x116: {  	[timem:s3], [sflag:s2] =	dma.local @!p0 [hbm:s0], s1  }
0x117: {  	s0 =	simm.s32 @!p0 $0x2  }
0x118: {  	_ =	swait.ge @!p0 [sflag:s0], s1  }
0x119: {  	s1 =	ssub.s32 @!p0 $0x0, s1;
	[sflag:s0] =	ssyncset.done @!p0 $0x0  }
0x11a: {  	[sflag:s0] =	ssyncadd.s32 @!p0 s1  }
0x11b: {  	[bflag:$0x3] =	sbarrier.arrive $0xFFFF  }
0x11c: {  	_ =	shalt  }

// kernel: kernel.9.cloned.1.call-start
scs
__scs_entry_jumppad:
0x0: {  	(pc) =	sbr.rel $0x88, $3  }
0x1: {  	(tag) =	ssettag $0x0;
	lr =	simm.s32 $0x1  }
0x2: {  	[smem:$0x3F9A] =	sst lr;
	_ =	strace $0xD0000000  }
0x3: {  	_ = 	snop  }
0x4: {  	_ = 	snop  }
0x5: {  	_ = 	snop  }
0x6: {  	_ = 	snop  }
0x7: {  	_ = 	snop  }
__scs_overlays_trampoline_lowered:
0x8: {  	[smem:$0x3FA9] =	sst s0  }
0x9: {  	[smem:$0x3FAA] =	sst s1  }
0xa: {  	[smem:$0x3FAB] =	sst s2  }
0xb: {  	[smem:$0x3FAC] =	sst s3  }
0xc: {  	[smem:$0x3FAD] =	sst s4  }
0xd: {  	[smem:$0x3FAE] =	sst s5  }
0xe: {  	[smem:$0x3FAF] =	sst s6  }
0xf: {  	[smem:$0x3FB0] =	sst s7  }
0x10: {  	[smem:$0x3FB1] =	sst s8  }
0x11: {  	[smem:$0x3FB2] =	sst s9;
	s0 =	simm.s32 @!p0 $0x0  }
0x12: {  	s1 =	sld [smem:$0x3F98];
	s0 =	simm.s32 @p0 $0x1  }
0x13: {  	[smem:$0x3FB3] =	sst s0;
	s0 =	simm.s32 @!p1 $0x0  }
0x14: {  	s2 =	sld [smem:$0x3F97];
	s0 =	simm.s32 @p1 $0x1  }
0x15: {  	[smem:$0x3FB4] =	sst s0;
	s0 =	simm.s32 @!p2 $0x0  }
0x16: {  	s3 =	sld [smem:$0x3FDB];
	s0 =	simm.s32 @p2 $0x1  }
0x17: {  	s4 =	simm.s32 $0x1BF5;
	[smem:$0x3FB6] =	sst s0  }
0x18: {  	s0 =	sld [smem:$0x3F99];
	_ =	swait.ge [sflag:s4], $0x0  }
0x19: {  	s7 =	sld [smem:$0x3F9A]  }
0x1a: {  	s8 =	sadd.s32 $0xFFFFE003, lr  }
0x1b: {  	s9 =	sadd.s32 $0xFFFFFEF7, lr;
	s5 =	simm.s32 $0xFFFFFFFF;
	p2 =	slt.u32 s8, $0xFFFFF086  }
0x1c: {  	p1 =	slt.u32 s9, $0xF7A;
	s5 =	simm.s32 @!p2 $0x0  }
0x1d: {  	s5 =	simm.s32 @p1 $0x1;
	p0 =	seq.s32 s7, s2  }
0x1e: {  	s7 =	smul.u32 @!p0 $0xF7A, s2;
	p2 =	seq.s32 @!p0 s5, $0x0  }
0x1f: {  	s9 =	smul.u32 $0xF7A, s1;
	s8 =	simm.s32 @!p0 $0x1BF5;
	p2 =	por !p2, p0  }
0x20: {  	[sflag:s8] =	ssyncset.s32 @!p0 $0xFFFFF086;
	s6 =	sadd.s32 @!p0 s3, s7;
	s7 =	simm.s32 @!p0 $0x108  }
0x21: {  	s3 =	sadd.s32 s3, s9;
	s6 =	sadd.s32 @!p0 $0x88, s6;
	s7 =	simm.s32 @p2 $0x1082  }
0x22: {  	[simem:s7], [sflag:s8] =	dma.local @!p0 [hbm:s6], $0xF7A  }
0x23: {  	s9 =	sor.u32 $0xD0000000, s2;
	s6 =	simm.s32 $0x108;
	_ =	swait.ge @!p0 [sflag:s8], $0x0  }
0x24: {  	s3 =	sadd.s32 $0x88, s3;
	s6 =	simm.s32 @!p1 $0x1082;
	[sflag:s4] =	ssyncset.s32 $0xFFFFF086  }
0x25: {  	[simem:s6], [sflag:s4] =	dma.local [hbm:s3], $0xF7A  }
0x26: {  	[smem:$0x3F9A] =	sst s1;
	(tag) =	ssettag s2;
	_ =	strace s9  }
0x27: {  	s1 =	sld [smem:$0x3FAA]  }
0x28: {  	s2 =	sld [smem:$0x3FAB]  }
0x29: {  	s4 =	sld [smem:$0x3FAD]  }
0x2a: {  	p0 =	seq.s32 s5, $0x0;
	s5 =	sld [smem:$0x3FAE]  }
0x2b: {  	s6 =	sld [smem:$0x3FAF]  }
0x2c: {  	s7 =	sld [smem:$0x3FB0]  }
0x2d: {  	s3 =	simm.s32 $0x108;
	s8 =	sld [smem:$0x3FB1]  }
0x2e: {  	s3 =	simm.s32 @!p0 $0x1082;
	s9 =	sld [smem:$0x3FB2]  }
0x2f: {  	lr =	sadd.s32 s0, s3;
	s0 =	sld [smem:$0x3FA9]  }
0x30: {  	s3 =	sld [smem:$0x3FAC]  }
0x31: {  	[smem:$0x3FB5] =	sst s10  }
0x32: {  	s10 =	sld [smem:$0x3FB3];
	_ =	sdelay $0x3  }
0x33: {  	p0 =	seq.s32 s10, $0x1;
	s10 =	sld [smem:$0x3FB5];
	_ =	sdelay $0x3  }
0x34: {  	[smem:$0x3FB5] =	sst s10  }
0x35: {  	s10 =	sld [smem:$0x3FB4];
	_ =	sdelay $0x3  }
0x36: {  	p1 =	seq.s32 s10, $0x1;
	s10 =	sld [smem:$0x3FB5];
	_ =	sdelay $0x3  }
0x37: {  	[smem:$0x3FB5] =	sst s10  }
0x38: {  	s10 =	sld [smem:$0x3FB6]  }
0x39: {  	_ = 	snop;
	(pc) =	sbr.ind lr, $3  }
0x3a: {  	_ = 	snop  }
0x3b: {  	_ = 	snop  }
0x3c: {  	p2 =	seq.s32 s10, $0x1;
	s10 =	sld [smem:$0x3FB5]  }
0x3d: {  	_ =	shalt  }
0x3e: {  	_ =	shalt  }
0x3f: {  	_ =	shalt  }
0x40: {  	_ =	shalt  }
0x41: {  	_ =	shalt  }
0x42: {  	_ =	shalt  }
0x43: {  	_ =	shalt  }
0x44: {  	_ =	shalt  }
0x45: {  	_ =	shalt  }
0x46: {  	_ =	shalt  }
0x47: {  	_ =	shalt  }
0x48: {  	_ =	shalt  }
0x49: {  	_ =	shalt  }
0x4a: {  	_ =	shalt  }
0x4b: {  	_ =	shalt  }
0x4c: {  	_ =	shalt  }
0x4d: {  	_ =	shalt  }
0x4e: {  	_ =	shalt  }
0x4f: {  	_ =	shalt  }
0x50: {  	_ =	shalt  }
0x51: {  	_ =	shalt  }
0x52: {  	_ =	shalt  }
0x53: {  	_ =	shalt  }
0x54: {  	_ =	shalt  }
0x55: {  	_ =	shalt  }
0x56: {  	_ =	shalt  }
0x57: {  	_ =	shalt  }
0x58: {  	_ =	shalt  }
0x59: {  	_ =	shalt  }
0x5a: {  	_ =	shalt  }
0x5b: {  	_ =	shalt  }
0x5c: {  	_ =	shalt  }
0x5d: {  	_ =	shalt  }
0x5e: {  	_ =	shalt  }
0x5f: {  	_ =	shalt  }
0x60: {  	_ =	shalt  }
0x61: {  	_ =	shalt  }
0x62: {  	_ =	shalt  }
0x63: {  	_ =	shalt  }
0x64: {  	_ =	shalt  }
0x65: {  	_ =	shalt  }
0x66: {  	_ =	shalt  }
0x67: {  	_ =	shalt  }
0x68: {  	_ =	shalt  }
0x69: {  	_ =	shalt  }
0x6a: {  	_ =	shalt  }
0x6b: {  	_ =	shalt  }
0x6c: {  	_ =	shalt  }
0x6d: {  	_ =	shalt  }
0x6e: {  	_ =	shalt  }
0x6f: {  	_ =	shalt  }
0x70: {  	_ =	shalt  }
0x71: {  	_ =	shalt  }
0x72: {  	_ =	shalt  }
0x73: {  	_ =	shalt  }
0x74: {  	_ =	shalt  }
0x75: {  	_ =	shalt  }
0x76: {  	_ =	shalt  }
0x77: {  	_ =	shalt  }
0x78: {  	_ =	shalt  }
0x79: {  	_ =	shalt  }
0x7a: {  	_ =	shalt  }
0x7b: {  	_ =	shalt  }
0x7c: {  	_ =	shalt  }
0x7d: {  	_ =	shalt  }
0x7e: {  	_ =	shalt  }
0x7f: {  	_ =	shalt  }
0x80: {  	_ =	shalt  }
0x81: {  	_ =	shalt  }
0x82: {  	_ =	shalt  }
0x83: {  	_ =	shalt  }
0x84: {  	_ =	shalt  }
0x85: {  	_ =	shalt  }
0x86: {  	_ =	shalt  }
0x87: {  	_ =	shalt  }
.Lfunc_end0:
.L_simem_size_0:
called_computation_lowered:
.L_overlay_start_0:
0x88: {  	s2 =	sld [smem:$0x3FD9]  }
0x89: {  	s3 =	sld [smem:$0x3FFE];
	_ =	sdelay $0x1  }
0x8a: {  	s1 =	srdreg.scid  }
0x8b: {  	s0 =	sand.u32 $0x1, s1  }
0x8c: {  	s17 =	sshll.u32 s0, $0xA;
	s2 =	sadd.s32 s3, s2  }
0x8d: {  	s2 =	sadd.s32 s2, s17  }
0x8e: {  	[smem:$0x3FC1] =	sst s2  }
0x8f: {  	_ = 	snop  }
0x90: {  	s2 =	sld [smem:$0x3FD0];
	(tm) =	ssettm $0x1  }
0x91: {  	s18 =	sld [smem:$0x3FFB];
	_ =	sdelay $0x3  }
0x92: {  	_ =	strace s18  }
0x93: {  	s3 =	sld [smem:$0x3FFC];
	_ =	sdelay $0x3  }
0x94: {  	_ =	strace s3  }
0x95: {  	s3 =	sld [smem:$0x3FFD];
	_ =	sdelay $0x3  }
0x96: {  	_ =	strace s3  }
0x97: {  	_ =	strace $0x8FFFFFFF  }
0x98: {  	s19 =	sld [smem:$0x3FDB];
	_ =	sdelay $0x1  }
0x99: {  	s4 =	simm.s32 $_scs_section_size  }
0x9a: {  	s5 =	simm.s32 $_size__tile_overlayer_lowered;
	s6 =	simm.s32 $_tile_overlayer_lowered  }
0x9b: {  	s22 =	simm.s32 $0x1BFF;
	s21 =	sshll.u32 s6, $0x1;
	s3 =	sadd.s32 s4, s19  }
0x9c: {  	s7 =	simm.s32 $0x0;
	s20 =	sshll.u32 s5, $0x1;
	s5 =	sadd.s32 s21, s3  }
0x9d: {  	[timem:s7], [sflag:s22] =	dma.local [hbm:s5], s20  }
0x9e: {  	_ =	swait.ge [sflag:s22], s20  }
0x9f: {  	s4 =	ssub.s32 $0x0, s20;
	[sflag:s22] =	ssyncset.done $0x0  }
0xa0: {  	[sflag:s22] =	ssyncadd.s32 s4;
	_ =	sdelay $0x1  }
0xa1: {  	s23 =	simm.s32 $0x1B8B  }
0xa2: {  	_ =	swait.ge [sflag:s23], $0x1  }
0xa3: {  	[sflag:s23] =	ssyncset.done $0x0  }
0xa4: {  	s25 =	simm.s32 $0x1B8E;
	s24 =	sld [smem:$0x3FFE];
	[sflag:s23] =	ssyncadd.s32 $0xFFFFFFFF  }
0xa5: {  	s26 =	simm.s32 $execute0_lowered;
	[smem:$0x3FD2] =	sst s25  }
0xa6: {  	s5 =	sshll.u32 s26, $0x1;
	_ =	strace $0x80000046;
	[dreg:$0x1] =	wrdreg $0xFFFFFFFF  }
0xa7: {  	s28 =	simm.s32 $_size_execute0_lowered;
	s3 =	sadd.s32 s3, s5;
	[dreg:$0x0] =	wrdreg $0x0  }
0xa8: {  	s5 =	sshll.u32 s28, $0x1;
	[dreg:$0x2] =	wrdreg s3  }
0xa9: {  	[dreg:$0x3] =	wrdreg s5  }
0xaa: {  	[dreg:$0x4] =	wrdreg $0xC0  }
0xab: {  	_ =	task [dreg:s7], $0x5FFFF  }
0xac: {  	[dreg:$0x1] =	wrdreg $0xFFFFFFFF  }
0xad: {  	[dreg:$0x0] =	wrdreg $0x60  }
0xae: {  	[dreg:$0x2] =	wrdreg s24  }
0xaf: {  	[dreg:$0x3] =	wrdreg s2  }
0xb0: {  	[dreg:$0x4] =	wrdreg $0x5F00  }
0xb1: {  	[dreg:$0x5] =	wrdreg $0x9  }
0xb2: {  	_ =	task.clear_ibuf [dreg:s7], $0x6FFFF;
	_ =	strace $0x90000046  }
0xb3: {  	s29 =	simm.s32 $0x9;
	_ =	strace $0x80000048  }
0xb4: {  	_ =	swait.ge [sflag:s29], $0x1  }
0xb5: {  	[sflag:s29] =	ssyncadd.s32 $0xFFFFFFFF  }
0xb6: {  	_ =	strace $0x90000048  }
0xb7: {  	_ =	sfence  }
0xb8: {  	s30 =	sld [smem:$0x0];
	_ =	sdelay $0x2  }
0xb9: {  	s31 =	sshll.u32 s1, $0xD;
	s1 =	sshrl.u32 s1, $0x2  }
0xba: {  	s3 =	sand.u32 $0x4000, s31;
	s1 =	sadd.s32 s1, s30  }
0xbb: {  	s0 =	sor.u32 s3, s0;
	s1 =	sshll.u32 s1, $0x11  }
0xbc: {  	s0 =	sor.u32 s1, s0  }
0xbd: {  	s0 =	sadd.s32 $0x8F2B, s0  }
0xbe: {  	[sflag:s0] =	ssyncadd.remote.s32 $0x1  }
0xbf: {  	_ =	sfence.sel $0xFFFF  }
0xc0: {  	[dreg:$0x0] =	wrdreg $0xFFFFFFFF;
	(pc) =	sbr.abs _section_cstart, $3  }
0xc1: {  	[dreg:$0x1] =	wrdreg $0xFFFFFFFF  }
0xc2: {  	_ =	task.clear_ibuf [dreg:s7], $0x2FFFF;
	_ =	strace $0x9FFFFFFF  }
0xc3: {  	(tm) =	ssettm $0x7FFFFFFF  }
tec
execute0_lowered:
.L_overlay_start_1:
0x0: {  	(tag) =	ssettag $0x1  }
0x1: {  	s4 =	rddreg [dreg:$0x0]  }
0x2: {  	s7 =	rddreg [dreg:$0x1]  }
0x3: {  	s1 =	rddreg [dreg:$0x2]  }
0x4: {  	s2 =	srdreg.scid;
	s0 =	rddreg [dreg:$0x3];
	s3 =	simm.s32 $0x0  }
0x5: {  	s14 =	simm.s32 $0x320;
	s15 =	simm.s32 $0x1;
	s16 =	simm.s32 $0x1E0  }
0x6: {  	s17 =	simm.s32 $0x230;
	s18 =	simm.s32 $0x280;
	s19 =	simm.s32 $0x2D0  }
0x7: {  	s20 =	simm.s32 $0xA0;
	s6 =	sand.u32 $0x1, s2;
	s2 =	stileid.u32  }
0x8: {  	s21 =	simm.s32 $0xF0;
	s22 =	simm.s32 $0x140;
	s8 =	smul.u32 $0x280, s2  }
0x9: {  	s23 =	simm.s32 $0x0;
	[smem:$0x7FF] =	sst s3;
	s13 =	smul.u32 $0x2800, s6  }
0xa: {  	s11 =	sadd.s32 $0x3200, s4;
	s5 =	sshll.u32 s6, $0x4;
	s28 =	smul.u32 $0x4E20, s6  }
0xb: {  	s9 =	ssub.s32 $0x2, s6;
	s30 =	smul.u32 $0x4E2, s2;
	s5 =	sor.u32 s2, s5  }
0xc: {  	_ =	strace $0x80000047;
	s25 =	sshrl.u32 s9, $0x1;
	s10 =	smul.u32 $0x4E2, s5  }
0xd: {  	s12 =	smul.u32 $0x2710, s5;
	s4 =	sadd.s32 s8, s1;
	s8 =	sadd.s32 s8, s13  }
0xe: {  	s9 =	ssub.s32 s9, s25;
	s13 =	simm.s32 $0x50;
	s8 =	sshrl.u32 s8, $0x3  }
0xf: {  	s5 =	sadd.s32 s11, s10;
	s26 =	sshrl.u32 s12, $0x3;
	s7 =	sadd.s32 s7, s8  }
0x10: {  	s8 =	smax.u32 s9, $0x1;
	s29 =	sadd.s32 s11, s26;
	s11 =	sadd.s32 s28, s11  }
0x11: {  	s10 =	simm.s32 $0x370;
	s12 =	simm.s32 $0x190;
	s31 =	sadd.s32 s30, s11  }
0x12: {  	v0 =	vimm.f32 $1.000000000e+00;
	v1 =	vimm.f32 $0.0e+00;
	s6 =	sadd.s32 $0x32, s29;
	s11 =	simm.s32 $0x2;
	s9 =	sadd.s32 $0x64, s31  }
.LBB2_1:
0x13: {  	[tilespmem:$0x320] =	vst v0  }
0x14: {  	[tilespmem:$0x330] =	vst v0  }
0x15: {  	[tilespmem:$0x340] =	vst v0  }
0x16: {  	[tilespmem:$0x350] =	vst v0  }
0x17: {  	[tilespmem:$0x360] =	vst v0  }
0x18: {  	[tilespmem:$0x370] =	vst v1  }
0x19: {  	[tilespmem:$0x380] =	vst v1  }
0x1a: {  	[tilespmem:$0x390] =	vst v1  }
0x1b: {  	[tilespmem:$0x3A0] =	vst v1  }
0x1c: {  	[tilespmem:$0x3B0] =	vst v1  }
0x1d: {  	[tilespmem:$0x3C0] =	vst v1  }
0x1e: {  	[tilespmem:$0x3D0] =	vst v1  }
0x1f: {  	[tilespmem:$0x3E0] =	vst v1  }
0x20: {  	[tilespmem:$0x3F0] =	vst v1  }
0x21: {  	[tilespmem:$0x400] =	vst v1  }
0x22: {  	[tilespmem:$0x410] =	vst v1  }
0x23: {  	[tilespmem:$0x420] =	vst v1  }
0x24: {  	[tilespmem:$0x430] =	vst v1  }
0x25: {  	[tilespmem:$0x440] =	vst v1  }
0x26: {  	[tilespmem:$0x450] =	vst v1  }
0x27: {  	[tilespmem:$0x460] =	vst v1  }
0x28: {  	[tilespmem:$0x470] =	vst v1  }
0x29: {  	[tilespmem:$0x480] =	vst v1  }
0x2a: {  	[tilespmem:$0x490] =	vst v1  }
0x2b: {  	[tilespmem:$0x4A0] =	vst v1  }
0x2c: {  	[tilespmem:$0x4B0] =	vst v1  }
0x2d: {  	[tilespmem:$0x4C0] =	vst v1  }
0x2e: {  	[tilespmem:$0x4D0] =	vst v1  }
0x2f: {  	[tilespmem:$0x4E0] =	vst v1  }
0x30: {  	[tilespmem:$0x4F0] =	vst v1  }
0x31: {  	[tilespmem:$0x500] =	vst v1  }
0x32: {  	[tilespmem:$0x510] =	vst v1  }
0x33: {  	[tilespmem:$0x520] =	vst v1  }
0x34: {  	[tilespmem:$0x530] =	vst v1  }
0x35: {  	[tilespmem:$0x540] =	vst v1  }
0x36: {  	[tilespmem:$0x550] =	vst v1  }
0x37: {  	[tilespmem:$0x560] =	vst v1  }
0x38: {  	[tilespmem:$0x570] =	vst v1  }
0x39: {  	[tilespmem:$0x580] =	vst v1  }
0x3a: {  	[tilespmem:$0x590] =	vst v1  }
0x3b: {  	[tilespmem:$0x5A0] =	vst v1  }
0x3c: {  	[tilespmem:$0x5B0] =	vst v1  }
0x3d: {  	[tilespmem:$0x5C0] =	vst v1  }
0x3e: {  	[tilespmem:$0x5D0] =	vst v1  }
0x3f: {  	[tilespmem:$0x5E0] =	vst v1  }
0x40: {  	[spmem:s4] =	stream.linear.scatter [tilespmem:s10], [sflag:$0x2], $0x280, $0x38;
	[tilespmem:$0x870] =	vst v63  }
0x41: {  	_ =	swait.ge [sflag:s11], $0x280  }
0x42: {  	[sflag:s11] =	ssyncset.done $0x0  }
0x43: {  	[sflag:s11] =	ssyncadd.s32 $0xFFFFFD80  }
0x44: {  	[bflag:$0x0] =	sbarrier.arrive $0xFFFF  }
0x45: {  	[tilespmem:s3], [sflag:$0x2] =	stream.linear.gather [hbm4b:s5+s3], $0x190, $0x38;
	[tilespmem:$0x870] =	vst v63  }
0x46: {  	_ =	swait.ge [sflag:s11], $0x190  }
0x47: {  	s24 =	sand.u32 $0x1, s3;
	[sflag:s11] =	ssyncset.done $0x0  }
0x48: {  	s25 =	simm.s32 $0x190;
	p0 =	seq.s32 s24, $0x1;
	[sflag:s11] =	ssyncadd.s32 $0xFFFFFE70  }
0x49: {  	[tilespmem:s12], [sflag:$0x1] =	stream.linear.gather [hbm4b:s6+s3], $0x190, $0x38;
	[tilespmem:$0x870] =	vst v63  }
0x4a: {  	s25 =	simm.s32 @!p0 $0x0  }
0x4b: {  	[spmem:s1] =	stream.indirect.scatter.add.f32 [tilespmem:s14], [sflag:$0x2], $0x1, s25, s13, $0xb8;
	[tilespmem:$0x870] =	vst v63  }
0x4c: {  	_ =	swait.ge [sflag:s11], $0x50  }
0x4d: {  	[sflag:s11] =	ssyncset.done $0x0  }
0x4e: {  	s30 =	sadd.s32 $0x50, s25;
	[sflag:s11] =	ssyncadd.s32 $0xFFFFFFB0  }
0x4f: {  	[spmem:s1] =	stream.indirect.scatter.add.f32 [tilespmem:s14], [sflag:$0x2], $0x1, s30, s13, $0xb8;
	[tilespmem:$0x870] =	vst v63  }
0x50: {  	_ =	swait.ge [sflag:s11], $0x50  }
0x51: {  	[sflag:s11] =	ssyncset.done $0x0  }
0x52: {  	s31 =	sadd.s32 $0xA0, s25;
	[sflag:s11] =	ssyncadd.s32 $0xFFFFFFB0  }
0x53: {  	[spmem:s1] =	stream.indirect.scatter.add.f32 [tilespmem:s14], [sflag:$0x2], $0x1, s31, s13, $0xb8;
	[tilespmem:$0x870] =	vst v63  }
0x54: {  	_ =	swait.ge [sflag:s11], $0x50  }
0x55: {  	[sflag:s11] =	ssyncset.done $0x0  }
0x56: {  	s26 =	sadd.s32 $0xF0, s25;
	[sflag:s11] =	ssyncadd.s32 $0xFFFFFFB0  }
0x57: {  	[spmem:s1] =	stream.indirect.scatter.add.f32 [tilespmem:s14], [sflag:$0x2], $0x1, s26, s13, $0xb8;
	[tilespmem:$0x870] =	vst v63  }
0x58: {  	_ =	swait.ge [sflag:s11], $0x50  }
0x59: {  	[sflag:s11] =	ssyncset.done $0x0  }
0x5a: {  	s30 =	sadd.s32 $0x140, s25;
	[sflag:s11] =	ssyncadd.s32 $0xFFFFFFB0  }
0x5b: {  	[spmem:s1] =	stream.indirect.scatter.add.f32 [tilespmem:s14], [sflag:$0x2], $0x1, s30, s13, $0xb8;
	[tilespmem:$0x870] =	vst v63  }
0x5c: {  	_ =	swait.ge [sflag:s11], $0x50  }
0x5d: {  	[sflag:s11] =	ssyncset.done $0x0  }
0x5e: {  	s28 =	simm.s32 $0x2;
	[sflag:s11] =	ssyncadd.s32 $0xFFFFFFB0  }
0x5f: {  	s24 =	sadd.s32 $0x32, s9;
	s31 =	simm.s32 $0x1;
	_ =	swait.ge [sflag:s15], $0x190  }
0x60: {  	s29 =	sand.u32 $0x1, s31;
	s26 =	smov.u32 s9;
	[sflag:s15] =	ssyncset.done $0x0  }
.LBB2_2:
0x61: {  	p1 =	seq.s32 s29, $0x1  }
0x62: {  	[sflag:s15] =	ssyncadd.s32 $0xFFFFFE70;
	s29 =	smov.u32 s28;
	s30 =	sadd.s32 $0x1, s28  }
0x63: {  	[tilespmem:s25], [sflag:$0x1] =	stream.linear.gather [hbm4b:s26+s3], $0x190, $0x38;
	[tilespmem:$0x870] =	vst v63  }
0x64: {  	s25 =	simm.s32 $0x190  }
0x65: {  	p0 =	sne.s32 s28, $0x16;
	s26 =	smov.u32 s24;
	s25 =	simm.s32 @!p1 $0x0  }
0x66: {  	[spmem:s1] =	stream.indirect.scatter.add.f32 [tilespmem:s14], [sflag:$0x2], $0x1, s25, s13, $0xb8;
	[tilespmem:$0x870] =	vst v63  }
0x67: {  	_ =	swait.ge [sflag:s11], $0x50  }
0x68: {  	[sflag:s11] =	ssyncset.done $0x0  }
0x69: {  	s28 =	sadd.s32 $0x50, s25;
	[sflag:s11] =	ssyncadd.s32 $0xFFFFFFB0  }
0x6a: {  	[spmem:s1] =	stream.indirect.scatter.add.f32 [tilespmem:s14], [sflag:$0x2], $0x1, s28, s13, $0xb8;
	[tilespmem:$0x870] =	vst v63  }
0x6b: {  	_ =	swait.ge [sflag:s11], $0x50  }
0x6c: {  	[sflag:s11] =	ssyncset.done $0x0  }
0x6d: {  	s28 =	sadd.s32 $0xA0, s25;
	[sflag:s11] =	ssyncadd.s32 $0xFFFFFFB0  }
0x6e: {  	[spmem:s1] =	stream.indirect.scatter.add.f32 [tilespmem:s14], [sflag:$0x2], $0x1, s28, s13, $0xb8;
	[tilespmem:$0x870] =	vst v63  }
0x6f: {  	_ =	swait.ge [sflag:s11], $0x50  }
0x70: {  	[sflag:s11] =	ssyncset.done $0x0  }
0x71: {  	s28 =	sadd.s32 $0xF0, s25;
	[sflag:s11] =	ssyncadd.s32 $0xFFFFFFB0  }
0x72: {  	[spmem:s1] =	stream.indirect.scatter.add.f32 [tilespmem:s14], [sflag:$0x2], $0x1, s28, s13, $0xb8;
	[tilespmem:$0x870] =	vst v63  }
0x73: {  	_ =	swait.ge [sflag:s11], $0x50  }
0x74: {  	[sflag:s11] =	ssyncset.done $0x0  }
0x75: {  	s28 =	sadd.s32 $0x140, s25;
	[sflag:s11] =	ssyncadd.s32 $0xFFFFFFB0  }
0x76: {  	[spmem:s1] =	stream.indirect.scatter.add.f32 [tilespmem:s14], [sflag:$0x2], $0x1, s28, s13, $0xb8;
	[tilespmem:$0x870] =	vst v63  }
.Ltmp0:
0x77: {  	_ =	swait.ge [sflag:s11], $0x50;
	(pc) =	sbr.rel @p0 .LBB2_2-.Ltmp0, $4  }
0x78: {  	[sflag:s11] =	ssyncset.done $0x0  }
0x79: {  	[sflag:s11] =	ssyncadd.s32 $0xFFFFFFB0  }
0x7a: {  	s29 =	sand.u32 $0x1, s29;
	_ =	swait.ge [sflag:s15], $0x190  }
0x7b: {  	s24 =	sadd.s32 $0x32, s24;
	s28 =	smov.u32 s30;
	[sflag:s15] =	ssyncset.done $0x0  }
0x7c: {  	[sflag:s15] =	ssyncadd.s32 $0xFFFFFE70  }
0x7d: {  	[tilespmem:s25], [sflag:$0x1] =	stream.linear.gather [hbm4b:s26+s3], $0x190, $0x38;
	[tilespmem:$0x870] =	vst v63  }
0x7e: {  	p0 =	seq.s32 s29, $0x1;
	s25 =	simm.s32 $0x190  }
0x7f: {  	s25 =	simm.s32 @!p0 $0x0  }
0x80: {  	[spmem:s1] =	stream.indirect.scatter.add.f32 [tilespmem:s14], [sflag:$0x2], $0x1, s25, s13, $0xb8;
	[tilespmem:$0x870] =	vst v63  }
0x81: {  	_ =	swait.ge [sflag:s11], $0x50  }
0x82: {  	[sflag:s11] =	ssyncset.done $0x0  }
0x83: {  	s30 =	sadd.s32 $0x50, s25;
	[sflag:s11] =	ssyncadd.s32 $0xFFFFFFB0  }
0x84: {  	[spmem:s1] =	stream.indirect.scatter.add.f32 [tilespmem:s14], [sflag:$0x2], $0x1, s30, s13, $0xb8;
	[tilespmem:$0x870] =	vst v63  }
0x85: {  	_ =	swait.ge [sflag:s11], $0x50  }
0x86: {  	[sflag:s11] =	ssyncset.done $0x0  }
0x87: {  	s31 =	sadd.s32 $0xA0, s25;
	[sflag:s11] =	ssyncadd.s32 $0xFFFFFFB0  }
0x88: {  	[spmem:s1] =	stream.indirect.scatter.add.f32 [tilespmem:s14], [sflag:$0x2], $0x1, s31, s13, $0xb8;
	[tilespmem:$0x870] =	vst v63  }
0x89: {  	_ =	swait.ge [sflag:s11], $0x50  }
0x8a: {  	[sflag:s11] =	ssyncset.done $0x0  }
0x8b: {  	s28 =	sadd.s32 $0xF0, s25;
	[sflag:s11] =	ssyncadd.s32 $0xFFFFFFB0  }
0x8c: {  	[spmem:s1] =	stream.indirect.scatter.add.f32 [tilespmem:s14], [sflag:$0x2], $0x1, s28, s13, $0xb8;
	[tilespmem:$0x870] =	vst v63  }
0x8d: {  	_ =	swait.ge [sflag:s11], $0x50  }
0x8e: {  	[sflag:s11] =	ssyncset.done $0x0  }
0x8f: {  	s29 =	sadd.s32 $0x140, s25;
	[sflag:s11] =	ssyncadd.s32 $0xFFFFFFB0  }
0x90: {  	[spmem:s1] =	stream.indirect.scatter.add.f32 [tilespmem:s14], [sflag:$0x2], $0x1, s29, s13, $0xb8;
	[tilespmem:$0x870] =	vst v63  }
0x91: {  	_ =	swait.ge [sflag:s11], $0x50  }
0x92: {  	[sflag:s11] =	ssyncset.done $0x0  }
0x93: {  	[sflag:s11] =	ssyncadd.s32 $0xFFFFFFB0  }
0x94: {  	_ =	swait.ge [sflag:s15], $0x190  }
0x95: {  	[sflag:s15] =	ssyncset.done $0x0  }
0x96: {  	[sflag:s15] =	ssyncadd.s32 $0xFFFFFE70  }
0x97: {  	[tilespmem:s25], [sflag:$0x1] =	stream.linear.gather [hbm4b:s24+s3], $0x190, $0x38;
	[tilespmem:$0x870] =	vst v63  }
0x98: {  	_ = 	snop  }
0x99: {  	[spmem:s1] =	stream.indirect.scatter.add.f32 [tilespmem:s14], [sflag:$0x2], $0x1, s12, s13, $0xb8;
	[tilespmem:$0x870] =	vst v63  }
0x9a: {  	_ =	swait.ge [sflag:s11], $0x50  }
0x9b: {  	[sflag:s11] =	ssyncset.done $0x0  }
0x9c: {  	[sflag:s11] =	ssyncadd.s32 $0xFFFFFFB0  }
0x9d: {  	[spmem:s1] =	stream.indirect.scatter.add.f32 [tilespmem:s14], [sflag:$0x2], $0x1, s16, s13, $0xb8;
	[tilespmem:$0x870] =	vst v63  }
0x9e: {  	_ =	swait.ge [sflag:s11], $0x50  }
0x9f: {  	[sflag:s11] =	ssyncset.done $0x0  }
0xa0: {  	[sflag:s11] =	ssyncadd.s32 $0xFFFFFFB0  }
0xa1: {  	[spmem:s1] =	stream.indirect.scatter.add.f32 [tilespmem:s14], [sflag:$0x2], $0x1, s17, s13, $0xb8;
	[tilespmem:$0x870] =	vst v63  }
0xa2: {  	_ =	swait.ge [sflag:s11], $0x50  }
0xa3: {  	[sflag:s11] =	ssyncset.done $0x0  }
0xa4: {  	[sflag:s11] =	ssyncadd.s32 $0xFFFFFFB0  }
0xa5: {  	[spmem:s1] =	stream.indirect.scatter.add.f32 [tilespmem:s14], [sflag:$0x2], $0x1, s18, s13, $0xb8;
	[tilespmem:$0x870] =	vst v63  }
0xa6: {  	_ =	swait.ge [sflag:s11], $0x50  }
0xa7: {  	[sflag:s11] =	ssyncset.done $0x0  }
0xa8: {  	[sflag:s11] =	ssyncadd.s32 $0xFFFFFFB0  }
0xa9: {  	[spmem:s1] =	stream.indirect.scatter.add.f32 [tilespmem:s14], [sflag:$0x2], $0x1, s19, s13, $0xb8;
	[tilespmem:$0x870] =	vst v63  }
0xaa: {  	_ =	swait.ge [sflag:s11], $0x50  }
0xab: {  	[sflag:s11] =	ssyncset.done $0x0  }
0xac: {  	[sflag:s11] =	ssyncadd.s32 $0xFFFFFFB0  }
0xad: {  	_ =	swait.ge [sflag:s15], $0x190  }
0xae: {  	[sflag:s15] =	ssyncset.done $0x0  }
0xaf: {  	[sflag:s15] =	ssyncadd.s32 $0xFFFFFE70  }
0xb0: {  	[spmem:s1] =	stream.indirect.scatter.add.f32 [tilespmem:s14], [sflag:$0x2], $0x1, s3, s13, $0xb8;
	[tilespmem:$0x870] =	vst v63  }
0xb1: {  	_ =	swait.ge [sflag:s11], $0x50  }
0xb2: {  	[sflag:s11] =	ssyncset.done $0x0  }
0xb3: {  	[sflag:s11] =	ssyncadd.s32 $0xFFFFFFB0  }
0xb4: {  	[spmem:s1] =	stream.indirect.scatter.add.f32 [tilespmem:s14], [sflag:$0x2], $0x1, s13, s13, $0xb8;
	[tilespmem:$0x870] =	vst v63  }
0xb5: {  	_ =	swait.ge [sflag:s11], $0x50  }
0xb6: {  	[sflag:s11] =	ssyncset.done $0x0  }
0xb7: {  	[sflag:s11] =	ssyncadd.s32 $0xFFFFFFB0  }
0xb8: {  	[spmem:s1] =	stream.indirect.scatter.add.f32 [tilespmem:s14], [sflag:$0x2], $0x1, s20, s13, $0xb8;
	[tilespmem:$0x870] =	vst v63  }
0xb9: {  	_ =	swait.ge [sflag:s11], $0x50  }
0xba: {  	[sflag:s11] =	ssyncset.done $0x0  }
0xbb: {  	[sflag:s11] =	ssyncadd.s32 $0xFFFFFFB0  }
0xbc: {  	[spmem:s1] =	stream.indirect.scatter.add.f32 [tilespmem:s14], [sflag:$0x2], $0x1, s21, s13, $0xb8;
	[tilespmem:$0x870] =	vst v63  }
0xbd: {  	_ =	swait.ge [sflag:s11], $0x50  }
0xbe: {  	[sflag:s11] =	ssyncset.done $0x0  }
0xbf: {  	[sflag:s11] =	ssyncadd.s32 $0xFFFFFFB0  }
0xc0: {  	[spmem:s1] =	stream.indirect.scatter.add.f32 [tilespmem:s14], [sflag:$0x2], $0x1, s22, s13, $0xb8;
	[tilespmem:$0x870] =	vst v63  }
0xc1: {  	s23 =	sadd.s32 $0x1, s23;
	_ =	swait.ge [sflag:s11], $0x50  }
0xc2: {  	p0 =	sne.s32 s23, s8;
	[sflag:s11] =	ssyncset.done $0x0  }
0xc3: {  	s30 =	sshll.u32 s2, $0x6;
	s31 =	sshrl.u32 s4, $0x3;
	[sflag:s11] =	ssyncadd.s32 $0xFFFFFFB0  }
.Ltmp1:
0xc4: {  	s24 =	sor.u32 $0x1C02, s30;
	[bflag:$0x0] =	sbarrier.arrive $0xFFFF;
	(pc) =	sbr.rel @p0 .LBB2_1-.Ltmp1, $4  }
0xc5: {  	[hbm:s7], [sflag:s24] =	dma.local [spmem:s31], $0x50  }
0xc6: {  	_ =	swait.ge [sflag:s11], $0x50  }
0xc7: {  	[sflag:s11] =	ssyncset.done $0x0  }
0xc8: {  	[sflag:s11] =	ssyncadd.s32 $0xFFFFFFB0  }
0xc9: {  	_ =	sfence.sel $0x180000  }
0xca: {  	[bflag:$0x0] =	sbarrier.arrive $0xFFFF  }
0xcb: {  	p0 =	sne.s32 s2, $0x0;
	_ =	strace $0x90000047  }
0xcc: {  	s0 =	sadd.s32 @!p0 $0x100000, s0;
	[bflag:$0x2] =	sbarrier.arrive $0xFFFF  }
0xcd: {  	[sflag:s0] =	ssyncadd.tile.s32 @!p0 $0x1;
	_ =	shalt  }
.Lfunc_end2:
_tile_overlayer_lowered:
.L_overlay_start_2:
0xce: {  	(tag) =	ssettag $0x2  }
0xcf: {  	s0 =	rddreg [dreg:$0x0];
	s2 =	stileid.u32  }
0xd0: {  	s1 =	rddreg [dreg:$0x1];
	p0 =	sne.s32 s2, $0x0  }
0xd1: {  	s3 =	rddreg [dreg:$0x2];
	[bflag:$0x3] =	sbarrier.arrive $0xFFFF;
	s2 =	simm.s32 @!p0 $0x1C02  }
0xd2: {  	[timem:s3], [sflag:s2] =	dma.local @!p0 [hbm:s0], s1  }
0xd3: {  	s0 =	simm.s32 @!p0 $0x2  }
0xd4: {  	_ =	swait.ge @!p0 [sflag:s0], s1  }
0xd5: {  	s1 =	ssub.s32 @!p0 $0x0, s1;
	[sflag:s0] =	ssyncset.done @!p0 $0x0  }
0xd6: {  	[sflag:s0] =	ssyncadd.s32 @!p0 s1  }
0xd7: {  	[bflag:$0x3] =	sbarrier.arrive $0xFFFF  }
0xd8: {  	_ =	shalt  }

</sc_bundles>
